<compile_context>
chip_gen: v7x
topology: tpu7x:2x2x1
jax: 0.10.2.dev20260603
libtpu: 0.0.44.dev20260713+nightly
codegen_flags: <defaults>
</compile_context>

<pallas_src>
import numpy as np
import jax
from jax import lax
import jax.numpy as jnp
from jax.experimental import pallas as pl
from jax.experimental.pallas import tpu as pltpu
from jax.experimental.pallas import tpu_sc as plsc

EMBED_DIM = 64
NUM_CORES = 2
NUM_SUBCORES = 16
NUM_WORKERS = NUM_CORES * NUM_SUBCORES
VEC = 16


def _permute_indices(idx_t, perm_s, perm_b):
    seq, batch = idx_t.shape
    num_indices = batch * seq
    per_worker = num_indices // NUM_WORKERS
    batches_per_worker = batch // NUM_WORKERS

    mesh = plsc.VectorSubcoreMesh(core_axis_name="c", subcore_axis_name="s")

    @pl.kernel(
        out_type=jax.ShapeDtypeStruct((num_indices,), jnp.int32),
        mesh=mesh,
        scratch_types=[
            pltpu.VMEM((seq, batches_per_worker), jnp.int32),
            pltpu.VMEM((per_worker,), jnp.int32),
            pltpu.VMEM((per_worker,), jnp.int32),
            pltpu.VMEM((per_worker,), jnp.int32),
            pltpu.SemaphoreType.DMA,
        ],
        compiler_params=pltpu.CompilerParams(
            use_tc_tiling_on_sc=False, needs_layout_passes=False
        ),
    )
    def permute_kernel(idxt_hbm, ps_hbm, pb_hbm, out_hbm,
                       blk_v, ps_v, pb_v, lin_v, sem):
        wid = lax.axis_index("s") * NUM_CORES + lax.axis_index("c")
        b0 = wid * batches_per_worker
        base = wid * per_worker

        pltpu.async_copy(
            idxt_hbm.at[:, pl.ds(b0, batches_per_worker)], blk_v, sem
        ).wait()
        pltpu.async_copy(ps_hbm, ps_v, sem).wait()
        pltpu.async_copy(pb_hbm, pb_v, sem).wait()

        @pl.loop(0, per_worker, step=VEC)
        def _(k0):
            sv = ps_v[pl.ds(k0, VEC)]
            bv = pb_v[pl.ds(k0, VEC)]
            lin_v[pl.ds(k0, VEC)] = plsc.load_gather(blk_v, [sv, bv])

        pltpu.async_copy(lin_v, out_hbm.at[pl.ds(base, per_worker)], sem).wait()

    return permute_kernel(idx_t, perm_s, perm_b)


def _gather_rows(table, indices, batch, seq):
    table = jnp.pad(table, ((0, 0), (0, 128 - EMBED_DIM)))
    num_indices = indices.shape[0]
    per_worker = num_indices // NUM_WORKERS
    bchunk = 4
    chunk = bchunk * seq
    num_chunks = per_worker // chunk
    nbuf = 4
    num_groups = num_chunks // nbuf
    batches_per_worker = batch // NUM_WORKERS

    mesh = plsc.VectorSubcoreMesh(core_axis_name="c", subcore_axis_name="s")

    @pl.kernel(
        out_type=jax.ShapeDtypeStruct((batch, seq, 128), table.dtype),
        mesh=mesh,
        scratch_types=[
            pltpu.VMEM((per_worker,), jnp.int32),
            pltpu.VMEM((nbuf, chunk, 128), jnp.float32),
            pltpu.SemaphoreType.DMA((nbuf,)),
            pltpu.SemaphoreType.DMA((nbuf,)),
            pltpu.SemaphoreType.DMA,
        ],
        compiler_params=pltpu.CompilerParams(use_tc_tiling_on_sc=True),
    )
    def gather_kernel(table_hbm, idx_hbm, out_hbm, idx_v, rows_v, gsem, osem, isem):
        wid = lax.axis_index("s") * NUM_CORES + lax.axis_index("c")
        base = wid * per_worker
        bbase = wid * batches_per_worker
        pltpu.async_copy(idx_hbm.at[pl.ds(base, per_worker)], idx_v, isem).wait()

        def gathers(c, b):
            return [
                pltpu.make_async_copy(
                    table_hbm.at[idx_v.at[pl.ds(c * chunk, 128)]],
                    rows_v.at[b, pl.ds(0, 128)],
                    gsem.at[b],
                ),
                pltpu.make_async_copy(
                    table_hbm.at[idx_v.at[pl.ds(c * chunk + 128, chunk - 128)]],
                    rows_v.at[b, pl.ds(128, chunk - 128)],
                    gsem.at[b],
                ),
            ]

        def puts(c, b):
            return [
                pltpu.make_async_copy(
                    rows_v.at[b, pl.ds(j * seq, seq)],
                    out_hbm.at[bbase + c * bchunk + j],
                    osem.at[b],
                )
                for j in range(bchunk)
            ]

        def start(ops):
            for op in ops:
                op.start()

        def wait(ops):
            for op in ops:
                op.wait()

        for b in range(nbuf):
            start(gathers(b, b))

        @pl.loop(0, num_groups - 1)
        def _(g):
            for b in range(nbuf):
                c = g * nbuf + b
                wait(gathers(c, b))
                start(puts(c, b))
            for b in range(nbuf):
                c = g * nbuf + b
                wait(puts(c, b))
                start(gathers(c + nbuf, b))

        for b in range(nbuf):
            c = (num_groups - 1) * nbuf + b
            wait(gathers(c, b))
            start(puts(c, b))
        for b in range(nbuf):
            c = (num_groups - 1) * nbuf + b
            wait(puts(c, b))

    return gather_kernel(table, indices)[:, :, :EMBED_DIM]


def kernel(input_seqs, table):
    batch, seq = input_seqs.shape
    num_indices = batch * seq
    per_worker = num_indices // NUM_WORKERS

    idx_t = input_seqs.T.astype(jnp.int32)

    k = np.arange(per_worker)
    perm_s = jnp.asarray((k % seq).astype(np.int32))
    perm_b = jnp.asarray((k // seq).astype(np.int32))

    indices = _permute_indices(idx_t, perm_s, perm_b)
    return _gather_rows(table, indices, batch, seq)

# --- scband reference (transcript-rebuilt; emitter-appended) ---
"""Pipeline reference for scband-embedding-73375221285224 (READ-ONLY COPY).

The authoritative reference and input builder live on the scoring server;
editing this copy changes nothing except your own understanding.
"""

import jax, jax.numpy as jnp
import numpy as np

VOCAB = 1000000
EMBED_DIM = 64
PADDING_IDX = 0

def setup_inputs(seed: int = 0) -> dict:
    key = jax.random.key(seed)
    k1, k2 = jax.random.split(key)
    input_seqs = jax.random.randint(k1, (4096, 50), 0, VOCAB, dtype=jnp.int64 if jax.config.jax_enable_x64 else jnp.int32)
    table = jax.random.normal(k2, (VOCAB, EMBED_DIM), dtype=jnp.float32)
    # padding_idx row is zero, as nn.Embedding initializes it
    table = table.at[PADDING_IDX].set(0.0)
    return {"input_seqs": input_seqs, "table": table}

def reference(input_seqs, table):
    # Embedding lookup with padding_idx semantics: output at padding_idx is zero
    embedded = jnp.take(table, input_seqs, axis=0)
    mask = (input_seqs != PADDING_IDX)[..., None].astype(embedded.dtype)
    return embedded * mask

if __name__ == "__main__":
    import jax
    _d = setup_inputs()
    print(jax.jit(kernel)(*tuple(_d.values())))

</pallas_src>

<mosaic_0001>
#map = affine_map<(d0, d1) -> (0, 0)>
#map1 = affine_map<(d0, d1) -> (0)>
#map2 = affine_map<(d0, d1) -> (0, 0, 0)>
module attributes {stable_mosaic.version = 14 : i64} {
  func.func @gather_kernel(%arg0: i32, %arg1: i32, %arg2: memref<1000000x128xf32, #tpu.memory_space<hbm>>, %arg3: memref<204800xi32, #tpu.memory_space<hbm>>, %arg4: memref<4096x50x128xf32, #tpu.memory_space<hbm>>, %arg5: memref<6400xi32, #tpu.memory_space<vmem>>, %arg6: memref<4x200x128xf32, #tpu.memory_space<vmem>>, %arg7: memref<4x!tpu.dma_semaphore, #tpu.memory_space<semaphore_mem>>, %arg8: memref<4x!tpu.dma_semaphore, #tpu.memory_space<semaphore_mem>>, %arg9: memref<!tpu.dma_semaphore, #tpu.memory_space<semaphore_mem>>) attributes {dimension_semantics = [#tpu.dimension_semantics<core_parallel>, #tpu.dimension_semantics<subcore_parallel>], iteration_bounds = array<i64: 2, 16>, scalar_prefetch = 0 : i64, scratch_operands = 5 : i64, tpu.core_type = #tpu.core_type<sc_vector_subcore>, window_params = [{transform_indices = #map}, {transform_indices = #map1}, {transform_indices = #map2}]} {
    %mul3A = arith.constant 2 : i32
    %mul3A_0 = arith.muli %arg1, %mul3A : i32
    %add3A = arith.addi %mul3A_0, %arg0 : i32
    %mul3A_1 = arith.constant 6400 : i32
    %mul3A_2 = arith.muli %add3A, %mul3A_1 : i32
    %mul3A_3 = arith.constant 128 : i32
    %mul3A_4 = arith.muli %add3A, %mul3A_3 : i32
    %dma_start3A = tpu.memref_slice %arg3[%mul3A_2] : memref<204800xi32, #tpu.memory_space<hbm>> -> memref<6400xi32, #tpu.memory_space<hbm>>
    %dma_start3A_5 = tpu.memref_slice %arg3[%mul3A_2] : memref<204800xi32, #tpu.memory_space<hbm>> -> memref<6400xi32, #tpu.memory_space<hbm>>
    tpu.enqueue_dma source(%dma_start3A_5 : memref<6400xi32, #tpu.memory_space<hbm>>) target(%arg5 : memref<6400xi32, #tpu.memory_space<vmem>>) target_semaphore(%arg9 : memref<!tpu.dma_semaphore, #tpu.memory_space<semaphore_mem>>)
    %dma_wait3A = tpu.memref_slice %arg3[%mul3A_2] : memref<204800xi32, #tpu.memory_space<hbm>> -> memref<6400xi32, #tpu.memory_space<hbm>>
    %dma_wait3A_6 = tpu.memref_slice %arg3[%mul3A_2] : memref<204800xi32, #tpu.memory_space<hbm>> -> memref<6400xi32, #tpu.memory_space<hbm>>
    tpu.wait_dma2 semaphore(%arg9 : memref<!tpu.dma_semaphore, #tpu.memory_space<semaphore_mem>>) src(%dma_wait3A_6 : memref<6400xi32, #tpu.memory_space<hbm>>) dst(%arg5 : memref<6400xi32, #tpu.memory_space<vmem>>)
    %dma_start3A_7 = arith.constant 0 : i32
    %dma_start3A_8 = arith.constant 0 : i32
    %dma_start3A_9 = arith.constant 0 : i32
    %dma_start3A_10 = arith.constant 0 : i32
    %dma_start3A_11 = tpu.memref_slice %arg6[%dma_start3A_7, %dma_start3A_9, %dma_start3A_10] : memref<4x200x128xf32, #tpu.memory_space<vmem>> -> memref<1x128x128xf32, #tpu.memory_space<vmem>>
    %dma_start3A_12 = tpu.memref_squeeze %dma_start3A_11 : memref<1x128x128xf32, #tpu.memory_space<vmem>> -> memref<128x128xf32, #tpu.memory_space<vmem>>
    %dma_start3A_13 = arith.constant 0 : i32
    %dma_start3A_14 = tpu.memref_slice %arg5[%dma_start3A_13] : memref<6400xi32, #tpu.memory_space<vmem>> -> memref<128xi32, #tpu.memory_space<vmem>>
    %dma_start3A_15 = arith.constant 0 : i32
    %dma_start3A_16 = arith.constant 0 : i32
    %dma_start3A_17 = tpu.memref_slice %arg2[%dma_start3A_15, %dma_start3A_16] : memref<1000000x128xf32, #tpu.memory_space<hbm>> -> memref<1000000x128xf32, #tpu.memory_space<hbm>>
    %dma_start3A_18 = tpu.memref_slice %arg7[%dma_start3A_8] : memref<4x!tpu.dma_semaphore, #tpu.memory_space<semaphore_mem>> -> memref<1x!tpu.dma_semaphore, #tpu.memory_space<semaphore_mem>>
    %dma_start3A_19 = tpu.memref_squeeze %dma_start3A_18 : memref<1x!tpu.dma_semaphore, #tpu.memory_space<semaphore_mem>> -> memref<!tpu.dma_semaphore, #tpu.memory_space<semaphore_mem>>
    tpu.enqueue_indirect_dma source(%dma_start3A_17 : memref<1000000x128xf32, #tpu.memory_space<hbm>>) target(%dma_start3A_12 : memref<128x128xf32, #tpu.memory_space<vmem>>) offsets(%dma_start3A_14 : memref<128xi32, #tpu.memory_space<vmem>>) semaphore(%dma_start3A_19 : memref<!tpu.dma_semaphore, #tpu.memory_space<semaphore_mem>>)
    %dma_start3A_20 = arith.constant 0 : i32
    %dma_start3A_21 = arith.constant 0 : i32
    %dma_start3A_22 = arith.constant 128 : i32
    %dma_start3A_23 = arith.constant 0 : i32
    %dma_start3A_24 = tpu.memref_slice %arg6[%dma_start3A_20, %dma_start3A_22, %dma_start3A_23] : memref<4x200x128xf32, #tpu.memory_space<vmem>> -> memref<1x72x128xf32, #tpu.memory_space<vmem>>
    %dma_start3A_25 = tpu.memref_squeeze %dma_start3A_24 : memref<1x72x128xf32, #tpu.memory_space<vmem>> -> memref<72x128xf32, #tpu.memory_space<vmem>>
    %dma_start3A_26 = arith.constant 128 : i32
    %dma_start3A_27 = tpu.memref_slice %arg5[%dma_start3A_26] : memref<6400xi32, #tpu.memory_space<vmem>> -> memref<72xi32, #tpu.memory_space<vmem>>
    %dma_start3A_28 = arith.constant 0 : i32
    %dma_start3A_29 = arith.constant 0 : i32
    %dma_start3A_30 = tpu.memref_slice %arg2[%dma_start3A_28, %dma_start3A_29] : memref<1000000x128xf32, #tpu.memory_space<hbm>> -> memref<1000000x128xf32, #tpu.memory_space<hbm>>
    %dma_start3A_31 = tpu.memref_slice %arg7[%dma_start3A_21] : memref<4x!tpu.dma_semaphore, #tpu.memory_space<semaphore_mem>> -> memref<1x!tpu.dma_semaphore, #tpu.memory_space<semaphore_mem>>
    %dma_start3A_32 = tpu.memref_squeeze %dma_start3A_31 : memref<1x!tpu.dma_semaphore, #tpu.memory_space<semaphore_mem>> -> memref<!tpu.dma_semaphore, #tpu.memory_space<semaphore_mem>>
    tpu.enqueue_indirect_dma source(%dma_start3A_30 : memref<1000000x128xf32, #tpu.memory_space<hbm>>) target(%dma_start3A_25 : memref<72x128xf32, #tpu.memory_space<vmem>>) offsets(%dma_start3A_27 : memref<72xi32, #tpu.memory_space<vmem>>) semaphore(%dma_start3A_32 : memref<!tpu.dma_semaphore, #tpu.memory_space<semaphore_mem>>)
    %dma_start3A_33 = arith.constant 1 : i32
    %dma_start3A_34 = arith.constant 1 : i32
    %dma_start3A_35 = arith.constant 0 : i32
    %dma_start3A_36 = arith.constant 0 : i32
    %dma_start3A_37 = tpu.memref_slice %arg6[%dma_start3A_33, %dma_start3A_35, %dma_start3A_36] : memref<4x200x128xf32, #tpu.memory_space<vmem>> -> memref<1x128x128xf32, #tpu.memory_space<vmem>>
    %dma_start3A_38 = tpu.memref_squeeze %dma_start3A_37 : memref<1x128x128xf32, #tpu.memory_space<vmem>> -> memref<128x128xf32, #tpu.memory_space<vmem>>
    %dma_start3A_39 = arith.constant 200 : i32
    %dma_start3A_40 = tpu.memref_slice %arg5[%dma_start3A_39] : memref<6400xi32, #tpu.memory_space<vmem>> -> memref<128xi32, #tpu.memory_space<vmem>>
    %dma_start3A_41 = arith.constant 0 : i32
    %dma_start3A_42 = arith.constant 0 : i32
    %dma_start3A_43 = tpu.memref_slice %arg2[%dma_start3A_41, %dma_start3A_42] : memref<1000000x128xf32, #tpu.memory_space<hbm>> -> memref<1000000x128xf32, #tpu.memory_space<hbm>>
    %dma_start3A_44 = tpu.memref_slice %arg7[%dma_start3A_34] : memref<4x!tpu.dma_semaphore, #tpu.memory_space<semaphore_mem>> -> memref<1x!tpu.dma_semaphore, #tpu.memory_space<semaphore_mem>>
    %dma_start3A_45 = tpu.memref_squeeze %dma_start3A_44 : memref<1x!tpu.dma_semaphore, #tpu.memory_space<semaphore_mem>> -> memref<!tpu.dma_semaphore, #tpu.memory_space<semaphore_mem>>
    tpu.enqueue_indirect_dma source(%dma_start3A_43 : memref<1000000x128xf32, #tpu.memory_space<hbm>>) target(%dma_start3A_38 : memref<128x128xf32, #tpu.memory_space<vmem>>) offsets(%dma_start3A_40 : memref<128xi32, #tpu.memory_space<vmem>>) semaphore(%dma_start3A_45 : memref<!tpu.dma_semaphore, #tpu.memory_space<semaphore_mem>>)
    %dma_start3A_46 = arith.constant 1 : i32
    %dma_start3A_47 = arith.constant 1 : i32
    %dma_start3A_48 = arith.constant 128 : i32
    %dma_start3A_49 = arith.constant 0 : i32
    %dma_start3A_50 = tpu.memref_slice %arg6[%dma_start3A_46, %dma_start3A_48, %dma_start3A_49] : memref<4x200x128xf32, #tpu.memory_space<vmem>> -> memref<1x72x128xf32, #tpu.memory_space<vmem>>
    %dma_start3A_51 = tpu.memref_squeeze %dma_start3A_50 : memref<1x72x128xf32, #tpu.memory_space<vmem>> -> memref<72x128xf32, #tpu.memory_space<vmem>>
    %dma_start3A_52 = arith.constant 328 : i32
    %dma_start3A_53 = tpu.memref_slice %arg5[%dma_start3A_52] : memref<6400xi32, #tpu.memory_space<vmem>> -> memref<72xi32, #tpu.memory_space<vmem>>
    %dma_start3A_54 = arith.constant 0 : i32
    %dma_start3A_55 = arith.constant 0 : i32
    %dma_start3A_56 = tpu.memref_slice %arg2[%dma_start3A_54, %dma_start3A_55] : memref<1000000x128xf32, #tpu.memory_space<hbm>> -> memref<1000000x128xf32, #tpu.memory_space<hbm>>
    %dma_start3A_57 = tpu.memref_slice %arg7[%dma_start3A_47] : memref<4x!tpu.dma_semaphore, #tpu.memory_space<semaphore_mem>> -> memref<1x!tpu.dma_semaphore, #tpu.memory_space<semaphore_mem>>
    %dma_start3A_58 = tpu.memref_squeeze %dma_start3A_57 : memref<1x!tpu.dma_semaphore, #tpu.memory_space<semaphore_mem>> -> memref<!tpu.dma_semaphore, #tpu.memory_space<semaphore_mem>>
    tpu.enqueue_indirect_dma source(%dma_start3A_56 : memref<1000000x128xf32, #tpu.memory_space<hbm>>) target(%dma_start3A_51 : memref<72x128xf32, #tpu.memory_space<vmem>>) offsets(%dma_start3A_53 : memref<72xi32, #tpu.memory_space<vmem>>) semaphore(%dma_start3A_58 : memref<!tpu.dma_semaphore, #tpu.memory_space<semaphore_mem>>)
    %dma_start3A_59 = arith.constant 2 : i32
    %dma_start3A_60 = arith.constant 2 : i32
    %dma_start3A_61 = arith.constant 0 : i32
    %dma_start3A_62 = arith.constant 0 : i32
    %dma_start3A_63 = tpu.memref_slice %arg6[%dma_start3A_59, %dma_start3A_61, %dma_start3A_62] : memref<4x200x128xf32, #tpu.memory_space<vmem>> -> memref<1x128x128xf32, #tpu.memory_space<vmem>>
    %dma_start3A_64 = tpu.memref_squeeze %dma_start3A_63 : memref<1x128x128xf32, #tpu.memory_space<vmem>> -> memref<128x128xf32, #tpu.memory_space<vmem>>
    %dma_start3A_65 = arith.constant 400 : i32
    %dma_start3A_66 = tpu.memref_slice %arg5[%dma_start3A_65] : memref<6400xi32, #tpu.memory_space<vmem>> -> memref<128xi32, #tpu.memory_space<vmem>>
    %dma_start3A_67 = arith.constant 0 : i32
    %dma_start3A_68 = arith.constant 0 : i32
    %dma_start3A_69 = tpu.memref_slice %arg2[%dma_start3A_67, %dma_start3A_68] : memref<1000000x128xf32, #tpu.memory_space<hbm>> -> memref<1000000x128xf32, #tpu.memory_space<hbm>>
    %dma_start3A_70 = tpu.memref_slice %arg7[%dma_start3A_60] : memref<4x!tpu.dma_semaphore, #tpu.memory_space<semaphore_mem>> -> memref<1x!tpu.dma_semaphore, #tpu.memory_space<semaphore_mem>>
    %dma_start3A_71 = tpu.memref_squeeze %dma_start3A_70 : memref<1x!tpu.dma_semaphore, #tpu.memory_space<semaphore_mem>> -> memref<!tpu.dma_semaphore, #tpu.memory_space<semaphore_mem>>
    tpu.enqueue_indirect_dma source(%dma_start3A_69 : memref<1000000x128xf32, #tpu.memory_space<hbm>>) target(%dma_start3A_64 : memref<128x128xf32, #tpu.memory_space<vmem>>) offsets(%dma_start3A_66 : memref<128xi32, #tpu.memory_space<vmem>>) semaphore(%dma_start3A_71 : memref<!tpu.dma_semaphore, #tpu.memory_space<semaphore_mem>>)
    %dma_start3A_72 = arith.constant 2 : i32
    %dma_start3A_73 = arith.constant 2 : i32
    %dma_start3A_74 = arith.constant 128 : i32
    %dma_start3A_75 = arith.constant 0 : i32
    %dma_start3A_76 = tpu.memref_slice %arg6[%dma_start3A_72, %dma_start3A_74, %dma_start3A_75] : memref<4x200x128xf32, #tpu.memory_space<vmem>> -> memref<1x72x128xf32, #tpu.memory_space<vmem>>
    %dma_start3A_77 = tpu.memref_squeeze %dma_start3A_76 : memref<1x72x128xf32, #tpu.memory_space<vmem>> -> memref<72x128xf32, #tpu.memory_space<vmem>>
    %dma_start3A_78 = arith.constant 528 : i32
    %dma_start3A_79 = tpu.memref_slice %arg5[%dma_start3A_78] : memref<6400xi32, #tpu.memory_space<vmem>> -> memref<72xi32, #tpu.memory_space<vmem>>
    %dma_start3A_80 = arith.constant 0 : i32
    %dma_start3A_81 = arith.constant 0 : i32
    %dma_start3A_82 = tpu.memref_slice %arg2[%dma_start3A_80, %dma_start3A_81] : memref<1000000x128xf32, #tpu.memory_space<hbm>> -> memref<1000000x128xf32, #tpu.memory_space<hbm>>
    %dma_start3A_83 = tpu.memref_slice %arg7[%dma_start3A_73] : memref<4x!tpu.dma_semaphore, #tpu.memory_space<semaphore_mem>> -> memref<1x!tpu.dma_semaphore, #tpu.memory_space<semaphore_mem>>
    %dma_start3A_84 = tpu.memref_squeeze %dma_start3A_83 : memref<1x!tpu.dma_semaphore, #tpu.memory_space<semaphore_mem>> -> memref<!tpu.dma_semaphore, #tpu.memory_space<semaphore_mem>>
    tpu.enqueue_indirect_dma source(%dma_start3A_82 : memref<1000000x128xf32, #tpu.memory_space<hbm>>) target(%dma_start3A_77 : memref<72x128xf32, #tpu.memory_space<vmem>>) offsets(%dma_start3A_79 : memref<72xi32, #tpu.memory_space<vmem>>) semaphore(%dma_start3A_84 : memref<!tpu.dma_semaphore, #tpu.memory_space<semaphore_mem>>)
    %dma_start3A_85 = arith.constant 3 : i32
    %dma_start3A_86 = arith.constant 3 : i32
    %dma_start3A_87 = arith.constant 0 : i32
    %dma_start3A_88 = arith.constant 0 : i32
    %dma_start3A_89 = tpu.memref_slice %arg6[%dma_start3A_85, %dma_start3A_87, %dma_start3A_88] : memref<4x200x128xf32, #tpu.memory_space<vmem>> -> memref<1x128x128xf32, #tpu.memory_space<vmem>>
    %dma_start3A_90 = tpu.memref_squeeze %dma_start3A_89 : memref<1x128x128xf32, #tpu.memory_space<vmem>> -> memref<128x128xf32, #tpu.memory_space<vmem>>
    %dma_start3A_91 = arith.constant 600 : i32
    %dma_start3A_92 = tpu.memref_slice %arg5[%dma_start3A_91] : memref<6400xi32, #tpu.memory_space<vmem>> -> memref<128xi32, #tpu.memory_space<vmem>>
    %dma_start3A_93 = arith.constant 0 : i32
    %dma_start3A_94 = arith.constant 0 : i32
    %dma_start3A_95 = tpu.memref_slice %arg2[%dma_start3A_93, %dma_start3A_94] : memref<1000000x128xf32, #tpu.memory_space<hbm>> -> memref<1000000x128xf32, #tpu.memory_space<hbm>>
    %dma_start3A_96 = tpu.memref_slice %arg7[%dma_start3A_86] : memref<4x!tpu.dma_semaphore, #tpu.memory_space<semaphore_mem>> -> memref<1x!tpu.dma_semaphore, #tpu.memory_space<semaphore_mem>>
    %dma_start3A_97 = tpu.memref_squeeze %dma_start3A_96 : memref<1x!tpu.dma_semaphore, #tpu.memory_space<semaphore_mem>> -> memref<!tpu.dma_semaphore, #tpu.memory_space<semaphore_mem>>
    tpu.enqueue_indirect_dma source(%dma_start3A_95 : memref<1000000x128xf32, #tpu.memory_space<hbm>>) target(%dma_start3A_90 : memref<128x128xf32, #tpu.memory_space<vmem>>) offsets(%dma_start3A_92 : memref<128xi32, #tpu.memory_space<vmem>>) semaphore(%dma_start3A_97 : memref<!tpu.dma_semaphore, #tpu.memory_space<semaphore_mem>>)
    %dma_start3A_98 = arith.constant 3 : i32
    %dma_start3A_99 = arith.constant 3 : i32
    %dma_start3A_100 = arith.constant 128 : i32
    %dma_start3A_101 = arith.constant 0 : i32
    %dma_start3A_102 = tpu.memref_slice %arg6[%dma_start3A_98, %dma_start3A_100, %dma_start3A_101] : memref<4x200x128xf32, #tpu.memory_space<vmem>> -> memref<1x72x128xf32, #tpu.memory_space<vmem>>
    %dma_start3A_103 = tpu.memref_squeeze %dma_start3A_102 : memref<1x72x128xf32, #tpu.memory_space<vmem>> -> memref<72x128xf32, #tpu.memory_space<vmem>>
    %dma_start3A_104 = arith.constant 728 : i32
    %dma_start3A_105 = tpu.memref_slice %arg5[%dma_start3A_104] : memref<6400xi32, #tpu.memory_space<vmem>> -> memref<72xi32, #tpu.memory_space<vmem>>
    %dma_start3A_106 = arith.constant 0 : i32
    %dma_start3A_107 = arith.constant 0 : i32
    %dma_start3A_108 = tpu.memref_slice %arg2[%dma_start3A_106, %dma_start3A_107] : memref<1000000x128xf32, #tpu.memory_space<hbm>> -> memref<1000000x128xf32, #tpu.memory_space<hbm>>
    %dma_start3A_109 = tpu.memref_slice %arg7[%dma_start3A_99] : memref<4x!tpu.dma_semaphore, #tpu.memory_space<semaphore_mem>> -> memref<1x!tpu.dma_semaphore, #tpu.memory_space<semaphore_mem>>
    %dma_start3A_110 = tpu.memref_squeeze %dma_start3A_109 : memref<1x!tpu.dma_semaphore, #tpu.memory_space<semaphore_mem>> -> memref<!tpu.dma_semaphore, #tpu.memory_space<semaphore_mem>>
    tpu.enqueue_indirect_dma source(%dma_start3A_108 : memref<1000000x128xf32, #tpu.memory_space<hbm>>) target(%dma_start3A_103 : memref<72x128xf32, #tpu.memory_space<vmem>>) offsets(%dma_start3A_105 : memref<72xi32, #tpu.memory_space<vmem>>) semaphore(%dma_start3A_110 : memref<!tpu.dma_semaphore, #tpu.memory_space<semaphore_mem>>)
    %scan3A = arith.constant 0 : i32
    %scan3A_111 = arith.constant 7 : i32
    %scan3A_112 = arith.addi %scan3A, %scan3A_111 : i32
    %scan3A_113 = arith.constant 1 : i32
    scf.for %scan3A_987 = %scan3A to %scan3A_112 step %scan3A_113  : i32 {
      %mul3A_988 = arith.constant 1 : i32
      %mul3A_989 = arith.muli %scan3A_987, %mul3A_988 : i32
      %add3A_990 = arith.constant 0 : i32
      %add3A_991 = arith.addi %add3A_990, %mul3A_989 : i32
      %mul3A_992 = arith.constant 4 : i32
      %mul3A_993 = arith.muli %add3A_991, %mul3A_992 : i32
      %add3A_994 = arith.constant 0 : i32
      %add3A_995 = arith.addi %mul3A_993, %add3A_994 : i32
      %mul3A_996 = arith.constant 200 : i32
      %mul3A_997 = arith.muli %add3A_995, %mul3A_996 : i32
      %mul3A_998 = arith.constant 200 : i32
      %mul3A_999 = arith.muli %add3A_995, %mul3A_998 : i32
      %add3A_1000 = arith.constant 128 : i32
      %add3A_1001 = arith.addi %mul3A_999, %add3A_1000 : i32
      %dma_wait3A_1002 = arith.constant 0 : i32
      %dma_wait3A_1003 = arith.constant 0 : i32
      %dma_wait3A_1004 = arith.constant 0 : i32
      %dma_wait3A_1005 = arith.constant 0 : i32
      %dma_wait3A_1006 = tpu.memref_slice %arg6[%dma_wait3A_1002, %dma_wait3A_1004, %dma_wait3A_1005] : memref<4x200x128xf32, #tpu.memory_space<vmem>> -> memref<1x128x128xf32, #tpu.memory_space<vmem>>
      %dma_wait3A_1007 = tpu.memref_squeeze %dma_wait3A_1006 : memref<1x128x128xf32, #tpu.memory_space<vmem>> -> memref<128x128xf32, #tpu.memory_space<vmem>>
      %dma_wait3A_1008 = tpu.memref_slice %arg5[%mul3A_997] : memref<6400xi32, #tpu.memory_space<vmem>> -> memref<128xi32, #tpu.memory_space<vmem>>
      %dma_wait3A_1009 = arith.constant 0 : i32
      %dma_wait3A_1010 = arith.constant 0 : i32
      %dma_wait3A_1011 = tpu.memref_slice %arg2[%dma_wait3A_1009, %dma_wait3A_1010] : memref<1000000x128xf32, #tpu.memory_space<hbm>> -> memref<1000000x128xf32, #tpu.memory_space<hbm>>
      %dma_wait3A_1012 = tpu.memref_slice %arg7[%dma_wait3A_1003] : memref<4x!tpu.dma_semaphore, #tpu.memory_space<semaphore_mem>> -> memref<1x!tpu.dma_semaphore, #tpu.memory_space<semaphore_mem>>
      %dma_wait3A_1013 = tpu.memref_squeeze %dma_wait3A_1012 : memref<1x!tpu.dma_semaphore, #tpu.memory_space<semaphore_mem>> -> memref<!tpu.dma_semaphore, #tpu.memory_space<semaphore_mem>>
      tpu.wait_indirect_dma semaphore(%dma_wait3A_1013 : memref<!tpu.dma_semaphore, #tpu.memory_space<semaphore_mem>>) src(%dma_wait3A_1011 : memref<1000000x128xf32, #tpu.memory_space<hbm>>) dst(%dma_wait3A_1007 : memref<128x128xf32, #tpu.memory_space<vmem>>)
      %dma_wait3A_1014 = arith.constant 0 : i32
      %dma_wait3A_1015 = arith.constant 0 : i32
      %dma_wait3A_1016 = arith.constant 128 : i32
      %dma_wait3A_1017 = arith.constant 0 : i32
      %dma_wait3A_1018 = tpu.memref_slice %arg6[%dma_wait3A_1014, %dma_wait3A_1016, %dma_wait3A_1017] : memref<4x200x128xf32, #tpu.memory_space<vmem>> -> memref<1x72x128xf32, #tpu.memory_space<vmem>>
      %dma_wait3A_1019 = tpu.memref_squeeze %dma_wait3A_1018 : memref<1x72x128xf32, #tpu.memory_space<vmem>> -> memref<72x128xf32, #tpu.memory_space<vmem>>
      %dma_wait3A_1020 = tpu.memref_slice %arg5[%add3A_1001] : memref<6400xi32, #tpu.memory_space<vmem>> -> memref<72xi32, #tpu.memory_space<vmem>>
      %dma_wait3A_1021 = arith.constant 0 : i32
      %dma_wait3A_1022 = arith.constant 0 : i32
      %dma_wait3A_1023 = tpu.memref_slice %arg2[%dma_wait3A_1021, %dma_wait3A_1022] : memref<1000000x128xf32, #tpu.memory_space<hbm>> -> memref<1000000x128xf32, #tpu.memory_space<hbm>>
      %dma_wait3A_1024 = tpu.memref_slice %arg7[%dma_wait3A_1015] : memref<4x!tpu.dma_semaphore, #tpu.memory_space<semaphore_mem>> -> memref<1x!tpu.dma_semaphore, #tpu.memory_space<semaphore_mem>>
      %dma_wait3A_1025 = tpu.memref_squeeze %dma_wait3A_1024 : memref<1x!tpu.dma_semaphore, #tpu.memory_space<semaphore_mem>> -> memref<!tpu.dma_semaphore, #tpu.memory_space<semaphore_mem>>
      tpu.wait_indirect_dma semaphore(%dma_wait3A_1025 : memref<!tpu.dma_semaphore, #tpu.memory_space<semaphore_mem>>) src(%dma_wait3A_1023 : memref<1000000x128xf32, #tpu.memory_space<hbm>>) dst(%dma_wait3A_1019 : memref<72x128xf32, #tpu.memory_space<vmem>>)
      %mul3A_1026 = arith.constant 4 : i32
      %mul3A_1027 = arith.muli %add3A_995, %mul3A_1026 : i32
      %add3A_1028 = arith.addi %mul3A_4, %mul3A_1027 : i32
      %add3A_1029 = arith.constant 0 : i32
      %add3A_1030 = arith.addi %add3A_1028, %add3A_1029 : i32
      %mul3A_1031 = arith.constant 4 : i32
      %mul3A_1032 = arith.muli %add3A_995, %mul3A_1031 : i32
      %add3A_1033 = arith.addi %mul3A_4, %mul3A_1032 : i32
      %add3A_1034 = arith.constant 1 : i32
      %add3A_1035 = arith.addi %add3A_1033, %add3A_1034 : i32
      %mul3A_1036 = arith.constant 4 : i32
      %mul3A_1037 = arith.muli %add3A_995, %mul3A_1036 : i32
      %add3A_1038 = arith.addi %mul3A_4, %mul3A_1037 : i32
      %add3A_1039 = arith.constant 2 : i32
      %add3A_1040 = arith.addi %add3A_1038, %add3A_1039 : i32
      %mul3A_1041 = arith.constant 4 : i32
      %mul3A_1042 = arith.muli %add3A_995, %mul3A_1041 : i32
      %add3A_1043 = arith.addi %mul3A_4, %mul3A_1042 : i32
      %add3A_1044 = arith.constant 3 : i32
      %add3A_1045 = arith.addi %add3A_1043, %add3A_1044 : i32
      %dma_start3A_1046 = arith.constant 0 : i32
      %dma_start3A_1047 = arith.constant 0 : i32
      %dma_start3A_1048 = arith.constant 0 : i32
      %dma_start3A_1049 = arith.constant 0 : i32
      %dma_start3A_1050 = tpu.memref_slice %arg6[%dma_start3A_1046, %dma_start3A_1048, %dma_start3A_1049] : memref<4x200x128xf32, #tpu.memory_space<vmem>> -> memref<1x50x128xf32, #tpu.memory_space<vmem>>
      %dma_start3A_1051 = tpu.memref_squeeze %dma_start3A_1050 : memref<1x50x128xf32, #tpu.memory_space<vmem>> -> memref<50x128xf32, #tpu.memory_space<vmem>>
      %dma_start3A_1052 = arith.constant 0 : i32
      %dma_start3A_1053 = arith.constant 0 : i32
      %dma_start3A_1054 = tpu.memref_slice %arg4[%add3A_1030, %dma_start3A_1052, %dma_start3A_1053] : memref<4096x50x128xf32, #tpu.memory_space<hbm>> -> memref<1x50x128xf32, #tpu.memory_space<hbm>>
      %dma_start3A_1055 = tpu.memref_squeeze %dma_start3A_1054 : memref<1x50x128xf32, #tpu.memory_space<hbm>> -> memref<50x128xf32, #tpu.memory_space<hbm>>
      %dma_start3A_1056 = tpu.memref_slice %arg8[%dma_start3A_1047] : memref<4x!tpu.dma_semaphore, #tpu.memory_space<semaphore_mem>> -> memref<1x!tpu.dma_semaphore, #tpu.memory_space<semaphore_mem>>
      %dma_start3A_1057 = tpu.memref_squeeze %dma_start3A_1056 : memref<1x!tpu.dma_semaphore, #tpu.memory_space<semaphore_mem>> -> memref<!tpu.dma_semaphore, #tpu.memory_space<semaphore_mem>>
      %dma_start3A_1058 = arith.constant 0 : i32
      %dma_start3A_1059 = arith.constant 0 : i32
      %dma_start3A_1060 = tpu.memref_slice %arg4[%add3A_1030, %dma_start3A_1058, %dma_start3A_1059] : memref<4096x50x128xf32, #tpu.memory_space<hbm>> -> memref<1x50x128xf32, #tpu.memory_space<hbm>>
      %dma_start3A_1061 = tpu.memref_squeeze %dma_start3A_1060 : memref<1x50x128xf32, #tpu.memory_space<hbm>> -> memref<50x128xf32, #tpu.memory_space<hbm>>
      %dma_start3A_1062 = arith.constant 0 : i32
      %dma_start3A_1063 = arith.constant 0 : i32
      %dma_start3A_1064 = tpu.memref_slice %arg6[%dma_start3A_1046, %dma_start3A_1062, %dma_start3A_1063] : memref<4x200x128xf32, #tpu.memory_space<vmem>> -> memref<1x50x128xf32, #tpu.memory_space<vmem>>
      %dma_start3A_1065 = tpu.memref_squeeze %dma_start3A_1064 : memref<1x50x128xf32, #tpu.memory_space<vmem>> -> memref<50x128xf32, #tpu.memory_space<vmem>>
      tpu.enqueue_dma source(%dma_start3A_1065 : memref<50x128xf32, #tpu.memory_space<vmem>>) target(%dma_start3A_1061 : memref<50x128xf32, #tpu.memory_space<hbm>>) target_semaphore(%dma_start3A_1057 : memref<!tpu.dma_semaphore, #tpu.memory_space<semaphore_mem>>)
      %dma_start3A_1066 = arith.constant 0 : i32
      %dma_start3A_1067 = arith.constant 0 : i32
      %dma_start3A_1068 = arith.constant 50 : i32
      %dma_start3A_1069 = arith.constant 0 : i32
      %dma_start3A_1070 = tpu.memref_slice %arg6[%dma_start3A_1066, %dma_start3A_1068, %dma_start3A_1069] : memref<4x200x128xf32, #tpu.memory_space<vmem>> -> memref<1x50x128xf32, #tpu.memory_space<vmem>>
      %dma_start3A_1071 = tpu.memref_squeeze %dma_start3A_1070 : memref<1x50x128xf32, #tpu.memory_space<vmem>> -> memref<50x128xf32, #tpu.memory_space<vmem>>
      %dma_start3A_1072 = arith.constant 0 : i32
      %dma_start3A_1073 = arith.constant 0 : i32
      %dma_start3A_1074 = tpu.memref_slice %arg4[%add3A_1035, %dma_start3A_1072, %dma_start3A_1073] : memref<4096x50x128xf32, #tpu.memory_space<hbm>> -> memref<1x50x128xf32, #tpu.memory_space<hbm>>
      %dma_start3A_1075 = tpu.memref_squeeze %dma_start3A_1074 : memref<1x50x128xf32, #tpu.memory_space<hbm>> -> memref<50x128xf32, #tpu.memory_space<hbm>>
      %dma_start3A_1076 = tpu.memref_slice %arg8[%dma_start3A_1067] : memref<4x!tpu.dma_semaphore, #tpu.memory_space<semaphore_mem>> -> memref<1x!tpu.dma_semaphore, #tpu.memory_space<semaphore_mem>>
      %dma_start3A_1077 = tpu.memref_squeeze %dma_start3A_1076 : memref<1x!tpu.dma_semaphore, #tpu.memory_space<semaphore_mem>> -> memref<!tpu.dma_semaphore, #tpu.memory_space<semaphore_mem>>
      %dma_start3A_1078 = arith.constant 0 : i32
      %dma_start3A_1079 = arith.constant 0 : i32
      %dma_start3A_1080 = tpu.memref_slice %arg4[%add3A_1035, %dma_start3A_1078, %dma_start3A_1079] : memref<4096x50x128xf32, #tpu.memory_space<hbm>> -> memref<1x50x128xf32, #tpu.memory_space<hbm>>
      %dma_start3A_1081 = tpu.memref_squeeze %dma_start3A_1080 : memref<1x50x128xf32, #tpu.memory_space<hbm>> -> memref<50x128xf32, #tpu.memory_space<hbm>>
      %dma_start3A_1082 = arith.constant 50 : i32
      %dma_start3A_1083 = arith.constant 0 : i32
      %dma_start3A_1084 = tpu.memref_slice %arg6[%dma_start3A_1066, %dma_start3A_1082, %dma_start3A_1083] : memref<4x200x128xf32, #tpu.memory_space<vmem>> -> memref<1x50x128xf32, #tpu.memory_space<vmem>>
      %dma_start3A_1085 = tpu.memref_squeeze %dma_start3A_1084 : memref<1x50x128xf32, #tpu.memory_space<vmem>> -> memref<50x128xf32, #tpu.memory_space<vmem>>
      tpu.enqueue_dma source(%dma_start3A_1085 : memref<50x128xf32, #tpu.memory_space<vmem>>) target(%dma_start3A_1081 : memref<50x128xf32, #tpu.memory_space<hbm>>) target_semaphore(%dma_start3A_1077 : memref<!tpu.dma_semaphore, #tpu.memory_space<semaphore_mem>>)
      %dma_start3A_1086 = arith.constant 0 : i32
      %dma_start3A_1087 = arith.constant 0 : i32
      %dma_start3A_1088 = arith.constant 100 : i32
      %dma_start3A_1089 = arith.constant 0 : i32
      %dma_start3A_1090 = tpu.memref_slice %arg6[%dma_start3A_1086, %dma_start3A_1088, %dma_start3A_1089] : memref<4x200x128xf32, #tpu.memory_space<vmem>> -> memref<1x50x128xf32, #tpu.memory_space<vmem>>
      %dma_start3A_1091 = tpu.memref_squeeze %dma_start3A_1090 : memref<1x50x128xf32, #tpu.memory_space<vmem>> -> memref<50x128xf32, #tpu.memory_space<vmem>>
      %dma_start3A_1092 = arith.constant 0 : i32
      %dma_start3A_1093 = arith.constant 0 : i32
      %dma_start3A_1094 = tpu.memref_slice %arg4[%add3A_1040, %dma_start3A_1092, %dma_start3A_1093] : memref<4096x50x128xf32, #tpu.memory_space<hbm>> -> memref<1x50x128xf32, #tpu.memory_space<hbm>>
      %dma_start3A_1095 = tpu.memref_squeeze %dma_start3A_1094 : memref<1x50x128xf32, #tpu.memory_space<hbm>> -> memref<50x128xf32, #tpu.memory_space<hbm>>
      %dma_start3A_1096 = tpu.memref_slice %arg8[%dma_start3A_1087] : memref<4x!tpu.dma_semaphore, #tpu.memory_space<semaphore_mem>> -> memref<1x!tpu.dma_semaphore, #tpu.memory_space<semaphore_mem>>
      %dma_start3A_1097 = tpu.memref_squeeze %dma_start3A_1096 : memref<1x!tpu.dma_semaphore, #tpu.memory_space<semaphore_mem>> -> memref<!tpu.dma_semaphore, #tpu.memory_space<semaphore_mem>>
      %dma_start3A_1098 = arith.constant 0 : i32
      %dma_start3A_1099 = arith.constant 0 : i32
      %dma_start3A_1100 = tpu.memref_slice %arg4[%add3A_1040, %dma_start3A_1098, %dma_start3A_1099] : memref<4096x50x128xf32, #tpu.memory_space<hbm>> -> memref<1x50x128xf32, #tpu.memory_space<hbm>>
      %dma_start3A_1101 = tpu.memref_squeeze %dma_start3A_1100 : memref<1x50x128xf32, #tpu.memory_space<hbm>> -> memref<50x128xf32, #tpu.memory_space<hbm>>
      %dma_start3A_1102 = arith.constant 100 : i32
      %dma_start3A_1103 = arith.constant 0 : i32
      %dma_start3A_1104 = tpu.memref_slice %arg6[%dma_start3A_1086, %dma_start3A_1102, %dma_start3A_1103] : memref<4x200x128xf32, #tpu.memory_space<vmem>> -> memref<1x50x128xf32, #tpu.memory_space<vmem>>
      %dma_start3A_1105 = tpu.memref_squeeze %dma_start3A_1104 : memref<1x50x128xf32, #tpu.memory_space<vmem>> -> memref<50x128xf32, #tpu.memory_space<vmem>>
      tpu.enqueue_dma source(%dma_start3A_1105 : memref<50x128xf32, #tpu.memory_space<vmem>>) target(%dma_start3A_1101 : memref<50x128xf32, #tpu.memory_space<hbm>>) target_semaphore(%dma_start3A_1097 : memref<!tpu.dma_semaphore, #tpu.memory_space<semaphore_mem>>)
      %dma_start3A_1106 = arith.constant 0 : i32
      %dma_start3A_1107 = arith.constant 0 : i32
      %dma_start3A_1108 = arith.constant 150 : i32
      %dma_start3A_1109 = arith.constant 0 : i32
      %dma_start3A_1110 = tpu.memref_slice %arg6[%dma_start3A_1106, %dma_start3A_1108, %dma_start3A_1109] : memref<4x200x128xf32, #tpu.memory_space<vmem>> -> memref<1x50x128xf32, #tpu.memory_space<vmem>>
      %dma_start3A_1111 = tpu.memref_squeeze %dma_start3A_1110 : memref<1x50x128xf32, #tpu.memory_space<vmem>> -> memref<50x128xf32, #tpu.memory_space<vmem>>
      %dma_start3A_1112 = arith.constant 0 : i32
      %dma_start3A_1113 = arith.constant 0 : i32
      %dma_start3A_1114 = tpu.memref_slice %arg4[%add3A_1045, %dma_start3A_1112, %dma_start3A_1113] : memref<4096x50x128xf32, #tpu.memory_space<hbm>> -> memref<1x50x128xf32, #tpu.memory_space<hbm>>
      %dma_start3A_1115 = tpu.memref_squeeze %dma_start3A_1114 : memref<1x50x128xf32, #tpu.memory_space<hbm>> -> memref<50x128xf32, #tpu.memory_space<hbm>>
      %dma_start3A_1116 = tpu.memref_slice %arg8[%dma_start3A_1107] : memref<4x!tpu.dma_semaphore, #tpu.memory_space<semaphore_mem>> -> memref<1x!tpu.dma_semaphore, #tpu.memory_space<semaphore_mem>>
      %dma_start3A_1117 = tpu.memref_squeeze %dma_start3A_1116 : memref<1x!tpu.dma_semaphore, #tpu.memory_space<semaphore_mem>> -> memref<!tpu.dma_semaphore, #tpu.memory_space<semaphore_mem>>
      %dma_start3A_1118 = arith.constant 0 : i32
      %dma_start3A_1119 = arith.constant 0 : i32
      %dma_start3A_1120 = tpu.memref_slice %arg4[%add3A_1045, %dma_start3A_1118, %dma_start3A_1119] : memref<4096x50x128xf32, #tpu.memory_space<hbm>> -> memref<1x50x128xf32, #tpu.memory_space<hbm>>
      %dma_start3A_1121 = tpu.memref_squeeze %dma_start3A_1120 : memref<1x50x128xf32, #tpu.memory_space<hbm>> -> memref<50x128xf32, #tpu.memory_space<hbm>>
      %dma_start3A_1122 = arith.constant 150 : i32
      %dma_start3A_1123 = arith.constant 0 : i32
      %dma_start3A_1124 = tpu.memref_slice %arg6[%dma_start3A_1106, %dma_start3A_1122, %dma_start3A_1123] : memref<4x200x128xf32, #tpu.memory_space<vmem>> -> memref<1x50x128xf32, #tpu.memory_space<vmem>>
      %dma_start3A_1125 = tpu.memref_squeeze %dma_start3A_1124 : memref<1x50x128xf32, #tpu.memory_space<vmem>> -> memref<50x128xf32, #tpu.memory_space<vmem>>
      tpu.enqueue_dma source(%dma_start3A_1125 : memref<50x128xf32, #tpu.memory_space<vmem>>) target(%dma_start3A_1121 : memref<50x128xf32, #tpu.memory_space<hbm>>) target_semaphore(%dma_start3A_1117 : memref<!tpu.dma_semaphore, #tpu.memory_space<semaphore_mem>>)
      %mul3A_1126 = arith.constant 4 : i32
      %mul3A_1127 = arith.muli %add3A_991, %mul3A_1126 : i32
      %add3A_1128 = arith.constant 1 : i32
      %add3A_1129 = arith.addi %mul3A_1127, %add3A_1128 : i32
      %mul3A_1130 = arith.constant 200 : i32
      %mul3A_1131 = arith.muli %add3A_1129, %mul3A_1130 : i32
      %mul3A_1132 = arith.constant 200 : i32
      %mul3A_1133 = arith.muli %add3A_1129, %mul3A_1132 : i32
      %add3A_1134 = arith.constant 128 : i32
      %add3A_1135 = arith.addi %mul3A_1133, %add3A_1134 : i32
      %dma_wait3A_1136 = arith.constant 1 : i32
      %dma_wait3A_1137 = arith.constant 1 : i32
      %dma_wait3A_1138 = arith.constant 0 : i32
      %dma_wait3A_1139 = arith.constant 0 : i32
      %dma_wait3A_1140 = tpu.memref_slice %arg6[%dma_wait3A_1136, %dma_wait3A_1138, %dma_wait3A_1139] : memref<4x200x128xf32, #tpu.memory_space<vmem>> -> memref<1x128x128xf32, #tpu.memory_space<vmem>>
      %dma_wait3A_1141 = tpu.memref_squeeze %dma_wait3A_1140 : memref<1x128x128xf32, #tpu.memory_space<vmem>> -> memref<128x128xf32, #tpu.memory_space<vmem>>
      %dma_wait3A_1142 = tpu.memref_slice %arg5[%mul3A_1131] : memref<6400xi32, #tpu.memory_space<vmem>> -> memref<128xi32, #tpu.memory_space<vmem>>
      %dma_wait3A_1143 = arith.constant 0 : i32
      %dma_wait3A_1144 = arith.constant 0 : i32
      %dma_wait3A_1145 = tpu.memref_slice %arg2[%dma_wait3A_1143, %dma_wait3A_1144] : memref<1000000x128xf32, #tpu.memory_space<hbm>> -> memref<1000000x128xf32, #tpu.memory_space<hbm>>
      %dma_wait3A_1146 = tpu.memref_slice %arg7[%dma_wait3A_1137] : memref<4x!tpu.dma_semaphore, #tpu.memory_space<semaphore_mem>> -> memref<1x!tpu.dma_semaphore, #tpu.memory_space<semaphore_mem>>
      %dma_wait3A_1147 = tpu.memref_squeeze %dma_wait3A_1146 : memref<1x!tpu.dma_semaphore, #tpu.memory_space<semaphore_mem>> -> memref<!tpu.dma_semaphore, #tpu.memory_space<semaphore_mem>>
      tpu.wait_indirect_dma semaphore(%dma_wait3A_1147 : memref<!tpu.dma_semaphore, #tpu.memory_space<semaphore_mem>>) src(%dma_wait3A_1145 : memref<1000000x128xf32, #tpu.memory_space<hbm>>) dst(%dma_wait3A_1141 : memref<128x128xf32, #tpu.memory_space<vmem>>)
      %dma_wait3A_1148 = arith.constant 1 : i32
      %dma_wait3A_1149 = arith.constant 1 : i32
      %dma_wait3A_1150 = arith.constant 128 : i32
      %dma_wait3A_1151 = arith.constant 0 : i32
      %dma_wait3A_1152 = tpu.memref_slice %arg6[%dma_wait3A_1148, %dma_wait3A_1150, %dma_wait3A_1151] : memref<4x200x128xf32, #tpu.memory_space<vmem>> -> memref<1x72x128xf32, #tpu.memory_space<vmem>>
      %dma_wait3A_1153 = tpu.memref_squeeze %dma_wait3A_1152 : memref<1x72x128xf32, #tpu.memory_space<vmem>> -> memref<72x128xf32, #tpu.memory_space<vmem>>
      %dma_wait3A_1154 = tpu.memref_slice %arg5[%add3A_1135] : memref<6400xi32, #tpu.memory_space<vmem>> -> memref<72xi32, #tpu.memory_space<vmem>>
      %dma_wait3A_1155 = arith.constant 0 : i32
      %dma_wait3A_1156 = arith.constant 0 : i32
      %dma_wait3A_1157 = tpu.memref_slice %arg2[%dma_wait3A_1155, %dma_wait3A_1156] : memref<1000000x128xf32, #tpu.memory_space<hbm>> -> memref<1000000x128xf32, #tpu.memory_space<hbm>>
      %dma_wait3A_1158 = tpu.memref_slice %arg7[%dma_wait3A_1149] : memref<4x!tpu.dma_semaphore, #tpu.memory_space<semaphore_mem>> -> memref<1x!tpu.dma_semaphore, #tpu.memory_space<semaphore_mem>>
      %dma_wait3A_1159 = tpu.memref_squeeze %dma_wait3A_1158 : memref<1x!tpu.dma_semaphore, #tpu.memory_space<semaphore_mem>> -> memref<!tpu.dma_semaphore, #tpu.memory_space<semaphore_mem>>
      tpu.wait_indirect_dma semaphore(%dma_wait3A_1159 : memref<!tpu.dma_semaphore, #tpu.memory_space<semaphore_mem>>) src(%dma_wait3A_1157 : memref<1000000x128xf32, #tpu.memory_space<hbm>>) dst(%dma_wait3A_1153 : memref<72x128xf32, #tpu.memory_space<vmem>>)
      %mul3A_1160 = arith.constant 4 : i32
      %mul3A_1161 = arith.muli %add3A_1129, %mul3A_1160 : i32
      %add3A_1162 = arith.addi %mul3A_4, %mul3A_1161 : i32
      %add3A_1163 = arith.constant 0 : i32
      %add3A_1164 = arith.addi %add3A_1162, %add3A_1163 : i32
      %mul3A_1165 = arith.constant 4 : i32
      %mul3A_1166 = arith.muli %add3A_1129, %mul3A_1165 : i32
      %add3A_1167 = arith.addi %mul3A_4, %mul3A_1166 : i32
      %add3A_1168 = arith.constant 1 : i32
      %add3A_1169 = arith.addi %add3A_1167, %add3A_1168 : i32
      %mul3A_1170 = arith.constant 4 : i32
      %mul3A_1171 = arith.muli %add3A_1129, %mul3A_1170 : i32
      %add3A_1172 = arith.addi %mul3A_4, %mul3A_1171 : i32
      %add3A_1173 = arith.constant 2 : i32
      %add3A_1174 = arith.addi %add3A_1172, %add3A_1173 : i32
      %mul3A_1175 = arith.constant 4 : i32
      %mul3A_1176 = arith.muli %add3A_1129, %mul3A_1175 : i32
      %add3A_1177 = arith.addi %mul3A_4, %mul3A_1176 : i32
      %add3A_1178 = arith.constant 3 : i32
      %add3A_1179 = arith.addi %add3A_1177, %add3A_1178 : i32
      %dma_start3A_1180 = arith.constant 1 : i32
      %dma_start3A_1181 = arith.constant 1 : i32
      %dma_start3A_1182 = arith.constant 0 : i32
      %dma_start3A_1183 = arith.constant 0 : i32
      %dma_start3A_1184 = tpu.memref_slice %arg6[%dma_start3A_1180, %dma_start3A_1182, %dma_start3A_1183] : memref<4x200x128xf32, #tpu.memory_space<vmem>> -> memref<1x50x128xf32, #tpu.memory_space<vmem>>
      %dma_start3A_1185 = tpu.memref_squeeze %dma_start3A_1184 : memref<1x50x128xf32, #tpu.memory_space<vmem>> -> memref<50x128xf32, #tpu.memory_space<vmem>>
      %dma_start3A_1186 = arith.constant 0 : i32
      %dma_start3A_1187 = arith.constant 0 : i32
      %dma_start3A_1188 = tpu.memref_slice %arg4[%add3A_1164, %dma_start3A_1186, %dma_start3A_1187] : memref<4096x50x128xf32, #tpu.memory_space<hbm>> -> memref<1x50x128xf32, #tpu.memory_space<hbm>>
      %dma_start3A_1189 = tpu.memref_squeeze %dma_start3A_1188 : memref<1x50x128xf32, #tpu.memory_space<hbm>> -> memref<50x128xf32, #tpu.memory_space<hbm>>
      %dma_start3A_1190 = tpu.memref_slice %arg8[%dma_start3A_1181] : memref<4x!tpu.dma_semaphore, #tpu.memory_space<semaphore_mem>> -> memref<1x!tpu.dma_semaphore, #tpu.memory_space<semaphore_mem>>
      %dma_start3A_1191 = tpu.memref_squeeze %dma_start3A_1190 : memref<1x!tpu.dma_semaphore, #tpu.memory_space<semaphore_mem>> -> memref<!tpu.dma_semaphore, #tpu.memory_space<semaphore_mem>>
      %dma_start3A_1192 = arith.constant 0 : i32
      %dma_start3A_1193 = arith.constant 0 : i32
      %dma_start3A_1194 = tpu.memref_slice %arg4[%add3A_1164, %dma_start3A_1192, %dma_start3A_1193] : memref<4096x50x128xf32, #tpu.memory_space<hbm>> -> memref<1x50x128xf32, #tpu.memory_space<hbm>>
      %dma_start3A_1195 = tpu.memref_squeeze %dma_start3A_1194 : memref<1x50x128xf32, #tpu.memory_space<hbm>> -> memref<50x128xf32, #tpu.memory_space<hbm>>
      %dma_start3A_1196 = arith.constant 0 : i32
      %dma_start3A_1197 = arith.constant 0 : i32
      %dma_start3A_1198 = tpu.memref_slice %arg6[%dma_start3A_1180, %dma_start3A_1196, %dma_start3A_1197] : memref<4x200x128xf32, #tpu.memory_space<vmem>> -> memref<1x50x128xf32, #tpu.memory_space<vmem>>
      %dma_start3A_1199 = tpu.memref_squeeze %dma_start3A_1198 : memref<1x50x128xf32, #tpu.memory_space<vmem>> -> memref<50x128xf32, #tpu.memory_space<vmem>>
      tpu.enqueue_dma source(%dma_start3A_1199 : memref<50x128xf32, #tpu.memory_space<vmem>>) target(%dma_start3A_1195 : memref<50x128xf32, #tpu.memory_space<hbm>>) target_semaphore(%dma_start3A_1191 : memref<!tpu.dma_semaphore, #tpu.memory_space<semaphore_mem>>)
      %dma_start3A_1200 = arith.constant 1 : i32
      %dma_start3A_1201 = arith.constant 1 : i32
      %dma_start3A_1202 = arith.constant 50 : i32
      %dma_start3A_1203 = arith.constant 0 : i32
      %dma_start3A_1204 = tpu.memref_slice %arg6[%dma_start3A_1200, %dma_start3A_1202, %dma_start3A_1203] : memref<4x200x128xf32, #tpu.memory_space<vmem>> -> memref<1x50x128xf32, #tpu.memory_space<vmem>>
      %dma_start3A_1205 = tpu.memref_squeeze %dma_start3A_1204 : memref<1x50x128xf32, #tpu.memory_space<vmem>> -> memref<50x128xf32, #tpu.memory_space<vmem>>
      %dma_start3A_1206 = arith.constant 0 : i32
      %dma_start3A_1207 = arith.constant 0 : i32
      %dma_start3A_1208 = tpu.memref_slice %arg4[%add3A_1169, %dma_start3A_1206, %dma_start3A_1207] : memref<4096x50x128xf32, #tpu.memory_space<hbm>> -> memref<1x50x128xf32, #tpu.memory_space<hbm>>
      %dma_start3A_1209 = tpu.memref_squeeze %dma_start3A_1208 : memref<1x50x128xf32, #tpu.memory_space<hbm>> -> memref<50x128xf32, #tpu.memory_space<hbm>>
      %dma_start3A_1210 = tpu.memref_slice %arg8[%dma_start3A_1201] : memref<4x!tpu.dma_semaphore, #tpu.memory_space<semaphore_mem>> -> memref<1x!tpu.dma_semaphore, #tpu.memory_space<semaphore_mem>>
      %dma_start3A_1211 = tpu.memref_squeeze %dma_start3A_1210 : memref<1x!tpu.dma_semaphore, #tpu.memory_space<semaphore_mem>> -> memref<!tpu.dma_semaphore, #tpu.memory_space<semaphore_mem>>
      %dma_start3A_1212 = arith.constant 0 : i32
      %dma_start3A_1213 = arith.constant 0 : i32
      %dma_start3A_1214 = tpu.memref_slice %arg4[%add3A_1169, %dma_start3A_1212, %dma_start3A_1213] : memref<4096x50x128xf32, #tpu.memory_space<hbm>> -> memref<1x50x128xf32, #tpu.memory_space<hbm>>
      %dma_start3A_1215 = tpu.memref_squeeze %dma_start3A_1214 : memref<1x50x128xf32, #tpu.memory_space<hbm>> -> memref<50x128xf32, #tpu.memory_space<hbm>>
      %dma_start3A_1216 = arith.constant 50 : i32
      %dma_start3A_1217 = arith.constant 0 : i32
      %dma_start3A_1218 = tpu.memref_slice %arg6[%dma_start3A_1200, %dma_start3A_1216, %dma_start3A_1217] : memref<4x200x128xf32, #tpu.memory_space<vmem>> -> memref<1x50x128xf32, #tpu.memory_space<vmem>>
      %dma_start3A_1219 = tpu.memref_squeeze %dma_start3A_1218 : memref<1x50x128xf32, #tpu.memory_space<vmem>> -> memref<50x128xf32, #tpu.memory_space<vmem>>
      tpu.enqueue_dma source(%dma_start3A_1219 : memref<50x128xf32, #tpu.memory_space<vmem>>) target(%dma_start3A_1215 : memref<50x128xf32, #tpu.memory_space<hbm>>) target_semaphore(%dma_start3A_1211 : memref<!tpu.dma_semaphore, #tpu.memory_space<semaphore_mem>>)
      %dma_start3A_1220 = arith.constant 1 : i32
      %dma_start3A_1221 = arith.constant 1 : i32
      %dma_start3A_1222 = arith.constant 100 : i32
      %dma_start3A_1223 = arith.constant 0 : i32
      %dma_start3A_1224 = tpu.memref_slice %arg6[%dma_start3A_1220, %dma_start3A_1222, %dma_start3A_1223] : memref<4x200x128xf32, #tpu.memory_space<vmem>> -> memref<1x50x128xf32, #tpu.memory_space<vmem>>
      %dma_start3A_1225 = tpu.memref_squeeze %dma_start3A_1224 : memref<1x50x128xf32, #tpu.memory_space<vmem>> -> memref<50x128xf32, #tpu.memory_space<vmem>>
      %dma_start3A_1226 = arith.constant 0 : i32
      %dma_start3A_1227 = arith.constant 0 : i32
      %dma_start3A_1228 = tpu.memref_slice %arg4[%add3A_1174, %dma_start3A_1226, %dma_start3A_1227] : memref<4096x50x128xf32, #tpu.memory_space<hbm>> -> memref<1x50x128xf32, #tpu.memory_space<hbm>>
      %dma_start3A_1229 = tpu.memref_squeeze %dma_start3A_1228 : memref<1x50x128xf32, #tpu.memory_space<hbm>> -> memref<50x128xf32, #tpu.memory_space<hbm>>
      %dma_start3A_1230 = tpu.memref_slice %arg8[%dma_start3A_1221] : memref<4x!tpu.dma_semaphore, #tpu.memory_space<semaphore_mem>> -> memref<1x!tpu.dma_semaphore, #tpu.memory_space<semaphore_mem>>
      %dma_start3A_1231 = tpu.memref_squeeze %dma_start3A_1230 : memref<1x!tpu.dma_semaphore, #tpu.memory_space<semaphore_mem>> -> memref<!tpu.dma_semaphore, #tpu.memory_space<semaphore_mem>>
      %dma_start3A_1232 = arith.constant 0 : i32
      %dma_start3A_1233 = arith.constant 0 : i32
      %dma_start3A_1234 = tpu.memref_slice %arg4[%add3A_1174, %dma_start3A_1232, %dma_start3A_1233] : memref<4096x50x128xf32, #tpu.memory_space<hbm>> -> memref<1x50x128xf32, #tpu.memory_space<hbm>>
      %dma_start3A_1235 = tpu.memref_squeeze %dma_start3A_1234 : memref<1x50x128xf32, #tpu.memory_space<hbm>> -> memref<50x128xf32, #tpu.memory_space<hbm>>
      %dma_start3A_1236 = arith.constant 100 : i32
      %dma_start3A_1237 = arith.constant 0 : i32
      %dma_start3A_1238 = tpu.memref_slice %arg6[%dma_start3A_1220, %dma_start3A_1236, %dma_start3A_1237] : memref<4x200x128xf32, #tpu.memory_space<vmem>> -> memref<1x50x128xf32, #tpu.memory_space<vmem>>
      %dma_start3A_1239 = tpu.memref_squeeze %dma_start3A_1238 : memref<1x50x128xf32, #tpu.memory_space<vmem>> -> memref<50x128xf32, #tpu.memory_space<vmem>>
      tpu.enqueue_dma source(%dma_start3A_1239 : memref<50x128xf32, #tpu.memory_space<vmem>>) target(%dma_start3A_1235 : memref<50x128xf32, #tpu.memory_space<hbm>>) target_semaphore(%dma_start3A_1231 : memref<!tpu.dma_semaphore, #tpu.memory_space<semaphore_mem>>)
      %dma_start3A_1240 = arith.constant 1 : i32
      %dma_start3A_1241 = arith.constant 1 : i32
      %dma_start3A_1242 = arith.constant 150 : i32
      %dma_start3A_1243 = arith.constant 0 : i32
      %dma_start3A_1244 = tpu.memref_slice %arg6[%dma_start3A_1240, %dma_start3A_1242, %dma_start3A_1243] : memref<4x200x128xf32, #tpu.memory_space<vmem>> -> memref<1x50x128xf32, #tpu.memory_space<vmem>>
      %dma_start3A_1245 = tpu.memref_squeeze %dma_start3A_1244 : memref<1x50x128xf32, #tpu.memory_space<vmem>> -> memref<50x128xf32, #tpu.memory_space<vmem>>
      %dma_start3A_1246 = arith.constant 0 : i32
      %dma_start3A_1247 = arith.constant 0 : i32
      %dma_start3A_1248 = tpu.memref_slice %arg4[%add3A_1179, %dma_start3A_1246, %dma_start3A_1247] : memref<4096x50x128xf32, #tpu.memory_space<hbm>> -> memref<1x50x128xf32, #tpu.memory_space<hbm>>
      %dma_start3A_1249 = tpu.memref_squeeze %dma_start3A_1248 : memref<1x50x128xf32, #tpu.memory_space<hbm>> -> memref<50x128xf32, #tpu.memory_space<hbm>>
      %dma_start3A_1250 = tpu.memref_slice %arg8[%dma_start3A_1241] : memref<4x!tpu.dma_semaphore, #tpu.memory_space<semaphore_mem>> -> memref<1x!tpu.dma_semaphore, #tpu.memory_space<semaphore_mem>>
      %dma_start3A_1251 = tpu.memref_squeeze %dma_start3A_1250 : memref<1x!tpu.dma_semaphore, #tpu.memory_space<semaphore_mem>> -> memref<!tpu.dma_semaphore, #tpu.memory_space<semaphore_mem>>
      %dma_start3A_1252 = arith.constant 0 : i32
      %dma_start3A_1253 = arith.constant 0 : i32
      %dma_start3A_1254 = tpu.memref_slice %arg4[%add3A_1179, %dma_start3A_1252, %dma_start3A_1253] : memref<4096x50x128xf32, #tpu.memory_space<hbm>> -> memref<1x50x128xf32, #tpu.memory_space<hbm>>
      %dma_start3A_1255 = tpu.memref_squeeze %dma_start3A_1254 : memref<1x50x128xf32, #tpu.memory_space<hbm>> -> memref<50x128xf32, #tpu.memory_space<hbm>>
      %dma_start3A_1256 = arith.constant 150 : i32
      %dma_start3A_1257 = arith.constant 0 : i32
      %dma_start3A_1258 = tpu.memref_slice %arg6[%dma_start3A_1240, %dma_start3A_1256, %dma_start3A_1257] : memref<4x200x128xf32, #tpu.memory_space<vmem>> -> memref<1x50x128xf32, #tpu.memory_space<vmem>>
      %dma_start3A_1259 = tpu.memref_squeeze %dma_start3A_1258 : memref<1x50x128xf32, #tpu.memory_space<vmem>> -> memref<50x128xf32, #tpu.memory_space<vmem>>
      tpu.enqueue_dma source(%dma_start3A_1259 : memref<50x128xf32, #tpu.memory_space<vmem>>) target(%dma_start3A_1255 : memref<50x128xf32, #tpu.memory_space<hbm>>) target_semaphore(%dma_start3A_1251 : memref<!tpu.dma_semaphore, #tpu.memory_space<semaphore_mem>>)
      %mul3A_1260 = arith.constant 4 : i32
      %mul3A_1261 = arith.muli %add3A_991, %mul3A_1260 : i32
      %add3A_1262 = arith.constant 2 : i32
      %add3A_1263 = arith.addi %mul3A_1261, %add3A_1262 : i32
      %mul3A_1264 = arith.constant 200 : i32
      %mul3A_1265 = arith.muli %add3A_1263, %mul3A_1264 : i32
      %mul3A_1266 = arith.constant 200 : i32
      %mul3A_1267 = arith.muli %add3A_1263, %mul3A_1266 : i32
      %add3A_1268 = arith.constant 128 : i32
      %add3A_1269 = arith.addi %mul3A_1267, %add3A_1268 : i32
      %dma_wait3A_1270 = arith.constant 2 : i32
      %dma_wait3A_1271 = arith.constant 2 : i32
      %dma_wait3A_1272 = arith.constant 0 : i32
      %dma_wait3A_1273 = arith.constant 0 : i32
      %dma_wait3A_1274 = tpu.memref_slice %arg6[%dma_wait3A_1270, %dma_wait3A_1272, %dma_wait3A_1273] : memref<4x200x128xf32, #tpu.memory_space<vmem>> -> memref<1x128x128xf32, #tpu.memory_space<vmem>>
      %dma_wait3A_1275 = tpu.memref_squeeze %dma_wait3A_1274 : memref<1x128x128xf32, #tpu.memory_space<vmem>> -> memref<128x128xf32, #tpu.memory_space<vmem>>
      %dma_wait3A_1276 = tpu.memref_slice %arg5[%mul3A_1265] : memref<6400xi32, #tpu.memory_space<vmem>> -> memref<128xi32, #tpu.memory_space<vmem>>
      %dma_wait3A_1277 = arith.constant 0 : i32
      %dma_wait3A_1278 = arith.constant 0 : i32
      %dma_wait3A_1279 = tpu.memref_slice %arg2[%dma_wait3A_1277, %dma_wait3A_1278] : memref<1000000x128xf32, #tpu.memory_space<hbm>> -> memref<1000000x128xf32, #tpu.memory_space<hbm>>
      %dma_wait3A_1280 = tpu.memref_slice %arg7[%dma_wait3A_1271] : memref<4x!tpu.dma_semaphore, #tpu.memory_space<semaphore_mem>> -> memref<1x!tpu.dma_semaphore, #tpu.memory_space<semaphore_mem>>
      %dma_wait3A_1281 = tpu.memref_squeeze %dma_wait3A_1280 : memref<1x!tpu.dma_semaphore, #tpu.memory_space<semaphore_mem>> -> memref<!tpu.dma_semaphore, #tpu.memory_space<semaphore_mem>>
      tpu.wait_indirect_dma semaphore(%dma_wait3A_1281 : memref<!tpu.dma_semaphore, #tpu.memory_space<semaphore_mem>>) src(%dma_wait3A_1279 : memref<1000000x128xf32, #tpu.memory_space<hbm>>) dst(%dma_wait3A_1275 : memref<128x128xf32, #tpu.memory_space<vmem>>)
      %dma_wait3A_1282 = arith.constant 2 : i32
      %dma_wait3A_1283 = arith.constant 2 : i32
      %dma_wait3A_1284 = arith.constant 128 : i32
      %dma_wait3A_1285 = arith.constant 0 : i32
      %dma_wait3A_1286 = tpu.memref_slice %arg6[%dma_wait3A_1282, %dma_wait3A_1284, %dma_wait3A_1285] : memref<4x200x128xf32, #tpu.memory_space<vmem>> -> memref<1x72x128xf32, #tpu.memory_space<vmem>>
      %dma_wait3A_1287 = tpu.memref_squeeze %dma_wait3A_1286 : memref<1x72x128xf32, #tpu.memory_space<vmem>> -> memref<72x128xf32, #tpu.memory_space<vmem>>
      %dma_wait3A_1288 = tpu.memref_slice %arg5[%add3A_1269] : memref<6400xi32, #tpu.memory_space<vmem>> -> memref<72xi32, #tpu.memory_space<vmem>>
      %dma_wait3A_1289 = arith.constant 0 : i32
      %dma_wait3A_1290 = arith.constant 0 : i32
      %dma_wait3A_1291 = tpu.memref_slice %arg2[%dma_wait3A_1289, %dma_wait3A_1290] : memref<1000000x128xf32, #tpu.memory_space<hbm>> -> memref<1000000x128xf32, #tpu.memory_space<hbm>>
      %dma_wait3A_1292 = tpu.memref_slice %arg7[%dma_wait3A_1283] : memref<4x!tpu.dma_semaphore, #tpu.memory_space<semaphore_mem>> -> memref<1x!tpu.dma_semaphore, #tpu.memory_space<semaphore_mem>>
      %dma_wait3A_1293 = tpu.memref_squeeze %dma_wait3A_1292 : memref<1x!tpu.dma_semaphore, #tpu.memory_space<semaphore_mem>> -> memref<!tpu.dma_semaphore, #tpu.memory_space<semaphore_mem>>
      tpu.wait_indirect_dma semaphore(%dma_wait3A_1293 : memref<!tpu.dma_semaphore, #tpu.memory_space<semaphore_mem>>) src(%dma_wait3A_1291 : memref<1000000x128xf32, #tpu.memory_space<hbm>>) dst(%dma_wait3A_1287 : memref<72x128xf32, #tpu.memory_space<vmem>>)
      %mul3A_1294 = arith.constant 4 : i32
      %mul3A_1295 = arith.muli %add3A_1263, %mul3A_1294 : i32
      %add3A_1296 = arith.addi %mul3A_4, %mul3A_1295 : i32
      %add3A_1297 = arith.constant 0 : i32
      %add3A_1298 = arith.addi %add3A_1296, %add3A_1297 : i32
      %mul3A_1299 = arith.constant 4 : i32
      %mul3A_1300 = arith.muli %add3A_1263, %mul3A_1299 : i32
      %add3A_1301 = arith.addi %mul3A_4, %mul3A_1300 : i32
      %add3A_1302 = arith.constant 1 : i32
      %add3A_1303 = arith.addi %add3A_1301, %add3A_1302 : i32
      %mul3A_1304 = arith.constant 4 : i32
      %mul3A_1305 = arith.muli %add3A_1263, %mul3A_1304 : i32
      %add3A_1306 = arith.addi %mul3A_4, %mul3A_1305 : i32
      %add3A_1307 = arith.constant 2 : i32
      %add3A_1308 = arith.addi %add3A_1306, %add3A_1307 : i32
      %mul3A_1309 = arith.constant 4 : i32
      %mul3A_1310 = arith.muli %add3A_1263, %mul3A_1309 : i32
      %add3A_1311 = arith.addi %mul3A_4, %mul3A_1310 : i32
      %add3A_1312 = arith.constant 3 : i32
      %add3A_1313 = arith.addi %add3A_1311, %add3A_1312 : i32
      %dma_start3A_1314 = arith.constant 2 : i32
      %dma_start3A_1315 = arith.constant 2 : i32
      %dma_start3A_1316 = arith.constant 0 : i32
      %dma_start3A_1317 = arith.constant 0 : i32
      %dma_start3A_1318 = tpu.memref_slice %arg6[%dma_start3A_1314, %dma_start3A_1316, %dma_start3A_1317] : memref<4x200x128xf32, #tpu.memory_space<vmem>> -> memref<1x50x128xf32, #tpu.memory_space<vmem>>
      %dma_start3A_1319 = tpu.memref_squeeze %dma_start3A_1318 : memref<1x50x128xf32, #tpu.memory_space<vmem>> -> memref<50x128xf32, #tpu.memory_space<vmem>>
      %dma_start3A_1320 = arith.constant 0 : i32
      %dma_start3A_1321 = arith.constant 0 : i32
      %dma_start3A_1322 = tpu.memref_slice %arg4[%add3A_1298, %dma_start3A_1320, %dma_start3A_1321] : memref<4096x50x128xf32, #tpu.memory_space<hbm>> -> memref<1x50x128xf32, #tpu.memory_space<hbm>>
      %dma_start3A_1323 = tpu.memref_squeeze %dma_start3A_1322 : memref<1x50x128xf32, #tpu.memory_space<hbm>> -> memref<50x128xf32, #tpu.memory_space<hbm>>
      %dma_start3A_1324 = tpu.memref_slice %arg8[%dma_start3A_1315] : memref<4x!tpu.dma_semaphore, #tpu.memory_space<semaphore_mem>> -> memref<1x!tpu.dma_semaphore, #tpu.memory_space<semaphore_mem>>
      %dma_start3A_1325 = tpu.memref_squeeze %dma_start3A_1324 : memref<1x!tpu.dma_semaphore, #tpu.memory_space<semaphore_mem>> -> memref<!tpu.dma_semaphore, #tpu.memory_space<semaphore_mem>>
      %dma_start3A_1326 = arith.constant 0 : i32
      %dma_start3A_1327 = arith.constant 0 : i32
      %dma_start3A_1328 = tpu.memref_slice %arg4[%add3A_1298, %dma_start3A_1326, %dma_start3A_1327] : memref<4096x50x128xf32, #tpu.memory_space<hbm>> -> memref<1x50x128xf32, #tpu.memory_space<hbm>>
      %dma_start3A_1329 = tpu.memref_squeeze %dma_start3A_1328 : memref<1x50x128xf32, #tpu.memory_space<hbm>> -> memref<50x128xf32, #tpu.memory_space<hbm>>
      %dma_start3A_1330 = arith.constant 0 : i32
      %dma_start3A_1331 = arith.constant 0 : i32
      %dma_start3A_1332 = tpu.memref_slice %arg6[%dma_start3A_1314, %dma_start3A_1330, %dma_start3A_1331] : memref<4x200x128xf32, #tpu.memory_space<vmem>> -> memref<1x50x128xf32, #tpu.memory_space<vmem>>
      %dma_start3A_1333 = tpu.memref_squeeze %dma_start3A_1332 : memref<1x50x128xf32, #tpu.memory_space<vmem>> -> memref<50x128xf32, #tpu.memory_space<vmem>>
      tpu.enqueue_dma source(%dma_start3A_1333 : memref<50x128xf32, #tpu.memory_space<vmem>>) target(%dma_start3A_1329 : memref<50x128xf32, #tpu.memory_space<hbm>>) target_semaphore(%dma_start3A_1325 : memref<!tpu.dma_semaphore, #tpu.memory_space<semaphore_mem>>)
      %dma_start3A_1334 = arith.constant 2 : i32
      %dma_start3A_1335 = arith.constant 2 : i32
      %dma_start3A_1336 = arith.constant 50 : i32
      %dma_start3A_1337 = arith.constant 0 : i32
      %dma_start3A_1338 = tpu.memref_slice %arg6[%dma_start3A_1334, %dma_start3A_1336, %dma_start3A_1337] : memref<4x200x128xf32, #tpu.memory_space<vmem>> -> memref<1x50x128xf32, #tpu.memory_space<vmem>>
      %dma_start3A_1339 = tpu.memref_squeeze %dma_start3A_1338 : memref<1x50x128xf32, #tpu.memory_space<vmem>> -> memref<50x128xf32, #tpu.memory_space<vmem>>
      %dma_start3A_1340 = arith.constant 0 : i32
      %dma_start3A_1341 = arith.constant 0 : i32
      %dma_start3A_1342 = tpu.memref_slice %arg4[%add3A_1303, %dma_start3A_1340, %dma_start3A_1341] : memref<4096x50x128xf32, #tpu.memory_space<hbm>> -> memref<1x50x128xf32, #tpu.memory_space<hbm>>
      %dma_start3A_1343 = tpu.memref_squeeze %dma_start3A_1342 : memref<1x50x128xf32, #tpu.memory_space<hbm>> -> memref<50x128xf32, #tpu.memory_space<hbm>>
      %dma_start3A_1344 = tpu.memref_slice %arg8[%dma_start3A_1335] : memref<4x!tpu.dma_semaphore, #tpu.memory_space<semaphore_mem>> -> memref<1x!tpu.dma_semaphore, #tpu.memory_space<semaphore_mem>>
      %dma_start3A_1345 = tpu.memref_squeeze %dma_start3A_1344 : memref<1x!tpu.dma_semaphore, #tpu.memory_space<semaphore_mem>> -> memref<!tpu.dma_semaphore, #tpu.memory_space<semaphore_mem>>
      %dma_start3A_1346 = arith.constant 0 : i32
      %dma_start3A_1347 = arith.constant 0 : i32
      %dma_start3A_1348 = tpu.memref_slice %arg4[%add3A_1303, %dma_start3A_1346, %dma_start3A_1347] : memref<4096x50x128xf32, #tpu.memory_space<hbm>> -> memref<1x50x128xf32, #tpu.memory_space<hbm>>
      %dma_start3A_1349 = tpu.memref_squeeze %dma_start3A_1348 : memref<1x50x128xf32, #tpu.memory_space<hbm>> -> memref<50x128xf32, #tpu.memory_space<hbm>>
      %dma_start3A_1350 = arith.constant 50 : i32
      %dma_start3A_1351 = arith.constant 0 : i32
      %dma_start3A_1352 = tpu.memref_slice %arg6[%dma_start3A_1334, %dma_start3A_1350, %dma_start3A_1351] : memref<4x200x128xf32, #tpu.memory_space<vmem>> -> memref<1x50x128xf32, #tpu.memory_space<vmem>>
      %dma_start3A_1353 = tpu.memref_squeeze %dma_start3A_1352 : memref<1x50x128xf32, #tpu.memory_space<vmem>> -> memref<50x128xf32, #tpu.memory_space<vmem>>
      tpu.enqueue_dma source(%dma_start3A_1353 : memref<50x128xf32, #tpu.memory_space<vmem>>) target(%dma_start3A_1349 : memref<50x128xf32, #tpu.memory_space<hbm>>) target_semaphore(%dma_start3A_1345 : memref<!tpu.dma_semaphore, #tpu.memory_space<semaphore_mem>>)
      %dma_start3A_1354 = arith.constant 2 : i32
      %dma_start3A_1355 = arith.constant 2 : i32
      %dma_start3A_1356 = arith.constant 100 : i32
      %dma_start3A_1357 = arith.constant 0 : i32
      %dma_start3A_1358 = tpu.memref_slice %arg6[%dma_start3A_1354, %dma_start3A_1356, %dma_start3A_1357] : memref<4x200x128xf32, #tpu.memory_space<vmem>> -> memref<1x50x128xf32, #tpu.memory_space<vmem>>
      %dma_start3A_1359 = tpu.memref_squeeze %dma_start3A_1358 : memref<1x50x128xf32, #tpu.memory_space<vmem>> -> memref<50x128xf32, #tpu.memory_space<vmem>>
      %dma_start3A_1360 = arith.constant 0 : i32
      %dma_start3A_1361 = arith.constant 0 : i32
      %dma_start3A_1362 = tpu.memref_slice %arg4[%add3A_1308, %dma_start3A_1360, %dma_start3A_1361] : memref<4096x50x128xf32, #tpu.memory_space<hbm>> -> memref<1x50x128xf32, #tpu.memory_space<hbm>>
      %dma_start3A_1363 = tpu.memref_squeeze %dma_start3A_1362 : memref<1x50x128xf32, #tpu.memory_space<hbm>> -> memref<50x128xf32, #tpu.memory_space<hbm>>
      %dma_start3A_1364 = tpu.memref_slice %arg8[%dma_start3A_1355] : memref<4x!tpu.dma_semaphore, #tpu.memory_space<semaphore_mem>> -> memref<1x!tpu.dma_semaphore, #tpu.memory_space<semaphore_mem>>
      %dma_start3A_1365 = tpu.memref_squeeze %dma_start3A_1364 : memref<1x!tpu.dma_semaphore, #tpu.memory_space<semaphore_mem>> -> memref<!tpu.dma_semaphore, #tpu.memory_space<semaphore_mem>>
      %dma_start3A_1366 = arith.constant 0 : i32
      %dma_start3A_1367 = arith.constant 0 : i32
      %dma_start3A_1368 = tpu.memref_slice %arg4[%add3A_1308, %dma_start3A_1366, %dma_start3A_1367] : memref<4096x50x128xf32, #tpu.memory_space<hbm>> -> memref<1x50x128xf32, #tpu.memory_space<hbm>>
      %dma_start3A_1369 = tpu.memref_squeeze %dma_start3A_1368 : memref<1x50x128xf32, #tpu.memory_space<hbm>> -> memref<50x128xf32, #tpu.memory_space<hbm>>
      %dma_start3A_1370 = arith.constant 100 : i32
      %dma_start3A_1371 = arith.constant 0 : i32
      %dma_start3A_1372 = tpu.memref_slice %arg6[%dma_start3A_1354, %dma_start3A_1370, %dma_start3A_1371] : memref<4x200x128xf32, #tpu.memory_space<vmem>> -> memref<1x50x128xf32, #tpu.memory_space<vmem>>
      %dma_start3A_1373 = tpu.memref_squeeze %dma_start3A_1372 : memref<1x50x128xf32, #tpu.memory_space<vmem>> -> memref<50x128xf32, #tpu.memory_space<vmem>>
      tpu.enqueue_dma source(%dma_start3A_1373 : memref<50x128xf32, #tpu.memory_space<vmem>>) target(%dma_start3A_1369 : memref<50x128xf32, #tpu.memory_space<hbm>>) target_semaphore(%dma_start3A_1365 : memref<!tpu.dma_semaphore, #tpu.memory_space<semaphore_mem>>)
      %dma_start3A_1374 = arith.constant 2 : i32
      %dma_start3A_1375 = arith.constant 2 : i32
      %dma_start3A_1376 = arith.constant 150 : i32
      %dma_start3A_1377 = arith.constant 0 : i32
      %dma_start3A_1378 = tpu.memref_slice %arg6[%dma_start3A_1374, %dma_start3A_1376, %dma_start3A_1377] : memref<4x200x128xf32, #tpu.memory_space<vmem>> -> memref<1x50x128xf32, #tpu.memory_space<vmem>>
      %dma_start3A_1379 = tpu.memref_squeeze %dma_start3A_1378 : memref<1x50x128xf32, #tpu.memory_space<vmem>> -> memref<50x128xf32, #tpu.memory_space<vmem>>
      %dma_start3A_1380 = arith.constant 0 : i32
      %dma_start3A_1381 = arith.constant 0 : i32
      %dma_start3A_1382 = tpu.memref_slice %arg4[%add3A_1313, %dma_start3A_1380, %dma_start3A_1381] : memref<4096x50x128xf32, #tpu.memory_space<hbm>> -> memref<1x50x128xf32, #tpu.memory_space<hbm>>
      %dma_start3A_1383 = tpu.memref_squeeze %dma_start3A_1382 : memref<1x50x128xf32, #tpu.memory_space<hbm>> -> memref<50x128xf32, #tpu.memory_space<hbm>>
      %dma_start3A_1384 = tpu.memref_slice %arg8[%dma_start3A_1375] : memref<4x!tpu.dma_semaphore, #tpu.memory_space<semaphore_mem>> -> memref<1x!tpu.dma_semaphore, #tpu.memory_space<semaphore_mem>>
      %dma_start3A_1385 = tpu.memref_squeeze %dma_start3A_1384 : memref<1x!tpu.dma_semaphore, #tpu.memory_space<semaphore_mem>> -> memref<!tpu.dma_semaphore, #tpu.memory_space<semaphore_mem>>
      %dma_start3A_1386 = arith.constant 0 : i32
      %dma_start3A_1387 = arith.constant 0 : i32
      %dma_start3A_1388 = tpu.memref_slice %arg4[%add3A_1313, %dma_start3A_1386, %dma_start3A_1387] : memref<4096x50x128xf32, #tpu.memory_space<hbm>> -> memref<1x50x128xf32, #tpu.memory_space<hbm>>
      %dma_start3A_1389 = tpu.memref_squeeze %dma_start3A_1388 : memref<1x50x128xf32, #tpu.memory_space<hbm>> -> memref<50x128xf32, #tpu.memory_space<hbm>>
      %dma_start3A_1390 = arith.constant 150 : i32
      %dma_start3A_1391 = arith.constant 0 : i32
      %dma_start3A_1392 = tpu.memref_slice %arg6[%dma_start3A_1374, %dma_start3A_1390, %dma_start3A_1391] : memref<4x200x128xf32, #tpu.memory_space<vmem>> -> memref<1x50x128xf32, #tpu.memory_space<vmem>>
      %dma_start3A_1393 = tpu.memref_squeeze %dma_start3A_1392 : memref<1x50x128xf32, #tpu.memory_space<vmem>> -> memref<50x128xf32, #tpu.memory_space<vmem>>
      tpu.enqueue_dma source(%dma_start3A_1393 : memref<50x128xf32, #tpu.memory_space<vmem>>) target(%dma_start3A_1389 : memref<50x128xf32, #tpu.memory_space<hbm>>) target_semaphore(%dma_start3A_1385 : memref<!tpu.dma_semaphore, #tpu.memory_space<semaphore_mem>>)
      %mul3A_1394 = arith.constant 4 : i32
      %mul3A_1395 = arith.muli %add3A_991, %mul3A_1394 : i32
      %add3A_1396 = arith.constant 3 : i32
      %add3A_1397 = arith.addi %mul3A_1395, %add3A_1396 : i32
      %mul3A_1398 = arith.constant 200 : i32
      %mul3A_1399 = arith.muli %add3A_1397, %mul3A_1398 : i32
      %mul3A_1400 = arith.constant 200 : i32
      %mul3A_1401 = arith.muli %add3A_1397, %mul3A_1400 : i32
      %add3A_1402 = arith.constant 128 : i32
      %add3A_1403 = arith.addi %mul3A_1401, %add3A_1402 : i32
      %dma_wait3A_1404 = arith.constant 3 : i32
      %dma_wait3A_1405 = arith.constant 3 : i32
      %dma_wait3A_1406 = arith.constant 0 : i32
      %dma_wait3A_1407 = arith.constant 0 : i32
      %dma_wait3A_1408 = tpu.memref_slice %arg6[%dma_wait3A_1404, %dma_wait3A_1406, %dma_wait3A_1407] : memref<4x200x128xf32, #tpu.memory_space<vmem>> -> memref<1x128x128xf32, #tpu.memory_space<vmem>>
      %dma_wait3A_1409 = tpu.memref_squeeze %dma_wait3A_1408 : memref<1x128x128xf32, #tpu.memory_space<vmem>> -> memref<128x128xf32, #tpu.memory_space<vmem>>
      %dma_wait3A_1410 = tpu.memref_slice %arg5[%mul3A_1399] : memref<6400xi32, #tpu.memory_space<vmem>> -> memref<128xi32, #tpu.memory_space<vmem>>
      %dma_wait3A_1411 = arith.constant 0 : i32
      %dma_wait3A_1412 = arith.constant 0 : i32
      %dma_wait3A_1413 = tpu.memref_slice %arg2[%dma_wait3A_1411, %dma_wait3A_1412] : memref<1000000x128xf32, #tpu.memory_space<hbm>> -> memref<1000000x128xf32, #tpu.memory_space<hbm>>
      %dma_wait3A_1414 = tpu.memref_slice %arg7[%dma_wait3A_1405] : memref<4x!tpu.dma_semaphore, #tpu.memory_space<semaphore_mem>> -> memref<1x!tpu.dma_semaphore, #tpu.memory_space<semaphore_mem>>
      %dma_wait3A_1415 = tpu.memref_squeeze %dma_wait3A_1414 : memref<1x!tpu.dma_semaphore, #tpu.memory_space<semaphore_mem>> -> memref<!tpu.dma_semaphore, #tpu.memory_space<semaphore_mem>>
      tpu.wait_indirect_dma semaphore(%dma_wait3A_1415 : memref<!tpu.dma_semaphore, #tpu.memory_space<semaphore_mem>>) src(%dma_wait3A_1413 : memref<1000000x128xf32, #tpu.memory_space<hbm>>) dst(%dma_wait3A_1409 : memref<128x128xf32, #tpu.memory_space<vmem>>)
      %dma_wait3A_1416 = arith.constant 3 : i32
      %dma_wait3A_1417 = arith.constant 3 : i32
      %dma_wait3A_1418 = arith.constant 128 : i32
      %dma_wait3A_1419 = arith.constant 0 : i32
      %dma_wait3A_1420 = tpu.memref_slice %arg6[%dma_wait3A_1416, %dma_wait3A_1418, %dma_wait3A_1419] : memref<4x200x128xf32, #tpu.memory_space<vmem>> -> memref<1x72x128xf32, #tpu.memory_space<vmem>>
      %dma_wait3A_1421 = tpu.memref_squeeze %dma_wait3A_1420 : memref<1x72x128xf32, #tpu.memory_space<vmem>> -> memref<72x128xf32, #tpu.memory_space<vmem>>
      %dma_wait3A_1422 = tpu.memref_slice %arg5[%add3A_1403] : memref<6400xi32, #tpu.memory_space<vmem>> -> memref<72xi32, #tpu.memory_space<vmem>>
      %dma_wait3A_1423 = arith.constant 0 : i32
      %dma_wait3A_1424 = arith.constant 0 : i32
      %dma_wait3A_1425 = tpu.memref_slice %arg2[%dma_wait3A_1423, %dma_wait3A_1424] : memref<1000000x128xf32, #tpu.memory_space<hbm>> -> memref<1000000x128xf32, #tpu.memory_space<hbm>>
      %dma_wait3A_1426 = tpu.memref_slice %arg7[%dma_wait3A_1417] : memref<4x!tpu.dma_semaphore, #tpu.memory_space<semaphore_mem>> -> memref<1x!tpu.dma_semaphore, #tpu.memory_space<semaphore_mem>>
      %dma_wait3A_1427 = tpu.memref_squeeze %dma_wait3A_1426 : memref<1x!tpu.dma_semaphore, #tpu.memory_space<semaphore_mem>> -> memref<!tpu.dma_semaphore, #tpu.memory_space<semaphore_mem>>
      tpu.wait_indirect_dma semaphore(%dma_wait3A_1427 : memref<!tpu.dma_semaphore, #tpu.memory_space<semaphore_mem>>) src(%dma_wait3A_1425 : memref<1000000x128xf32, #tpu.memory_space<hbm>>) dst(%dma_wait3A_1421 : memref<72x128xf32, #tpu.memory_space<vmem>>)
      %mul3A_1428 = arith.constant 4 : i32
      %mul3A_1429 = arith.muli %add3A_1397, %mul3A_1428 : i32
      %add3A_1430 = arith.addi %mul3A_4, %mul3A_1429 : i32
      %add3A_1431 = arith.constant 0 : i32
      %add3A_1432 = arith.addi %add3A_1430, %add3A_1431 : i32
      %mul3A_1433 = arith.constant 4 : i32
      %mul3A_1434 = arith.muli %add3A_1397, %mul3A_1433 : i32
      %add3A_1435 = arith.addi %mul3A_4, %mul3A_1434 : i32
      %add3A_1436 = arith.constant 1 : i32
      %add3A_1437 = arith.addi %add3A_1435, %add3A_1436 : i32
      %mul3A_1438 = arith.constant 4 : i32
      %mul3A_1439 = arith.muli %add3A_1397, %mul3A_1438 : i32
      %add3A_1440 = arith.addi %mul3A_4, %mul3A_1439 : i32
      %add3A_1441 = arith.constant 2 : i32
      %add3A_1442 = arith.addi %add3A_1440, %add3A_1441 : i32
      %mul3A_1443 = arith.constant 4 : i32
      %mul3A_1444 = arith.muli %add3A_1397, %mul3A_1443 : i32
      %add3A_1445 = arith.addi %mul3A_4, %mul3A_1444 : i32
      %add3A_1446 = arith.constant 3 : i32
      %add3A_1447 = arith.addi %add3A_1445, %add3A_1446 : i32
      %dma_start3A_1448 = arith.constant 3 : i32
      %dma_start3A_1449 = arith.constant 3 : i32
      %dma_start3A_1450 = arith.constant 0 : i32
      %dma_start3A_1451 = arith.constant 0 : i32
      %dma_start3A_1452 = tpu.memref_slice %arg6[%dma_start3A_1448, %dma_start3A_1450, %dma_start3A_1451] : memref<4x200x128xf32, #tpu.memory_space<vmem>> -> memref<1x50x128xf32, #tpu.memory_space<vmem>>
      %dma_start3A_1453 = tpu.memref_squeeze %dma_start3A_1452 : memref<1x50x128xf32, #tpu.memory_space<vmem>> -> memref<50x128xf32, #tpu.memory_space<vmem>>
      %dma_start3A_1454 = arith.constant 0 : i32
      %dma_start3A_1455 = arith.constant 0 : i32
      %dma_start3A_1456 = tpu.memref_slice %arg4[%add3A_1432, %dma_start3A_1454, %dma_start3A_1455] : memref<4096x50x128xf32, #tpu.memory_space<hbm>> -> memref<1x50x128xf32, #tpu.memory_space<hbm>>
      %dma_start3A_1457 = tpu.memref_squeeze %dma_start3A_1456 : memref<1x50x128xf32, #tpu.memory_space<hbm>> -> memref<50x128xf32, #tpu.memory_space<hbm>>
      %dma_start3A_1458 = tpu.memref_slice %arg8[%dma_start3A_1449] : memref<4x!tpu.dma_semaphore, #tpu.memory_space<semaphore_mem>> -> memref<1x!tpu.dma_semaphore, #tpu.memory_space<semaphore_mem>>
      %dma_start3A_1459 = tpu.memref_squeeze %dma_start3A_1458 : memref<1x!tpu.dma_semaphore, #tpu.memory_space<semaphore_mem>> -> memref<!tpu.dma_semaphore, #tpu.memory_space<semaphore_mem>>
      %dma_start3A_1460 = arith.constant 0 : i32
      %dma_start3A_1461 = arith.constant 0 : i32
      %dma_start3A_1462 = tpu.memref_slice %arg4[%add3A_1432, %dma_start3A_1460, %dma_start3A_1461] : memref<4096x50x128xf32, #tpu.memory_space<hbm>> -> memref<1x50x128xf32, #tpu.memory_space<hbm>>
      %dma_start3A_1463 = tpu.memref_squeeze %dma_start3A_1462 : memref<1x50x128xf32, #tpu.memory_space<hbm>> -> memref<50x128xf32, #tpu.memory_space<hbm>>
      %dma_start3A_1464 = arith.constant 0 : i32
      %dma_start3A_1465 = arith.constant 0 : i32
      %dma_start3A_1466 = tpu.memref_slice %arg6[%dma_start3A_1448, %dma_start3A_1464, %dma_start3A_1465] : memref<4x200x128xf32, #tpu.memory_space<vmem>> -> memref<1x50x128xf32, #tpu.memory_space<vmem>>
      %dma_start3A_1467 = tpu.memref_squeeze %dma_start3A_1466 : memref<1x50x128xf32, #tpu.memory_space<vmem>> -> memref<50x128xf32, #tpu.memory_space<vmem>>
      tpu.enqueue_dma source(%dma_start3A_1467 : memref<50x128xf32, #tpu.memory_space<vmem>>) target(%dma_start3A_1463 : memref<50x128xf32, #tpu.memory_space<hbm>>) target_semaphore(%dma_start3A_1459 : memref<!tpu.dma_semaphore, #tpu.memory_space<semaphore_mem>>)
      %dma_start3A_1468 = arith.constant 3 : i32
      %dma_start3A_1469 = arith.constant 3 : i32
      %dma_start3A_1470 = arith.constant 50 : i32
      %dma_start3A_1471 = arith.constant 0 : i32
      %dma_start3A_1472 = tpu.memref_slice %arg6[%dma_start3A_1468, %dma_start3A_1470, %dma_start3A_1471] : memref<4x200x128xf32, #tpu.memory_space<vmem>> -> memref<1x50x128xf32, #tpu.memory_space<vmem>>
      %dma_start3A_1473 = tpu.memref_squeeze %dma_start3A_1472 : memref<1x50x128xf32, #tpu.memory_space<vmem>> -> memref<50x128xf32, #tpu.memory_space<vmem>>
      %dma_start3A_1474 = arith.constant 0 : i32
      %dma_start3A_1475 = arith.constant 0 : i32
      %dma_start3A_1476 = tpu.memref_slice %arg4[%add3A_1437, %dma_start3A_1474, %dma_start3A_1475] : memref<4096x50x128xf32, #tpu.memory_space<hbm>> -> memref<1x50x128xf32, #tpu.memory_space<hbm>>
      %dma_start3A_1477 = tpu.memref_squeeze %dma_start3A_1476 : memref<1x50x128xf32, #tpu.memory_space<hbm>> -> memref<50x128xf32, #tpu.memory_space<hbm>>
      %dma_start3A_1478 = tpu.memref_slice %arg8[%dma_start3A_1469] : memref<4x!tpu.dma_semaphore, #tpu.memory_space<semaphore_mem>> -> memref<1x!tpu.dma_semaphore, #tpu.memory_space<semaphore_mem>>
      %dma_start3A_1479 = tpu.memref_squeeze %dma_start3A_1478 : memref<1x!tpu.dma_semaphore, #tpu.memory_space<semaphore_mem>> -> memref<!tpu.dma_semaphore, #tpu.memory_space<semaphore_mem>>
      %dma_start3A_1480 = arith.constant 0 : i32
      %dma_start3A_1481 = arith.constant 0 : i32
      %dma_start3A_1482 = tpu.memref_slice %arg4[%add3A_1437, %dma_start3A_1480, %dma_start3A_1481] : memref<4096x50x128xf32, #tpu.memory_space<hbm>> -> memref<1x50x128xf32, #tpu.memory_space<hbm>>
      %dma_start3A_1483 = tpu.memref_squeeze %dma_start3A_1482 : memref<1x50x128xf32, #tpu.memory_space<hbm>> -> memref<50x128xf32, #tpu.memory_space<hbm>>
      %dma_start3A_1484 = arith.constant 50 : i32
      %dma_start3A_1485 = arith.constant 0 : i32
      %dma_start3A_1486 = tpu.memref_slice %arg6[%dma_start3A_1468, %dma_start3A_1484, %dma_start3A_1485] : memref<4x200x128xf32, #tpu.memory_space<vmem>> -> memref<1x50x128xf32, #tpu.memory_space<vmem>>
      %dma_start3A_1487 = tpu.memref_squeeze %dma_start3A_1486 : memref<1x50x128xf32, #tpu.memory_space<vmem>> -> memref<50x128xf32, #tpu.memory_space<vmem>>
      tpu.enqueue_dma source(%dma_start3A_1487 : memref<50x128xf32, #tpu.memory_space<vmem>>) target(%dma_start3A_1483 : memref<50x128xf32, #tpu.memory_space<hbm>>) target_semaphore(%dma_start3A_1479 : memref<!tpu.dma_semaphore, #tpu.memory_space<semaphore_mem>>)
      %dma_start3A_1488 = arith.constant 3 : i32
      %dma_start3A_1489 = arith.constant 3 : i32
      %dma_start3A_1490 = arith.constant 100 : i32
      %dma_start3A_1491 = arith.constant 0 : i32
      %dma_start3A_1492 = tpu.memref_slice %arg6[%dma_start3A_1488, %dma_start3A_1490, %dma_start3A_1491] : memref<4x200x128xf32, #tpu.memory_space<vmem>> -> memref<1x50x128xf32, #tpu.memory_space<vmem>>
      %dma_start3A_1493 = tpu.memref_squeeze %dma_start3A_1492 : memref<1x50x128xf32, #tpu.memory_space<vmem>> -> memref<50x128xf32, #tpu.memory_space<vmem>>
      %dma_start3A_1494 = arith.constant 0 : i32
      %dma_start3A_1495 = arith.constant 0 : i32
      %dma_start3A_1496 = tpu.memref_slice %arg4[%add3A_1442, %dma_start3A_1494, %dma_start3A_1495] : memref<4096x50x128xf32, #tpu.memory_space<hbm>> -> memref<1x50x128xf32, #tpu.memory_space<hbm>>
      %dma_start3A_1497 = tpu.memref_squeeze %dma_start3A_1496 : memref<1x50x128xf32, #tpu.memory_space<hbm>> -> memref<50x128xf32, #tpu.memory_space<hbm>>
      %dma_start3A_1498 = tpu.memref_slice %arg8[%dma_start3A_1489] : memref<4x!tpu.dma_semaphore, #tpu.memory_space<semaphore_mem>> -> memref<1x!tpu.dma_semaphore, #tpu.memory_space<semaphore_mem>>
      %dma_start3A_1499 = tpu.memref_squeeze %dma_start3A_1498 : memref<1x!tpu.dma_semaphore, #tpu.memory_space<semaphore_mem>> -> memref<!tpu.dma_semaphore, #tpu.memory_space<semaphore_mem>>
      %dma_start3A_1500 = arith.constant 0 : i32
      %dma_start3A_1501 = arith.constant 0 : i32
      %dma_start3A_1502 = tpu.memref_slice %arg4[%add3A_1442, %dma_start3A_1500, %dma_start3A_1501] : memref<4096x50x128xf32, #tpu.memory_space<hbm>> -> memref<1x50x128xf32, #tpu.memory_space<hbm>>
      %dma_start3A_1503 = tpu.memref_squeeze %dma_start3A_1502 : memref<1x50x128xf32, #tpu.memory_space<hbm>> -> memref<50x128xf32, #tpu.memory_space<hbm>>
      %dma_start3A_1504 = arith.constant 100 : i32
      %dma_start3A_1505 = arith.constant 0 : i32
      %dma_start3A_1506 = tpu.memref_slice %arg6[%dma_start3A_1488, %dma_start3A_1504, %dma_start3A_1505] : memref<4x200x128xf32, #tpu.memory_space<vmem>> -> memref<1x50x128xf32, #tpu.memory_space<vmem>>
      %dma_start3A_1507 = tpu.memref_squeeze %dma_start3A_1506 : memref<1x50x128xf32, #tpu.memory_space<vmem>> -> memref<50x128xf32, #tpu.memory_space<vmem>>
      tpu.enqueue_dma source(%dma_start3A_1507 : memref<50x128xf32, #tpu.memory_space<vmem>>) target(%dma_start3A_1503 : memref<50x128xf32, #tpu.memory_space<hbm>>) target_semaphore(%dma_start3A_1499 : memref<!tpu.dma_semaphore, #tpu.memory_space<semaphore_mem>>)
      %dma_start3A_1508 = arith.constant 3 : i32
      %dma_start3A_1509 = arith.constant 3 : i32
      %dma_start3A_1510 = arith.constant 150 : i32
      %dma_start3A_1511 = arith.constant 0 : i32
      %dma_start3A_1512 = tpu.memref_slice %arg6[%dma_start3A_1508, %dma_start3A_1510, %dma_start3A_1511] : memref<4x200x128xf32, #tpu.memory_space<vmem>> -> memref<1x50x128xf32, #tpu.memory_space<vmem>>
      %dma_start3A_1513 = tpu.memref_squeeze %dma_start3A_1512 : memref<1x50x128xf32, #tpu.memory_space<vmem>> -> memref<50x128xf32, #tpu.memory_space<vmem>>
      %dma_start3A_1514 = arith.constant 0 : i32
      %dma_start3A_1515 = arith.constant 0 : i32
      %dma_start3A_1516 = tpu.memref_slice %arg4[%add3A_1447, %dma_start3A_1514, %dma_start3A_1515] : memref<4096x50x128xf32, #tpu.memory_space<hbm>> -> memref<1x50x128xf32, #tpu.memory_space<hbm>>
      %dma_start3A_1517 = tpu.memref_squeeze %dma_start3A_1516 : memref<1x50x128xf32, #tpu.memory_space<hbm>> -> memref<50x128xf32, #tpu.memory_space<hbm>>
      %dma_start3A_1518 = tpu.memref_slice %arg8[%dma_start3A_1509] : memref<4x!tpu.dma_semaphore, #tpu.memory_space<semaphore_mem>> -> memref<1x!tpu.dma_semaphore, #tpu.memory_space<semaphore_mem>>
      %dma_start3A_1519 = tpu.memref_squeeze %dma_start3A_1518 : memref<1x!tpu.dma_semaphore, #tpu.memory_space<semaphore_mem>> -> memref<!tpu.dma_semaphore, #tpu.memory_space<semaphore_mem>>
      %dma_start3A_1520 = arith.constant 0 : i32
      %dma_start3A_1521 = arith.constant 0 : i32
      %dma_start3A_1522 = tpu.memref_slice %arg4[%add3A_1447, %dma_start3A_1520, %dma_start3A_1521] : memref<4096x50x128xf32, #tpu.memory_space<hbm>> -> memref<1x50x128xf32, #tpu.memory_space<hbm>>
      %dma_start3A_1523 = tpu.memref_squeeze %dma_start3A_1522 : memref<1x50x128xf32, #tpu.memory_space<hbm>> -> memref<50x128xf32, #tpu.memory_space<hbm>>
      %dma_start3A_1524 = arith.constant 150 : i32
      %dma_start3A_1525 = arith.constant 0 : i32
      %dma_start3A_1526 = tpu.memref_slice %arg6[%dma_start3A_1508, %dma_start3A_1524, %dma_start3A_1525] : memref<4x200x128xf32, #tpu.memory_space<vmem>> -> memref<1x50x128xf32, #tpu.memory_space<vmem>>
      %dma_start3A_1527 = tpu.memref_squeeze %dma_start3A_1526 : memref<1x50x128xf32, #tpu.memory_space<vmem>> -> memref<50x128xf32, #tpu.memory_space<vmem>>
      tpu.enqueue_dma source(%dma_start3A_1527 : memref<50x128xf32, #tpu.memory_space<vmem>>) target(%dma_start3A_1523 : memref<50x128xf32, #tpu.memory_space<hbm>>) target_semaphore(%dma_start3A_1519 : memref<!tpu.dma_semaphore, #tpu.memory_space<semaphore_mem>>)
      %mul3A_1528 = arith.constant 4 : i32
      %mul3A_1529 = arith.muli %add3A_991, %mul3A_1528 : i32
      %add3A_1530 = arith.constant 0 : i32
      %add3A_1531 = arith.addi %mul3A_1529, %add3A_1530 : i32
      %mul3A_1532 = arith.constant 4 : i32
      %mul3A_1533 = arith.muli %add3A_1531, %mul3A_1532 : i32
      %add3A_1534 = arith.addi %mul3A_4, %mul3A_1533 : i32
      %add3A_1535 = arith.constant 0 : i32
      %add3A_1536 = arith.addi %add3A_1534, %add3A_1535 : i32
      %mul3A_1537 = arith.constant 4 : i32
      %mul3A_1538 = arith.muli %add3A_1531, %mul3A_1537 : i32
      %add3A_1539 = arith.addi %mul3A_4, %mul3A_1538 : i32
      %add3A_1540 = arith.constant 1 : i32
      %add3A_1541 = arith.addi %add3A_1539, %add3A_1540 : i32
      %mul3A_1542 = arith.constant 4 : i32
      %mul3A_1543 = arith.muli %add3A_1531, %mul3A_1542 : i32
      %add3A_1544 = arith.addi %mul3A_4, %mul3A_1543 : i32
      %add3A_1545 = arith.constant 2 : i32
      %add3A_1546 = arith.addi %add3A_1544, %add3A_1545 : i32
      %mul3A_1547 = arith.constant 4 : i32
      %mul3A_1548 = arith.muli %add3A_1531, %mul3A_1547 : i32
      %add3A_1549 = arith.addi %mul3A_4, %mul3A_1548 : i32
      %add3A_1550 = arith.constant 3 : i32
      %add3A_1551 = arith.addi %add3A_1549, %add3A_1550 : i32
      %dma_wait3A_1552 = arith.constant 0 : i32
      %dma_wait3A_1553 = arith.constant 0 : i32
      %dma_wait3A_1554 = arith.constant 0 : i32
      %dma_wait3A_1555 = arith.constant 0 : i32
      %dma_wait3A_1556 = tpu.memref_slice %arg6[%dma_wait3A_1552, %dma_wait3A_1554, %dma_wait3A_1555] : memref<4x200x128xf32, #tpu.memory_space<vmem>> -> memref<1x50x128xf32, #tpu.memory_space<vmem>>
      %dma_wait3A_1557 = tpu.memref_squeeze %dma_wait3A_1556 : memref<1x50x128xf32, #tpu.memory_space<vmem>> -> memref<50x128xf32, #tpu.memory_space<vmem>>
      %dma_wait3A_1558 = arith.constant 0 : i32
      %dma_wait3A_1559 = arith.constant 0 : i32
      %dma_wait3A_1560 = tpu.memref_slice %arg4[%add3A_1536, %dma_wait3A_1558, %dma_wait3A_1559] : memref<4096x50x128xf32, #tpu.memory_space<hbm>> -> memref<1x50x128xf32, #tpu.memory_space<hbm>>
      %dma_wait3A_1561 = tpu.memref_squeeze %dma_wait3A_1560 : memref<1x50x128xf32, #tpu.memory_space<hbm>> -> memref<50x128xf32, #tpu.memory_space<hbm>>
      %dma_wait3A_1562 = tpu.memref_slice %arg8[%dma_wait3A_1553] : memref<4x!tpu.dma_semaphore, #tpu.memory_space<semaphore_mem>> -> memref<1x!tpu.dma_semaphore, #tpu.memory_space<semaphore_mem>>
      %dma_wait3A_1563 = tpu.memref_squeeze %dma_wait3A_1562 : memref<1x!tpu.dma_semaphore, #tpu.memory_space<semaphore_mem>> -> memref<!tpu.dma_semaphore, #tpu.memory_space<semaphore_mem>>
      %dma_wait3A_1564 = arith.constant 0 : i32
      %dma_wait3A_1565 = arith.constant 0 : i32
      %dma_wait3A_1566 = tpu.memref_slice %arg4[%add3A_1536, %dma_wait3A_1564, %dma_wait3A_1565] : memref<4096x50x128xf32, #tpu.memory_space<hbm>> -> memref<1x50x128xf32, #tpu.memory_space<hbm>>
      %dma_wait3A_1567 = tpu.memref_squeeze %dma_wait3A_1566 : memref<1x50x128xf32, #tpu.memory_space<hbm>> -> memref<50x128xf32, #tpu.memory_space<hbm>>
      %dma_wait3A_1568 = arith.constant 0 : i32
      %dma_wait3A_1569 = arith.constant 0 : i32
      %dma_wait3A_1570 = tpu.memref_slice %arg6[%dma_wait3A_1552, %dma_wait3A_1568, %dma_wait3A_1569] : memref<4x200x128xf32, #tpu.memory_space<vmem>> -> memref<1x50x128xf32, #tpu.memory_space<vmem>>
      %dma_wait3A_1571 = tpu.memref_squeeze %dma_wait3A_1570 : memref<1x50x128xf32, #tpu.memory_space<vmem>> -> memref<50x128xf32, #tpu.memory_space<vmem>>
      tpu.wait_dma2 semaphore(%dma_wait3A_1563 : memref<!tpu.dma_semaphore, #tpu.memory_space<semaphore_mem>>) src(%dma_wait3A_1571 : memref<50x128xf32, #tpu.memory_space<vmem>>) dst(%dma_wait3A_1567 : memref<50x128xf32, #tpu.memory_space<hbm>>)
      %dma_wait3A_1572 = arith.constant 0 : i32
      %dma_wait3A_1573 = arith.constant 0 : i32
      %dma_wait3A_1574 = arith.constant 50 : i32
      %dma_wait3A_1575 = arith.constant 0 : i32
      %dma_wait3A_1576 = tpu.memref_slice %arg6[%dma_wait3A_1572, %dma_wait3A_1574, %dma_wait3A_1575] : memref<4x200x128xf32, #tpu.memory_space<vmem>> -> memref<1x50x128xf32, #tpu.memory_space<vmem>>
      %dma_wait3A_1577 = tpu.memref_squeeze %dma_wait3A_1576 : memref<1x50x128xf32, #tpu.memory_space<vmem>> -> memref<50x128xf32, #tpu.memory_space<vmem>>
      %dma_wait3A_1578 = arith.constant 0 : i32
      %dma_wait3A_1579 = arith.constant 0 : i32
      %dma_wait3A_1580 = tpu.memref_slice %arg4[%add3A_1541, %dma_wait3A_1578, %dma_wait3A_1579] : memref<4096x50x128xf32, #tpu.memory_space<hbm>> -> memref<1x50x128xf32, #tpu.memory_space<hbm>>
      %dma_wait3A_1581 = tpu.memref_squeeze %dma_wait3A_1580 : memref<1x50x128xf32, #tpu.memory_space<hbm>> -> memref<50x128xf32, #tpu.memory_space<hbm>>
      %dma_wait3A_1582 = tpu.memref_slice %arg8[%dma_wait3A_1573] : memref<4x!tpu.dma_semaphore, #tpu.memory_space<semaphore_mem>> -> memref<1x!tpu.dma_semaphore, #tpu.memory_space<semaphore_mem>>
      %dma_wait3A_1583 = tpu.memref_squeeze %dma_wait3A_1582 : memref<1x!tpu.dma_semaphore, #tpu.memory_space<semaphore_mem>> -> memref<!tpu.dma_semaphore, #tpu.memory_space<semaphore_mem>>
      %dma_wait3A_1584 = arith.constant 0 : i32
      %dma_wait3A_1585 = arith.constant 0 : i32
      %dma_wait3A_1586 = tpu.memref_slice %arg4[%add3A_1541, %dma_wait3A_1584, %dma_wait3A_1585] : memref<4096x50x128xf32, #tpu.memory_space<hbm>> -> memref<1x50x128xf32, #tpu.memory_space<hbm>>
      %dma_wait3A_1587 = tpu.memref_squeeze %dma_wait3A_1586 : memref<1x50x128xf32, #tpu.memory_space<hbm>> -> memref<50x128xf32, #tpu.memory_space<hbm>>
      %dma_wait3A_1588 = arith.constant 50 : i32
      %dma_wait3A_1589 = arith.constant 0 : i32
      %dma_wait3A_1590 = tpu.memref_slice %arg6[%dma_wait3A_1572, %dma_wait3A_1588, %dma_wait3A_1589] : memref<4x200x128xf32, #tpu.memory_space<vmem>> -> memref<1x50x128xf32, #tpu.memory_space<vmem>>
      %dma_wait3A_1591 = tpu.memref_squeeze %dma_wait3A_1590 : memref<1x50x128xf32, #tpu.memory_space<vmem>> -> memref<50x128xf32, #tpu.memory_space<vmem>>
      tpu.wait_dma2 semaphore(%dma_wait3A_1583 : memref<!tpu.dma_semaphore, #tpu.memory_space<semaphore_mem>>) src(%dma_wait3A_1591 : memref<50x128xf32, #tpu.memory_space<vmem>>) dst(%dma_wait3A_1587 : memref<50x128xf32, #tpu.memory_space<hbm>>)
      %dma_wait3A_1592 = arith.constant 0 : i32
      %dma_wait3A_1593 = arith.constant 0 : i32
      %dma_wait3A_1594 = arith.constant 100 : i32
      %dma_wait3A_1595 = arith.constant 0 : i32
      %dma_wait3A_1596 = tpu.memref_slice %arg6[%dma_wait3A_1592, %dma_wait3A_1594, %dma_wait3A_1595] : memref<4x200x128xf32, #tpu.memory_space<vmem>> -> memref<1x50x128xf32, #tpu.memory_space<vmem>>
      %dma_wait3A_1597 = tpu.memref_squeeze %dma_wait3A_1596 : memref<1x50x128xf32, #tpu.memory_space<vmem>> -> memref<50x128xf32, #tpu.memory_space<vmem>>
      %dma_wait3A_1598 = arith.constant 0 : i32
      %dma_wait3A_1599 = arith.constant 0 : i32
      %dma_wait3A_1600 = tpu.memref_slice %arg4[%add3A_1546, %dma_wait3A_1598, %dma_wait3A_1599] : memref<4096x50x128xf32, #tpu.memory_space<hbm>> -> memref<1x50x128xf32, #tpu.memory_space<hbm>>
      %dma_wait3A_1601 = tpu.memref_squeeze %dma_wait3A_1600 : memref<1x50x128xf32, #tpu.memory_space<hbm>> -> memref<50x128xf32, #tpu.memory_space<hbm>>
      %dma_wait3A_1602 = tpu.memref_slice %arg8[%dma_wait3A_1593] : memref<4x!tpu.dma_semaphore, #tpu.memory_space<semaphore_mem>> -> memref<1x!tpu.dma_semaphore, #tpu.memory_space<semaphore_mem>>
      %dma_wait3A_1603 = tpu.memref_squeeze %dma_wait3A_1602 : memref<1x!tpu.dma_semaphore, #tpu.memory_space<semaphore_mem>> -> memref<!tpu.dma_semaphore, #tpu.memory_space<semaphore_mem>>
      %dma_wait3A_1604 = arith.constant 0 : i32
      %dma_wait3A_1605 = arith.constant 0 : i32
      %dma_wait3A_1606 = tpu.memref_slice %arg4[%add3A_1546, %dma_wait3A_1604, %dma_wait3A_1605] : memref<4096x50x128xf32, #tpu.memory_space<hbm>> -> memref<1x50x128xf32, #tpu.memory_space<hbm>>
      %dma_wait3A_1607 = tpu.memref_squeeze %dma_wait3A_1606 : memref<1x50x128xf32, #tpu.memory_space<hbm>> -> memref<50x128xf32, #tpu.memory_space<hbm>>
      %dma_wait3A_1608 = arith.constant 100 : i32
      %dma_wait3A_1609 = arith.constant 0 : i32
      %dma_wait3A_1610 = tpu.memref_slice %arg6[%dma_wait3A_1592, %dma_wait3A_1608, %dma_wait3A_1609] : memref<4x200x128xf32, #tpu.memory_space<vmem>> -> memref<1x50x128xf32, #tpu.memory_space<vmem>>
      %dma_wait3A_1611 = tpu.memref_squeeze %dma_wait3A_1610 : memref<1x50x128xf32, #tpu.memory_space<vmem>> -> memref<50x128xf32, #tpu.memory_space<vmem>>
      tpu.wait_dma2 semaphore(%dma_wait3A_1603 : memref<!tpu.dma_semaphore, #tpu.memory_space<semaphore_mem>>) src(%dma_wait3A_1611 : memref<50x128xf32, #tpu.memory_space<vmem>>) dst(%dma_wait3A_1607 : memref<50x128xf32, #tpu.memory_space<hbm>>)
      %dma_wait3A_1612 = arith.constant 0 : i32
      %dma_wait3A_1613 = arith.constant 0 : i32
      %dma_wait3A_1614 = arith.constant 150 : i32
      %dma_wait3A_1615 = arith.constant 0 : i32
      %dma_wait3A_1616 = tpu.memref_slice %arg6[%dma_wait3A_1612, %dma_wait3A_1614, %dma_wait3A_1615] : memref<4x200x128xf32, #tpu.memory_space<vmem>> -> memref<1x50x128xf32, #tpu.memory_space<vmem>>
      %dma_wait3A_1617 = tpu.memref_squeeze %dma_wait3A_1616 : memref<1x50x128xf32, #tpu.memory_space<vmem>> -> memref<50x128xf32, #tpu.memory_space<vmem>>
      %dma_wait3A_1618 = arith.constant 0 : i32
      %dma_wait3A_1619 = arith.constant 0 : i32
      %dma_wait3A_1620 = tpu.memref_slice %arg4[%add3A_1551, %dma_wait3A_1618, %dma_wait3A_1619] : memref<4096x50x128xf32, #tpu.memory_space<hbm>> -> memref<1x50x128xf32, #tpu.memory_space<hbm>>
      %dma_wait3A_1621 = tpu.memref_squeeze %dma_wait3A_1620 : memref<1x50x128xf32, #tpu.memory_space<hbm>> -> memref<50x128xf32, #tpu.memory_space<hbm>>
      %dma_wait3A_1622 = tpu.memref_slice %arg8[%dma_wait3A_1613] : memref<4x!tpu.dma_semaphore, #tpu.memory_space<semaphore_mem>> -> memref<1x!tpu.dma_semaphore, #tpu.memory_space<semaphore_mem>>
      %dma_wait3A_1623 = tpu.memref_squeeze %dma_wait3A_1622 : memref<1x!tpu.dma_semaphore, #tpu.memory_space<semaphore_mem>> -> memref<!tpu.dma_semaphore, #tpu.memory_space<semaphore_mem>>
      %dma_wait3A_1624 = arith.constant 0 : i32
      %dma_wait3A_1625 = arith.constant 0 : i32
      %dma_wait3A_1626 = tpu.memref_slice %arg4[%add3A_1551, %dma_wait3A_1624, %dma_wait3A_1625] : memref<4096x50x128xf32, #tpu.memory_space<hbm>> -> memref<1x50x128xf32, #tpu.memory_space<hbm>>
      %dma_wait3A_1627 = tpu.memref_squeeze %dma_wait3A_1626 : memref<1x50x128xf32, #tpu.memory_space<hbm>> -> memref<50x128xf32, #tpu.memory_space<hbm>>
      %dma_wait3A_1628 = arith.constant 150 : i32
      %dma_wait3A_1629 = arith.constant 0 : i32
      %dma_wait3A_1630 = tpu.memref_slice %arg6[%dma_wait3A_1612, %dma_wait3A_1628, %dma_wait3A_1629] : memref<4x200x128xf32, #tpu.memory_space<vmem>> -> memref<1x50x128xf32, #tpu.memory_space<vmem>>
      %dma_wait3A_1631 = tpu.memref_squeeze %dma_wait3A_1630 : memref<1x50x128xf32, #tpu.memory_space<vmem>> -> memref<50x128xf32, #tpu.memory_space<vmem>>
      tpu.wait_dma2 semaphore(%dma_wait3A_1623 : memref<!tpu.dma_semaphore, #tpu.memory_space<semaphore_mem>>) src(%dma_wait3A_1631 : memref<50x128xf32, #tpu.memory_space<vmem>>) dst(%dma_wait3A_1627 : memref<50x128xf32, #tpu.memory_space<hbm>>)
      %add3A_1632 = arith.constant 4 : i32
      %add3A_1633 = arith.addi %add3A_1531, %add3A_1632 : i32
      %mul3A_1634 = arith.constant 200 : i32
      %mul3A_1635 = arith.muli %add3A_1633, %mul3A_1634 : i32
      %mul3A_1636 = arith.constant 200 : i32
      %mul3A_1637 = arith.muli %add3A_1633, %mul3A_1636 : i32
      %add3A_1638 = arith.constant 128 : i32
      %add3A_1639 = arith.addi %mul3A_1637, %add3A_1638 : i32
      %dma_start3A_1640 = arith.constant 0 : i32
      %dma_start3A_1641 = arith.constant 0 : i32
      %dma_start3A_1642 = arith.constant 0 : i32
      %dma_start3A_1643 = arith.constant 0 : i32
      %dma_start3A_1644 = tpu.memref_slice %arg6[%dma_start3A_1640, %dma_start3A_1642, %dma_start3A_1643] : memref<4x200x128xf32, #tpu.memory_space<vmem>> -> memref<1x128x128xf32, #tpu.memory_space<vmem>>
      %dma_start3A_1645 = tpu.memref_squeeze %dma_start3A_1644 : memref<1x128x128xf32, #tpu.memory_space<vmem>> -> memref<128x128xf32, #tpu.memory_space<vmem>>
      %dma_start3A_1646 = tpu.memref_slice %arg5[%mul3A_1635] : memref<6400xi32, #tpu.memory_space<vmem>> -> memref<128xi32, #tpu.memory_space<vmem>>
      %dma_start3A_1647 = arith.constant 0 : i32
      %dma_start3A_1648 = arith.constant 0 : i32
      %dma_start3A_1649 = tpu.memref_slice %arg2[%dma_start3A_1647, %dma_start3A_1648] : memref<1000000x128xf32, #tpu.memory_space<hbm>> -> memref<1000000x128xf32, #tpu.memory_space<hbm>>
      %dma_start3A_1650 = tpu.memref_slice %arg7[%dma_start3A_1641] : memref<4x!tpu.dma_semaphore, #tpu.memory_space<semaphore_mem>> -> memref<1x!tpu.dma_semaphore, #tpu.memory_space<semaphore_mem>>
      %dma_start3A_1651 = tpu.memref_squeeze %dma_start3A_1650 : memref<1x!tpu.dma_semaphore, #tpu.memory_space<semaphore_mem>> -> memref<!tpu.dma_semaphore, #tpu.memory_space<semaphore_mem>>
      tpu.enqueue_indirect_dma source(%dma_start3A_1649 : memref<1000000x128xf32, #tpu.memory_space<hbm>>) target(%dma_start3A_1645 : memref<128x128xf32, #tpu.memory_space<vmem>>) offsets(%dma_start3A_1646 : memref<128xi32, #tpu.memory_space<vmem>>) semaphore(%dma_start3A_1651 : memref<!tpu.dma_semaphore, #tpu.memory_space<semaphore_mem>>)
      %dma_start3A_1652 = arith.constant 0 : i32
      %dma_start3A_1653 = arith.constant 0 : i32
      %dma_start3A_1654 = arith.constant 128 : i32
      %dma_start3A_1655 = arith.constant 0 : i32
      %dma_start3A_1656 = tpu.memref_slice %arg6[%dma_start3A_1652, %dma_start3A_1654, %dma_start3A_1655] : memref<4x200x128xf32, #tpu.memory_space<vmem>> -> memref<1x72x128xf32, #tpu.memory_space<vmem>>
      %dma_start3A_1657 = tpu.memref_squeeze %dma_start3A_1656 : memref<1x72x128xf32, #tpu.memory_space<vmem>> -> memref<72x128xf32, #tpu.memory_space<vmem>>
      %dma_start3A_1658 = tpu.memref_slice %arg5[%add3A_1639] : memref<6400xi32, #tpu.memory_space<vmem>> -> memref<72xi32, #tpu.memory_space<vmem>>
      %dma_start3A_1659 = arith.constant 0 : i32
      %dma_start3A_1660 = arith.constant 0 : i32
      %dma_start3A_1661 = tpu.memref_slice %arg2[%dma_start3A_1659, %dma_start3A_1660] : memref<1000000x128xf32, #tpu.memory_space<hbm>> -> memref<1000000x128xf32, #tpu.memory_space<hbm>>
      %dma_start3A_1662 = tpu.memref_slice %arg7[%dma_start3A_1653] : memref<4x!tpu.dma_semaphore, #tpu.memory_space<semaphore_mem>> -> memref<1x!tpu.dma_semaphore, #tpu.memory_space<semaphore_mem>>
      %dma_start3A_1663 = tpu.memref_squeeze %dma_start3A_1662 : memref<1x!tpu.dma_semaphore, #tpu.memory_space<semaphore_mem>> -> memref<!tpu.dma_semaphore, #tpu.memory_space<semaphore_mem>>
      tpu.enqueue_indirect_dma source(%dma_start3A_1661 : memref<1000000x128xf32, #tpu.memory_space<hbm>>) target(%dma_start3A_1657 : memref<72x128xf32, #tpu.memory_space<vmem>>) offsets(%dma_start3A_1658 : memref<72xi32, #tpu.memory_space<vmem>>) semaphore(%dma_start3A_1663 : memref<!tpu.dma_semaphore, #tpu.memory_space<semaphore_mem>>)
      %mul3A_1664 = arith.constant 4 : i32
      %mul3A_1665 = arith.muli %add3A_991, %mul3A_1664 : i32
      %add3A_1666 = arith.constant 1 : i32
      %add3A_1667 = arith.addi %mul3A_1665, %add3A_1666 : i32
      %mul3A_1668 = arith.constant 4 : i32
      %mul3A_1669 = arith.muli %add3A_1667, %mul3A_1668 : i32
      %add3A_1670 = arith.addi %mul3A_4, %mul3A_1669 : i32
      %add3A_1671 = arith.constant 0 : i32
      %add3A_1672 = arith.addi %add3A_1670, %add3A_1671 : i32
      %mul3A_1673 = arith.constant 4 : i32
      %mul3A_1674 = arith.muli %add3A_1667, %mul3A_1673 : i32
      %add3A_1675 = arith.addi %mul3A_4, %mul3A_1674 : i32
      %add3A_1676 = arith.constant 1 : i32
      %add3A_1677 = arith.addi %add3A_1675, %add3A_1676 : i32
      %mul3A_1678 = arith.constant 4 : i32
      %mul3A_1679 = arith.muli %add3A_1667, %mul3A_1678 : i32
      %add3A_1680 = arith.addi %mul3A_4, %mul3A_1679 : i32
      %add3A_1681 = arith.constant 2 : i32
      %add3A_1682 = arith.addi %add3A_1680, %add3A_1681 : i32
      %mul3A_1683 = arith.constant 4 : i32
      %mul3A_1684 = arith.muli %add3A_1667, %mul3A_1683 : i32
      %add3A_1685 = arith.addi %mul3A_4, %mul3A_1684 : i32
      %add3A_1686 = arith.constant 3 : i32
      %add3A_1687 = arith.addi %add3A_1685, %add3A_1686 : i32
      %dma_wait3A_1688 = arith.constant 1 : i32
      %dma_wait3A_1689 = arith.constant 1 : i32
      %dma_wait3A_1690 = arith.constant 0 : i32
      %dma_wait3A_1691 = arith.constant 0 : i32
      %dma_wait3A_1692 = tpu.memref_slice %arg6[%dma_wait3A_1688, %dma_wait3A_1690, %dma_wait3A_1691] : memref<4x200x128xf32, #tpu.memory_space<vmem>> -> memref<1x50x128xf32, #tpu.memory_space<vmem>>
      %dma_wait3A_1693 = tpu.memref_squeeze %dma_wait3A_1692 : memref<1x50x128xf32, #tpu.memory_space<vmem>> -> memref<50x128xf32, #tpu.memory_space<vmem>>
      %dma_wait3A_1694 = arith.constant 0 : i32
      %dma_wait3A_1695 = arith.constant 0 : i32
      %dma_wait3A_1696 = tpu.memref_slice %arg4[%add3A_1672, %dma_wait3A_1694, %dma_wait3A_1695] : memref<4096x50x128xf32, #tpu.memory_space<hbm>> -> memref<1x50x128xf32, #tpu.memory_space<hbm>>
      %dma_wait3A_1697 = tpu.memref_squeeze %dma_wait3A_1696 : memref<1x50x128xf32, #tpu.memory_space<hbm>> -> memref<50x128xf32, #tpu.memory_space<hbm>>
      %dma_wait3A_1698 = tpu.memref_slice %arg8[%dma_wait3A_1689] : memref<4x!tpu.dma_semaphore, #tpu.memory_space<semaphore_mem>> -> memref<1x!tpu.dma_semaphore, #tpu.memory_space<semaphore_mem>>
      %dma_wait3A_1699 = tpu.memref_squeeze %dma_wait3A_1698 : memref<1x!tpu.dma_semaphore, #tpu.memory_space<semaphore_mem>> -> memref<!tpu.dma_semaphore, #tpu.memory_space<semaphore_mem>>
      %dma_wait3A_1700 = arith.constant 0 : i32
      %dma_wait3A_1701 = arith.constant 0 : i32
      %dma_wait3A_1702 = tpu.memref_slice %arg4[%add3A_1672, %dma_wait3A_1700, %dma_wait3A_1701] : memref<4096x50x128xf32, #tpu.memory_space<hbm>> -> memref<1x50x128xf32, #tpu.memory_space<hbm>>
      %dma_wait3A_1703 = tpu.memref_squeeze %dma_wait3A_1702 : memref<1x50x128xf32, #tpu.memory_space<hbm>> -> memref<50x128xf32, #tpu.memory_space<hbm>>
      %dma_wait3A_1704 = arith.constant 0 : i32
      %dma_wait3A_1705 = arith.constant 0 : i32
      %dma_wait3A_1706 = tpu.memref_slice %arg6[%dma_wait3A_1688, %dma_wait3A_1704, %dma_wait3A_1705] : memref<4x200x128xf32, #tpu.memory_space<vmem>> -> memref<1x50x128xf32, #tpu.memory_space<vmem>>
      %dma_wait3A_1707 = tpu.memref_squeeze %dma_wait3A_1706 : memref<1x50x128xf32, #tpu.memory_space<vmem>> -> memref<50x128xf32, #tpu.memory_space<vmem>>
      tpu.wait_dma2 semaphore(%dma_wait3A_1699 : memref<!tpu.dma_semaphore, #tpu.memory_space<semaphore_mem>>) src(%dma_wait3A_1707 : memref<50x128xf32, #tpu.memory_space<vmem>>) dst(%dma_wait3A_1703 : memref<50x128xf32, #tpu.memory_space<hbm>>)
      %dma_wait3A_1708 = arith.constant 1 : i32
      %dma_wait3A_1709 = arith.constant 1 : i32
      %dma_wait3A_1710 = arith.constant 50 : i32
      %dma_wait3A_1711 = arith.constant 0 : i32
      %dma_wait3A_1712 = tpu.memref_slice %arg6[%dma_wait3A_1708, %dma_wait3A_1710, %dma_wait3A_1711] : memref<4x200x128xf32, #tpu.memory_space<vmem>> -> memref<1x50x128xf32, #tpu.memory_space<vmem>>
      %dma_wait3A_1713 = tpu.memref_squeeze %dma_wait3A_1712 : memref<1x50x128xf32, #tpu.memory_space<vmem>> -> memref<50x128xf32, #tpu.memory_space<vmem>>
      %dma_wait3A_1714 = arith.constant 0 : i32
      %dma_wait3A_1715 = arith.constant 0 : i32
      %dma_wait3A_1716 = tpu.memref_slice %arg4[%add3A_1677, %dma_wait3A_1714, %dma_wait3A_1715] : memref<4096x50x128xf32, #tpu.memory_space<hbm>> -> memref<1x50x128xf32, #tpu.memory_space<hbm>>
      %dma_wait3A_1717 = tpu.memref_squeeze %dma_wait3A_1716 : memref<1x50x128xf32, #tpu.memory_space<hbm>> -> memref<50x128xf32, #tpu.memory_space<hbm>>
      %dma_wait3A_1718 = tpu.memref_slice %arg8[%dma_wait3A_1709] : memref<4x!tpu.dma_semaphore, #tpu.memory_space<semaphore_mem>> -> memref<1x!tpu.dma_semaphore, #tpu.memory_space<semaphore_mem>>
      %dma_wait3A_1719 = tpu.memref_squeeze %dma_wait3A_1718 : memref<1x!tpu.dma_semaphore, #tpu.memory_space<semaphore_mem>> -> memref<!tpu.dma_semaphore, #tpu.memory_space<semaphore_mem>>
      %dma_wait3A_1720 = arith.constant 0 : i32
      %dma_wait3A_1721 = arith.constant 0 : i32
      %dma_wait3A_1722 = tpu.memref_slice %arg4[%add3A_1677, %dma_wait3A_1720, %dma_wait3A_1721] : memref<4096x50x128xf32, #tpu.memory_space<hbm>> -> memref<1x50x128xf32, #tpu.memory_space<hbm>>
      %dma_wait3A_1723 = tpu.memref_squeeze %dma_wait3A_1722 : memref<1x50x128xf32, #tpu.memory_space<hbm>> -> memref<50x128xf32, #tpu.memory_space<hbm>>
      %dma_wait3A_1724 = arith.constant 50 : i32
      %dma_wait3A_1725 = arith.constant 0 : i32
      %dma_wait3A_1726 = tpu.memref_slice %arg6[%dma_wait3A_1708, %dma_wait3A_1724, %dma_wait3A_1725] : memref<4x200x128xf32, #tpu.memory_space<vmem>> -> memref<1x50x128xf32, #tpu.memory_space<vmem>>
      %dma_wait3A_1727 = tpu.memref_squeeze %dma_wait3A_1726 : memref<1x50x128xf32, #tpu.memory_space<vmem>> -> memref<50x128xf32, #tpu.memory_space<vmem>>
      tpu.wait_dma2 semaphore(%dma_wait3A_1719 : memref<!tpu.dma_semaphore, #tpu.memory_space<semaphore_mem>>) src(%dma_wait3A_1727 : memref<50x128xf32, #tpu.memory_space<vmem>>) dst(%dma_wait3A_1723 : memref<50x128xf32, #tpu.memory_space<hbm>>)
      %dma_wait3A_1728 = arith.constant 1 : i32
      %dma_wait3A_1729 = arith.constant 1 : i32
      %dma_wait3A_1730 = arith.constant 100 : i32
      %dma_wait3A_1731 = arith.constant 0 : i32
      %dma_wait3A_1732 = tpu.memref_slice %arg6[%dma_wait3A_1728, %dma_wait3A_1730, %dma_wait3A_1731] : memref<4x200x128xf32, #tpu.memory_space<vmem>> -> memref<1x50x128xf32, #tpu.memory_space<vmem>>
      %dma_wait3A_1733 = tpu.memref_squeeze %dma_wait3A_1732 : memref<1x50x128xf32, #tpu.memory_space<vmem>> -> memref<50x128xf32, #tpu.memory_space<vmem>>
      %dma_wait3A_1734 = arith.constant 0 : i32
      %dma_wait3A_1735 = arith.constant 0 : i32
      %dma_wait3A_1736 = tpu.memref_slice %arg4[%add3A_1682, %dma_wait3A_1734, %dma_wait3A_1735] : memref<4096x50x128xf32, #tpu.memory_space<hbm>> -> memref<1x50x128xf32, #tpu.memory_space<hbm>>
      %dma_wait3A_1737 = tpu.memref_squeeze %dma_wait3A_1736 : memref<1x50x128xf32, #tpu.memory_space<hbm>> -> memref<50x128xf32, #tpu.memory_space<hbm>>
      %dma_wait3A_1738 = tpu.memref_slice %arg8[%dma_wait3A_1729] : memref<4x!tpu.dma_semaphore, #tpu.memory_space<semaphore_mem>> -> memref<1x!tpu.dma_semaphore, #tpu.memory_space<semaphore_mem>>
      %dma_wait3A_1739 = tpu.memref_squeeze %dma_wait3A_1738 : memref<1x!tpu.dma_semaphore, #tpu.memory_space<semaphore_mem>> -> memref<!tpu.dma_semaphore, #tpu.memory_space<semaphore_mem>>
      %dma_wait3A_1740 = arith.constant 0 : i32
      %dma_wait3A_1741 = arith.constant 0 : i32
      %dma_wait3A_1742 = tpu.memref_slice %arg4[%add3A_1682, %dma_wait3A_1740, %dma_wait3A_1741] : memref<4096x50x128xf32, #tpu.memory_space<hbm>> -> memref<1x50x128xf32, #tpu.memory_space<hbm>>
      %dma_wait3A_1743 = tpu.memref_squeeze %dma_wait3A_1742 : memref<1x50x128xf32, #tpu.memory_space<hbm>> -> memref<50x128xf32, #tpu.memory_space<hbm>>
      %dma_wait3A_1744 = arith.constant 100 : i32
      %dma_wait3A_1745 = arith.constant 0 : i32
      %dma_wait3A_1746 = tpu.memref_slice %arg6[%dma_wait3A_1728, %dma_wait3A_1744, %dma_wait3A_1745] : memref<4x200x128xf32, #tpu.memory_space<vmem>> -> memref<1x50x128xf32, #tpu.memory_space<vmem>>
      %dma_wait3A_1747 = tpu.memref_squeeze %dma_wait3A_1746 : memref<1x50x128xf32, #tpu.memory_space<vmem>> -> memref<50x128xf32, #tpu.memory_space<vmem>>
      tpu.wait_dma2 semaphore(%dma_wait3A_1739 : memref<!tpu.dma_semaphore, #tpu.memory_space<semaphore_mem>>) src(%dma_wait3A_1747 : memref<50x128xf32, #tpu.memory_space<vmem>>) dst(%dma_wait3A_1743 : memref<50x128xf32, #tpu.memory_space<hbm>>)
      %dma_wait3A_1748 = arith.constant 1 : i32
      %dma_wait3A_1749 = arith.constant 1 : i32
      %dma_wait3A_1750 = arith.constant 150 : i32
      %dma_wait3A_1751 = arith.constant 0 : i32
      %dma_wait3A_1752 = tpu.memref_slice %arg6[%dma_wait3A_1748, %dma_wait3A_1750, %dma_wait3A_1751] : memref<4x200x128xf32, #tpu.memory_space<vmem>> -> memref<1x50x128xf32, #tpu.memory_space<vmem>>
      %dma_wait3A_1753 = tpu.memref_squeeze %dma_wait3A_1752 : memref<1x50x128xf32, #tpu.memory_space<vmem>> -> memref<50x128xf32, #tpu.memory_space<vmem>>
      %dma_wait3A_1754 = arith.constant 0 : i32
      %dma_wait3A_1755 = arith.constant 0 : i32
      %dma_wait3A_1756 = tpu.memref_slice %arg4[%add3A_1687, %dma_wait3A_1754, %dma_wait3A_1755] : memref<4096x50x128xf32, #tpu.memory_space<hbm>> -> memref<1x50x128xf32, #tpu.memory_space<hbm>>
      %dma_wait3A_1757 = tpu.memref_squeeze %dma_wait3A_1756 : memref<1x50x128xf32, #tpu.memory_space<hbm>> -> memref<50x128xf32, #tpu.memory_space<hbm>>
      %dma_wait3A_1758 = tpu.memref_slice %arg8[%dma_wait3A_1749] : memref<4x!tpu.dma_semaphore, #tpu.memory_space<semaphore_mem>> -> memref<1x!tpu.dma_semaphore, #tpu.memory_space<semaphore_mem>>
      %dma_wait3A_1759 = tpu.memref_squeeze %dma_wait3A_1758 : memref<1x!tpu.dma_semaphore, #tpu.memory_space<semaphore_mem>> -> memref<!tpu.dma_semaphore, #tpu.memory_space<semaphore_mem>>
      %dma_wait3A_1760 = arith.constant 0 : i32
      %dma_wait3A_1761 = arith.constant 0 : i32
      %dma_wait3A_1762 = tpu.memref_slice %arg4[%add3A_1687, %dma_wait3A_1760, %dma_wait3A_1761] : memref<4096x50x128xf32, #tpu.memory_space<hbm>> -> memref<1x50x128xf32, #tpu.memory_space<hbm>>
      %dma_wait3A_1763 = tpu.memref_squeeze %dma_wait3A_1762 : memref<1x50x128xf32, #tpu.memory_space<hbm>> -> memref<50x128xf32, #tpu.memory_space<hbm>>
      %dma_wait3A_1764 = arith.constant 150 : i32
      %dma_wait3A_1765 = arith.constant 0 : i32
      %dma_wait3A_1766 = tpu.memref_slice %arg6[%dma_wait3A_1748, %dma_wait3A_1764, %dma_wait3A_1765] : memref<4x200x128xf32, #tpu.memory_space<vmem>> -> memref<1x50x128xf32, #tpu.memory_space<vmem>>
      %dma_wait3A_1767 = tpu.memref_squeeze %dma_wait3A_1766 : memref<1x50x128xf32, #tpu.memory_space<vmem>> -> memref<50x128xf32, #tpu.memory_space<vmem>>
      tpu.wait_dma2 semaphore(%dma_wait3A_1759 : memref<!tpu.dma_semaphore, #tpu.memory_space<semaphore_mem>>) src(%dma_wait3A_1767 : memref<50x128xf32, #tpu.memory_space<vmem>>) dst(%dma_wait3A_1763 : memref<50x128xf32, #tpu.memory_space<hbm>>)
      %add3A_1768 = arith.constant 4 : i32
      %add3A_1769 = arith.addi %add3A_1667, %add3A_1768 : i32
      %mul3A_1770 = arith.constant 200 : i32
      %mul3A_1771 = arith.muli %add3A_1769, %mul3A_1770 : i32
      %mul3A_1772 = arith.constant 200 : i32
      %mul3A_1773 = arith.muli %add3A_1769, %mul3A_1772 : i32
      %add3A_1774 = arith.constant 128 : i32
      %add3A_1775 = arith.addi %mul3A_1773, %add3A_1774 : i32
      %dma_start3A_1776 = arith.constant 1 : i32
      %dma_start3A_1777 = arith.constant 1 : i32
      %dma_start3A_1778 = arith.constant 0 : i32
      %dma_start3A_1779 = arith.constant 0 : i32
      %dma_start3A_1780 = tpu.memref_slice %arg6[%dma_start3A_1776, %dma_start3A_1778, %dma_start3A_1779] : memref<4x200x128xf32, #tpu.memory_space<vmem>> -> memref<1x128x128xf32, #tpu.memory_space<vmem>>
      %dma_start3A_1781 = tpu.memref_squeeze %dma_start3A_1780 : memref<1x128x128xf32, #tpu.memory_space<vmem>> -> memref<128x128xf32, #tpu.memory_space<vmem>>
      %dma_start3A_1782 = tpu.memref_slice %arg5[%mul3A_1771] : memref<6400xi32, #tpu.memory_space<vmem>> -> memref<128xi32, #tpu.memory_space<vmem>>
      %dma_start3A_1783 = arith.constant 0 : i32
      %dma_start3A_1784 = arith.constant 0 : i32
      %dma_start3A_1785 = tpu.memref_slice %arg2[%dma_start3A_1783, %dma_start3A_1784] : memref<1000000x128xf32, #tpu.memory_space<hbm>> -> memref<1000000x128xf32, #tpu.memory_space<hbm>>
      %dma_start3A_1786 = tpu.memref_slice %arg7[%dma_start3A_1777] : memref<4x!tpu.dma_semaphore, #tpu.memory_space<semaphore_mem>> -> memref<1x!tpu.dma_semaphore, #tpu.memory_space<semaphore_mem>>
      %dma_start3A_1787 = tpu.memref_squeeze %dma_start3A_1786 : memref<1x!tpu.dma_semaphore, #tpu.memory_space<semaphore_mem>> -> memref<!tpu.dma_semaphore, #tpu.memory_space<semaphore_mem>>
      tpu.enqueue_indirect_dma source(%dma_start3A_1785 : memref<1000000x128xf32, #tpu.memory_space<hbm>>) target(%dma_start3A_1781 : memref<128x128xf32, #tpu.memory_space<vmem>>) offsets(%dma_start3A_1782 : memref<128xi32, #tpu.memory_space<vmem>>) semaphore(%dma_start3A_1787 : memref<!tpu.dma_semaphore, #tpu.memory_space<semaphore_mem>>)
      %dma_start3A_1788 = arith.constant 1 : i32
      %dma_start3A_1789 = arith.constant 1 : i32
      %dma_start3A_1790 = arith.constant 128 : i32
      %dma_start3A_1791 = arith.constant 0 : i32
      %dma_start3A_1792 = tpu.memref_slice %arg6[%dma_start3A_1788, %dma_start3A_1790, %dma_start3A_1791] : memref<4x200x128xf32, #tpu.memory_space<vmem>> -> memref<1x72x128xf32, #tpu.memory_space<vmem>>
      %dma_start3A_1793 = tpu.memref_squeeze %dma_start3A_1792 : memref<1x72x128xf32, #tpu.memory_space<vmem>> -> memref<72x128xf32, #tpu.memory_space<vmem>>
      %dma_start3A_1794 = tpu.memref_slice %arg5[%add3A_1775] : memref<6400xi32, #tpu.memory_space<vmem>> -> memref<72xi32, #tpu.memory_space<vmem>>
      %dma_start3A_1795 = arith.constant 0 : i32
      %dma_start3A_1796 = arith.constant 0 : i32
      %dma_start3A_1797 = tpu.memref_slice %arg2[%dma_start3A_1795, %dma_start3A_1796] : memref<1000000x128xf32, #tpu.memory_space<hbm>> -> memref<1000000x128xf32, #tpu.memory_space<hbm>>
      %dma_start3A_1798 = tpu.memref_slice %arg7[%dma_start3A_1789] : memref<4x!tpu.dma_semaphore, #tpu.memory_space<semaphore_mem>> -> memref<1x!tpu.dma_semaphore, #tpu.memory_space<semaphore_mem>>
      %dma_start3A_1799 = tpu.memref_squeeze %dma_start3A_1798 : memref<1x!tpu.dma_semaphore, #tpu.memory_space<semaphore_mem>> -> memref<!tpu.dma_semaphore, #tpu.memory_space<semaphore_mem>>
      tpu.enqueue_indirect_dma source(%dma_start3A_1797 : memref<1000000x128xf32, #tpu.memory_space<hbm>>) target(%dma_start3A_1793 : memref<72x128xf32, #tpu.memory_space<vmem>>) offsets(%dma_start3A_1794 : memref<72xi32, #tpu.memory_space<vmem>>) semaphore(%dma_start3A_1799 : memref<!tpu.dma_semaphore, #tpu.memory_space<semaphore_mem>>)
      %mul3A_1800 = arith.constant 4 : i32
      %mul3A_1801 = arith.muli %add3A_991, %mul3A_1800 : i32
      %add3A_1802 = arith.constant 2 : i32
      %add3A_1803 = arith.addi %mul3A_1801, %add3A_1802 : i32
      %mul3A_1804 = arith.constant 4 : i32
      %mul3A_1805 = arith.muli %add3A_1803, %mul3A_1804 : i32
      %add3A_1806 = arith.addi %mul3A_4, %mul3A_1805 : i32
      %add3A_1807 = arith.constant 0 : i32
      %add3A_1808 = arith.addi %add3A_1806, %add3A_1807 : i32
      %mul3A_1809 = arith.constant 4 : i32
      %mul3A_1810 = arith.muli %add3A_1803, %mul3A_1809 : i32
      %add3A_1811 = arith.addi %mul3A_4, %mul3A_1810 : i32
      %add3A_1812 = arith.constant 1 : i32
      %add3A_1813 = arith.addi %add3A_1811, %add3A_1812 : i32
      %mul3A_1814 = arith.constant 4 : i32
      %mul3A_1815 = arith.muli %add3A_1803, %mul3A_1814 : i32
      %add3A_1816 = arith.addi %mul3A_4, %mul3A_1815 : i32
      %add3A_1817 = arith.constant 2 : i32
      %add3A_1818 = arith.addi %add3A_1816, %add3A_1817 : i32
      %mul3A_1819 = arith.constant 4 : i32
      %mul3A_1820 = arith.muli %add3A_1803, %mul3A_1819 : i32
      %add3A_1821 = arith.addi %mul3A_4, %mul3A_1820 : i32
      %add3A_1822 = arith.constant 3 : i32
      %add3A_1823 = arith.addi %add3A_1821, %add3A_1822 : i32
      %dma_wait3A_1824 = arith.constant 2 : i32
      %dma_wait3A_1825 = arith.constant 2 : i32
      %dma_wait3A_1826 = arith.constant 0 : i32
      %dma_wait3A_1827 = arith.constant 0 : i32
      %dma_wait3A_1828 = tpu.memref_slice %arg6[%dma_wait3A_1824, %dma_wait3A_1826, %dma_wait3A_1827] : memref<4x200x128xf32, #tpu.memory_space<vmem>> -> memref<1x50x128xf32, #tpu.memory_space<vmem>>
      %dma_wait3A_1829 = tpu.memref_squeeze %dma_wait3A_1828 : memref<1x50x128xf32, #tpu.memory_space<vmem>> -> memref<50x128xf32, #tpu.memory_space<vmem>>
      %dma_wait3A_1830 = arith.constant 0 : i32
      %dma_wait3A_1831 = arith.constant 0 : i32
      %dma_wait3A_1832 = tpu.memref_slice %arg4[%add3A_1808, %dma_wait3A_1830, %dma_wait3A_1831] : memref<4096x50x128xf32, #tpu.memory_space<hbm>> -> memref<1x50x128xf32, #tpu.memory_space<hbm>>
      %dma_wait3A_1833 = tpu.memref_squeeze %dma_wait3A_1832 : memref<1x50x128xf32, #tpu.memory_space<hbm>> -> memref<50x128xf32, #tpu.memory_space<hbm>>
      %dma_wait3A_1834 = tpu.memref_slice %arg8[%dma_wait3A_1825] : memref<4x!tpu.dma_semaphore, #tpu.memory_space<semaphore_mem>> -> memref<1x!tpu.dma_semaphore, #tpu.memory_space<semaphore_mem>>
      %dma_wait3A_1835 = tpu.memref_squeeze %dma_wait3A_1834 : memref<1x!tpu.dma_semaphore, #tpu.memory_space<semaphore_mem>> -> memref<!tpu.dma_semaphore, #tpu.memory_space<semaphore_mem>>
      %dma_wait3A_1836 = arith.constant 0 : i32
      %dma_wait3A_1837 = arith.constant 0 : i32
      %dma_wait3A_1838 = tpu.memref_slice %arg4[%add3A_1808, %dma_wait3A_1836, %dma_wait3A_1837] : memref<4096x50x128xf32, #tpu.memory_space<hbm>> -> memref<1x50x128xf32, #tpu.memory_space<hbm>>
      %dma_wait3A_1839 = tpu.memref_squeeze %dma_wait3A_1838 : memref<1x50x128xf32, #tpu.memory_space<hbm>> -> memref<50x128xf32, #tpu.memory_space<hbm>>
      %dma_wait3A_1840 = arith.constant 0 : i32
      %dma_wait3A_1841 = arith.constant 0 : i32
      %dma_wait3A_1842 = tpu.memref_slice %arg6[%dma_wait3A_1824, %dma_wait3A_1840, %dma_wait3A_1841] : memref<4x200x128xf32, #tpu.memory_space<vmem>> -> memref<1x50x128xf32, #tpu.memory_space<vmem>>
      %dma_wait3A_1843 = tpu.memref_squeeze %dma_wait3A_1842 : memref<1x50x128xf32, #tpu.memory_space<vmem>> -> memref<50x128xf32, #tpu.memory_space<vmem>>
      tpu.wait_dma2 semaphore(%dma_wait3A_1835 : memref<!tpu.dma_semaphore, #tpu.memory_space<semaphore_mem>>) src(%dma_wait3A_1843 : memref<50x128xf32, #tpu.memory_space<vmem>>) dst(%dma_wait3A_1839 : memref<50x128xf32, #tpu.memory_space<hbm>>)
      %dma_wait3A_1844 = arith.constant 2 : i32
      %dma_wait3A_1845 = arith.constant 2 : i32
      %dma_wait3A_1846 = arith.constant 50 : i32
      %dma_wait3A_1847 = arith.constant 0 : i32
      %dma_wait3A_1848 = tpu.memref_slice %arg6[%dma_wait3A_1844, %dma_wait3A_1846, %dma_wait3A_1847] : memref<4x200x128xf32, #tpu.memory_space<vmem>> -> memref<1x50x128xf32, #tpu.memory_space<vmem>>
      %dma_wait3A_1849 = tpu.memref_squeeze %dma_wait3A_1848 : memref<1x50x128xf32, #tpu.memory_space<vmem>> -> memref<50x128xf32, #tpu.memory_space<vmem>>
      %dma_wait3A_1850 = arith.constant 0 : i32
      %dma_wait3A_1851 = arith.constant 0 : i32
      %dma_wait3A_1852 = tpu.memref_slice %arg4[%add3A_1813, %dma_wait3A_1850, %dma_wait3A_1851] : memref<4096x50x128xf32, #tpu.memory_space<hbm>> -> memref<1x50x128xf32, #tpu.memory_space<hbm>>
      %dma_wait3A_1853 = tpu.memref_squeeze %dma_wait3A_1852 : memref<1x50x128xf32, #tpu.memory_space<hbm>> -> memref<50x128xf32, #tpu.memory_space<hbm>>
      %dma_wait3A_1854 = tpu.memref_slice %arg8[%dma_wait3A_1845] : memref<4x!tpu.dma_semaphore, #tpu.memory_space<semaphore_mem>> -> memref<1x!tpu.dma_semaphore, #tpu.memory_space<semaphore_mem>>
      %dma_wait3A_1855 = tpu.memref_squeeze %dma_wait3A_1854 : memref<1x!tpu.dma_semaphore, #tpu.memory_space<semaphore_mem>> -> memref<!tpu.dma_semaphore, #tpu.memory_space<semaphore_mem>>
      %dma_wait3A_1856 = arith.constant 0 : i32
      %dma_wait3A_1857 = arith.constant 0 : i32
      %dma_wait3A_1858 = tpu.memref_slice %arg4[%add3A_1813, %dma_wait3A_1856, %dma_wait3A_1857] : memref<4096x50x128xf32, #tpu.memory_space<hbm>> -> memref<1x50x128xf32, #tpu.memory_space<hbm>>
      %dma_wait3A_1859 = tpu.memref_squeeze %dma_wait3A_1858 : memref<1x50x128xf32, #tpu.memory_space<hbm>> -> memref<50x128xf32, #tpu.memory_space<hbm>>
      %dma_wait3A_1860 = arith.constant 50 : i32
      %dma_wait3A_1861 = arith.constant 0 : i32
      %dma_wait3A_1862 = tpu.memref_slice %arg6[%dma_wait3A_1844, %dma_wait3A_1860, %dma_wait3A_1861] : memref<4x200x128xf32, #tpu.memory_space<vmem>> -> memref<1x50x128xf32, #tpu.memory_space<vmem>>
      %dma_wait3A_1863 = tpu.memref_squeeze %dma_wait3A_1862 : memref<1x50x128xf32, #tpu.memory_space<vmem>> -> memref<50x128xf32, #tpu.memory_space<vmem>>
      tpu.wait_dma2 semaphore(%dma_wait3A_1855 : memref<!tpu.dma_semaphore, #tpu.memory_space<semaphore_mem>>) src(%dma_wait3A_1863 : memref<50x128xf32, #tpu.memory_space<vmem>>) dst(%dma_wait3A_1859 : memref<50x128xf32, #tpu.memory_space<hbm>>)
      %dma_wait3A_1864 = arith.constant 2 : i32
      %dma_wait3A_1865 = arith.constant 2 : i32
      %dma_wait3A_1866 = arith.constant 100 : i32
      %dma_wait3A_1867 = arith.constant 0 : i32
      %dma_wait3A_1868 = tpu.memref_slice %arg6[%dma_wait3A_1864, %dma_wait3A_1866, %dma_wait3A_1867] : memref<4x200x128xf32, #tpu.memory_space<vmem>> -> memref<1x50x128xf32, #tpu.memory_space<vmem>>
      %dma_wait3A_1869 = tpu.memref_squeeze %dma_wait3A_1868 : memref<1x50x128xf32, #tpu.memory_space<vmem>> -> memref<50x128xf32, #tpu.memory_space<vmem>>
      %dma_wait3A_1870 = arith.constant 0 : i32
      %dma_wait3A_1871 = arith.constant 0 : i32
      %dma_wait3A_1872 = tpu.memref_slice %arg4[%add3A_1818, %dma_wait3A_1870, %dma_wait3A_1871] : memref<4096x50x128xf32, #tpu.memory_space<hbm>> -> memref<1x50x128xf32, #tpu.memory_space<hbm>>
      %dma_wait3A_1873 = tpu.memref_squeeze %dma_wait3A_1872 : memref<1x50x128xf32, #tpu.memory_space<hbm>> -> memref<50x128xf32, #tpu.memory_space<hbm>>
      %dma_wait3A_1874 = tpu.memref_slice %arg8[%dma_wait3A_1865] : memref<4x!tpu.dma_semaphore, #tpu.memory_space<semaphore_mem>> -> memref<1x!tpu.dma_semaphore, #tpu.memory_space<semaphore_mem>>
      %dma_wait3A_1875 = tpu.memref_squeeze %dma_wait3A_1874 : memref<1x!tpu.dma_semaphore, #tpu.memory_space<semaphore_mem>> -> memref<!tpu.dma_semaphore, #tpu.memory_space<semaphore_mem>>
      %dma_wait3A_1876 = arith.constant 0 : i32
      %dma_wait3A_1877 = arith.constant 0 : i32
      %dma_wait3A_1878 = tpu.memref_slice %arg4[%add3A_1818, %dma_wait3A_1876, %dma_wait3A_1877] : memref<4096x50x128xf32, #tpu.memory_space<hbm>> -> memref<1x50x128xf32, #tpu.memory_space<hbm>>
      %dma_wait3A_1879 = tpu.memref_squeeze %dma_wait3A_1878 : memref<1x50x128xf32, #tpu.memory_space<hbm>> -> memref<50x128xf32, #tpu.memory_space<hbm>>
      %dma_wait3A_1880 = arith.constant 100 : i32
      %dma_wait3A_1881 = arith.constant 0 : i32
      %dma_wait3A_1882 = tpu.memref_slice %arg6[%dma_wait3A_1864, %dma_wait3A_1880, %dma_wait3A_1881] : memref<4x200x128xf32, #tpu.memory_space<vmem>> -> memref<1x50x128xf32, #tpu.memory_space<vmem>>
      %dma_wait3A_1883 = tpu.memref_squeeze %dma_wait3A_1882 : memref<1x50x128xf32, #tpu.memory_space<vmem>> -> memref<50x128xf32, #tpu.memory_space<vmem>>
      tpu.wait_dma2 semaphore(%dma_wait3A_1875 : memref<!tpu.dma_semaphore, #tpu.memory_space<semaphore_mem>>) src(%dma_wait3A_1883 : memref<50x128xf32, #tpu.memory_space<vmem>>) dst(%dma_wait3A_1879 : memref<50x128xf32, #tpu.memory_space<hbm>>)
      %dma_wait3A_1884 = arith.constant 2 : i32
      %dma_wait3A_1885 = arith.constant 2 : i32
      %dma_wait3A_1886 = arith.constant 150 : i32
      %dma_wait3A_1887 = arith.constant 0 : i32
      %dma_wait3A_1888 = tpu.memref_slice %arg6[%dma_wait3A_1884, %dma_wait3A_1886, %dma_wait3A_1887] : memref<4x200x128xf32, #tpu.memory_space<vmem>> -> memref<1x50x128xf32, #tpu.memory_space<vmem>>
      %dma_wait3A_1889 = tpu.memref_squeeze %dma_wait3A_1888 : memref<1x50x128xf32, #tpu.memory_space<vmem>> -> memref<50x128xf32, #tpu.memory_space<vmem>>
      %dma_wait3A_1890 = arith.constant 0 : i32
      %dma_wait3A_1891 = arith.constant 0 : i32
      %dma_wait3A_1892 = tpu.memref_slice %arg4[%add3A_1823, %dma_wait3A_1890, %dma_wait3A_1891] : memref<4096x50x128xf32, #tpu.memory_space<hbm>> -> memref<1x50x128xf32, #tpu.memory_space<hbm>>
      %dma_wait3A_1893 = tpu.memref_squeeze %dma_wait3A_1892 : memref<1x50x128xf32, #tpu.memory_space<hbm>> -> memref<50x128xf32, #tpu.memory_space<hbm>>
      %dma_wait3A_1894 = tpu.memref_slice %arg8[%dma_wait3A_1885] : memref<4x!tpu.dma_semaphore, #tpu.memory_space<semaphore_mem>> -> memref<1x!tpu.dma_semaphore, #tpu.memory_space<semaphore_mem>>
      %dma_wait3A_1895 = tpu.memref_squeeze %dma_wait3A_1894 : memref<1x!tpu.dma_semaphore, #tpu.memory_space<semaphore_mem>> -> memref<!tpu.dma_semaphore, #tpu.memory_space<semaphore_mem>>
      %dma_wait3A_1896 = arith.constant 0 : i32
      %dma_wait3A_1897 = arith.constant 0 : i32
      %dma_wait3A_1898 = tpu.memref_slice %arg4[%add3A_1823, %dma_wait3A_1896, %dma_wait3A_1897] : memref<4096x50x128xf32, #tpu.memory_space<hbm>> -> memref<1x50x128xf32, #tpu.memory_space<hbm>>
      %dma_wait3A_1899 = tpu.memref_squeeze %dma_wait3A_1898 : memref<1x50x128xf32, #tpu.memory_space<hbm>> -> memref<50x128xf32, #tpu.memory_space<hbm>>
      %dma_wait3A_1900 = arith.constant 150 : i32
      %dma_wait3A_1901 = arith.constant 0 : i32
      %dma_wait3A_1902 = tpu.memref_slice %arg6[%dma_wait3A_1884, %dma_wait3A_1900, %dma_wait3A_1901] : memref<4x200x128xf32, #tpu.memory_space<vmem>> -> memref<1x50x128xf32, #tpu.memory_space<vmem>>
      %dma_wait3A_1903 = tpu.memref_squeeze %dma_wait3A_1902 : memref<1x50x128xf32, #tpu.memory_space<vmem>> -> memref<50x128xf32, #tpu.memory_space<vmem>>
      tpu.wait_dma2 semaphore(%dma_wait3A_1895 : memref<!tpu.dma_semaphore, #tpu.memory_space<semaphore_mem>>) src(%dma_wait3A_1903 : memref<50x128xf32, #tpu.memory_space<vmem>>) dst(%dma_wait3A_1899 : memref<50x128xf32, #tpu.memory_space<hbm>>)
      %add3A_1904 = arith.constant 4 : i32
      %add3A_1905 = arith.addi %add3A_1803, %add3A_1904 : i32
      %mul3A_1906 = arith.constant 200 : i32
      %mul3A_1907 = arith.muli %add3A_1905, %mul3A_1906 : i32
      %mul3A_1908 = arith.constant 200 : i32
      %mul3A_1909 = arith.muli %add3A_1905, %mul3A_1908 : i32
      %add3A_1910 = arith.constant 128 : i32
      %add3A_1911 = arith.addi %mul3A_1909, %add3A_1910 : i32
      %dma_start3A_1912 = arith.constant 2 : i32
      %dma_start3A_1913 = arith.constant 2 : i32
      %dma_start3A_1914 = arith.constant 0 : i32
      %dma_start3A_1915 = arith.constant 0 : i32
      %dma_start3A_1916 = tpu.memref_slice %arg6[%dma_start3A_1912, %dma_start3A_1914, %dma_start3A_1915] : memref<4x200x128xf32, #tpu.memory_space<vmem>> -> memref<1x128x128xf32, #tpu.memory_space<vmem>>
      %dma_start3A_1917 = tpu.memref_squeeze %dma_start3A_1916 : memref<1x128x128xf32, #tpu.memory_space<vmem>> -> memref<128x128xf32, #tpu.memory_space<vmem>>
      %dma_start3A_1918 = tpu.memref_slice %arg5[%mul3A_1907] : memref<6400xi32, #tpu.memory_space<vmem>> -> memref<128xi32, #tpu.memory_space<vmem>>
      %dma_start3A_1919 = arith.constant 0 : i32
      %dma_start3A_1920 = arith.constant 0 : i32
      %dma_start3A_1921 = tpu.memref_slice %arg2[%dma_start3A_1919, %dma_start3A_1920] : memref<1000000x128xf32, #tpu.memory_space<hbm>> -> memref<1000000x128xf32, #tpu.memory_space<hbm>>
      %dma_start3A_1922 = tpu.memref_slice %arg7[%dma_start3A_1913] : memref<4x!tpu.dma_semaphore, #tpu.memory_space<semaphore_mem>> -> memref<1x!tpu.dma_semaphore, #tpu.memory_space<semaphore_mem>>
      %dma_start3A_1923 = tpu.memref_squeeze %dma_start3A_1922 : memref<1x!tpu.dma_semaphore, #tpu.memory_space<semaphore_mem>> -> memref<!tpu.dma_semaphore, #tpu.memory_space<semaphore_mem>>
      tpu.enqueue_indirect_dma source(%dma_start3A_1921 : memref<1000000x128xf32, #tpu.memory_space<hbm>>) target(%dma_start3A_1917 : memref<128x128xf32, #tpu.memory_space<vmem>>) offsets(%dma_start3A_1918 : memref<128xi32, #tpu.memory_space<vmem>>) semaphore(%dma_start3A_1923 : memref<!tpu.dma_semaphore, #tpu.memory_space<semaphore_mem>>)
      %dma_start3A_1924 = arith.constant 2 : i32
      %dma_start3A_1925 = arith.constant 2 : i32
      %dma_start3A_1926 = arith.constant 128 : i32
      %dma_start3A_1927 = arith.constant 0 : i32
      %dma_start3A_1928 = tpu.memref_slice %arg6[%dma_start3A_1924, %dma_start3A_1926, %dma_start3A_1927] : memref<4x200x128xf32, #tpu.memory_space<vmem>> -> memref<1x72x128xf32, #tpu.memory_space<vmem>>
      %dma_start3A_1929 = tpu.memref_squeeze %dma_start3A_1928 : memref<1x72x128xf32, #tpu.memory_space<vmem>> -> memref<72x128xf32, #tpu.memory_space<vmem>>
      %dma_start3A_1930 = tpu.memref_slice %arg5[%add3A_1911] : memref<6400xi32, #tpu.memory_space<vmem>> -> memref<72xi32, #tpu.memory_space<vmem>>
      %dma_start3A_1931 = arith.constant 0 : i32
      %dma_start3A_1932 = arith.constant 0 : i32
      %dma_start3A_1933 = tpu.memref_slice %arg2[%dma_start3A_1931, %dma_start3A_1932] : memref<1000000x128xf32, #tpu.memory_space<hbm>> -> memref<1000000x128xf32, #tpu.memory_space<hbm>>
      %dma_start3A_1934 = tpu.memref_slice %arg7[%dma_start3A_1925] : memref<4x!tpu.dma_semaphore, #tpu.memory_space<semaphore_mem>> -> memref<1x!tpu.dma_semaphore, #tpu.memory_space<semaphore_mem>>
      %dma_start3A_1935 = tpu.memref_squeeze %dma_start3A_1934 : memref<1x!tpu.dma_semaphore, #tpu.memory_space<semaphore_mem>> -> memref<!tpu.dma_semaphore, #tpu.memory_space<semaphore_mem>>
      tpu.enqueue_indirect_dma source(%dma_start3A_1933 : memref<1000000x128xf32, #tpu.memory_space<hbm>>) target(%dma_start3A_1929 : memref<72x128xf32, #tpu.memory_space<vmem>>) offsets(%dma_start3A_1930 : memref<72xi32, #tpu.memory_space<vmem>>) semaphore(%dma_start3A_1935 : memref<!tpu.dma_semaphore, #tpu.memory_space<semaphore_mem>>)
      %mul3A_1936 = arith.constant 4 : i32
      %mul3A_1937 = arith.muli %add3A_991, %mul3A_1936 : i32
      %add3A_1938 = arith.constant 3 : i32
      %add3A_1939 = arith.addi %mul3A_1937, %add3A_1938 : i32
      %mul3A_1940 = arith.constant 4 : i32
      %mul3A_1941 = arith.muli %add3A_1939, %mul3A_1940 : i32
      %add3A_1942 = arith.addi %mul3A_4, %mul3A_1941 : i32
      %add3A_1943 = arith.constant 0 : i32
      %add3A_1944 = arith.addi %add3A_1942, %add3A_1943 : i32
      %mul3A_1945 = arith.constant 4 : i32
      %mul3A_1946 = arith.muli %add3A_1939, %mul3A_1945 : i32
      %add3A_1947 = arith.addi %mul3A_4, %mul3A_1946 : i32
      %add3A_1948 = arith.constant 1 : i32
      %add3A_1949 = arith.addi %add3A_1947, %add3A_1948 : i32
      %mul3A_1950 = arith.constant 4 : i32
      %mul3A_1951 = arith.muli %add3A_1939, %mul3A_1950 : i32
      %add3A_1952 = arith.addi %mul3A_4, %mul3A_1951 : i32
      %add3A_1953 = arith.constant 2 : i32
      %add3A_1954 = arith.addi %add3A_1952, %add3A_1953 : i32
      %mul3A_1955 = arith.constant 4 : i32
      %mul3A_1956 = arith.muli %add3A_1939, %mul3A_1955 : i32
      %add3A_1957 = arith.addi %mul3A_4, %mul3A_1956 : i32
      %add3A_1958 = arith.constant 3 : i32
      %add3A_1959 = arith.addi %add3A_1957, %add3A_1958 : i32
      %dma_wait3A_1960 = arith.constant 3 : i32
      %dma_wait3A_1961 = arith.constant 3 : i32
      %dma_wait3A_1962 = arith.constant 0 : i32
      %dma_wait3A_1963 = arith.constant 0 : i32
      %dma_wait3A_1964 = tpu.memref_slice %arg6[%dma_wait3A_1960, %dma_wait3A_1962, %dma_wait3A_1963] : memref<4x200x128xf32, #tpu.memory_space<vmem>> -> memref<1x50x128xf32, #tpu.memory_space<vmem>>
      %dma_wait3A_1965 = tpu.memref_squeeze %dma_wait3A_1964 : memref<1x50x128xf32, #tpu.memory_space<vmem>> -> memref<50x128xf32, #tpu.memory_space<vmem>>
      %dma_wait3A_1966 = arith.constant 0 : i32
      %dma_wait3A_1967 = arith.constant 0 : i32
      %dma_wait3A_1968 = tpu.memref_slice %arg4[%add3A_1944, %dma_wait3A_1966, %dma_wait3A_1967] : memref<4096x50x128xf32, #tpu.memory_space<hbm>> -> memref<1x50x128xf32, #tpu.memory_space<hbm>>
      %dma_wait3A_1969 = tpu.memref_squeeze %dma_wait3A_1968 : memref<1x50x128xf32, #tpu.memory_space<hbm>> -> memref<50x128xf32, #tpu.memory_space<hbm>>
      %dma_wait3A_1970 = tpu.memref_slice %arg8[%dma_wait3A_1961] : memref<4x!tpu.dma_semaphore, #tpu.memory_space<semaphore_mem>> -> memref<1x!tpu.dma_semaphore, #tpu.memory_space<semaphore_mem>>
      %dma_wait3A_1971 = tpu.memref_squeeze %dma_wait3A_1970 : memref<1x!tpu.dma_semaphore, #tpu.memory_space<semaphore_mem>> -> memref<!tpu.dma_semaphore, #tpu.memory_space<semaphore_mem>>
      %dma_wait3A_1972 = arith.constant 0 : i32
      %dma_wait3A_1973 = arith.constant 0 : i32
      %dma_wait3A_1974 = tpu.memref_slice %arg4[%add3A_1944, %dma_wait3A_1972, %dma_wait3A_1973] : memref<4096x50x128xf32, #tpu.memory_space<hbm>> -> memref<1x50x128xf32, #tpu.memory_space<hbm>>
      %dma_wait3A_1975 = tpu.memref_squeeze %dma_wait3A_1974 : memref<1x50x128xf32, #tpu.memory_space<hbm>> -> memref<50x128xf32, #tpu.memory_space<hbm>>
      %dma_wait3A_1976 = arith.constant 0 : i32
      %dma_wait3A_1977 = arith.constant 0 : i32
      %dma_wait3A_1978 = tpu.memref_slice %arg6[%dma_wait3A_1960, %dma_wait3A_1976, %dma_wait3A_1977] : memref<4x200x128xf32, #tpu.memory_space<vmem>> -> memref<1x50x128xf32, #tpu.memory_space<vmem>>
      %dma_wait3A_1979 = tpu.memref_squeeze %dma_wait3A_1978 : memref<1x50x128xf32, #tpu.memory_space<vmem>> -> memref<50x128xf32, #tpu.memory_space<vmem>>
      tpu.wait_dma2 semaphore(%dma_wait3A_1971 : memref<!tpu.dma_semaphore, #tpu.memory_space<semaphore_mem>>) src(%dma_wait3A_1979 : memref<50x128xf32, #tpu.memory_space<vmem>>) dst(%dma_wait3A_1975 : memref<50x128xf32, #tpu.memory_space<hbm>>)
      %dma_wait3A_1980 = arith.constant 3 : i32
      %dma_wait3A_1981 = arith.constant 3 : i32
      %dma_wait3A_1982 = arith.constant 50 : i32
      %dma_wait3A_1983 = arith.constant 0 : i32
      %dma_wait3A_1984 = tpu.memref_slice %arg6[%dma_wait3A_1980, %dma_wait3A_1982, %dma_wait3A_1983] : memref<4x200x128xf32, #tpu.memory_space<vmem>> -> memref<1x50x128xf32, #tpu.memory_space<vmem>>
      %dma_wait3A_1985 = tpu.memref_squeeze %dma_wait3A_1984 : memref<1x50x128xf32, #tpu.memory_space<vmem>> -> memref<50x128xf32, #tpu.memory_space<vmem>>
      %dma_wait3A_1986 = arith.constant 0 : i32
      %dma_wait3A_1987 = arith.constant 0 : i32
      %dma_wait3A_1988 = tpu.memref_slice %arg4[%add3A_1949, %dma_wait3A_1986, %dma_wait3A_1987] : memref<4096x50x128xf32, #tpu.memory_space<hbm>> -> memref<1x50x128xf32, #tpu.memory_space<hbm>>
      %dma_wait3A_1989 = tpu.memref_squeeze %dma_wait3A_1988 : memref<1x50x128xf32, #tpu.memory_space<hbm>> -> memref<50x128xf32, #tpu.memory_space<hbm>>
      %dma_wait3A_1990 = tpu.memref_slice %arg8[%dma_wait3A_1981] : memref<4x!tpu.dma_semaphore, #tpu.memory_space<semaphore_mem>> -> memref<1x!tpu.dma_semaphore, #tpu.memory_space<semaphore_mem>>
      %dma_wait3A_1991 = tpu.memref_squeeze %dma_wait3A_1990 : memref<1x!tpu.dma_semaphore, #tpu.memory_space<semaphore_mem>> -> memref<!tpu.dma_semaphore, #tpu.memory_space<semaphore_mem>>
      %dma_wait3A_1992 = arith.constant 0 : i32
      %dma_wait3A_1993 = arith.constant 0 : i32
      %dma_wait3A_1994 = tpu.memref_slice %arg4[%add3A_1949, %dma_wait3A_1992, %dma_wait3A_1993] : memref<4096x50x128xf32, #tpu.memory_space<hbm>> -> memref<1x50x128xf32, #tpu.memory_space<hbm>>
      %dma_wait3A_1995 = tpu.memref_squeeze %dma_wait3A_1994 : memref<1x50x128xf32, #tpu.memory_space<hbm>> -> memref<50x128xf32, #tpu.memory_space<hbm>>
      %dma_wait3A_1996 = arith.constant 50 : i32
      %dma_wait3A_1997 = arith.constant 0 : i32
      %dma_wait3A_1998 = tpu.memref_slice %arg6[%dma_wait3A_1980, %dma_wait3A_1996, %dma_wait3A_1997] : memref<4x200x128xf32, #tpu.memory_space<vmem>> -> memref<1x50x128xf32, #tpu.memory_space<vmem>>
      %dma_wait3A_1999 = tpu.memref_squeeze %dma_wait3A_1998 : memref<1x50x128xf32, #tpu.memory_space<vmem>> -> memref<50x128xf32, #tpu.memory_space<vmem>>
      tpu.wait_dma2 semaphore(%dma_wait3A_1991 : memref<!tpu.dma_semaphore, #tpu.memory_space<semaphore_mem>>) src(%dma_wait3A_1999 : memref<50x128xf32, #tpu.memory_space<vmem>>) dst(%dma_wait3A_1995 : memref<50x128xf32, #tpu.memory_space<hbm>>)
      %dma_wait3A_2000 = arith.constant 3 : i32
      %dma_wait3A_2001 = arith.constant 3 : i32
      %dma_wait3A_2002 = arith.constant 100 : i32
      %dma_wait3A_2003 = arith.constant 0 : i32
      %dma_wait3A_2004 = tpu.memref_slice %arg6[%dma_wait3A_2000, %dma_wait3A_2002, %dma_wait3A_2003] : memref<4x200x128xf32, #tpu.memory_space<vmem>> -> memref<1x50x128xf32, #tpu.memory_space<vmem>>
      %dma_wait3A_2005 = tpu.memref_squeeze %dma_wait3A_2004 : memref<1x50x128xf32, #tpu.memory_space<vmem>> -> memref<50x128xf32, #tpu.memory_space<vmem>>
      %dma_wait3A_2006 = arith.constant 0 : i32
      %dma_wait3A_2007 = arith.constant 0 : i32
      %dma_wait3A_2008 = tpu.memref_slice %arg4[%add3A_1954, %dma_wait3A_2006, %dma_wait3A_2007] : memref<4096x50x128xf32, #tpu.memory_space<hbm>> -> memref<1x50x128xf32, #tpu.memory_space<hbm>>
      %dma_wait3A_2009 = tpu.memref_squeeze %dma_wait3A_2008 : memref<1x50x128xf32, #tpu.memory_space<hbm>> -> memref<50x128xf32, #tpu.memory_space<hbm>>
      %dma_wait3A_2010 = tpu.memref_slice %arg8[%dma_wait3A_2001] : memref<4x!tpu.dma_semaphore, #tpu.memory_space<semaphore_mem>> -> memref<1x!tpu.dma_semaphore, #tpu.memory_space<semaphore_mem>>
      %dma_wait3A_2011 = tpu.memref_squeeze %dma_wait3A_2010 : memref<1x!tpu.dma_semaphore, #tpu.memory_space<semaphore_mem>> -> memref<!tpu.dma_semaphore, #tpu.memory_space<semaphore_mem>>
      %dma_wait3A_2012 = arith.constant 0 : i32
      %dma_wait3A_2013 = arith.constant 0 : i32
      %dma_wait3A_2014 = tpu.memref_slice %arg4[%add3A_1954, %dma_wait3A_2012, %dma_wait3A_2013] : memref<4096x50x128xf32, #tpu.memory_space<hbm>> -> memref<1x50x128xf32, #tpu.memory_space<hbm>>
      %dma_wait3A_2015 = tpu.memref_squeeze %dma_wait3A_2014 : memref<1x50x128xf32, #tpu.memory_space<hbm>> -> memref<50x128xf32, #tpu.memory_space<hbm>>
      %dma_wait3A_2016 = arith.constant 100 : i32
      %dma_wait3A_2017 = arith.constant 0 : i32
      %dma_wait3A_2018 = tpu.memref_slice %arg6[%dma_wait3A_2000, %dma_wait3A_2016, %dma_wait3A_2017] : memref<4x200x128xf32, #tpu.memory_space<vmem>> -> memref<1x50x128xf32, #tpu.memory_space<vmem>>
      %dma_wait3A_2019 = tpu.memref_squeeze %dma_wait3A_2018 : memref<1x50x128xf32, #tpu.memory_space<vmem>> -> memref<50x128xf32, #tpu.memory_space<vmem>>
      tpu.wait_dma2 semaphore(%dma_wait3A_2011 : memref<!tpu.dma_semaphore, #tpu.memory_space<semaphore_mem>>) src(%dma_wait3A_2019 : memref<50x128xf32, #tpu.memory_space<vmem>>) dst(%dma_wait3A_2015 : memref<50x128xf32, #tpu.memory_space<hbm>>)
      %dma_wait3A_2020 = arith.constant 3 : i32
      %dma_wait3A_2021 = arith.constant 3 : i32
      %dma_wait3A_2022 = arith.constant 150 : i32
      %dma_wait3A_2023 = arith.constant 0 : i32
      %dma_wait3A_2024 = tpu.memref_slice %arg6[%dma_wait3A_2020, %dma_wait3A_2022, %dma_wait3A_2023] : memref<4x200x128xf32, #tpu.memory_space<vmem>> -> memref<1x50x128xf32, #tpu.memory_space<vmem>>
      %dma_wait3A_2025 = tpu.memref_squeeze %dma_wait3A_2024 : memref<1x50x128xf32, #tpu.memory_space<vmem>> -> memref<50x128xf32, #tpu.memory_space<vmem>>
      %dma_wait3A_2026 = arith.constant 0 : i32
      %dma_wait3A_2027 = arith.constant 0 : i32
      %dma_wait3A_2028 = tpu.memref_slice %arg4[%add3A_1959, %dma_wait3A_2026, %dma_wait3A_2027] : memref<4096x50x128xf32, #tpu.memory_space<hbm>> -> memref<1x50x128xf32, #tpu.memory_space<hbm>>
      %dma_wait3A_2029 = tpu.memref_squeeze %dma_wait3A_2028 : memref<1x50x128xf32, #tpu.memory_space<hbm>> -> memref<50x128xf32, #tpu.memory_space<hbm>>
      %dma_wait3A_2030 = tpu.memref_slice %arg8[%dma_wait3A_2021] : memref<4x!tpu.dma_semaphore, #tpu.memory_space<semaphore_mem>> -> memref<1x!tpu.dma_semaphore, #tpu.memory_space<semaphore_mem>>
      %dma_wait3A_2031 = tpu.memref_squeeze %dma_wait3A_2030 : memref<1x!tpu.dma_semaphore, #tpu.memory_space<semaphore_mem>> -> memref<!tpu.dma_semaphore, #tpu.memory_space<semaphore_mem>>
      %dma_wait3A_2032 = arith.constant 0 : i32
      %dma_wait3A_2033 = arith.constant 0 : i32
      %dma_wait3A_2034 = tpu.memref_slice %arg4[%add3A_1959, %dma_wait3A_2032, %dma_wait3A_2033] : memref<4096x50x128xf32, #tpu.memory_space<hbm>> -> memref<1x50x128xf32, #tpu.memory_space<hbm>>
      %dma_wait3A_2035 = tpu.memref_squeeze %dma_wait3A_2034 : memref<1x50x128xf32, #tpu.memory_space<hbm>> -> memref<50x128xf32, #tpu.memory_space<hbm>>
      %dma_wait3A_2036 = arith.constant 150 : i32
      %dma_wait3A_2037 = arith.constant 0 : i32
      %dma_wait3A_2038 = tpu.memref_slice %arg6[%dma_wait3A_2020, %dma_wait3A_2036, %dma_wait3A_2037] : memref<4x200x128xf32, #tpu.memory_space<vmem>> -> memref<1x50x128xf32, #tpu.memory_space<vmem>>
      %dma_wait3A_2039 = tpu.memref_squeeze %dma_wait3A_2038 : memref<1x50x128xf32, #tpu.memory_space<vmem>> -> memref<50x128xf32, #tpu.memory_space<vmem>>
      tpu.wait_dma2 semaphore(%dma_wait3A_2031 : memref<!tpu.dma_semaphore, #tpu.memory_space<semaphore_mem>>) src(%dma_wait3A_2039 : memref<50x128xf32, #tpu.memory_space<vmem>>) dst(%dma_wait3A_2035 : memref<50x128xf32, #tpu.memory_space<hbm>>)
      %add3A_2040 = arith.constant 4 : i32
      %add3A_2041 = arith.addi %add3A_1939, %add3A_2040 : i32
      %mul3A_2042 = arith.constant 200 : i32
      %mul3A_2043 = arith.muli %add3A_2041, %mul3A_2042 : i32
      %mul3A_2044 = arith.constant 200 : i32
      %mul3A_2045 = arith.muli %add3A_2041, %mul3A_2044 : i32
      %add3A_2046 = arith.constant 128 : i32
      %add3A_2047 = arith.addi %mul3A_2045, %add3A_2046 : i32
      %dma_start3A_2048 = arith.constant 3 : i32
      %dma_start3A_2049 = arith.constant 3 : i32
      %dma_start3A_2050 = arith.constant 0 : i32
      %dma_start3A_2051 = arith.constant 0 : i32
      %dma_start3A_2052 = tpu.memref_slice %arg6[%dma_start3A_2048, %dma_start3A_2050, %dma_start3A_2051] : memref<4x200x128xf32, #tpu.memory_space<vmem>> -> memref<1x128x128xf32, #tpu.memory_space<vmem>>
      %dma_start3A_2053 = tpu.memref_squeeze %dma_start3A_2052 : memref<1x128x128xf32, #tpu.memory_space<vmem>> -> memref<128x128xf32, #tpu.memory_space<vmem>>
      %dma_start3A_2054 = tpu.memref_slice %arg5[%mul3A_2043] : memref<6400xi32, #tpu.memory_space<vmem>> -> memref<128xi32, #tpu.memory_space<vmem>>
      %dma_start3A_2055 = arith.constant 0 : i32
      %dma_start3A_2056 = arith.constant 0 : i32
      %dma_start3A_2057 = tpu.memref_slice %arg2[%dma_start3A_2055, %dma_start3A_2056] : memref<1000000x128xf32, #tpu.memory_space<hbm>> -> memref<1000000x128xf32, #tpu.memory_space<hbm>>
      %dma_start3A_2058 = tpu.memref_slice %arg7[%dma_start3A_2049] : memref<4x!tpu.dma_semaphore, #tpu.memory_space<semaphore_mem>> -> memref<1x!tpu.dma_semaphore, #tpu.memory_space<semaphore_mem>>
      %dma_start3A_2059 = tpu.memref_squeeze %dma_start3A_2058 : memref<1x!tpu.dma_semaphore, #tpu.memory_space<semaphore_mem>> -> memref<!tpu.dma_semaphore, #tpu.memory_space<semaphore_mem>>
      tpu.enqueue_indirect_dma source(%dma_start3A_2057 : memref<1000000x128xf32, #tpu.memory_space<hbm>>) target(%dma_start3A_2053 : memref<128x128xf32, #tpu.memory_space<vmem>>) offsets(%dma_start3A_2054 : memref<128xi32, #tpu.memory_space<vmem>>) semaphore(%dma_start3A_2059 : memref<!tpu.dma_semaphore, #tpu.memory_space<semaphore_mem>>)
      %dma_start3A_2060 = arith.constant 3 : i32
      %dma_start3A_2061 = arith.constant 3 : i32
      %dma_start3A_2062 = arith.constant 128 : i32
      %dma_start3A_2063 = arith.constant 0 : i32
      %dma_start3A_2064 = tpu.memref_slice %arg6[%dma_start3A_2060, %dma_start3A_2062, %dma_start3A_2063] : memref<4x200x128xf32, #tpu.memory_space<vmem>> -> memref<1x72x128xf32, #tpu.memory_space<vmem>>
      %dma_start3A_2065 = tpu.memref_squeeze %dma_start3A_2064 : memref<1x72x128xf32, #tpu.memory_space<vmem>> -> memref<72x128xf32, #tpu.memory_space<vmem>>
      %dma_start3A_2066 = tpu.memref_slice %arg5[%add3A_2047] : memref<6400xi32, #tpu.memory_space<vmem>> -> memref<72xi32, #tpu.memory_space<vmem>>
      %dma_start3A_2067 = arith.constant 0 : i32
      %dma_start3A_2068 = arith.constant 0 : i32
      %dma_start3A_2069 = tpu.memref_slice %arg2[%dma_start3A_2067, %dma_start3A_2068] : memref<1000000x128xf32, #tpu.memory_space<hbm>> -> memref<1000000x128xf32, #tpu.memory_space<hbm>>
      %dma_start3A_2070 = tpu.memref_slice %arg7[%dma_start3A_2061] : memref<4x!tpu.dma_semaphore, #tpu.memory_space<semaphore_mem>> -> memref<1x!tpu.dma_semaphore, #tpu.memory_space<semaphore_mem>>
      %dma_start3A_2071 = tpu.memref_squeeze %dma_start3A_2070 : memref<1x!tpu.dma_semaphore, #tpu.memory_space<semaphore_mem>> -> memref<!tpu.dma_semaphore, #tpu.memory_space<semaphore_mem>>
      tpu.enqueue_indirect_dma source(%dma_start3A_2069 : memref<1000000x128xf32, #tpu.memory_space<hbm>>) target(%dma_start3A_2065 : memref<72x128xf32, #tpu.memory_space<vmem>>) offsets(%dma_start3A_2066 : memref<72xi32, #tpu.memory_space<vmem>>) semaphore(%dma_start3A_2071 : memref<!tpu.dma_semaphore, #tpu.memory_space<semaphore_mem>>)
    }
    %scan3A_114 = arith.constant 7 : i32
    %dma_wait3A_115 = arith.constant 0 : i32
    %dma_wait3A_116 = arith.constant 0 : i32
    %dma_wait3A_117 = arith.constant 0 : i32
    %dma_wait3A_118 = arith.constant 0 : i32
    %dma_wait3A_119 = tpu.memref_slice %arg6[%dma_wait3A_115, %dma_wait3A_117, %dma_wait3A_118] : memref<4x200x128xf32, #tpu.memory_space<vmem>> -> memref<1x128x128xf32, #tpu.memory_space<vmem>>
    %dma_wait3A_120 = tpu.memref_squeeze %dma_wait3A_119 : memref<1x128x128xf32, #tpu.memory_space<vmem>> -> memref<128x128xf32, #tpu.memory_space<vmem>>
    %dma_wait3A_121 = arith.constant 5600 : i32
    %dma_wait3A_122 = tpu.memref_slice %arg5[%dma_wait3A_121] : memref<6400xi32, #tpu.memory_space<vmem>> -> memref<128xi32, #tpu.memory_space<vmem>>
    %dma_wait3A_123 = arith.constant 0 : i32
    %dma_wait3A_124 = arith.constant 0 : i32
    %dma_wait3A_125 = tpu.memref_slice %arg2[%dma_wait3A_123, %dma_wait3A_124] : memref<1000000x128xf32, #tpu.memory_space<hbm>> -> memref<1000000x128xf32, #tpu.memory_space<hbm>>
    %dma_wait3A_126 = tpu.memref_slice %arg7[%dma_wait3A_116] : memref<4x!tpu.dma_semaphore, #tpu.memory_space<semaphore_mem>> -> memref<1x!tpu.dma_semaphore, #tpu.memory_space<semaphore_mem>>
    %dma_wait3A_127 = tpu.memref_squeeze %dma_wait3A_126 : memref<1x!tpu.dma_semaphore, #tpu.memory_space<semaphore_mem>> -> memref<!tpu.dma_semaphore, #tpu.memory_space<semaphore_mem>>
    tpu.wait_indirect_dma semaphore(%dma_wait3A_127 : memref<!tpu.dma_semaphore, #tpu.memory_space<semaphore_mem>>) src(%dma_wait3A_125 : memref<1000000x128xf32, #tpu.memory_space<hbm>>) dst(%dma_wait3A_120 : memref<128x128xf32, #tpu.memory_space<vmem>>)
    %dma_wait3A_128 = arith.constant 0 : i32
    %dma_wait3A_129 = arith.constant 0 : i32
    %dma_wait3A_130 = arith.constant 128 : i32
    %dma_wait3A_131 = arith.constant 0 : i32
    %dma_wait3A_132 = tpu.memref_slice %arg6[%dma_wait3A_128, %dma_wait3A_130, %dma_wait3A_131] : memref<4x200x128xf32, #tpu.memory_space<vmem>> -> memref<1x72x128xf32, #tpu.memory_space<vmem>>
    %dma_wait3A_133 = tpu.memref_squeeze %dma_wait3A_132 : memref<1x72x128xf32, #tpu.memory_space<vmem>> -> memref<72x128xf32, #tpu.memory_space<vmem>>
    %dma_wait3A_134 = arith.constant 5728 : i32
    %dma_wait3A_135 = tpu.memref_slice %arg5[%dma_wait3A_134] : memref<6400xi32, #tpu.memory_space<vmem>> -> memref<72xi32, #tpu.memory_space<vmem>>
    %dma_wait3A_136 = arith.constant 0 : i32
    %dma_wait3A_137 = arith.constant 0 : i32
    %dma_wait3A_138 = tpu.memref_slice %arg2[%dma_wait3A_136, %dma_wait3A_137] : memref<1000000x128xf32, #tpu.memory_space<hbm>> -> memref<1000000x128xf32, #tpu.memory_space<hbm>>
    %dma_wait3A_139 = tpu.memref_slice %arg7[%dma_wait3A_129] : memref<4x!tpu.dma_semaphore, #tpu.memory_space<semaphore_mem>> -> memref<1x!tpu.dma_semaphore, #tpu.memory_space<semaphore_mem>>
    %dma_wait3A_140 = tpu.memref_squeeze %dma_wait3A_139 : memref<1x!tpu.dma_semaphore, #tpu.memory_space<semaphore_mem>> -> memref<!tpu.dma_semaphore, #tpu.memory_space<semaphore_mem>>
    tpu.wait_indirect_dma semaphore(%dma_wait3A_140 : memref<!tpu.dma_semaphore, #tpu.memory_space<semaphore_mem>>) src(%dma_wait3A_138 : memref<1000000x128xf32, #tpu.memory_space<hbm>>) dst(%dma_wait3A_133 : memref<72x128xf32, #tpu.memory_space<vmem>>)
    %add3A_141 = arith.constant 112 : i32
    %add3A_142 = arith.addi %mul3A_4, %add3A_141 : i32
    %add3A_143 = arith.constant 0 : i32
    %add3A_144 = arith.addi %add3A_142, %add3A_143 : i32
    %add3A_145 = arith.constant 112 : i32
    %add3A_146 = arith.addi %mul3A_4, %add3A_145 : i32
    %add3A_147 = arith.constant 1 : i32
    %add3A_148 = arith.addi %add3A_146, %add3A_147 : i32
    %add3A_149 = arith.constant 112 : i32
    %add3A_150 = arith.addi %mul3A_4, %add3A_149 : i32
    %add3A_151 = arith.constant 2 : i32
    %add3A_152 = arith.addi %add3A_150, %add3A_151 : i32
    %add3A_153 = arith.constant 112 : i32
    %add3A_154 = arith.addi %mul3A_4, %add3A_153 : i32
    %add3A_155 = arith.constant 3 : i32
    %add3A_156 = arith.addi %add3A_154, %add3A_155 : i32
    %dma_start3A_157 = arith.constant 0 : i32
    %dma_start3A_158 = arith.constant 0 : i32
    %dma_start3A_159 = arith.constant 0 : i32
    %dma_start3A_160 = arith.constant 0 : i32
    %dma_start3A_161 = tpu.memref_slice %arg6[%dma_start3A_157, %dma_start3A_159, %dma_start3A_160] : memref<4x200x128xf32, #tpu.memory_space<vmem>> -> memref<1x50x128xf32, #tpu.memory_space<vmem>>
    %dma_start3A_162 = tpu.memref_squeeze %dma_start3A_161 : memref<1x50x128xf32, #tpu.memory_space<vmem>> -> memref<50x128xf32, #tpu.memory_space<vmem>>
    %dma_start3A_163 = arith.constant 0 : i32
    %dma_start3A_164 = arith.constant 0 : i32
    %dma_start3A_165 = tpu.memref_slice %arg4[%add3A_144, %dma_start3A_163, %dma_start3A_164] : memref<4096x50x128xf32, #tpu.memory_space<hbm>> -> memref<1x50x128xf32, #tpu.memory_space<hbm>>
    %dma_start3A_166 = tpu.memref_squeeze %dma_start3A_165 : memref<1x50x128xf32, #tpu.memory_space<hbm>> -> memref<50x128xf32, #tpu.memory_space<hbm>>
    %dma_start3A_167 = tpu.memref_slice %arg8[%dma_start3A_158] : memref<4x!tpu.dma_semaphore, #tpu.memory_space<semaphore_mem>> -> memref<1x!tpu.dma_semaphore, #tpu.memory_space<semaphore_mem>>
    %dma_start3A_168 = tpu.memref_squeeze %dma_start3A_167 : memref<1x!tpu.dma_semaphore, #tpu.memory_space<semaphore_mem>> -> memref<!tpu.dma_semaphore, #tpu.memory_space<semaphore_mem>>
    %dma_start3A_169 = arith.constant 0 : i32
    %dma_start3A_170 = arith.constant 0 : i32
    %dma_start3A_171 = tpu.memref_slice %arg4[%add3A_144, %dma_start3A_169, %dma_start3A_170] : memref<4096x50x128xf32, #tpu.memory_space<hbm>> -> memref<1x50x128xf32, #tpu.memory_space<hbm>>
    %dma_start3A_172 = tpu.memref_squeeze %dma_start3A_171 : memref<1x50x128xf32, #tpu.memory_space<hbm>> -> memref<50x128xf32, #tpu.memory_space<hbm>>
    %dma_start3A_173 = arith.constant 0 : i32
    %dma_start3A_174 = arith.constant 0 : i32
    %dma_start3A_175 = tpu.memref_slice %arg6[%dma_start3A_157, %dma_start3A_173, %dma_start3A_174] : memref<4x200x128xf32, #tpu.memory_space<vmem>> -> memref<1x50x128xf32, #tpu.memory_space<vmem>>
    %dma_start3A_176 = tpu.memref_squeeze %dma_start3A_175 : memref<1x50x128xf32, #tpu.memory_space<vmem>> -> memref<50x128xf32, #tpu.memory_space<vmem>>
    tpu.enqueue_dma source(%dma_start3A_176 : memref<50x128xf32, #tpu.memory_space<vmem>>) target(%dma_start3A_172 : memref<50x128xf32, #tpu.memory_space<hbm>>) target_semaphore(%dma_start3A_168 : memref<!tpu.dma_semaphore, #tpu.memory_space<semaphore_mem>>)
    %dma_start3A_177 = arith.constant 0 : i32
    %dma_start3A_178 = arith.constant 0 : i32
    %dma_start3A_179 = arith.constant 50 : i32
    %dma_start3A_180 = arith.constant 0 : i32
    %dma_start3A_181 = tpu.memref_slice %arg6[%dma_start3A_177, %dma_start3A_179, %dma_start3A_180] : memref<4x200x128xf32, #tpu.memory_space<vmem>> -> memref<1x50x128xf32, #tpu.memory_space<vmem>>
    %dma_start3A_182 = tpu.memref_squeeze %dma_start3A_181 : memref<1x50x128xf32, #tpu.memory_space<vmem>> -> memref<50x128xf32, #tpu.memory_space<vmem>>
    %dma_start3A_183 = arith.constant 0 : i32
    %dma_start3A_184 = arith.constant 0 : i32
    %dma_start3A_185 = tpu.memref_slice %arg4[%add3A_148, %dma_start3A_183, %dma_start3A_184] : memref<4096x50x128xf32, #tpu.memory_space<hbm>> -> memref<1x50x128xf32, #tpu.memory_space<hbm>>
    %dma_start3A_186 = tpu.memref_squeeze %dma_start3A_185 : memref<1x50x128xf32, #tpu.memory_space<hbm>> -> memref<50x128xf32, #tpu.memory_space<hbm>>
    %dma_start3A_187 = tpu.memref_slice %arg8[%dma_start3A_178] : memref<4x!tpu.dma_semaphore, #tpu.memory_space<semaphore_mem>> -> memref<1x!tpu.dma_semaphore, #tpu.memory_space<semaphore_mem>>
    %dma_start3A_188 = tpu.memref_squeeze %dma_start3A_187 : memref<1x!tpu.dma_semaphore, #tpu.memory_space<semaphore_mem>> -> memref<!tpu.dma_semaphore, #tpu.memory_space<semaphore_mem>>
    %dma_start3A_189 = arith.constant 0 : i32
    %dma_start3A_190 = arith.constant 0 : i32
    %dma_start3A_191 = tpu.memref_slice %arg4[%add3A_148, %dma_start3A_189, %dma_start3A_190] : memref<4096x50x128xf32, #tpu.memory_space<hbm>> -> memref<1x50x128xf32, #tpu.memory_space<hbm>>
    %dma_start3A_192 = tpu.memref_squeeze %dma_start3A_191 : memref<1x50x128xf32, #tpu.memory_space<hbm>> -> memref<50x128xf32, #tpu.memory_space<hbm>>
    %dma_start3A_193 = arith.constant 50 : i32
    %dma_start3A_194 = arith.constant 0 : i32
    %dma_start3A_195 = tpu.memref_slice %arg6[%dma_start3A_177, %dma_start3A_193, %dma_start3A_194] : memref<4x200x128xf32, #tpu.memory_space<vmem>> -> memref<1x50x128xf32, #tpu.memory_space<vmem>>
    %dma_start3A_196 = tpu.memref_squeeze %dma_start3A_195 : memref<1x50x128xf32, #tpu.memory_space<vmem>> -> memref<50x128xf32, #tpu.memory_space<vmem>>
    tpu.enqueue_dma source(%dma_start3A_196 : memref<50x128xf32, #tpu.memory_space<vmem>>) target(%dma_start3A_192 : memref<50x128xf32, #tpu.memory_space<hbm>>) target_semaphore(%dma_start3A_188 : memref<!tpu.dma_semaphore, #tpu.memory_space<semaphore_mem>>)
    %dma_start3A_197 = arith.constant 0 : i32
    %dma_start3A_198 = arith.constant 0 : i32
    %dma_start3A_199 = arith.constant 100 : i32
    %dma_start3A_200 = arith.constant 0 : i32
    %dma_start3A_201 = tpu.memref_slice %arg6[%dma_start3A_197, %dma_start3A_199, %dma_start3A_200] : memref<4x200x128xf32, #tpu.memory_space<vmem>> -> memref<1x50x128xf32, #tpu.memory_space<vmem>>
    %dma_start3A_202 = tpu.memref_squeeze %dma_start3A_201 : memref<1x50x128xf32, #tpu.memory_space<vmem>> -> memref<50x128xf32, #tpu.memory_space<vmem>>
    %dma_start3A_203 = arith.constant 0 : i32
    %dma_start3A_204 = arith.constant 0 : i32
    %dma_start3A_205 = tpu.memref_slice %arg4[%add3A_152, %dma_start3A_203, %dma_start3A_204] : memref<4096x50x128xf32, #tpu.memory_space<hbm>> -> memref<1x50x128xf32, #tpu.memory_space<hbm>>
    %dma_start3A_206 = tpu.memref_squeeze %dma_start3A_205 : memref<1x50x128xf32, #tpu.memory_space<hbm>> -> memref<50x128xf32, #tpu.memory_space<hbm>>
    %dma_start3A_207 = tpu.memref_slice %arg8[%dma_start3A_198] : memref<4x!tpu.dma_semaphore, #tpu.memory_space<semaphore_mem>> -> memref<1x!tpu.dma_semaphore, #tpu.memory_space<semaphore_mem>>
    %dma_start3A_208 = tpu.memref_squeeze %dma_start3A_207 : memref<1x!tpu.dma_semaphore, #tpu.memory_space<semaphore_mem>> -> memref<!tpu.dma_semaphore, #tpu.memory_space<semaphore_mem>>
    %dma_start3A_209 = arith.constant 0 : i32
    %dma_start3A_210 = arith.constant 0 : i32
    %dma_start3A_211 = tpu.memref_slice %arg4[%add3A_152, %dma_start3A_209, %dma_start3A_210] : memref<4096x50x128xf32, #tpu.memory_space<hbm>> -> memref<1x50x128xf32, #tpu.memory_space<hbm>>
    %dma_start3A_212 = tpu.memref_squeeze %dma_start3A_211 : memref<1x50x128xf32, #tpu.memory_space<hbm>> -> memref<50x128xf32, #tpu.memory_space<hbm>>
    %dma_start3A_213 = arith.constant 100 : i32
    %dma_start3A_214 = arith.constant 0 : i32
    %dma_start3A_215 = tpu.memref_slice %arg6[%dma_start3A_197, %dma_start3A_213, %dma_start3A_214] : memref<4x200x128xf32, #tpu.memory_space<vmem>> -> memref<1x50x128xf32, #tpu.memory_space<vmem>>
    %dma_start3A_216 = tpu.memref_squeeze %dma_start3A_215 : memref<1x50x128xf32, #tpu.memory_space<vmem>> -> memref<50x128xf32, #tpu.memory_space<vmem>>
    tpu.enqueue_dma source(%dma_start3A_216 : memref<50x128xf32, #tpu.memory_space<vmem>>) target(%dma_start3A_212 : memref<50x128xf32, #tpu.memory_space<hbm>>) target_semaphore(%dma_start3A_208 : memref<!tpu.dma_semaphore, #tpu.memory_space<semaphore_mem>>)
    %dma_start3A_217 = arith.constant 0 : i32
    %dma_start3A_218 = arith.constant 0 : i32
    %dma_start3A_219 = arith.constant 150 : i32
    %dma_start3A_220 = arith.constant 0 : i32
    %dma_start3A_221 = tpu.memref_slice %arg6[%dma_start3A_217, %dma_start3A_219, %dma_start3A_220] : memref<4x200x128xf32, #tpu.memory_space<vmem>> -> memref<1x50x128xf32, #tpu.memory_space<vmem>>
    %dma_start3A_222 = tpu.memref_squeeze %dma_start3A_221 : memref<1x50x128xf32, #tpu.memory_space<vmem>> -> memref<50x128xf32, #tpu.memory_space<vmem>>
    %dma_start3A_223 = arith.constant 0 : i32
    %dma_start3A_224 = arith.constant 0 : i32
    %dma_start3A_225 = tpu.memref_slice %arg4[%add3A_156, %dma_start3A_223, %dma_start3A_224] : memref<4096x50x128xf32, #tpu.memory_space<hbm>> -> memref<1x50x128xf32, #tpu.memory_space<hbm>>
    %dma_start3A_226 = tpu.memref_squeeze %dma_start3A_225 : memref<1x50x128xf32, #tpu.memory_space<hbm>> -> memref<50x128xf32, #tpu.memory_space<hbm>>
    %dma_start3A_227 = tpu.memref_slice %arg8[%dma_start3A_218] : memref<4x!tpu.dma_semaphore, #tpu.memory_space<semaphore_mem>> -> memref<1x!tpu.dma_semaphore, #tpu.memory_space<semaphore_mem>>
    %dma_start3A_228 = tpu.memref_squeeze %dma_start3A_227 : memref<1x!tpu.dma_semaphore, #tpu.memory_space<semaphore_mem>> -> memref<!tpu.dma_semaphore, #tpu.memory_space<semaphore_mem>>
    %dma_start3A_229 = arith.constant 0 : i32
    %dma_start3A_230 = arith.constant 0 : i32
    %dma_start3A_231 = tpu.memref_slice %arg4[%add3A_156, %dma_start3A_229, %dma_start3A_230] : memref<4096x50x128xf32, #tpu.memory_space<hbm>> -> memref<1x50x128xf32, #tpu.memory_space<hbm>>
    %dma_start3A_232 = tpu.memref_squeeze %dma_start3A_231 : memref<1x50x128xf32, #tpu.memory_space<hbm>> -> memref<50x128xf32, #tpu.memory_space<hbm>>
    %dma_start3A_233 = arith.constant 150 : i32
    %dma_start3A_234 = arith.constant 0 : i32
    %dma_start3A_235 = tpu.memref_slice %arg6[%dma_start3A_217, %dma_start3A_233, %dma_start3A_234] : memref<4x200x128xf32, #tpu.memory_space<vmem>> -> memref<1x50x128xf32, #tpu.memory_space<vmem>>
    %dma_start3A_236 = tpu.memref_squeeze %dma_start3A_235 : memref<1x50x128xf32, #tpu.memory_space<vmem>> -> memref<50x128xf32, #tpu.memory_space<vmem>>
    tpu.enqueue_dma source(%dma_start3A_236 : memref<50x128xf32, #tpu.memory_space<vmem>>) target(%dma_start3A_232 : memref<50x128xf32, #tpu.memory_space<hbm>>) target_semaphore(%dma_start3A_228 : memref<!tpu.dma_semaphore, #tpu.memory_space<semaphore_mem>>)
    %dma_wait3A_237 = arith.constant 1 : i32
    %dma_wait3A_238 = arith.constant 1 : i32
    %dma_wait3A_239 = arith.constant 0 : i32
    %dma_wait3A_240 = arith.constant 0 : i32
    %dma_wait3A_241 = tpu.memref_slice %arg6[%dma_wait3A_237, %dma_wait3A_239, %dma_wait3A_240] : memref<4x200x128xf32, #tpu.memory_space<vmem>> -> memref<1x128x128xf32, #tpu.memory_space<vmem>>
    %dma_wait3A_242 = tpu.memref_squeeze %dma_wait3A_241 : memref<1x128x128xf32, #tpu.memory_space<vmem>> -> memref<128x128xf32, #tpu.memory_space<vmem>>
    %dma_wait3A_243 = arith.constant 5800 : i32
    %dma_wait3A_244 = tpu.memref_slice %arg5[%dma_wait3A_243] : memref<6400xi32, #tpu.memory_space<vmem>> -> memref<128xi32, #tpu.memory_space<vmem>>
    %dma_wait3A_245 = arith.constant 0 : i32
    %dma_wait3A_246 = arith.constant 0 : i32
    %dma_wait3A_247 = tpu.memref_slice %arg2[%dma_wait3A_245, %dma_wait3A_246] : memref<1000000x128xf32, #tpu.memory_space<hbm>> -> memref<1000000x128xf32, #tpu.memory_space<hbm>>
    %dma_wait3A_248 = tpu.memref_slice %arg7[%dma_wait3A_238] : memref<4x!tpu.dma_semaphore, #tpu.memory_space<semaphore_mem>> -> memref<1x!tpu.dma_semaphore, #tpu.memory_space<semaphore_mem>>
    %dma_wait3A_249 = tpu.memref_squeeze %dma_wait3A_248 : memref<1x!tpu.dma_semaphore, #tpu.memory_space<semaphore_mem>> -> memref<!tpu.dma_semaphore, #tpu.memory_space<semaphore_mem>>
    tpu.wait_indirect_dma semaphore(%dma_wait3A_249 : memref<!tpu.dma_semaphore, #tpu.memory_space<semaphore_mem>>) src(%dma_wait3A_247 : memref<1000000x128xf32, #tpu.memory_space<hbm>>) dst(%dma_wait3A_242 : memref<128x128xf32, #tpu.memory_space<vmem>>)
    %dma_wait3A_250 = arith.constant 1 : i32
    %dma_wait3A_251 = arith.constant 1 : i32
    %dma_wait3A_252 = arith.constant 128 : i32
    %dma_wait3A_253 = arith.constant 0 : i32
    %dma_wait3A_254 = tpu.memref_slice %arg6[%dma_wait3A_250, %dma_wait3A_252, %dma_wait3A_253] : memref<4x200x128xf32, #tpu.memory_space<vmem>> -> memref<1x72x128xf32, #tpu.memory_space<vmem>>
    %dma_wait3A_255 = tpu.memref_squeeze %dma_wait3A_254 : memref<1x72x128xf32, #tpu.memory_space<vmem>> -> memref<72x128xf32, #tpu.memory_space<vmem>>
    %dma_wait3A_256 = arith.constant 5928 : i32
    %dma_wait3A_257 = tpu.memref_slice %arg5[%dma_wait3A_256] : memref<6400xi32, #tpu.memory_space<vmem>> -> memref<72xi32, #tpu.memory_space<vmem>>
    %dma_wait3A_258 = arith.constant 0 : i32
    %dma_wait3A_259 = arith.constant 0 : i32
    %dma_wait3A_260 = tpu.memref_slice %arg2[%dma_wait3A_258, %dma_wait3A_259] : memref<1000000x128xf32, #tpu.memory_space<hbm>> -> memref<1000000x128xf32, #tpu.memory_space<hbm>>
    %dma_wait3A_261 = tpu.memref_slice %arg7[%dma_wait3A_251] : memref<4x!tpu.dma_semaphore, #tpu.memory_space<semaphore_mem>> -> memref<1x!tpu.dma_semaphore, #tpu.memory_space<semaphore_mem>>
    %dma_wait3A_262 = tpu.memref_squeeze %dma_wait3A_261 : memref<1x!tpu.dma_semaphore, #tpu.memory_space<semaphore_mem>> -> memref<!tpu.dma_semaphore, #tpu.memory_space<semaphore_mem>>
    tpu.wait_indirect_dma semaphore(%dma_wait3A_262 : memref<!tpu.dma_semaphore, #tpu.memory_space<semaphore_mem>>) src(%dma_wait3A_260 : memref<1000000x128xf32, #tpu.memory_space<hbm>>) dst(%dma_wait3A_255 : memref<72x128xf32, #tpu.memory_space<vmem>>)
    %add3A_263 = arith.constant 116 : i32
    %add3A_264 = arith.addi %mul3A_4, %add3A_263 : i32
    %add3A_265 = arith.constant 0 : i32
    %add3A_266 = arith.addi %add3A_264, %add3A_265 : i32
    %add3A_267 = arith.constant 116 : i32
    %add3A_268 = arith.addi %mul3A_4, %add3A_267 : i32
    %add3A_269 = arith.constant 1 : i32
    %add3A_270 = arith.addi %add3A_268, %add3A_269 : i32
    %add3A_271 = arith.constant 116 : i32
    %add3A_272 = arith.addi %mul3A_4, %add3A_271 : i32
    %add3A_273 = arith.constant 2 : i32
    %add3A_274 = arith.addi %add3A_272, %add3A_273 : i32
    %add3A_275 = arith.constant 116 : i32
    %add3A_276 = arith.addi %mul3A_4, %add3A_275 : i32
    %add3A_277 = arith.constant 3 : i32
    %add3A_278 = arith.addi %add3A_276, %add3A_277 : i32
    %dma_start3A_279 = arith.constant 1 : i32
    %dma_start3A_280 = arith.constant 1 : i32
    %dma_start3A_281 = arith.constant 0 : i32
    %dma_start3A_282 = arith.constant 0 : i32
    %dma_start3A_283 = tpu.memref_slice %arg6[%dma_start3A_279, %dma_start3A_281, %dma_start3A_282] : memref<4x200x128xf32, #tpu.memory_space<vmem>> -> memref<1x50x128xf32, #tpu.memory_space<vmem>>
    %dma_start3A_284 = tpu.memref_squeeze %dma_start3A_283 : memref<1x50x128xf32, #tpu.memory_space<vmem>> -> memref<50x128xf32, #tpu.memory_space<vmem>>
    %dma_start3A_285 = arith.constant 0 : i32
    %dma_start3A_286 = arith.constant 0 : i32
    %dma_start3A_287 = tpu.memref_slice %arg4[%add3A_266, %dma_start3A_285, %dma_start3A_286] : memref<4096x50x128xf32, #tpu.memory_space<hbm>> -> memref<1x50x128xf32, #tpu.memory_space<hbm>>
    %dma_start3A_288 = tpu.memref_squeeze %dma_start3A_287 : memref<1x50x128xf32, #tpu.memory_space<hbm>> -> memref<50x128xf32, #tpu.memory_space<hbm>>
    %dma_start3A_289 = tpu.memref_slice %arg8[%dma_start3A_280] : memref<4x!tpu.dma_semaphore, #tpu.memory_space<semaphore_mem>> -> memref<1x!tpu.dma_semaphore, #tpu.memory_space<semaphore_mem>>
    %dma_start3A_290 = tpu.memref_squeeze %dma_start3A_289 : memref<1x!tpu.dma_semaphore, #tpu.memory_space<semaphore_mem>> -> memref<!tpu.dma_semaphore, #tpu.memory_space<semaphore_mem>>
    %dma_start3A_291 = arith.constant 0 : i32
    %dma_start3A_292 = arith.constant 0 : i32
    %dma_start3A_293 = tpu.memref_slice %arg4[%add3A_266, %dma_start3A_291, %dma_start3A_292] : memref<4096x50x128xf32, #tpu.memory_space<hbm>> -> memref<1x50x128xf32, #tpu.memory_space<hbm>>
    %dma_start3A_294 = tpu.memref_squeeze %dma_start3A_293 : memref<1x50x128xf32, #tpu.memory_space<hbm>> -> memref<50x128xf32, #tpu.memory_space<hbm>>
    %dma_start3A_295 = arith.constant 0 : i32
    %dma_start3A_296 = arith.constant 0 : i32
    %dma_start3A_297 = tpu.memref_slice %arg6[%dma_start3A_279, %dma_start3A_295, %dma_start3A_296] : memref<4x200x128xf32, #tpu.memory_space<vmem>> -> memref<1x50x128xf32, #tpu.memory_space<vmem>>
    %dma_start3A_298 = tpu.memref_squeeze %dma_start3A_297 : memref<1x50x128xf32, #tpu.memory_space<vmem>> -> memref<50x128xf32, #tpu.memory_space<vmem>>
    tpu.enqueue_dma source(%dma_start3A_298 : memref<50x128xf32, #tpu.memory_space<vmem>>) target(%dma_start3A_294 : memref<50x128xf32, #tpu.memory_space<hbm>>) target_semaphore(%dma_start3A_290 : memref<!tpu.dma_semaphore, #tpu.memory_space<semaphore_mem>>)
    %dma_start3A_299 = arith.constant 1 : i32
    %dma_start3A_300 = arith.constant 1 : i32
    %dma_start3A_301 = arith.constant 50 : i32
    %dma_start3A_302 = arith.constant 0 : i32
    %dma_start3A_303 = tpu.memref_slice %arg6[%dma_start3A_299, %dma_start3A_301, %dma_start3A_302] : memref<4x200x128xf32, #tpu.memory_space<vmem>> -> memref<1x50x128xf32, #tpu.memory_space<vmem>>
    %dma_start3A_304 = tpu.memref_squeeze %dma_start3A_303 : memref<1x50x128xf32, #tpu.memory_space<vmem>> -> memref<50x128xf32, #tpu.memory_space<vmem>>
    %dma_start3A_305 = arith.constant 0 : i32
    %dma_start3A_306 = arith.constant 0 : i32
    %dma_start3A_307 = tpu.memref_slice %arg4[%add3A_270, %dma_start3A_305, %dma_start3A_306] : memref<4096x50x128xf32, #tpu.memory_space<hbm>> -> memref<1x50x128xf32, #tpu.memory_space<hbm>>
    %dma_start3A_308 = tpu.memref_squeeze %dma_start3A_307 : memref<1x50x128xf32, #tpu.memory_space<hbm>> -> memref<50x128xf32, #tpu.memory_space<hbm>>
    %dma_start3A_309 = tpu.memref_slice %arg8[%dma_start3A_300] : memref<4x!tpu.dma_semaphore, #tpu.memory_space<semaphore_mem>> -> memref<1x!tpu.dma_semaphore, #tpu.memory_space<semaphore_mem>>
    %dma_start3A_310 = tpu.memref_squeeze %dma_start3A_309 : memref<1x!tpu.dma_semaphore, #tpu.memory_space<semaphore_mem>> -> memref<!tpu.dma_semaphore, #tpu.memory_space<semaphore_mem>>
    %dma_start3A_311 = arith.constant 0 : i32
    %dma_start3A_312 = arith.constant 0 : i32
    %dma_start3A_313 = tpu.memref_slice %arg4[%add3A_270, %dma_start3A_311, %dma_start3A_312] : memref<4096x50x128xf32, #tpu.memory_space<hbm>> -> memref<1x50x128xf32, #tpu.memory_space<hbm>>
    %dma_start3A_314 = tpu.memref_squeeze %dma_start3A_313 : memref<1x50x128xf32, #tpu.memory_space<hbm>> -> memref<50x128xf32, #tpu.memory_space<hbm>>
    %dma_start3A_315 = arith.constant 50 : i32
    %dma_start3A_316 = arith.constant 0 : i32
    %dma_start3A_317 = tpu.memref_slice %arg6[%dma_start3A_299, %dma_start3A_315, %dma_start3A_316] : memref<4x200x128xf32, #tpu.memory_space<vmem>> -> memref<1x50x128xf32, #tpu.memory_space<vmem>>
    %dma_start3A_318 = tpu.memref_squeeze %dma_start3A_317 : memref<1x50x128xf32, #tpu.memory_space<vmem>> -> memref<50x128xf32, #tpu.memory_space<vmem>>
    tpu.enqueue_dma source(%dma_start3A_318 : memref<50x128xf32, #tpu.memory_space<vmem>>) target(%dma_start3A_314 : memref<50x128xf32, #tpu.memory_space<hbm>>) target_semaphore(%dma_start3A_310 : memref<!tpu.dma_semaphore, #tpu.memory_space<semaphore_mem>>)
    %dma_start3A_319 = arith.constant 1 : i32
    %dma_start3A_320 = arith.constant 1 : i32
    %dma_start3A_321 = arith.constant 100 : i32
    %dma_start3A_322 = arith.constant 0 : i32
    %dma_start3A_323 = tpu.memref_slice %arg6[%dma_start3A_319, %dma_start3A_321, %dma_start3A_322] : memref<4x200x128xf32, #tpu.memory_space<vmem>> -> memref<1x50x128xf32, #tpu.memory_space<vmem>>
    %dma_start3A_324 = tpu.memref_squeeze %dma_start3A_323 : memref<1x50x128xf32, #tpu.memory_space<vmem>> -> memref<50x128xf32, #tpu.memory_space<vmem>>
    %dma_start3A_325 = arith.constant 0 : i32
    %dma_start3A_326 = arith.constant 0 : i32
    %dma_start3A_327 = tpu.memref_slice %arg4[%add3A_274, %dma_start3A_325, %dma_start3A_326] : memref<4096x50x128xf32, #tpu.memory_space<hbm>> -> memref<1x50x128xf32, #tpu.memory_space<hbm>>
    %dma_start3A_328 = tpu.memref_squeeze %dma_start3A_327 : memref<1x50x128xf32, #tpu.memory_space<hbm>> -> memref<50x128xf32, #tpu.memory_space<hbm>>
    %dma_start3A_329 = tpu.memref_slice %arg8[%dma_start3A_320] : memref<4x!tpu.dma_semaphore, #tpu.memory_space<semaphore_mem>> -> memref<1x!tpu.dma_semaphore, #tpu.memory_space<semaphore_mem>>
    %dma_start3A_330 = tpu.memref_squeeze %dma_start3A_329 : memref<1x!tpu.dma_semaphore, #tpu.memory_space<semaphore_mem>> -> memref<!tpu.dma_semaphore, #tpu.memory_space<semaphore_mem>>
    %dma_start3A_331 = arith.constant 0 : i32
    %dma_start3A_332 = arith.constant 0 : i32
    %dma_start3A_333 = tpu.memref_slice %arg4[%add3A_274, %dma_start3A_331, %dma_start3A_332] : memref<4096x50x128xf32, #tpu.memory_space<hbm>> -> memref<1x50x128xf32, #tpu.memory_space<hbm>>
    %dma_start3A_334 = tpu.memref_squeeze %dma_start3A_333 : memref<1x50x128xf32, #tpu.memory_space<hbm>> -> memref<50x128xf32, #tpu.memory_space<hbm>>
    %dma_start3A_335 = arith.constant 100 : i32
    %dma_start3A_336 = arith.constant 0 : i32
    %dma_start3A_337 = tpu.memref_slice %arg6[%dma_start3A_319, %dma_start3A_335, %dma_start3A_336] : memref<4x200x128xf32, #tpu.memory_space<vmem>> -> memref<1x50x128xf32, #tpu.memory_space<vmem>>
    %dma_start3A_338 = tpu.memref_squeeze %dma_start3A_337 : memref<1x50x128xf32, #tpu.memory_space<vmem>> -> memref<50x128xf32, #tpu.memory_space<vmem>>
    tpu.enqueue_dma source(%dma_start3A_338 : memref<50x128xf32, #tpu.memory_space<vmem>>) target(%dma_start3A_334 : memref<50x128xf32, #tpu.memory_space<hbm>>) target_semaphore(%dma_start3A_330 : memref<!tpu.dma_semaphore, #tpu.memory_space<semaphore_mem>>)
    %dma_start3A_339 = arith.constant 1 : i32
    %dma_start3A_340 = arith.constant 1 : i32
    %dma_start3A_341 = arith.constant 150 : i32
    %dma_start3A_342 = arith.constant 0 : i32
    %dma_start3A_343 = tpu.memref_slice %arg6[%dma_start3A_339, %dma_start3A_341, %dma_start3A_342] : memref<4x200x128xf32, #tpu.memory_space<vmem>> -> memref<1x50x128xf32, #tpu.memory_space<vmem>>
    %dma_start3A_344 = tpu.memref_squeeze %dma_start3A_343 : memref<1x50x128xf32, #tpu.memory_space<vmem>> -> memref<50x128xf32, #tpu.memory_space<vmem>>
    %dma_start3A_345 = arith.constant 0 : i32
    %dma_start3A_346 = arith.constant 0 : i32
    %dma_start3A_347 = tpu.memref_slice %arg4[%add3A_278, %dma_start3A_345, %dma_start3A_346] : memref<4096x50x128xf32, #tpu.memory_space<hbm>> -> memref<1x50x128xf32, #tpu.memory_space<hbm>>
    %dma_start3A_348 = tpu.memref_squeeze %dma_start3A_347 : memref<1x50x128xf32, #tpu.memory_space<hbm>> -> memref<50x128xf32, #tpu.memory_space<hbm>>
    %dma_start3A_349 = tpu.memref_slice %arg8[%dma_start3A_340] : memref<4x!tpu.dma_semaphore, #tpu.memory_space<semaphore_mem>> -> memref<1x!tpu.dma_semaphore, #tpu.memory_space<semaphore_mem>>
    %dma_start3A_350 = tpu.memref_squeeze %dma_start3A_349 : memref<1x!tpu.dma_semaphore, #tpu.memory_space<semaphore_mem>> -> memref<!tpu.dma_semaphore, #tpu.memory_space<semaphore_mem>>
    %dma_start3A_351 = arith.constant 0 : i32
    %dma_start3A_352 = arith.constant 0 : i32
    %dma_start3A_353 = tpu.memref_slice %arg4[%add3A_278, %dma_start3A_351, %dma_start3A_352] : memref<4096x50x128xf32, #tpu.memory_space<hbm>> -> memref<1x50x128xf32, #tpu.memory_space<hbm>>
    %dma_start3A_354 = tpu.memref_squeeze %dma_start3A_353 : memref<1x50x128xf32, #tpu.memory_space<hbm>> -> memref<50x128xf32, #tpu.memory_space<hbm>>
    %dma_start3A_355 = arith.constant 150 : i32
    %dma_start3A_356 = arith.constant 0 : i32
    %dma_start3A_357 = tpu.memref_slice %arg6[%dma_start3A_339, %dma_start3A_355, %dma_start3A_356] : memref<4x200x128xf32, #tpu.memory_space<vmem>> -> memref<1x50x128xf32, #tpu.memory_space<vmem>>
    %dma_start3A_358 = tpu.memref_squeeze %dma_start3A_357 : memref<1x50x128xf32, #tpu.memory_space<vmem>> -> memref<50x128xf32, #tpu.memory_space<vmem>>
    tpu.enqueue_dma source(%dma_start3A_358 : memref<50x128xf32, #tpu.memory_space<vmem>>) target(%dma_start3A_354 : memref<50x128xf32, #tpu.memory_space<hbm>>) target_semaphore(%dma_start3A_350 : memref<!tpu.dma_semaphore, #tpu.memory_space<semaphore_mem>>)
    %dma_wait3A_359 = arith.constant 2 : i32
    %dma_wait3A_360 = arith.constant 2 : i32
    %dma_wait3A_361 = arith.constant 0 : i32
    %dma_wait3A_362 = arith.constant 0 : i32
    %dma_wait3A_363 = tpu.memref_slice %arg6[%dma_wait3A_359, %dma_wait3A_361, %dma_wait3A_362] : memref<4x200x128xf32, #tpu.memory_space<vmem>> -> memref<1x128x128xf32, #tpu.memory_space<vmem>>
    %dma_wait3A_364 = tpu.memref_squeeze %dma_wait3A_363 : memref<1x128x128xf32, #tpu.memory_space<vmem>> -> memref<128x128xf32, #tpu.memory_space<vmem>>
    %dma_wait3A_365 = arith.constant 6000 : i32
    %dma_wait3A_366 = tpu.memref_slice %arg5[%dma_wait3A_365] : memref<6400xi32, #tpu.memory_space<vmem>> -> memref<128xi32, #tpu.memory_space<vmem>>
    %dma_wait3A_367 = arith.constant 0 : i32
    %dma_wait3A_368 = arith.constant 0 : i32
    %dma_wait3A_369 = tpu.memref_slice %arg2[%dma_wait3A_367, %dma_wait3A_368] : memref<1000000x128xf32, #tpu.memory_space<hbm>> -> memref<1000000x128xf32, #tpu.memory_space<hbm>>
    %dma_wait3A_370 = tpu.memref_slice %arg7[%dma_wait3A_360] : memref<4x!tpu.dma_semaphore, #tpu.memory_space<semaphore_mem>> -> memref<1x!tpu.dma_semaphore, #tpu.memory_space<semaphore_mem>>
    %dma_wait3A_371 = tpu.memref_squeeze %dma_wait3A_370 : memref<1x!tpu.dma_semaphore, #tpu.memory_space<semaphore_mem>> -> memref<!tpu.dma_semaphore, #tpu.memory_space<semaphore_mem>>
    tpu.wait_indirect_dma semaphore(%dma_wait3A_371 : memref<!tpu.dma_semaphore, #tpu.memory_space<semaphore_mem>>) src(%dma_wait3A_369 : memref<1000000x128xf32, #tpu.memory_space<hbm>>) dst(%dma_wait3A_364 : memref<128x128xf32, #tpu.memory_space<vmem>>)
    %dma_wait3A_372 = arith.constant 2 : i32
    %dma_wait3A_373 = arith.constant 2 : i32
    %dma_wait3A_374 = arith.constant 128 : i32
    %dma_wait3A_375 = arith.constant 0 : i32
    %dma_wait3A_376 = tpu.memref_slice %arg6[%dma_wait3A_372, %dma_wait3A_374, %dma_wait3A_375] : memref<4x200x128xf32, #tpu.memory_space<vmem>> -> memref<1x72x128xf32, #tpu.memory_space<vmem>>
    %dma_wait3A_377 = tpu.memref_squeeze %dma_wait3A_376 : memref<1x72x128xf32, #tpu.memory_space<vmem>> -> memref<72x128xf32, #tpu.memory_space<vmem>>
    %dma_wait3A_378 = arith.constant 6128 : i32
    %dma_wait3A_379 = tpu.memref_slice %arg5[%dma_wait3A_378] : memref<6400xi32, #tpu.memory_space<vmem>> -> memref<72xi32, #tpu.memory_space<vmem>>
    %dma_wait3A_380 = arith.constant 0 : i32
    %dma_wait3A_381 = arith.constant 0 : i32
    %dma_wait3A_382 = tpu.memref_slice %arg2[%dma_wait3A_380, %dma_wait3A_381] : memref<1000000x128xf32, #tpu.memory_space<hbm>> -> memref<1000000x128xf32, #tpu.memory_space<hbm>>
    %dma_wait3A_383 = tpu.memref_slice %arg7[%dma_wait3A_373] : memref<4x!tpu.dma_semaphore, #tpu.memory_space<semaphore_mem>> -> memref<1x!tpu.dma_semaphore, #tpu.memory_space<semaphore_mem>>
    %dma_wait3A_384 = tpu.memref_squeeze %dma_wait3A_383 : memref<1x!tpu.dma_semaphore, #tpu.memory_space<semaphore_mem>> -> memref<!tpu.dma_semaphore, #tpu.memory_space<semaphore_mem>>
    tpu.wait_indirect_dma semaphore(%dma_wait3A_384 : memref<!tpu.dma_semaphore, #tpu.memory_space<semaphore_mem>>) src(%dma_wait3A_382 : memref<1000000x128xf32, #tpu.memory_space<hbm>>) dst(%dma_wait3A_377 : memref<72x128xf32, #tpu.memory_space<vmem>>)
    %add3A_385 = arith.constant 120 : i32
    %add3A_386 = arith.addi %mul3A_4, %add3A_385 : i32
    %add3A_387 = arith.constant 0 : i32
    %add3A_388 = arith.addi %add3A_386, %add3A_387 : i32
    %add3A_389 = arith.constant 120 : i32
    %add3A_390 = arith.addi %mul3A_4, %add3A_389 : i32
    %add3A_391 = arith.constant 1 : i32
    %add3A_392 = arith.addi %add3A_390, %add3A_391 : i32
    %add3A_393 = arith.constant 120 : i32
    %add3A_394 = arith.addi %mul3A_4, %add3A_393 : i32
    %add3A_395 = arith.constant 2 : i32
    %add3A_396 = arith.addi %add3A_394, %add3A_395 : i32
    %add3A_397 = arith.constant 120 : i32
    %add3A_398 = arith.addi %mul3A_4, %add3A_397 : i32
    %add3A_399 = arith.constant 3 : i32
    %add3A_400 = arith.addi %add3A_398, %add3A_399 : i32
    %dma_start3A_401 = arith.constant 2 : i32
    %dma_start3A_402 = arith.constant 2 : i32
    %dma_start3A_403 = arith.constant 0 : i32
    %dma_start3A_404 = arith.constant 0 : i32
    %dma_start3A_405 = tpu.memref_slice %arg6[%dma_start3A_401, %dma_start3A_403, %dma_start3A_404] : memref<4x200x128xf32, #tpu.memory_space<vmem>> -> memref<1x50x128xf32, #tpu.memory_space<vmem>>
    %dma_start3A_406 = tpu.memref_squeeze %dma_start3A_405 : memref<1x50x128xf32, #tpu.memory_space<vmem>> -> memref<50x128xf32, #tpu.memory_space<vmem>>
    %dma_start3A_407 = arith.constant 0 : i32
    %dma_start3A_408 = arith.constant 0 : i32
    %dma_start3A_409 = tpu.memref_slice %arg4[%add3A_388, %dma_start3A_407, %dma_start3A_408] : memref<4096x50x128xf32, #tpu.memory_space<hbm>> -> memref<1x50x128xf32, #tpu.memory_space<hbm>>
    %dma_start3A_410 = tpu.memref_squeeze %dma_start3A_409 : memref<1x50x128xf32, #tpu.memory_space<hbm>> -> memref<50x128xf32, #tpu.memory_space<hbm>>
    %dma_start3A_411 = tpu.memref_slice %arg8[%dma_start3A_402] : memref<4x!tpu.dma_semaphore, #tpu.memory_space<semaphore_mem>> -> memref<1x!tpu.dma_semaphore, #tpu.memory_space<semaphore_mem>>
    %dma_start3A_412 = tpu.memref_squeeze %dma_start3A_411 : memref<1x!tpu.dma_semaphore, #tpu.memory_space<semaphore_mem>> -> memref<!tpu.dma_semaphore, #tpu.memory_space<semaphore_mem>>
    %dma_start3A_413 = arith.constant 0 : i32
    %dma_start3A_414 = arith.constant 0 : i32
    %dma_start3A_415 = tpu.memref_slice %arg4[%add3A_388, %dma_start3A_413, %dma_start3A_414] : memref<4096x50x128xf32, #tpu.memory_space<hbm>> -> memref<1x50x128xf32, #tpu.memory_space<hbm>>
    %dma_start3A_416 = tpu.memref_squeeze %dma_start3A_415 : memref<1x50x128xf32, #tpu.memory_space<hbm>> -> memref<50x128xf32, #tpu.memory_space<hbm>>
    %dma_start3A_417 = arith.constant 0 : i32
    %dma_start3A_418 = arith.constant 0 : i32
    %dma_start3A_419 = tpu.memref_slice %arg6[%dma_start3A_401, %dma_start3A_417, %dma_start3A_418] : memref<4x200x128xf32, #tpu.memory_space<vmem>> -> memref<1x50x128xf32, #tpu.memory_space<vmem>>
    %dma_start3A_420 = tpu.memref_squeeze %dma_start3A_419 : memref<1x50x128xf32, #tpu.memory_space<vmem>> -> memref<50x128xf32, #tpu.memory_space<vmem>>
    tpu.enqueue_dma source(%dma_start3A_420 : memref<50x128xf32, #tpu.memory_space<vmem>>) target(%dma_start3A_416 : memref<50x128xf32, #tpu.memory_space<hbm>>) target_semaphore(%dma_start3A_412 : memref<!tpu.dma_semaphore, #tpu.memory_space<semaphore_mem>>)
    %dma_start3A_421 = arith.constant 2 : i32
    %dma_start3A_422 = arith.constant 2 : i32
    %dma_start3A_423 = arith.constant 50 : i32
    %dma_start3A_424 = arith.constant 0 : i32
    %dma_start3A_425 = tpu.memref_slice %arg6[%dma_start3A_421, %dma_start3A_423, %dma_start3A_424] : memref<4x200x128xf32, #tpu.memory_space<vmem>> -> memref<1x50x128xf32, #tpu.memory_space<vmem>>
    %dma_start3A_426 = tpu.memref_squeeze %dma_start3A_425 : memref<1x50x128xf32, #tpu.memory_space<vmem>> -> memref<50x128xf32, #tpu.memory_space<vmem>>
    %dma_start3A_427 = arith.constant 0 : i32
    %dma_start3A_428 = arith.constant 0 : i32
    %dma_start3A_429 = tpu.memref_slice %arg4[%add3A_392, %dma_start3A_427, %dma_start3A_428] : memref<4096x50x128xf32, #tpu.memory_space<hbm>> -> memref<1x50x128xf32, #tpu.memory_space<hbm>>
    %dma_start3A_430 = tpu.memref_squeeze %dma_start3A_429 : memref<1x50x128xf32, #tpu.memory_space<hbm>> -> memref<50x128xf32, #tpu.memory_space<hbm>>
    %dma_start3A_431 = tpu.memref_slice %arg8[%dma_start3A_422] : memref<4x!tpu.dma_semaphore, #tpu.memory_space<semaphore_mem>> -> memref<1x!tpu.dma_semaphore, #tpu.memory_space<semaphore_mem>>
    %dma_start3A_432 = tpu.memref_squeeze %dma_start3A_431 : memref<1x!tpu.dma_semaphore, #tpu.memory_space<semaphore_mem>> -> memref<!tpu.dma_semaphore, #tpu.memory_space<semaphore_mem>>
    %dma_start3A_433 = arith.constant 0 : i32
    %dma_start3A_434 = arith.constant 0 : i32
    %dma_start3A_435 = tpu.memref_slice %arg4[%add3A_392, %dma_start3A_433, %dma_start3A_434] : memref<4096x50x128xf32, #tpu.memory_space<hbm>> -> memref<1x50x128xf32, #tpu.memory_space<hbm>>
    %dma_start3A_436 = tpu.memref_squeeze %dma_start3A_435 : memref<1x50x128xf32, #tpu.memory_space<hbm>> -> memref<50x128xf32, #tpu.memory_space<hbm>>
    %dma_start3A_437 = arith.constant 50 : i32
    %dma_start3A_438 = arith.constant 0 : i32
    %dma_start3A_439 = tpu.memref_slice %arg6[%dma_start3A_421, %dma_start3A_437, %dma_start3A_438] : memref<4x200x128xf32, #tpu.memory_space<vmem>> -> memref<1x50x128xf32, #tpu.memory_space<vmem>>
    %dma_start3A_440 = tpu.memref_squeeze %dma_start3A_439 : memref<1x50x128xf32, #tpu.memory_space<vmem>> -> memref<50x128xf32, #tpu.memory_space<vmem>>
    tpu.enqueue_dma source(%dma_start3A_440 : memref<50x128xf32, #tpu.memory_space<vmem>>) target(%dma_start3A_436 : memref<50x128xf32, #tpu.memory_space<hbm>>) target_semaphore(%dma_start3A_432 : memref<!tpu.dma_semaphore, #tpu.memory_space<semaphore_mem>>)
    %dma_start3A_441 = arith.constant 2 : i32
    %dma_start3A_442 = arith.constant 2 : i32
    %dma_start3A_443 = arith.constant 100 : i32
    %dma_start3A_444 = arith.constant 0 : i32
    %dma_start3A_445 = tpu.memref_slice %arg6[%dma_start3A_441, %dma_start3A_443, %dma_start3A_444] : memref<4x200x128xf32, #tpu.memory_space<vmem>> -> memref<1x50x128xf32, #tpu.memory_space<vmem>>
    %dma_start3A_446 = tpu.memref_squeeze %dma_start3A_445 : memref<1x50x128xf32, #tpu.memory_space<vmem>> -> memref<50x128xf32, #tpu.memory_space<vmem>>
    %dma_start3A_447 = arith.constant 0 : i32
    %dma_start3A_448 = arith.constant 0 : i32
    %dma_start3A_449 = tpu.memref_slice %arg4[%add3A_396, %dma_start3A_447, %dma_start3A_448] : memref<4096x50x128xf32, #tpu.memory_space<hbm>> -> memref<1x50x128xf32, #tpu.memory_space<hbm>>
    %dma_start3A_450 = tpu.memref_squeeze %dma_start3A_449 : memref<1x50x128xf32, #tpu.memory_space<hbm>> -> memref<50x128xf32, #tpu.memory_space<hbm>>
    %dma_start3A_451 = tpu.memref_slice %arg8[%dma_start3A_442] : memref<4x!tpu.dma_semaphore, #tpu.memory_space<semaphore_mem>> -> memref<1x!tpu.dma_semaphore, #tpu.memory_space<semaphore_mem>>
    %dma_start3A_452 = tpu.memref_squeeze %dma_start3A_451 : memref<1x!tpu.dma_semaphore, #tpu.memory_space<semaphore_mem>> -> memref<!tpu.dma_semaphore, #tpu.memory_space<semaphore_mem>>
    %dma_start3A_453 = arith.constant 0 : i32
    %dma_start3A_454 = arith.constant 0 : i32
    %dma_start3A_455 = tpu.memref_slice %arg4[%add3A_396, %dma_start3A_453, %dma_start3A_454] : memref<4096x50x128xf32, #tpu.memory_space<hbm>> -> memref<1x50x128xf32, #tpu.memory_space<hbm>>
    %dma_start3A_456 = tpu.memref_squeeze %dma_start3A_455 : memref<1x50x128xf32, #tpu.memory_space<hbm>> -> memref<50x128xf32, #tpu.memory_space<hbm>>
    %dma_start3A_457 = arith.constant 100 : i32
    %dma_start3A_458 = arith.constant 0 : i32
    %dma_start3A_459 = tpu.memref_slice %arg6[%dma_start3A_441, %dma_start3A_457, %dma_start3A_458] : memref<4x200x128xf32, #tpu.memory_space<vmem>> -> memref<1x50x128xf32, #tpu.memory_space<vmem>>
    %dma_start3A_460 = tpu.memref_squeeze %dma_start3A_459 : memref<1x50x128xf32, #tpu.memory_space<vmem>> -> memref<50x128xf32, #tpu.memory_space<vmem>>
    tpu.enqueue_dma source(%dma_start3A_460 : memref<50x128xf32, #tpu.memory_space<vmem>>) target(%dma_start3A_456 : memref<50x128xf32, #tpu.memory_space<hbm>>) target_semaphore(%dma_start3A_452 : memref<!tpu.dma_semaphore, #tpu.memory_space<semaphore_mem>>)
    %dma_start3A_461 = arith.constant 2 : i32
    %dma_start3A_462 = arith.constant 2 : i32
    %dma_start3A_463 = arith.constant 150 : i32
    %dma_start3A_464 = arith.constant 0 : i32
    %dma_start3A_465 = tpu.memref_slice %arg6[%dma_start3A_461, %dma_start3A_463, %dma_start3A_464] : memref<4x200x128xf32, #tpu.memory_space<vmem>> -> memref<1x50x128xf32, #tpu.memory_space<vmem>>
    %dma_start3A_466 = tpu.memref_squeeze %dma_start3A_465 : memref<1x50x128xf32, #tpu.memory_space<vmem>> -> memref<50x128xf32, #tpu.memory_space<vmem>>
    %dma_start3A_467 = arith.constant 0 : i32
    %dma_start3A_468 = arith.constant 0 : i32
    %dma_start3A_469 = tpu.memref_slice %arg4[%add3A_400, %dma_start3A_467, %dma_start3A_468] : memref<4096x50x128xf32, #tpu.memory_space<hbm>> -> memref<1x50x128xf32, #tpu.memory_space<hbm>>
    %dma_start3A_470 = tpu.memref_squeeze %dma_start3A_469 : memref<1x50x128xf32, #tpu.memory_space<hbm>> -> memref<50x128xf32, #tpu.memory_space<hbm>>
    %dma_start3A_471 = tpu.memref_slice %arg8[%dma_start3A_462] : memref<4x!tpu.dma_semaphore, #tpu.memory_space<semaphore_mem>> -> memref<1x!tpu.dma_semaphore, #tpu.memory_space<semaphore_mem>>
    %dma_start3A_472 = tpu.memref_squeeze %dma_start3A_471 : memref<1x!tpu.dma_semaphore, #tpu.memory_space<semaphore_mem>> -> memref<!tpu.dma_semaphore, #tpu.memory_space<semaphore_mem>>
    %dma_start3A_473 = arith.constant 0 : i32
    %dma_start3A_474 = arith.constant 0 : i32
    %dma_start3A_475 = tpu.memref_slice %arg4[%add3A_400, %dma_start3A_473, %dma_start3A_474] : memref<4096x50x128xf32, #tpu.memory_space<hbm>> -> memref<1x50x128xf32, #tpu.memory_space<hbm>>
    %dma_start3A_476 = tpu.memref_squeeze %dma_start3A_475 : memref<1x50x128xf32, #tpu.memory_space<hbm>> -> memref<50x128xf32, #tpu.memory_space<hbm>>
    %dma_start3A_477 = arith.constant 150 : i32
    %dma_start3A_478 = arith.constant 0 : i32
    %dma_start3A_479 = tpu.memref_slice %arg6[%dma_start3A_461, %dma_start3A_477, %dma_start3A_478] : memref<4x200x128xf32, #tpu.memory_space<vmem>> -> memref<1x50x128xf32, #tpu.memory_space<vmem>>
    %dma_start3A_480 = tpu.memref_squeeze %dma_start3A_479 : memref<1x50x128xf32, #tpu.memory_space<vmem>> -> memref<50x128xf32, #tpu.memory_space<vmem>>
    tpu.enqueue_dma source(%dma_start3A_480 : memref<50x128xf32, #tpu.memory_space<vmem>>) target(%dma_start3A_476 : memref<50x128xf32, #tpu.memory_space<hbm>>) target_semaphore(%dma_start3A_472 : memref<!tpu.dma_semaphore, #tpu.memory_space<semaphore_mem>>)
    %dma_wait3A_481 = arith.constant 3 : i32
    %dma_wait3A_482 = arith.constant 3 : i32
    %dma_wait3A_483 = arith.constant 0 : i32
    %dma_wait3A_484 = arith.constant 0 : i32
    %dma_wait3A_485 = tpu.memref_slice %arg6[%dma_wait3A_481, %dma_wait3A_483, %dma_wait3A_484] : memref<4x200x128xf32, #tpu.memory_space<vmem>> -> memref<1x128x128xf32, #tpu.memory_space<vmem>>
    %dma_wait3A_486 = tpu.memref_squeeze %dma_wait3A_485 : memref<1x128x128xf32, #tpu.memory_space<vmem>> -> memref<128x128xf32, #tpu.memory_space<vmem>>
    %dma_wait3A_487 = arith.constant 6200 : i32
    %dma_wait3A_488 = tpu.memref_slice %arg5[%dma_wait3A_487] : memref<6400xi32, #tpu.memory_space<vmem>> -> memref<128xi32, #tpu.memory_space<vmem>>
    %dma_wait3A_489 = arith.constant 0 : i32
    %dma_wait3A_490 = arith.constant 0 : i32
    %dma_wait3A_491 = tpu.memref_slice %arg2[%dma_wait3A_489, %dma_wait3A_490] : memref<1000000x128xf32, #tpu.memory_space<hbm>> -> memref<1000000x128xf32, #tpu.memory_space<hbm>>
    %dma_wait3A_492 = tpu.memref_slice %arg7[%dma_wait3A_482] : memref<4x!tpu.dma_semaphore, #tpu.memory_space<semaphore_mem>> -> memref<1x!tpu.dma_semaphore, #tpu.memory_space<semaphore_mem>>
    %dma_wait3A_493 = tpu.memref_squeeze %dma_wait3A_492 : memref<1x!tpu.dma_semaphore, #tpu.memory_space<semaphore_mem>> -> memref<!tpu.dma_semaphore, #tpu.memory_space<semaphore_mem>>
    tpu.wait_indirect_dma semaphore(%dma_wait3A_493 : memref<!tpu.dma_semaphore, #tpu.memory_space<semaphore_mem>>) src(%dma_wait3A_491 : memref<1000000x128xf32, #tpu.memory_space<hbm>>) dst(%dma_wait3A_486 : memref<128x128xf32, #tpu.memory_space<vmem>>)
    %dma_wait3A_494 = arith.constant 3 : i32
    %dma_wait3A_495 = arith.constant 3 : i32
    %dma_wait3A_496 = arith.constant 128 : i32
    %dma_wait3A_497 = arith.constant 0 : i32
    %dma_wait3A_498 = tpu.memref_slice %arg6[%dma_wait3A_494, %dma_wait3A_496, %dma_wait3A_497] : memref<4x200x128xf32, #tpu.memory_space<vmem>> -> memref<1x72x128xf32, #tpu.memory_space<vmem>>
    %dma_wait3A_499 = tpu.memref_squeeze %dma_wait3A_498 : memref<1x72x128xf32, #tpu.memory_space<vmem>> -> memref<72x128xf32, #tpu.memory_space<vmem>>
    %dma_wait3A_500 = arith.constant 6328 : i32
    %dma_wait3A_501 = tpu.memref_slice %arg5[%dma_wait3A_500] : memref<6400xi32, #tpu.memory_space<vmem>> -> memref<72xi32, #tpu.memory_space<vmem>>
    %dma_wait3A_502 = arith.constant 0 : i32
    %dma_wait3A_503 = arith.constant 0 : i32
    %dma_wait3A_504 = tpu.memref_slice %arg2[%dma_wait3A_502, %dma_wait3A_503] : memref<1000000x128xf32, #tpu.memory_space<hbm>> -> memref<1000000x128xf32, #tpu.memory_space<hbm>>
    %dma_wait3A_505 = tpu.memref_slice %arg7[%dma_wait3A_495] : memref<4x!tpu.dma_semaphore, #tpu.memory_space<semaphore_mem>> -> memref<1x!tpu.dma_semaphore, #tpu.memory_space<semaphore_mem>>
    %dma_wait3A_506 = tpu.memref_squeeze %dma_wait3A_505 : memref<1x!tpu.dma_semaphore, #tpu.memory_space<semaphore_mem>> -> memref<!tpu.dma_semaphore, #tpu.memory_space<semaphore_mem>>
    tpu.wait_indirect_dma semaphore(%dma_wait3A_506 : memref<!tpu.dma_semaphore, #tpu.memory_space<semaphore_mem>>) src(%dma_wait3A_504 : memref<1000000x128xf32, #tpu.memory_space<hbm>>) dst(%dma_wait3A_499 : memref<72x128xf32, #tpu.memory_space<vmem>>)
    %add3A_507 = arith.constant 124 : i32
    %add3A_508 = arith.addi %mul3A_4, %add3A_507 : i32
    %add3A_509 = arith.constant 0 : i32
    %add3A_510 = arith.addi %add3A_508, %add3A_509 : i32
    %add3A_511 = arith.constant 124 : i32
    %add3A_512 = arith.addi %mul3A_4, %add3A_511 : i32
    %add3A_513 = arith.constant 1 : i32
    %add3A_514 = arith.addi %add3A_512, %add3A_513 : i32
    %add3A_515 = arith.constant 124 : i32
    %add3A_516 = arith.addi %mul3A_4, %add3A_515 : i32
    %add3A_517 = arith.constant 2 : i32
    %add3A_518 = arith.addi %add3A_516, %add3A_517 : i32
    %add3A_519 = arith.constant 124 : i32
    %add3A_520 = arith.addi %mul3A_4, %add3A_519 : i32
    %add3A_521 = arith.constant 3 : i32
    %add3A_522 = arith.addi %add3A_520, %add3A_521 : i32
    %dma_start3A_523 = arith.constant 3 : i32
    %dma_start3A_524 = arith.constant 3 : i32
    %dma_start3A_525 = arith.constant 0 : i32
    %dma_start3A_526 = arith.constant 0 : i32
    %dma_start3A_527 = tpu.memref_slice %arg6[%dma_start3A_523, %dma_start3A_525, %dma_start3A_526] : memref<4x200x128xf32, #tpu.memory_space<vmem>> -> memref<1x50x128xf32, #tpu.memory_space<vmem>>
    %dma_start3A_528 = tpu.memref_squeeze %dma_start3A_527 : memref<1x50x128xf32, #tpu.memory_space<vmem>> -> memref<50x128xf32, #tpu.memory_space<vmem>>
    %dma_start3A_529 = arith.constant 0 : i32
    %dma_start3A_530 = arith.constant 0 : i32
    %dma_start3A_531 = tpu.memref_slice %arg4[%add3A_510, %dma_start3A_529, %dma_start3A_530] : memref<4096x50x128xf32, #tpu.memory_space<hbm>> -> memref<1x50x128xf32, #tpu.memory_space<hbm>>
    %dma_start3A_532 = tpu.memref_squeeze %dma_start3A_531 : memref<1x50x128xf32, #tpu.memory_space<hbm>> -> memref<50x128xf32, #tpu.memory_space<hbm>>
    %dma_start3A_533 = tpu.memref_slice %arg8[%dma_start3A_524] : memref<4x!tpu.dma_semaphore, #tpu.memory_space<semaphore_mem>> -> memref<1x!tpu.dma_semaphore, #tpu.memory_space<semaphore_mem>>
    %dma_start3A_534 = tpu.memref_squeeze %dma_start3A_533 : memref<1x!tpu.dma_semaphore, #tpu.memory_space<semaphore_mem>> -> memref<!tpu.dma_semaphore, #tpu.memory_space<semaphore_mem>>
    %dma_start3A_535 = arith.constant 0 : i32
    %dma_start3A_536 = arith.constant 0 : i32
    %dma_start3A_537 = tpu.memref_slice %arg4[%add3A_510, %dma_start3A_535, %dma_start3A_536] : memref<4096x50x128xf32, #tpu.memory_space<hbm>> -> memref<1x50x128xf32, #tpu.memory_space<hbm>>
    %dma_start3A_538 = tpu.memref_squeeze %dma_start3A_537 : memref<1x50x128xf32, #tpu.memory_space<hbm>> -> memref<50x128xf32, #tpu.memory_space<hbm>>
    %dma_start3A_539 = arith.constant 0 : i32
    %dma_start3A_540 = arith.constant 0 : i32
    %dma_start3A_541 = tpu.memref_slice %arg6[%dma_start3A_523, %dma_start3A_539, %dma_start3A_540] : memref<4x200x128xf32, #tpu.memory_space<vmem>> -> memref<1x50x128xf32, #tpu.memory_space<vmem>>
    %dma_start3A_542 = tpu.memref_squeeze %dma_start3A_541 : memref<1x50x128xf32, #tpu.memory_space<vmem>> -> memref<50x128xf32, #tpu.memory_space<vmem>>
    tpu.enqueue_dma source(%dma_start3A_542 : memref<50x128xf32, #tpu.memory_space<vmem>>) target(%dma_start3A_538 : memref<50x128xf32, #tpu.memory_space<hbm>>) target_semaphore(%dma_start3A_534 : memref<!tpu.dma_semaphore, #tpu.memory_space<semaphore_mem>>)
    %dma_start3A_543 = arith.constant 3 : i32
    %dma_start3A_544 = arith.constant 3 : i32
    %dma_start3A_545 = arith.constant 50 : i32
    %dma_start3A_546 = arith.constant 0 : i32
    %dma_start3A_547 = tpu.memref_slice %arg6[%dma_start3A_543, %dma_start3A_545, %dma_start3A_546] : memref<4x200x128xf32, #tpu.memory_space<vmem>> -> memref<1x50x128xf32, #tpu.memory_space<vmem>>
    %dma_start3A_548 = tpu.memref_squeeze %dma_start3A_547 : memref<1x50x128xf32, #tpu.memory_space<vmem>> -> memref<50x128xf32, #tpu.memory_space<vmem>>
    %dma_start3A_549 = arith.constant 0 : i32
    %dma_start3A_550 = arith.constant 0 : i32
    %dma_start3A_551 = tpu.memref_slice %arg4[%add3A_514, %dma_start3A_549, %dma_start3A_550] : memref<4096x50x128xf32, #tpu.memory_space<hbm>> -> memref<1x50x128xf32, #tpu.memory_space<hbm>>
    %dma_start3A_552 = tpu.memref_squeeze %dma_start3A_551 : memref<1x50x128xf32, #tpu.memory_space<hbm>> -> memref<50x128xf32, #tpu.memory_space<hbm>>
    %dma_start3A_553 = tpu.memref_slice %arg8[%dma_start3A_544] : memref<4x!tpu.dma_semaphore, #tpu.memory_space<semaphore_mem>> -> memref<1x!tpu.dma_semaphore, #tpu.memory_space<semaphore_mem>>
    %dma_start3A_554 = tpu.memref_squeeze %dma_start3A_553 : memref<1x!tpu.dma_semaphore, #tpu.memory_space<semaphore_mem>> -> memref<!tpu.dma_semaphore, #tpu.memory_space<semaphore_mem>>
    %dma_start3A_555 = arith.constant 0 : i32
    %dma_start3A_556 = arith.constant 0 : i32
    %dma_start3A_557 = tpu.memref_slice %arg4[%add3A_514, %dma_start3A_555, %dma_start3A_556] : memref<4096x50x128xf32, #tpu.memory_space<hbm>> -> memref<1x50x128xf32, #tpu.memory_space<hbm>>
    %dma_start3A_558 = tpu.memref_squeeze %dma_start3A_557 : memref<1x50x128xf32, #tpu.memory_space<hbm>> -> memref<50x128xf32, #tpu.memory_space<hbm>>
    %dma_start3A_559 = arith.constant 50 : i32
    %dma_start3A_560 = arith.constant 0 : i32
    %dma_start3A_561 = tpu.memref_slice %arg6[%dma_start3A_543, %dma_start3A_559, %dma_start3A_560] : memref<4x200x128xf32, #tpu.memory_space<vmem>> -> memref<1x50x128xf32, #tpu.memory_space<vmem>>
    %dma_start3A_562 = tpu.memref_squeeze %dma_start3A_561 : memref<1x50x128xf32, #tpu.memory_space<vmem>> -> memref<50x128xf32, #tpu.memory_space<vmem>>
    tpu.enqueue_dma source(%dma_start3A_562 : memref<50x128xf32, #tpu.memory_space<vmem>>) target(%dma_start3A_558 : memref<50x128xf32, #tpu.memory_space<hbm>>) target_semaphore(%dma_start3A_554 : memref<!tpu.dma_semaphore, #tpu.memory_space<semaphore_mem>>)
    %dma_start3A_563 = arith.constant 3 : i32
    %dma_start3A_564 = arith.constant 3 : i32
    %dma_start3A_565 = arith.constant 100 : i32
    %dma_start3A_566 = arith.constant 0 : i32
    %dma_start3A_567 = tpu.memref_slice %arg6[%dma_start3A_563, %dma_start3A_565, %dma_start3A_566] : memref<4x200x128xf32, #tpu.memory_space<vmem>> -> memref<1x50x128xf32, #tpu.memory_space<vmem>>
    %dma_start3A_568 = tpu.memref_squeeze %dma_start3A_567 : memref<1x50x128xf32, #tpu.memory_space<vmem>> -> memref<50x128xf32, #tpu.memory_space<vmem>>
    %dma_start3A_569 = arith.constant 0 : i32
    %dma_start3A_570 = arith.constant 0 : i32
    %dma_start3A_571 = tpu.memref_slice %arg4[%add3A_518, %dma_start3A_569, %dma_start3A_570] : memref<4096x50x128xf32, #tpu.memory_space<hbm>> -> memref<1x50x128xf32, #tpu.memory_space<hbm>>
    %dma_start3A_572 = tpu.memref_squeeze %dma_start3A_571 : memref<1x50x128xf32, #tpu.memory_space<hbm>> -> memref<50x128xf32, #tpu.memory_space<hbm>>
    %dma_start3A_573 = tpu.memref_slice %arg8[%dma_start3A_564] : memref<4x!tpu.dma_semaphore, #tpu.memory_space<semaphore_mem>> -> memref<1x!tpu.dma_semaphore, #tpu.memory_space<semaphore_mem>>
    %dma_start3A_574 = tpu.memref_squeeze %dma_start3A_573 : memref<1x!tpu.dma_semaphore, #tpu.memory_space<semaphore_mem>> -> memref<!tpu.dma_semaphore, #tpu.memory_space<semaphore_mem>>
    %dma_start3A_575 = arith.constant 0 : i32
    %dma_start3A_576 = arith.constant 0 : i32
    %dma_start3A_577 = tpu.memref_slice %arg4[%add3A_518, %dma_start3A_575, %dma_start3A_576] : memref<4096x50x128xf32, #tpu.memory_space<hbm>> -> memref<1x50x128xf32, #tpu.memory_space<hbm>>
    %dma_start3A_578 = tpu.memref_squeeze %dma_start3A_577 : memref<1x50x128xf32, #tpu.memory_space<hbm>> -> memref<50x128xf32, #tpu.memory_space<hbm>>
    %dma_start3A_579 = arith.constant 100 : i32
    %dma_start3A_580 = arith.constant 0 : i32
    %dma_start3A_581 = tpu.memref_slice %arg6[%dma_start3A_563, %dma_start3A_579, %dma_start3A_580] : memref<4x200x128xf32, #tpu.memory_space<vmem>> -> memref<1x50x128xf32, #tpu.memory_space<vmem>>
    %dma_start3A_582 = tpu.memref_squeeze %dma_start3A_581 : memref<1x50x128xf32, #tpu.memory_space<vmem>> -> memref<50x128xf32, #tpu.memory_space<vmem>>
    tpu.enqueue_dma source(%dma_start3A_582 : memref<50x128xf32, #tpu.memory_space<vmem>>) target(%dma_start3A_578 : memref<50x128xf32, #tpu.memory_space<hbm>>) target_semaphore(%dma_start3A_574 : memref<!tpu.dma_semaphore, #tpu.memory_space<semaphore_mem>>)
    %dma_start3A_583 = arith.constant 3 : i32
    %dma_start3A_584 = arith.constant 3 : i32
    %dma_start3A_585 = arith.constant 150 : i32
    %dma_start3A_586 = arith.constant 0 : i32
    %dma_start3A_587 = tpu.memref_slice %arg6[%dma_start3A_583, %dma_start3A_585, %dma_start3A_586] : memref<4x200x128xf32, #tpu.memory_space<vmem>> -> memref<1x50x128xf32, #tpu.memory_space<vmem>>
    %dma_start3A_588 = tpu.memref_squeeze %dma_start3A_587 : memref<1x50x128xf32, #tpu.memory_space<vmem>> -> memref<50x128xf32, #tpu.memory_space<vmem>>
    %dma_start3A_589 = arith.constant 0 : i32
    %dma_start3A_590 = arith.constant 0 : i32
    %dma_start3A_591 = tpu.memref_slice %arg4[%add3A_522, %dma_start3A_589, %dma_start3A_590] : memref<4096x50x128xf32, #tpu.memory_space<hbm>> -> memref<1x50x128xf32, #tpu.memory_space<hbm>>
    %dma_start3A_592 = tpu.memref_squeeze %dma_start3A_591 : memref<1x50x128xf32, #tpu.memory_space<hbm>> -> memref<50x128xf32, #tpu.memory_space<hbm>>
    %dma_start3A_593 = tpu.memref_slice %arg8[%dma_start3A_584] : memref<4x!tpu.dma_semaphore, #tpu.memory_space<semaphore_mem>> -> memref<1x!tpu.dma_semaphore, #tpu.memory_space<semaphore_mem>>
    %dma_start3A_594 = tpu.memref_squeeze %dma_start3A_593 : memref<1x!tpu.dma_semaphore, #tpu.memory_space<semaphore_mem>> -> memref<!tpu.dma_semaphore, #tpu.memory_space<semaphore_mem>>
    %dma_start3A_595 = arith.constant 0 : i32
    %dma_start3A_596 = arith.constant 0 : i32
    %dma_start3A_597 = tpu.memref_slice %arg4[%add3A_522, %dma_start3A_595, %dma_start3A_596] : memref<4096x50x128xf32, #tpu.memory_space<hbm>> -> memref<1x50x128xf32, #tpu.memory_space<hbm>>
    %dma_start3A_598 = tpu.memref_squeeze %dma_start3A_597 : memref<1x50x128xf32, #tpu.memory_space<hbm>> -> memref<50x128xf32, #tpu.memory_space<hbm>>
    %dma_start3A_599 = arith.constant 150 : i32
    %dma_start3A_600 = arith.constant 0 : i32
    %dma_start3A_601 = tpu.memref_slice %arg6[%dma_start3A_583, %dma_start3A_599, %dma_start3A_600] : memref<4x200x128xf32, #tpu.memory_space<vmem>> -> memref<1x50x128xf32, #tpu.memory_space<vmem>>
    %dma_start3A_602 = tpu.memref_squeeze %dma_start3A_601 : memref<1x50x128xf32, #tpu.memory_space<vmem>> -> memref<50x128xf32, #tpu.memory_space<vmem>>
    tpu.enqueue_dma source(%dma_start3A_602 : memref<50x128xf32, #tpu.memory_space<vmem>>) target(%dma_start3A_598 : memref<50x128xf32, #tpu.memory_space<hbm>>) target_semaphore(%dma_start3A_594 : memref<!tpu.dma_semaphore, #tpu.memory_space<semaphore_mem>>)
    %add3A_603 = arith.constant 112 : i32
    %add3A_604 = arith.addi %mul3A_4, %add3A_603 : i32
    %add3A_605 = arith.constant 0 : i32
    %add3A_606 = arith.addi %add3A_604, %add3A_605 : i32
    %add3A_607 = arith.constant 112 : i32
    %add3A_608 = arith.addi %mul3A_4, %add3A_607 : i32
    %add3A_609 = arith.constant 1 : i32
    %add3A_610 = arith.addi %add3A_608, %add3A_609 : i32
    %add3A_611 = arith.constant 112 : i32
    %add3A_612 = arith.addi %mul3A_4, %add3A_611 : i32
    %add3A_613 = arith.constant 2 : i32
    %add3A_614 = arith.addi %add3A_612, %add3A_613 : i32
    %add3A_615 = arith.constant 112 : i32
    %add3A_616 = arith.addi %mul3A_4, %add3A_615 : i32
    %add3A_617 = arith.constant 3 : i32
    %add3A_618 = arith.addi %add3A_616, %add3A_617 : i32
    %dma_wait3A_619 = arith.constant 0 : i32
    %dma_wait3A_620 = arith.constant 0 : i32
    %dma_wait3A_621 = arith.constant 0 : i32
    %dma_wait3A_622 = arith.constant 0 : i32
    %dma_wait3A_623 = tpu.memref_slice %arg6[%dma_wait3A_619, %dma_wait3A_621, %dma_wait3A_622] : memref<4x200x128xf32, #tpu.memory_space<vmem>> -> memref<1x50x128xf32, #tpu.memory_space<vmem>>
    %dma_wait3A_624 = tpu.memref_squeeze %dma_wait3A_623 : memref<1x50x128xf32, #tpu.memory_space<vmem>> -> memref<50x128xf32, #tpu.memory_space<vmem>>
    %dma_wait3A_625 = arith.constant 0 : i32
    %dma_wait3A_626 = arith.constant 0 : i32
    %dma_wait3A_627 = tpu.memref_slice %arg4[%add3A_606, %dma_wait3A_625, %dma_wait3A_626] : memref<4096x50x128xf32, #tpu.memory_space<hbm>> -> memref<1x50x128xf32, #tpu.memory_space<hbm>>
    %dma_wait3A_628 = tpu.memref_squeeze %dma_wait3A_627 : memref<1x50x128xf32, #tpu.memory_space<hbm>> -> memref<50x128xf32, #tpu.memory_space<hbm>>
    %dma_wait3A_629 = tpu.memref_slice %arg8[%dma_wait3A_620] : memref<4x!tpu.dma_semaphore, #tpu.memory_space<semaphore_mem>> -> memref<1x!tpu.dma_semaphore, #tpu.memory_space<semaphore_mem>>
    %dma_wait3A_630 = tpu.memref_squeeze %dma_wait3A_629 : memref<1x!tpu.dma_semaphore, #tpu.memory_space<semaphore_mem>> -> memref<!tpu.dma_semaphore, #tpu.memory_space<semaphore_mem>>
    %dma_wait3A_631 = arith.constant 0 : i32
    %dma_wait3A_632 = arith.constant 0 : i32
    %dma_wait3A_633 = tpu.memref_slice %arg4[%add3A_606, %dma_wait3A_631, %dma_wait3A_632] : memref<4096x50x128xf32, #tpu.memory_space<hbm>> -> memref<1x50x128xf32, #tpu.memory_space<hbm>>
    %dma_wait3A_634 = tpu.memref_squeeze %dma_wait3A_633 : memref<1x50x128xf32, #tpu.memory_space<hbm>> -> memref<50x128xf32, #tpu.memory_space<hbm>>
    %dma_wait3A_635 = arith.constant 0 : i32
    %dma_wait3A_636 = arith.constant 0 : i32
    %dma_wait3A_637 = tpu.memref_slice %arg6[%dma_wait3A_619, %dma_wait3A_635, %dma_wait3A_636] : memref<4x200x128xf32, #tpu.memory_space<vmem>> -> memref<1x50x128xf32, #tpu.memory_space<vmem>>
    %dma_wait3A_638 = tpu.memref_squeeze %dma_wait3A_637 : memref<1x50x128xf32, #tpu.memory_space<vmem>> -> memref<50x128xf32, #tpu.memory_space<vmem>>
    tpu.wait_dma2 semaphore(%dma_wait3A_630 : memref<!tpu.dma_semaphore, #tpu.memory_space<semaphore_mem>>) src(%dma_wait3A_638 : memref<50x128xf32, #tpu.memory_space<vmem>>) dst(%dma_wait3A_634 : memref<50x128xf32, #tpu.memory_space<hbm>>)
    %dma_wait3A_639 = arith.constant 0 : i32
    %dma_wait3A_640 = arith.constant 0 : i32
    %dma_wait3A_641 = arith.constant 50 : i32
    %dma_wait3A_642 = arith.constant 0 : i32
    %dma_wait3A_643 = tpu.memref_slice %arg6[%dma_wait3A_639, %dma_wait3A_641, %dma_wait3A_642] : memref<4x200x128xf32, #tpu.memory_space<vmem>> -> memref<1x50x128xf32, #tpu.memory_space<vmem>>
    %dma_wait3A_644 = tpu.memref_squeeze %dma_wait3A_643 : memref<1x50x128xf32, #tpu.memory_space<vmem>> -> memref<50x128xf32, #tpu.memory_space<vmem>>
    %dma_wait3A_645 = arith.constant 0 : i32
    %dma_wait3A_646 = arith.constant 0 : i32
    %dma_wait3A_647 = tpu.memref_slice %arg4[%add3A_610, %dma_wait3A_645, %dma_wait3A_646] : memref<4096x50x128xf32, #tpu.memory_space<hbm>> -> memref<1x50x128xf32, #tpu.memory_space<hbm>>
    %dma_wait3A_648 = tpu.memref_squeeze %dma_wait3A_647 : memref<1x50x128xf32, #tpu.memory_space<hbm>> -> memref<50x128xf32, #tpu.memory_space<hbm>>
    %dma_wait3A_649 = tpu.memref_slice %arg8[%dma_wait3A_640] : memref<4x!tpu.dma_semaphore, #tpu.memory_space<semaphore_mem>> -> memref<1x!tpu.dma_semaphore, #tpu.memory_space<semaphore_mem>>
    %dma_wait3A_650 = tpu.memref_squeeze %dma_wait3A_649 : memref<1x!tpu.dma_semaphore, #tpu.memory_space<semaphore_mem>> -> memref<!tpu.dma_semaphore, #tpu.memory_space<semaphore_mem>>
    %dma_wait3A_651 = arith.constant 0 : i32
    %dma_wait3A_652 = arith.constant 0 : i32
    %dma_wait3A_653 = tpu.memref_slice %arg4[%add3A_610, %dma_wait3A_651, %dma_wait3A_652] : memref<4096x50x128xf32, #tpu.memory_space<hbm>> -> memref<1x50x128xf32, #tpu.memory_space<hbm>>
    %dma_wait3A_654 = tpu.memref_squeeze %dma_wait3A_653 : memref<1x50x128xf32, #tpu.memory_space<hbm>> -> memref<50x128xf32, #tpu.memory_space<hbm>>
    %dma_wait3A_655 = arith.constant 50 : i32
    %dma_wait3A_656 = arith.constant 0 : i32
    %dma_wait3A_657 = tpu.memref_slice %arg6[%dma_wait3A_639, %dma_wait3A_655, %dma_wait3A_656] : memref<4x200x128xf32, #tpu.memory_space<vmem>> -> memref<1x50x128xf32, #tpu.memory_space<vmem>>
    %dma_wait3A_658 = tpu.memref_squeeze %dma_wait3A_657 : memref<1x50x128xf32, #tpu.memory_space<vmem>> -> memref<50x128xf32, #tpu.memory_space<vmem>>
    tpu.wait_dma2 semaphore(%dma_wait3A_650 : memref<!tpu.dma_semaphore, #tpu.memory_space<semaphore_mem>>) src(%dma_wait3A_658 : memref<50x128xf32, #tpu.memory_space<vmem>>) dst(%dma_wait3A_654 : memref<50x128xf32, #tpu.memory_space<hbm>>)
    %dma_wait3A_659 = arith.constant 0 : i32
    %dma_wait3A_660 = arith.constant 0 : i32
    %dma_wait3A_661 = arith.constant 100 : i32
    %dma_wait3A_662 = arith.constant 0 : i32
    %dma_wait3A_663 = tpu.memref_slice %arg6[%dma_wait3A_659, %dma_wait3A_661, %dma_wait3A_662] : memref<4x200x128xf32, #tpu.memory_space<vmem>> -> memref<1x50x128xf32, #tpu.memory_space<vmem>>
    %dma_wait3A_664 = tpu.memref_squeeze %dma_wait3A_663 : memref<1x50x128xf32, #tpu.memory_space<vmem>> -> memref<50x128xf32, #tpu.memory_space<vmem>>
    %dma_wait3A_665 = arith.constant 0 : i32
    %dma_wait3A_666 = arith.constant 0 : i32
    %dma_wait3A_667 = tpu.memref_slice %arg4[%add3A_614, %dma_wait3A_665, %dma_wait3A_666] : memref<4096x50x128xf32, #tpu.memory_space<hbm>> -> memref<1x50x128xf32, #tpu.memory_space<hbm>>
    %dma_wait3A_668 = tpu.memref_squeeze %dma_wait3A_667 : memref<1x50x128xf32, #tpu.memory_space<hbm>> -> memref<50x128xf32, #tpu.memory_space<hbm>>
    %dma_wait3A_669 = tpu.memref_slice %arg8[%dma_wait3A_660] : memref<4x!tpu.dma_semaphore, #tpu.memory_space<semaphore_mem>> -> memref<1x!tpu.dma_semaphore, #tpu.memory_space<semaphore_mem>>
    %dma_wait3A_670 = tpu.memref_squeeze %dma_wait3A_669 : memref<1x!tpu.dma_semaphore, #tpu.memory_space<semaphore_mem>> -> memref<!tpu.dma_semaphore, #tpu.memory_space<semaphore_mem>>
    %dma_wait3A_671 = arith.constant 0 : i32
    %dma_wait3A_672 = arith.constant 0 : i32
    %dma_wait3A_673 = tpu.memref_slice %arg4[%add3A_614, %dma_wait3A_671, %dma_wait3A_672] : memref<4096x50x128xf32, #tpu.memory_space<hbm>> -> memref<1x50x128xf32, #tpu.memory_space<hbm>>
    %dma_wait3A_674 = tpu.memref_squeeze %dma_wait3A_673 : memref<1x50x128xf32, #tpu.memory_space<hbm>> -> memref<50x128xf32, #tpu.memory_space<hbm>>
    %dma_wait3A_675 = arith.constant 100 : i32
    %dma_wait3A_676 = arith.constant 0 : i32
    %dma_wait3A_677 = tpu.memref_slice %arg6[%dma_wait3A_659, %dma_wait3A_675, %dma_wait3A_676] : memref<4x200x128xf32, #tpu.memory_space<vmem>> -> memref<1x50x128xf32, #tpu.memory_space<vmem>>
    %dma_wait3A_678 = tpu.memref_squeeze %dma_wait3A_677 : memref<1x50x128xf32, #tpu.memory_space<vmem>> -> memref<50x128xf32, #tpu.memory_space<vmem>>
    tpu.wait_dma2 semaphore(%dma_wait3A_670 : memref<!tpu.dma_semaphore, #tpu.memory_space<semaphore_mem>>) src(%dma_wait3A_678 : memref<50x128xf32, #tpu.memory_space<vmem>>) dst(%dma_wait3A_674 : memref<50x128xf32, #tpu.memory_space<hbm>>)
    %dma_wait3A_679 = arith.constant 0 : i32
    %dma_wait3A_680 = arith.constant 0 : i32
    %dma_wait3A_681 = arith.constant 150 : i32
    %dma_wait3A_682 = arith.constant 0 : i32
    %dma_wait3A_683 = tpu.memref_slice %arg6[%dma_wait3A_679, %dma_wait3A_681, %dma_wait3A_682] : memref<4x200x128xf32, #tpu.memory_space<vmem>> -> memref<1x50x128xf32, #tpu.memory_space<vmem>>
    %dma_wait3A_684 = tpu.memref_squeeze %dma_wait3A_683 : memref<1x50x128xf32, #tpu.memory_space<vmem>> -> memref<50x128xf32, #tpu.memory_space<vmem>>
    %dma_wait3A_685 = arith.constant 0 : i32
    %dma_wait3A_686 = arith.constant 0 : i32
    %dma_wait3A_687 = tpu.memref_slice %arg4[%add3A_618, %dma_wait3A_685, %dma_wait3A_686] : memref<4096x50x128xf32, #tpu.memory_space<hbm>> -> memref<1x50x128xf32, #tpu.memory_space<hbm>>
    %dma_wait3A_688 = tpu.memref_squeeze %dma_wait3A_687 : memref<1x50x128xf32, #tpu.memory_space<hbm>> -> memref<50x128xf32, #tpu.memory_space<hbm>>
    %dma_wait3A_689 = tpu.memref_slice %arg8[%dma_wait3A_680] : memref<4x!tpu.dma_semaphore, #tpu.memory_space<semaphore_mem>> -> memref<1x!tpu.dma_semaphore, #tpu.memory_space<semaphore_mem>>
    %dma_wait3A_690 = tpu.memref_squeeze %dma_wait3A_689 : memref<1x!tpu.dma_semaphore, #tpu.memory_space<semaphore_mem>> -> memref<!tpu.dma_semaphore, #tpu.memory_space<semaphore_mem>>
    %dma_wait3A_691 = arith.constant 0 : i32
    %dma_wait3A_692 = arith.constant 0 : i32
    %dma_wait3A_693 = tpu.memref_slice %arg4[%add3A_618, %dma_wait3A_691, %dma_wait3A_692] : memref<4096x50x128xf32, #tpu.memory_space<hbm>> -> memref<1x50x128xf32, #tpu.memory_space<hbm>>
    %dma_wait3A_694 = tpu.memref_squeeze %dma_wait3A_693 : memref<1x50x128xf32, #tpu.memory_space<hbm>> -> memref<50x128xf32, #tpu.memory_space<hbm>>
    %dma_wait3A_695 = arith.constant 150 : i32
    %dma_wait3A_696 = arith.constant 0 : i32
    %dma_wait3A_697 = tpu.memref_slice %arg6[%dma_wait3A_679, %dma_wait3A_695, %dma_wait3A_696] : memref<4x200x128xf32, #tpu.memory_space<vmem>> -> memref<1x50x128xf32, #tpu.memory_space<vmem>>
    %dma_wait3A_698 = tpu.memref_squeeze %dma_wait3A_697 : memref<1x50x128xf32, #tpu.memory_space<vmem>> -> memref<50x128xf32, #tpu.memory_space<vmem>>
    tpu.wait_dma2 semaphore(%dma_wait3A_690 : memref<!tpu.dma_semaphore, #tpu.memory_space<semaphore_mem>>) src(%dma_wait3A_698 : memref<50x128xf32, #tpu.memory_space<vmem>>) dst(%dma_wait3A_694 : memref<50x128xf32, #tpu.memory_space<hbm>>)
    %add3A_699 = arith.constant 116 : i32
    %add3A_700 = arith.addi %mul3A_4, %add3A_699 : i32
    %add3A_701 = arith.constant 0 : i32
    %add3A_702 = arith.addi %add3A_700, %add3A_701 : i32
    %add3A_703 = arith.constant 116 : i32
    %add3A_704 = arith.addi %mul3A_4, %add3A_703 : i32
    %add3A_705 = arith.constant 1 : i32
    %add3A_706 = arith.addi %add3A_704, %add3A_705 : i32
    %add3A_707 = arith.constant 116 : i32
    %add3A_708 = arith.addi %mul3A_4, %add3A_707 : i32
    %add3A_709 = arith.constant 2 : i32
    %add3A_710 = arith.addi %add3A_708, %add3A_709 : i32
    %add3A_711 = arith.constant 116 : i32
    %add3A_712 = arith.addi %mul3A_4, %add3A_711 : i32
    %add3A_713 = arith.constant 3 : i32
    %add3A_714 = arith.addi %add3A_712, %add3A_713 : i32
    %dma_wait3A_715 = arith.constant 1 : i32
    %dma_wait3A_716 = arith.constant 1 : i32
    %dma_wait3A_717 = arith.constant 0 : i32
    %dma_wait3A_718 = arith.constant 0 : i32
    %dma_wait3A_719 = tpu.memref_slice %arg6[%dma_wait3A_715, %dma_wait3A_717, %dma_wait3A_718] : memref<4x200x128xf32, #tpu.memory_space<vmem>> -> memref<1x50x128xf32, #tpu.memory_space<vmem>>
    %dma_wait3A_720 = tpu.memref_squeeze %dma_wait3A_719 : memref<1x50x128xf32, #tpu.memory_space<vmem>> -> memref<50x128xf32, #tpu.memory_space<vmem>>
    %dma_wait3A_721 = arith.constant 0 : i32
    %dma_wait3A_722 = arith.constant 0 : i32
    %dma_wait3A_723 = tpu.memref_slice %arg4[%add3A_702, %dma_wait3A_721, %dma_wait3A_722] : memref<4096x50x128xf32, #tpu.memory_space<hbm>> -> memref<1x50x128xf32, #tpu.memory_space<hbm>>
    %dma_wait3A_724 = tpu.memref_squeeze %dma_wait3A_723 : memref<1x50x128xf32, #tpu.memory_space<hbm>> -> memref<50x128xf32, #tpu.memory_space<hbm>>
    %dma_wait3A_725 = tpu.memref_slice %arg8[%dma_wait3A_716] : memref<4x!tpu.dma_semaphore, #tpu.memory_space<semaphore_mem>> -> memref<1x!tpu.dma_semaphore, #tpu.memory_space<semaphore_mem>>
    %dma_wait3A_726 = tpu.memref_squeeze %dma_wait3A_725 : memref<1x!tpu.dma_semaphore, #tpu.memory_space<semaphore_mem>> -> memref<!tpu.dma_semaphore, #tpu.memory_space<semaphore_mem>>
    %dma_wait3A_727 = arith.constant 0 : i32
    %dma_wait3A_728 = arith.constant 0 : i32
    %dma_wait3A_729 = tpu.memref_slice %arg4[%add3A_702, %dma_wait3A_727, %dma_wait3A_728] : memref<4096x50x128xf32, #tpu.memory_space<hbm>> -> memref<1x50x128xf32, #tpu.memory_space<hbm>>
    %dma_wait3A_730 = tpu.memref_squeeze %dma_wait3A_729 : memref<1x50x128xf32, #tpu.memory_space<hbm>> -> memref<50x128xf32, #tpu.memory_space<hbm>>
    %dma_wait3A_731 = arith.constant 0 : i32
    %dma_wait3A_732 = arith.constant 0 : i32
    %dma_wait3A_733 = tpu.memref_slice %arg6[%dma_wait3A_715, %dma_wait3A_731, %dma_wait3A_732] : memref<4x200x128xf32, #tpu.memory_space<vmem>> -> memref<1x50x128xf32, #tpu.memory_space<vmem>>
    %dma_wait3A_734 = tpu.memref_squeeze %dma_wait3A_733 : memref<1x50x128xf32, #tpu.memory_space<vmem>> -> memref<50x128xf32, #tpu.memory_space<vmem>>
    tpu.wait_dma2 semaphore(%dma_wait3A_726 : memref<!tpu.dma_semaphore, #tpu.memory_space<semaphore_mem>>) src(%dma_wait3A_734 : memref<50x128xf32, #tpu.memory_space<vmem>>) dst(%dma_wait3A_730 : memref<50x128xf32, #tpu.memory_space<hbm>>)
    %dma_wait3A_735 = arith.constant 1 : i32
    %dma_wait3A_736 = arith.constant 1 : i32
    %dma_wait3A_737 = arith.constant 50 : i32
    %dma_wait3A_738 = arith.constant 0 : i32
    %dma_wait3A_739 = tpu.memref_slice %arg6[%dma_wait3A_735, %dma_wait3A_737, %dma_wait3A_738] : memref<4x200x128xf32, #tpu.memory_space<vmem>> -> memref<1x50x128xf32, #tpu.memory_space<vmem>>
    %dma_wait3A_740 = tpu.memref_squeeze %dma_wait3A_739 : memref<1x50x128xf32, #tpu.memory_space<vmem>> -> memref<50x128xf32, #tpu.memory_space<vmem>>
    %dma_wait3A_741 = arith.constant 0 : i32
    %dma_wait3A_742 = arith.constant 0 : i32
    %dma_wait3A_743 = tpu.memref_slice %arg4[%add3A_706, %dma_wait3A_741, %dma_wait3A_742] : memref<4096x50x128xf32, #tpu.memory_space<hbm>> -> memref<1x50x128xf32, #tpu.memory_space<hbm>>
    %dma_wait3A_744 = tpu.memref_squeeze %dma_wait3A_743 : memref<1x50x128xf32, #tpu.memory_space<hbm>> -> memref<50x128xf32, #tpu.memory_space<hbm>>
    %dma_wait3A_745 = tpu.memref_slice %arg8[%dma_wait3A_736] : memref<4x!tpu.dma_semaphore, #tpu.memory_space<semaphore_mem>> -> memref<1x!tpu.dma_semaphore, #tpu.memory_space<semaphore_mem>>
    %dma_wait3A_746 = tpu.memref_squeeze %dma_wait3A_745 : memref<1x!tpu.dma_semaphore, #tpu.memory_space<semaphore_mem>> -> memref<!tpu.dma_semaphore, #tpu.memory_space<semaphore_mem>>
    %dma_wait3A_747 = arith.constant 0 : i32
    %dma_wait3A_748 = arith.constant 0 : i32
    %dma_wait3A_749 = tpu.memref_slice %arg4[%add3A_706, %dma_wait3A_747, %dma_wait3A_748] : memref<4096x50x128xf32, #tpu.memory_space<hbm>> -> memref<1x50x128xf32, #tpu.memory_space<hbm>>
    %dma_wait3A_750 = tpu.memref_squeeze %dma_wait3A_749 : memref<1x50x128xf32, #tpu.memory_space<hbm>> -> memref<50x128xf32, #tpu.memory_space<hbm>>
    %dma_wait3A_751 = arith.constant 50 : i32
    %dma_wait3A_752 = arith.constant 0 : i32
    %dma_wait3A_753 = tpu.memref_slice %arg6[%dma_wait3A_735, %dma_wait3A_751, %dma_wait3A_752] : memref<4x200x128xf32, #tpu.memory_space<vmem>> -> memref<1x50x128xf32, #tpu.memory_space<vmem>>
    %dma_wait3A_754 = tpu.memref_squeeze %dma_wait3A_753 : memref<1x50x128xf32, #tpu.memory_space<vmem>> -> memref<50x128xf32, #tpu.memory_space<vmem>>
    tpu.wait_dma2 semaphore(%dma_wait3A_746 : memref<!tpu.dma_semaphore, #tpu.memory_space<semaphore_mem>>) src(%dma_wait3A_754 : memref<50x128xf32, #tpu.memory_space<vmem>>) dst(%dma_wait3A_750 : memref<50x128xf32, #tpu.memory_space<hbm>>)
    %dma_wait3A_755 = arith.constant 1 : i32
    %dma_wait3A_756 = arith.constant 1 : i32
    %dma_wait3A_757 = arith.constant 100 : i32
    %dma_wait3A_758 = arith.constant 0 : i32
    %dma_wait3A_759 = tpu.memref_slice %arg6[%dma_wait3A_755, %dma_wait3A_757, %dma_wait3A_758] : memref<4x200x128xf32, #tpu.memory_space<vmem>> -> memref<1x50x128xf32, #tpu.memory_space<vmem>>
    %dma_wait3A_760 = tpu.memref_squeeze %dma_wait3A_759 : memref<1x50x128xf32, #tpu.memory_space<vmem>> -> memref<50x128xf32, #tpu.memory_space<vmem>>
    %dma_wait3A_761 = arith.constant 0 : i32
    %dma_wait3A_762 = arith.constant 0 : i32
    %dma_wait3A_763 = tpu.memref_slice %arg4[%add3A_710, %dma_wait3A_761, %dma_wait3A_762] : memref<4096x50x128xf32, #tpu.memory_space<hbm>> -> memref<1x50x128xf32, #tpu.memory_space<hbm>>
    %dma_wait3A_764 = tpu.memref_squeeze %dma_wait3A_763 : memref<1x50x128xf32, #tpu.memory_space<hbm>> -> memref<50x128xf32, #tpu.memory_space<hbm>>
    %dma_wait3A_765 = tpu.memref_slice %arg8[%dma_wait3A_756] : memref<4x!tpu.dma_semaphore, #tpu.memory_space<semaphore_mem>> -> memref<1x!tpu.dma_semaphore, #tpu.memory_space<semaphore_mem>>
    %dma_wait3A_766 = tpu.memref_squeeze %dma_wait3A_765 : memref<1x!tpu.dma_semaphore, #tpu.memory_space<semaphore_mem>> -> memref<!tpu.dma_semaphore, #tpu.memory_space<semaphore_mem>>
    %dma_wait3A_767 = arith.constant 0 : i32
    %dma_wait3A_768 = arith.constant 0 : i32
    %dma_wait3A_769 = tpu.memref_slice %arg4[%add3A_710, %dma_wait3A_767, %dma_wait3A_768] : memref<4096x50x128xf32, #tpu.memory_space<hbm>> -> memref<1x50x128xf32, #tpu.memory_space<hbm>>
    %dma_wait3A_770 = tpu.memref_squeeze %dma_wait3A_769 : memref<1x50x128xf32, #tpu.memory_space<hbm>> -> memref<50x128xf32, #tpu.memory_space<hbm>>
    %dma_wait3A_771 = arith.constant 100 : i32
    %dma_wait3A_772 = arith.constant 0 : i32
    %dma_wait3A_773 = tpu.memref_slice %arg6[%dma_wait3A_755, %dma_wait3A_771, %dma_wait3A_772] : memref<4x200x128xf32, #tpu.memory_space<vmem>> -> memref<1x50x128xf32, #tpu.memory_space<vmem>>
    %dma_wait3A_774 = tpu.memref_squeeze %dma_wait3A_773 : memref<1x50x128xf32, #tpu.memory_space<vmem>> -> memref<50x128xf32, #tpu.memory_space<vmem>>
    tpu.wait_dma2 semaphore(%dma_wait3A_766 : memref<!tpu.dma_semaphore, #tpu.memory_space<semaphore_mem>>) src(%dma_wait3A_774 : memref<50x128xf32, #tpu.memory_space<vmem>>) dst(%dma_wait3A_770 : memref<50x128xf32, #tpu.memory_space<hbm>>)
    %dma_wait3A_775 = arith.constant 1 : i32
    %dma_wait3A_776 = arith.constant 1 : i32
    %dma_wait3A_777 = arith.constant 150 : i32
    %dma_wait3A_778 = arith.constant 0 : i32
    %dma_wait3A_779 = tpu.memref_slice %arg6[%dma_wait3A_775, %dma_wait3A_777, %dma_wait3A_778] : memref<4x200x128xf32, #tpu.memory_space<vmem>> -> memref<1x50x128xf32, #tpu.memory_space<vmem>>
    %dma_wait3A_780 = tpu.memref_squeeze %dma_wait3A_779 : memref<1x50x128xf32, #tpu.memory_space<vmem>> -> memref<50x128xf32, #tpu.memory_space<vmem>>
    %dma_wait3A_781 = arith.constant 0 : i32
    %dma_wait3A_782 = arith.constant 0 : i32
    %dma_wait3A_783 = tpu.memref_slice %arg4[%add3A_714, %dma_wait3A_781, %dma_wait3A_782] : memref<4096x50x128xf32, #tpu.memory_space<hbm>> -> memref<1x50x128xf32, #tpu.memory_space<hbm>>
    %dma_wait3A_784 = tpu.memref_squeeze %dma_wait3A_783 : memref<1x50x128xf32, #tpu.memory_space<hbm>> -> memref<50x128xf32, #tpu.memory_space<hbm>>
    %dma_wait3A_785 = tpu.memref_slice %arg8[%dma_wait3A_776] : memref<4x!tpu.dma_semaphore, #tpu.memory_space<semaphore_mem>> -> memref<1x!tpu.dma_semaphore, #tpu.memory_space<semaphore_mem>>
    %dma_wait3A_786 = tpu.memref_squeeze %dma_wait3A_785 : memref<1x!tpu.dma_semaphore, #tpu.memory_space<semaphore_mem>> -> memref<!tpu.dma_semaphore, #tpu.memory_space<semaphore_mem>>
    %dma_wait3A_787 = arith.constant 0 : i32
    %dma_wait3A_788 = arith.constant 0 : i32
    %dma_wait3A_789 = tpu.memref_slice %arg4[%add3A_714, %dma_wait3A_787, %dma_wait3A_788] : memref<4096x50x128xf32, #tpu.memory_space<hbm>> -> memref<1x50x128xf32, #tpu.memory_space<hbm>>
    %dma_wait3A_790 = tpu.memref_squeeze %dma_wait3A_789 : memref<1x50x128xf32, #tpu.memory_space<hbm>> -> memref<50x128xf32, #tpu.memory_space<hbm>>
    %dma_wait3A_791 = arith.constant 150 : i32
    %dma_wait3A_792 = arith.constant 0 : i32
    %dma_wait3A_793 = tpu.memref_slice %arg6[%dma_wait3A_775, %dma_wait3A_791, %dma_wait3A_792] : memref<4x200x128xf32, #tpu.memory_space<vmem>> -> memref<1x50x128xf32, #tpu.memory_space<vmem>>
    %dma_wait3A_794 = tpu.memref_squeeze %dma_wait3A_793 : memref<1x50x128xf32, #tpu.memory_space<vmem>> -> memref<50x128xf32, #tpu.memory_space<vmem>>
    tpu.wait_dma2 semaphore(%dma_wait3A_786 : memref<!tpu.dma_semaphore, #tpu.memory_space<semaphore_mem>>) src(%dma_wait3A_794 : memref<50x128xf32, #tpu.memory_space<vmem>>) dst(%dma_wait3A_790 : memref<50x128xf32, #tpu.memory_space<hbm>>)
    %add3A_795 = arith.constant 120 : i32
    %add3A_796 = arith.addi %mul3A_4, %add3A_795 : i32
    %add3A_797 = arith.constant 0 : i32
    %add3A_798 = arith.addi %add3A_796, %add3A_797 : i32
    %add3A_799 = arith.constant 120 : i32
    %add3A_800 = arith.addi %mul3A_4, %add3A_799 : i32
    %add3A_801 = arith.constant 1 : i32
    %add3A_802 = arith.addi %add3A_800, %add3A_801 : i32
    %add3A_803 = arith.constant 120 : i32
    %add3A_804 = arith.addi %mul3A_4, %add3A_803 : i32
    %add3A_805 = arith.constant 2 : i32
    %add3A_806 = arith.addi %add3A_804, %add3A_805 : i32
    %add3A_807 = arith.constant 120 : i32
    %add3A_808 = arith.addi %mul3A_4, %add3A_807 : i32
    %add3A_809 = arith.constant 3 : i32
    %add3A_810 = arith.addi %add3A_808, %add3A_809 : i32
    %dma_wait3A_811 = arith.constant 2 : i32
    %dma_wait3A_812 = arith.constant 2 : i32
    %dma_wait3A_813 = arith.constant 0 : i32
    %dma_wait3A_814 = arith.constant 0 : i32
    %dma_wait3A_815 = tpu.memref_slice %arg6[%dma_wait3A_811, %dma_wait3A_813, %dma_wait3A_814] : memref<4x200x128xf32, #tpu.memory_space<vmem>> -> memref<1x50x128xf32, #tpu.memory_space<vmem>>
    %dma_wait3A_816 = tpu.memref_squeeze %dma_wait3A_815 : memref<1x50x128xf32, #tpu.memory_space<vmem>> -> memref<50x128xf32, #tpu.memory_space<vmem>>
    %dma_wait3A_817 = arith.constant 0 : i32
    %dma_wait3A_818 = arith.constant 0 : i32
    %dma_wait3A_819 = tpu.memref_slice %arg4[%add3A_798, %dma_wait3A_817, %dma_wait3A_818] : memref<4096x50x128xf32, #tpu.memory_space<hbm>> -> memref<1x50x128xf32, #tpu.memory_space<hbm>>
    %dma_wait3A_820 = tpu.memref_squeeze %dma_wait3A_819 : memref<1x50x128xf32, #tpu.memory_space<hbm>> -> memref<50x128xf32, #tpu.memory_space<hbm>>
    %dma_wait3A_821 = tpu.memref_slice %arg8[%dma_wait3A_812] : memref<4x!tpu.dma_semaphore, #tpu.memory_space<semaphore_mem>> -> memref<1x!tpu.dma_semaphore, #tpu.memory_space<semaphore_mem>>
    %dma_wait3A_822 = tpu.memref_squeeze %dma_wait3A_821 : memref<1x!tpu.dma_semaphore, #tpu.memory_space<semaphore_mem>> -> memref<!tpu.dma_semaphore, #tpu.memory_space<semaphore_mem>>
    %dma_wait3A_823 = arith.constant 0 : i32
    %dma_wait3A_824 = arith.constant 0 : i32
    %dma_wait3A_825 = tpu.memref_slice %arg4[%add3A_798, %dma_wait3A_823, %dma_wait3A_824] : memref<4096x50x128xf32, #tpu.memory_space<hbm>> -> memref<1x50x128xf32, #tpu.memory_space<hbm>>
    %dma_wait3A_826 = tpu.memref_squeeze %dma_wait3A_825 : memref<1x50x128xf32, #tpu.memory_space<hbm>> -> memref<50x128xf32, #tpu.memory_space<hbm>>
    %dma_wait3A_827 = arith.constant 0 : i32
    %dma_wait3A_828 = arith.constant 0 : i32
    %dma_wait3A_829 = tpu.memref_slice %arg6[%dma_wait3A_811, %dma_wait3A_827, %dma_wait3A_828] : memref<4x200x128xf32, #tpu.memory_space<vmem>> -> memref<1x50x128xf32, #tpu.memory_space<vmem>>
    %dma_wait3A_830 = tpu.memref_squeeze %dma_wait3A_829 : memref<1x50x128xf32, #tpu.memory_space<vmem>> -> memref<50x128xf32, #tpu.memory_space<vmem>>
    tpu.wait_dma2 semaphore(%dma_wait3A_822 : memref<!tpu.dma_semaphore, #tpu.memory_space<semaphore_mem>>) src(%dma_wait3A_830 : memref<50x128xf32, #tpu.memory_space<vmem>>) dst(%dma_wait3A_826 : memref<50x128xf32, #tpu.memory_space<hbm>>)
    %dma_wait3A_831 = arith.constant 2 : i32
    %dma_wait3A_832 = arith.constant 2 : i32
    %dma_wait3A_833 = arith.constant 50 : i32
    %dma_wait3A_834 = arith.constant 0 : i32
    %dma_wait3A_835 = tpu.memref_slice %arg6[%dma_wait3A_831, %dma_wait3A_833, %dma_wait3A_834] : memref<4x200x128xf32, #tpu.memory_space<vmem>> -> memref<1x50x128xf32, #tpu.memory_space<vmem>>
    %dma_wait3A_836 = tpu.memref_squeeze %dma_wait3A_835 : memref<1x50x128xf32, #tpu.memory_space<vmem>> -> memref<50x128xf32, #tpu.memory_space<vmem>>
    %dma_wait3A_837 = arith.constant 0 : i32
    %dma_wait3A_838 = arith.constant 0 : i32
    %dma_wait3A_839 = tpu.memref_slice %arg4[%add3A_802, %dma_wait3A_837, %dma_wait3A_838] : memref<4096x50x128xf32, #tpu.memory_space<hbm>> -> memref<1x50x128xf32, #tpu.memory_space<hbm>>
    %dma_wait3A_840 = tpu.memref_squeeze %dma_wait3A_839 : memref<1x50x128xf32, #tpu.memory_space<hbm>> -> memref<50x128xf32, #tpu.memory_space<hbm>>
    %dma_wait3A_841 = tpu.memref_slice %arg8[%dma_wait3A_832] : memref<4x!tpu.dma_semaphore, #tpu.memory_space<semaphore_mem>> -> memref<1x!tpu.dma_semaphore, #tpu.memory_space<semaphore_mem>>
    %dma_wait3A_842 = tpu.memref_squeeze %dma_wait3A_841 : memref<1x!tpu.dma_semaphore, #tpu.memory_space<semaphore_mem>> -> memref<!tpu.dma_semaphore, #tpu.memory_space<semaphore_mem>>
    %dma_wait3A_843 = arith.constant 0 : i32
    %dma_wait3A_844 = arith.constant 0 : i32
    %dma_wait3A_845 = tpu.memref_slice %arg4[%add3A_802, %dma_wait3A_843, %dma_wait3A_844] : memref<4096x50x128xf32, #tpu.memory_space<hbm>> -> memref<1x50x128xf32, #tpu.memory_space<hbm>>
    %dma_wait3A_846 = tpu.memref_squeeze %dma_wait3A_845 : memref<1x50x128xf32, #tpu.memory_space<hbm>> -> memref<50x128xf32, #tpu.memory_space<hbm>>
    %dma_wait3A_847 = arith.constant 50 : i32
    %dma_wait3A_848 = arith.constant 0 : i32
    %dma_wait3A_849 = tpu.memref_slice %arg6[%dma_wait3A_831, %dma_wait3A_847, %dma_wait3A_848] : memref<4x200x128xf32, #tpu.memory_space<vmem>> -> memref<1x50x128xf32, #tpu.memory_space<vmem>>
    %dma_wait3A_850 = tpu.memref_squeeze %dma_wait3A_849 : memref<1x50x128xf32, #tpu.memory_space<vmem>> -> memref<50x128xf32, #tpu.memory_space<vmem>>
    tpu.wait_dma2 semaphore(%dma_wait3A_842 : memref<!tpu.dma_semaphore, #tpu.memory_space<semaphore_mem>>) src(%dma_wait3A_850 : memref<50x128xf32, #tpu.memory_space<vmem>>) dst(%dma_wait3A_846 : memref<50x128xf32, #tpu.memory_space<hbm>>)
    %dma_wait3A_851 = arith.constant 2 : i32
    %dma_wait3A_852 = arith.constant 2 : i32
    %dma_wait3A_853 = arith.constant 100 : i32
    %dma_wait3A_854 = arith.constant 0 : i32
    %dma_wait3A_855 = tpu.memref_slice %arg6[%dma_wait3A_851, %dma_wait3A_853, %dma_wait3A_854] : memref<4x200x128xf32, #tpu.memory_space<vmem>> -> memref<1x50x128xf32, #tpu.memory_space<vmem>>
    %dma_wait3A_856 = tpu.memref_squeeze %dma_wait3A_855 : memref<1x50x128xf32, #tpu.memory_space<vmem>> -> memref<50x128xf32, #tpu.memory_space<vmem>>
    %dma_wait3A_857 = arith.constant 0 : i32
    %dma_wait3A_858 = arith.constant 0 : i32
    %dma_wait3A_859 = tpu.memref_slice %arg4[%add3A_806, %dma_wait3A_857, %dma_wait3A_858] : memref<4096x50x128xf32, #tpu.memory_space<hbm>> -> memref<1x50x128xf32, #tpu.memory_space<hbm>>
    %dma_wait3A_860 = tpu.memref_squeeze %dma_wait3A_859 : memref<1x50x128xf32, #tpu.memory_space<hbm>> -> memref<50x128xf32, #tpu.memory_space<hbm>>
    %dma_wait3A_861 = tpu.memref_slice %arg8[%dma_wait3A_852] : memref<4x!tpu.dma_semaphore, #tpu.memory_space<semaphore_mem>> -> memref<1x!tpu.dma_semaphore, #tpu.memory_space<semaphore_mem>>
    %dma_wait3A_862 = tpu.memref_squeeze %dma_wait3A_861 : memref<1x!tpu.dma_semaphore, #tpu.memory_space<semaphore_mem>> -> memref<!tpu.dma_semaphore, #tpu.memory_space<semaphore_mem>>
    %dma_wait3A_863 = arith.constant 0 : i32
    %dma_wait3A_864 = arith.constant 0 : i32
    %dma_wait3A_865 = tpu.memref_slice %arg4[%add3A_806, %dma_wait3A_863, %dma_wait3A_864] : memref<4096x50x128xf32, #tpu.memory_space<hbm>> -> memref<1x50x128xf32, #tpu.memory_space<hbm>>
    %dma_wait3A_866 = tpu.memref_squeeze %dma_wait3A_865 : memref<1x50x128xf32, #tpu.memory_space<hbm>> -> memref<50x128xf32, #tpu.memory_space<hbm>>
    %dma_wait3A_867 = arith.constant 100 : i32
    %dma_wait3A_868 = arith.constant 0 : i32
    %dma_wait3A_869 = tpu.memref_slice %arg6[%dma_wait3A_851, %dma_wait3A_867, %dma_wait3A_868] : memref<4x200x128xf32, #tpu.memory_space<vmem>> -> memref<1x50x128xf32, #tpu.memory_space<vmem>>
    %dma_wait3A_870 = tpu.memref_squeeze %dma_wait3A_869 : memref<1x50x128xf32, #tpu.memory_space<vmem>> -> memref<50x128xf32, #tpu.memory_space<vmem>>
    tpu.wait_dma2 semaphore(%dma_wait3A_862 : memref<!tpu.dma_semaphore, #tpu.memory_space<semaphore_mem>>) src(%dma_wait3A_870 : memref<50x128xf32, #tpu.memory_space<vmem>>) dst(%dma_wait3A_866 : memref<50x128xf32, #tpu.memory_space<hbm>>)
    %dma_wait3A_871 = arith.constant 2 : i32
    %dma_wait3A_872 = arith.constant 2 : i32
    %dma_wait3A_873 = arith.constant 150 : i32
    %dma_wait3A_874 = arith.constant 0 : i32
    %dma_wait3A_875 = tpu.memref_slice %arg6[%dma_wait3A_871, %dma_wait3A_873, %dma_wait3A_874] : memref<4x200x128xf32, #tpu.memory_space<vmem>> -> memref<1x50x128xf32, #tpu.memory_space<vmem>>
    %dma_wait3A_876 = tpu.memref_squeeze %dma_wait3A_875 : memref<1x50x128xf32, #tpu.memory_space<vmem>> -> memref<50x128xf32, #tpu.memory_space<vmem>>
    %dma_wait3A_877 = arith.constant 0 : i32
    %dma_wait3A_878 = arith.constant 0 : i32
    %dma_wait3A_879 = tpu.memref_slice %arg4[%add3A_810, %dma_wait3A_877, %dma_wait3A_878] : memref<4096x50x128xf32, #tpu.memory_space<hbm>> -> memref<1x50x128xf32, #tpu.memory_space<hbm>>
    %dma_wait3A_880 = tpu.memref_squeeze %dma_wait3A_879 : memref<1x50x128xf32, #tpu.memory_space<hbm>> -> memref<50x128xf32, #tpu.memory_space<hbm>>
    %dma_wait3A_881 = tpu.memref_slice %arg8[%dma_wait3A_872] : memref<4x!tpu.dma_semaphore, #tpu.memory_space<semaphore_mem>> -> memref<1x!tpu.dma_semaphore, #tpu.memory_space<semaphore_mem>>
    %dma_wait3A_882 = tpu.memref_squeeze %dma_wait3A_881 : memref<1x!tpu.dma_semaphore, #tpu.memory_space<semaphore_mem>> -> memref<!tpu.dma_semaphore, #tpu.memory_space<semaphore_mem>>
    %dma_wait3A_883 = arith.constant 0 : i32
    %dma_wait3A_884 = arith.constant 0 : i32
    %dma_wait3A_885 = tpu.memref_slice %arg4[%add3A_810, %dma_wait3A_883, %dma_wait3A_884] : memref<4096x50x128xf32, #tpu.memory_space<hbm>> -> memref<1x50x128xf32, #tpu.memory_space<hbm>>
    %dma_wait3A_886 = tpu.memref_squeeze %dma_wait3A_885 : memref<1x50x128xf32, #tpu.memory_space<hbm>> -> memref<50x128xf32, #tpu.memory_space<hbm>>
    %dma_wait3A_887 = arith.constant 150 : i32
    %dma_wait3A_888 = arith.constant 0 : i32
    %dma_wait3A_889 = tpu.memref_slice %arg6[%dma_wait3A_871, %dma_wait3A_887, %dma_wait3A_888] : memref<4x200x128xf32, #tpu.memory_space<vmem>> -> memref<1x50x128xf32, #tpu.memory_space<vmem>>
    %dma_wait3A_890 = tpu.memref_squeeze %dma_wait3A_889 : memref<1x50x128xf32, #tpu.memory_space<vmem>> -> memref<50x128xf32, #tpu.memory_space<vmem>>
    tpu.wait_dma2 semaphore(%dma_wait3A_882 : memref<!tpu.dma_semaphore, #tpu.memory_space<semaphore_mem>>) src(%dma_wait3A_890 : memref<50x128xf32, #tpu.memory_space<vmem>>) dst(%dma_wait3A_886 : memref<50x128xf32, #tpu.memory_space<hbm>>)
    %add3A_891 = arith.constant 124 : i32
    %add3A_892 = arith.addi %mul3A_4, %add3A_891 : i32
    %add3A_893 = arith.constant 0 : i32
    %add3A_894 = arith.addi %add3A_892, %add3A_893 : i32
    %add3A_895 = arith.constant 124 : i32
    %add3A_896 = arith.addi %mul3A_4, %add3A_895 : i32
    %add3A_897 = arith.constant 1 : i32
    %add3A_898 = arith.addi %add3A_896, %add3A_897 : i32
    %add3A_899 = arith.constant 124 : i32
    %add3A_900 = arith.addi %mul3A_4, %add3A_899 : i32
    %add3A_901 = arith.constant 2 : i32
    %add3A_902 = arith.addi %add3A_900, %add3A_901 : i32
    %add3A_903 = arith.constant 124 : i32
    %add3A_904 = arith.addi %mul3A_4, %add3A_903 : i32
    %add3A_905 = arith.constant 3 : i32
    %add3A_906 = arith.addi %add3A_904, %add3A_905 : i32
    %dma_wait3A_907 = arith.constant 3 : i32
    %dma_wait3A_908 = arith.constant 3 : i32
    %dma_wait3A_909 = arith.constant 0 : i32
    %dma_wait3A_910 = arith.constant 0 : i32
    %dma_wait3A_911 = tpu.memref_slice %arg6[%dma_wait3A_907, %dma_wait3A_909, %dma_wait3A_910] : memref<4x200x128xf32, #tpu.memory_space<vmem>> -> memref<1x50x128xf32, #tpu.memory_space<vmem>>
    %dma_wait3A_912 = tpu.memref_squeeze %dma_wait3A_911 : memref<1x50x128xf32, #tpu.memory_space<vmem>> -> memref<50x128xf32, #tpu.memory_space<vmem>>
    %dma_wait3A_913 = arith.constant 0 : i32
    %dma_wait3A_914 = arith.constant 0 : i32
    %dma_wait3A_915 = tpu.memref_slice %arg4[%add3A_894, %dma_wait3A_913, %dma_wait3A_914] : memref<4096x50x128xf32, #tpu.memory_space<hbm>> -> memref<1x50x128xf32, #tpu.memory_space<hbm>>
    %dma_wait3A_916 = tpu.memref_squeeze %dma_wait3A_915 : memref<1x50x128xf32, #tpu.memory_space<hbm>> -> memref<50x128xf32, #tpu.memory_space<hbm>>
    %dma_wait3A_917 = tpu.memref_slice %arg8[%dma_wait3A_908] : memref<4x!tpu.dma_semaphore, #tpu.memory_space<semaphore_mem>> -> memref<1x!tpu.dma_semaphore, #tpu.memory_space<semaphore_mem>>
    %dma_wait3A_918 = tpu.memref_squeeze %dma_wait3A_917 : memref<1x!tpu.dma_semaphore, #tpu.memory_space<semaphore_mem>> -> memref<!tpu.dma_semaphore, #tpu.memory_space<semaphore_mem>>
    %dma_wait3A_919 = arith.constant 0 : i32
    %dma_wait3A_920 = arith.constant 0 : i32
    %dma_wait3A_921 = tpu.memref_slice %arg4[%add3A_894, %dma_wait3A_919, %dma_wait3A_920] : memref<4096x50x128xf32, #tpu.memory_space<hbm>> -> memref<1x50x128xf32, #tpu.memory_space<hbm>>
    %dma_wait3A_922 = tpu.memref_squeeze %dma_wait3A_921 : memref<1x50x128xf32, #tpu.memory_space<hbm>> -> memref<50x128xf32, #tpu.memory_space<hbm>>
    %dma_wait3A_923 = arith.constant 0 : i32
    %dma_wait3A_924 = arith.constant 0 : i32
    %dma_wait3A_925 = tpu.memref_slice %arg6[%dma_wait3A_907, %dma_wait3A_923, %dma_wait3A_924] : memref<4x200x128xf32, #tpu.memory_space<vmem>> -> memref<1x50x128xf32, #tpu.memory_space<vmem>>
    %dma_wait3A_926 = tpu.memref_squeeze %dma_wait3A_925 : memref<1x50x128xf32, #tpu.memory_space<vmem>> -> memref<50x128xf32, #tpu.memory_space<vmem>>
    tpu.wait_dma2 semaphore(%dma_wait3A_918 : memref<!tpu.dma_semaphore, #tpu.memory_space<semaphore_mem>>) src(%dma_wait3A_926 : memref<50x128xf32, #tpu.memory_space<vmem>>) dst(%dma_wait3A_922 : memref<50x128xf32, #tpu.memory_space<hbm>>)
    %dma_wait3A_927 = arith.constant 3 : i32
    %dma_wait3A_928 = arith.constant 3 : i32
    %dma_wait3A_929 = arith.constant 50 : i32
    %dma_wait3A_930 = arith.constant 0 : i32
    %dma_wait3A_931 = tpu.memref_slice %arg6[%dma_wait3A_927, %dma_wait3A_929, %dma_wait3A_930] : memref<4x200x128xf32, #tpu.memory_space<vmem>> -> memref<1x50x128xf32, #tpu.memory_space<vmem>>
    %dma_wait3A_932 = tpu.memref_squeeze %dma_wait3A_931 : memref<1x50x128xf32, #tpu.memory_space<vmem>> -> memref<50x128xf32, #tpu.memory_space<vmem>>
    %dma_wait3A_933 = arith.constant 0 : i32
    %dma_wait3A_934 = arith.constant 0 : i32
    %dma_wait3A_935 = tpu.memref_slice %arg4[%add3A_898, %dma_wait3A_933, %dma_wait3A_934] : memref<4096x50x128xf32, #tpu.memory_space<hbm>> -> memref<1x50x128xf32, #tpu.memory_space<hbm>>
    %dma_wait3A_936 = tpu.memref_squeeze %dma_wait3A_935 : memref<1x50x128xf32, #tpu.memory_space<hbm>> -> memref<50x128xf32, #tpu.memory_space<hbm>>
    %dma_wait3A_937 = tpu.memref_slice %arg8[%dma_wait3A_928] : memref<4x!tpu.dma_semaphore, #tpu.memory_space<semaphore_mem>> -> memref<1x!tpu.dma_semaphore, #tpu.memory_space<semaphore_mem>>
    %dma_wait3A_938 = tpu.memref_squeeze %dma_wait3A_937 : memref<1x!tpu.dma_semaphore, #tpu.memory_space<semaphore_mem>> -> memref<!tpu.dma_semaphore, #tpu.memory_space<semaphore_mem>>
    %dma_wait3A_939 = arith.constant 0 : i32
    %dma_wait3A_940 = arith.constant 0 : i32
    %dma_wait3A_941 = tpu.memref_slice %arg4[%add3A_898, %dma_wait3A_939, %dma_wait3A_940] : memref<4096x50x128xf32, #tpu.memory_space<hbm>> -> memref<1x50x128xf32, #tpu.memory_space<hbm>>
    %dma_wait3A_942 = tpu.memref_squeeze %dma_wait3A_941 : memref<1x50x128xf32, #tpu.memory_space<hbm>> -> memref<50x128xf32, #tpu.memory_space<hbm>>
    %dma_wait3A_943 = arith.constant 50 : i32
    %dma_wait3A_944 = arith.constant 0 : i32
    %dma_wait3A_945 = tpu.memref_slice %arg6[%dma_wait3A_927, %dma_wait3A_943, %dma_wait3A_944] : memref<4x200x128xf32, #tpu.memory_space<vmem>> -> memref<1x50x128xf32, #tpu.memory_space<vmem>>
    %dma_wait3A_946 = tpu.memref_squeeze %dma_wait3A_945 : memref<1x50x128xf32, #tpu.memory_space<vmem>> -> memref<50x128xf32, #tpu.memory_space<vmem>>
    tpu.wait_dma2 semaphore(%dma_wait3A_938 : memref<!tpu.dma_semaphore, #tpu.memory_space<semaphore_mem>>) src(%dma_wait3A_946 : memref<50x128xf32, #tpu.memory_space<vmem>>) dst(%dma_wait3A_942 : memref<50x128xf32, #tpu.memory_space<hbm>>)
    %dma_wait3A_947 = arith.constant 3 : i32
    %dma_wait3A_948 = arith.constant 3 : i32
    %dma_wait3A_949 = arith.constant 100 : i32
    %dma_wait3A_950 = arith.constant 0 : i32
    %dma_wait3A_951 = tpu.memref_slice %arg6[%dma_wait3A_947, %dma_wait3A_949, %dma_wait3A_950] : memref<4x200x128xf32, #tpu.memory_space<vmem>> -> memref<1x50x128xf32, #tpu.memory_space<vmem>>
    %dma_wait3A_952 = tpu.memref_squeeze %dma_wait3A_951 : memref<1x50x128xf32, #tpu.memory_space<vmem>> -> memref<50x128xf32, #tpu.memory_space<vmem>>
    %dma_wait3A_953 = arith.constant 0 : i32
    %dma_wait3A_954 = arith.constant 0 : i32
    %dma_wait3A_955 = tpu.memref_slice %arg4[%add3A_902, %dma_wait3A_953, %dma_wait3A_954] : memref<4096x50x128xf32, #tpu.memory_space<hbm>> -> memref<1x50x128xf32, #tpu.memory_space<hbm>>
    %dma_wait3A_956 = tpu.memref_squeeze %dma_wait3A_955 : memref<1x50x128xf32, #tpu.memory_space<hbm>> -> memref<50x128xf32, #tpu.memory_space<hbm>>
    %dma_wait3A_957 = tpu.memref_slice %arg8[%dma_wait3A_948] : memref<4x!tpu.dma_semaphore, #tpu.memory_space<semaphore_mem>> -> memref<1x!tpu.dma_semaphore, #tpu.memory_space<semaphore_mem>>
    %dma_wait3A_958 = tpu.memref_squeeze %dma_wait3A_957 : memref<1x!tpu.dma_semaphore, #tpu.memory_space<semaphore_mem>> -> memref<!tpu.dma_semaphore, #tpu.memory_space<semaphore_mem>>
    %dma_wait3A_959 = arith.constant 0 : i32
    %dma_wait3A_960 = arith.constant 0 : i32
    %dma_wait3A_961 = tpu.memref_slice %arg4[%add3A_902, %dma_wait3A_959, %dma_wait3A_960] : memref<4096x50x128xf32, #tpu.memory_space<hbm>> -> memref<1x50x128xf32, #tpu.memory_space<hbm>>
    %dma_wait3A_962 = tpu.memref_squeeze %dma_wait3A_961 : memref<1x50x128xf32, #tpu.memory_space<hbm>> -> memref<50x128xf32, #tpu.memory_space<hbm>>
    %dma_wait3A_963 = arith.constant 100 : i32
    %dma_wait3A_964 = arith.constant 0 : i32
    %dma_wait3A_965 = tpu.memref_slice %arg6[%dma_wait3A_947, %dma_wait3A_963, %dma_wait3A_964] : memref<4x200x128xf32, #tpu.memory_space<vmem>> -> memref<1x50x128xf32, #tpu.memory_space<vmem>>
    %dma_wait3A_966 = tpu.memref_squeeze %dma_wait3A_965 : memref<1x50x128xf32, #tpu.memory_space<vmem>> -> memref<50x128xf32, #tpu.memory_space<vmem>>
    tpu.wait_dma2 semaphore(%dma_wait3A_958 : memref<!tpu.dma_semaphore, #tpu.memory_space<semaphore_mem>>) src(%dma_wait3A_966 : memref<50x128xf32, #tpu.memory_space<vmem>>) dst(%dma_wait3A_962 : memref<50x128xf32, #tpu.memory_space<hbm>>)
    %dma_wait3A_967 = arith.constant 3 : i32
    %dma_wait3A_968 = arith.constant 3 : i32
    %dma_wait3A_969 = arith.constant 150 : i32
    %dma_wait3A_970 = arith.constant 0 : i32
    %dma_wait3A_971 = tpu.memref_slice %arg6[%dma_wait3A_967, %dma_wait3A_969, %dma_wait3A_970] : memref<4x200x128xf32, #tpu.memory_space<vmem>> -> memref<1x50x128xf32, #tpu.memory_space<vmem>>
    %dma_wait3A_972 = tpu.memref_squeeze %dma_wait3A_971 : memref<1x50x128xf32, #tpu.memory_space<vmem>> -> memref<50x128xf32, #tpu.memory_space<vmem>>
    %dma_wait3A_973 = arith.constant 0 : i32
    %dma_wait3A_974 = arith.constant 0 : i32
    %dma_wait3A_975 = tpu.memref_slice %arg4[%add3A_906, %dma_wait3A_973, %dma_wait3A_974] : memref<4096x50x128xf32, #tpu.memory_space<hbm>> -> memref<1x50x128xf32, #tpu.memory_space<hbm>>
    %dma_wait3A_976 = tpu.memref_squeeze %dma_wait3A_975 : memref<1x50x128xf32, #tpu.memory_space<hbm>> -> memref<50x128xf32, #tpu.memory_space<hbm>>
    %dma_wait3A_977 = tpu.memref_slice %arg8[%dma_wait3A_968] : memref<4x!tpu.dma_semaphore, #tpu.memory_space<semaphore_mem>> -> memref<1x!tpu.dma_semaphore, #tpu.memory_space<semaphore_mem>>
    %dma_wait3A_978 = tpu.memref_squeeze %dma_wait3A_977 : memref<1x!tpu.dma_semaphore, #tpu.memory_space<semaphore_mem>> -> memref<!tpu.dma_semaphore, #tpu.memory_space<semaphore_mem>>
    %dma_wait3A_979 = arith.constant 0 : i32
    %dma_wait3A_980 = arith.constant 0 : i32
    %dma_wait3A_981 = tpu.memref_slice %arg4[%add3A_906, %dma_wait3A_979, %dma_wait3A_980] : memref<4096x50x128xf32, #tpu.memory_space<hbm>> -> memref<1x50x128xf32, #tpu.memory_space<hbm>>
    %dma_wait3A_982 = tpu.memref_squeeze %dma_wait3A_981 : memref<1x50x128xf32, #tpu.memory_space<hbm>> -> memref<50x128xf32, #tpu.memory_space<hbm>>
    %dma_wait3A_983 = arith.constant 150 : i32
    %dma_wait3A_984 = arith.constant 0 : i32
    %dma_wait3A_985 = tpu.memref_slice %arg6[%dma_wait3A_967, %dma_wait3A_983, %dma_wait3A_984] : memref<4x200x128xf32, #tpu.memory_space<vmem>> -> memref<1x50x128xf32, #tpu.memory_space<vmem>>
    %dma_wait3A_986 = tpu.memref_squeeze %dma_wait3A_985 : memref<1x50x128xf32, #tpu.memory_space<vmem>> -> memref<50x128xf32, #tpu.memory_space<vmem>>
    tpu.wait_dma2 semaphore(%dma_wait3A_978 : memref<!tpu.dma_semaphore, #tpu.memory_space<semaphore_mem>>) src(%dma_wait3A_986 : memref<50x128xf32, #tpu.memory_space<vmem>>) dst(%dma_wait3A_982 : memref<50x128xf32, #tpu.memory_space<hbm>>)
    return
  }
}

#map = affine_map<(d0, d1) -> (0, 0)>
#map1 = affine_map<(d0, d1) -> (0)>
module attributes {stable_mosaic.version = 14 : i64} {
  func.func @permute_kernel(%arg0: i32, %arg1: i32, %arg2: memref<50x4096xi32, #tpu.memory_space<hbm>>, %arg3: memref<6400xi32, #tpu.memory_space<hbm>>, %arg4: memref<6400xi32, #tpu.memory_space<hbm>>, %arg5: memref<204800xi32, #tpu.memory_space<hbm>>, %arg6: memref<50x128xi32, #tpu.memory_space<vmem>>, %arg7: memref<6400xi32, #tpu.memory_space<vmem>>, %arg8: memref<6400xi32, #tpu.memory_space<vmem>>, %arg9: memref<6400xi32, #tpu.memory_space<vmem>>, %arg10: memref<!tpu.dma_semaphore, #tpu.memory_space<semaphore_mem>>) attributes {dimension_semantics = [#tpu.dimension_semantics<core_parallel>, #tpu.dimension_semantics<subcore_parallel>], iteration_bounds = array<i64: 2, 16>, scalar_prefetch = 0 : i64, scratch_operands = 5 : i64, tpu.core_type = #tpu.core_type<sc_vector_subcore>, window_params = [{transform_indices = #map}, {transform_indices = #map1}, {transform_indices = #map1}, {transform_indices = #map1}]} {
    %mul3A = arith.constant 2 : i32
    %mul3A_0 = arith.muli %arg1, %mul3A : i32
    %add3A = arith.addi %mul3A_0, %arg0 : i32
    %mul3A_1 = arith.constant 128 : i32
    %mul3A_2 = arith.muli %add3A, %mul3A_1 : i32
    %mul3A_3 = arith.constant 6400 : i32
    %mul3A_4 = arith.muli %add3A, %mul3A_3 : i32
    %dma_start3A = arith.constant 0 : i32
    %dma_start3A_5 = tpu.memref_slice %arg2[%dma_start3A, %mul3A_2] : memref<50x4096xi32, #tpu.memory_space<hbm>> -> memref<50x128xi32, #tpu.memory_space<hbm>>
    %dma_start3A_6 = arith.constant 0 : i32
    %dma_start3A_7 = tpu.memref_slice %arg2[%dma_start3A_6, %mul3A_2] : memref<50x4096xi32, #tpu.memory_space<hbm>> -> memref<50x128xi32, #tpu.memory_space<hbm>>
    tpu.enqueue_dma source(%dma_start3A_7 : memref<50x128xi32, #tpu.memory_space<hbm>>) target(%arg6 : memref<50x128xi32, #tpu.memory_space<vmem>>) target_semaphore(%arg10 : memref<!tpu.dma_semaphore, #tpu.memory_space<semaphore_mem>>)
    %dma_wait3A = arith.constant 0 : i32
    %dma_wait3A_8 = tpu.memref_slice %arg2[%dma_wait3A, %mul3A_2] : memref<50x4096xi32, #tpu.memory_space<hbm>> -> memref<50x128xi32, #tpu.memory_space<hbm>>
    %dma_wait3A_9 = arith.constant 0 : i32
    %dma_wait3A_10 = tpu.memref_slice %arg2[%dma_wait3A_9, %mul3A_2] : memref<50x4096xi32, #tpu.memory_space<hbm>> -> memref<50x128xi32, #tpu.memory_space<hbm>>
    tpu.wait_dma2 semaphore(%arg10 : memref<!tpu.dma_semaphore, #tpu.memory_space<semaphore_mem>>) src(%dma_wait3A_10 : memref<50x128xi32, #tpu.memory_space<hbm>>) dst(%arg6 : memref<50x128xi32, #tpu.memory_space<vmem>>)
    tpu.enqueue_dma source(%arg3 : memref<6400xi32, #tpu.memory_space<hbm>>) target(%arg7 : memref<6400xi32, #tpu.memory_space<vmem>>) target_semaphore(%arg10 : memref<!tpu.dma_semaphore, #tpu.memory_space<semaphore_mem>>)
    tpu.wait_dma2 semaphore(%arg10 : memref<!tpu.dma_semaphore, #tpu.memory_space<semaphore_mem>>) src(%arg3 : memref<6400xi32, #tpu.memory_space<hbm>>) dst(%arg7 : memref<6400xi32, #tpu.memory_space<vmem>>)
    tpu.enqueue_dma source(%arg4 : memref<6400xi32, #tpu.memory_space<hbm>>) target(%arg8 : memref<6400xi32, #tpu.memory_space<vmem>>) target_semaphore(%arg10 : memref<!tpu.dma_semaphore, #tpu.memory_space<semaphore_mem>>)
    tpu.wait_dma2 semaphore(%arg10 : memref<!tpu.dma_semaphore, #tpu.memory_space<semaphore_mem>>) src(%arg4 : memref<6400xi32, #tpu.memory_space<hbm>>) dst(%arg8 : memref<6400xi32, #tpu.memory_space<vmem>>)
    %scan3A = arith.constant 0 : i32
    %scan3A_11 = arith.constant 400 : i32
    %scan3A_12 = arith.addi %scan3A, %scan3A_11 : i32
    %scan3A_13 = arith.constant 1 : i32
    scf.for %scan3A_19 = %scan3A to %scan3A_12 step %scan3A_13  : i32 {
      %mul3A_20 = arith.constant 16 : i32
      %mul3A_21 = arith.muli %scan3A_19, %mul3A_20 : i32
      %add3A_22 = arith.constant 0 : i32
      %add3A_23 = arith.addi %add3A_22, %mul3A_21 : i32
      %get3A = arith.index_cast %add3A_23 : i32 to index
      %get3A_24 = tpu.vector_load %arg7[%get3A] {strides = array<i32>} : memref<6400xi32, #tpu.memory_space<vmem>>, vector<16xi32>,
      %get3A_25 = arith.index_cast %add3A_23 : i32 to index
      %get3A_26 = tpu.vector_load %arg8[%get3A_25] {strides = array<i32>} : memref<6400xi32, #tpu.memory_space<vmem>>, vector<16xi32>,
      %gather3A = tpu.vector_load_idx %arg6[%get3A_24, %get3A_26] : memref<50x128xi32, #tpu.memory_space<vmem>>[vector<16xi32>, vector<16xi32>], vector<16xi32>,
      %swap3A = arith.index_cast %add3A_23 : i32 to index
      %swap3A_27 = tpu.vector_load %arg9[%swap3A] {strides = array<i32>} : memref<6400xi32, #tpu.memory_space<vmem>>, vector<16xi32>,
      tpu.vector_store %arg9[%swap3A], %gather3A {strides = array<i32>} : memref<6400xi32, #tpu.memory_space<vmem>>, vector<16xi32>,
    }
    %scan3A_14 = arith.constant 400 : i32
    %dma_start3A_15 = tpu.memref_slice %arg5[%mul3A_4] : memref<204800xi32, #tpu.memory_space<hbm>> -> memref<6400xi32, #tpu.memory_space<hbm>>
    %dma_start3A_16 = tpu.memref_slice %arg5[%mul3A_4] : memref<204800xi32, #tpu.memory_space<hbm>> -> memref<6400xi32, #tpu.memory_space<hbm>>
    tpu.enqueue_dma source(%arg9 : memref<6400xi32, #tpu.memory_space<vmem>>) target(%dma_start3A_16 : memref<6400xi32, #tpu.memory_space<hbm>>) target_semaphore(%arg10 : memref<!tpu.dma_semaphore, #tpu.memory_space<semaphore_mem>>)
    %dma_wait3A_17 = tpu.memref_slice %arg5[%mul3A_4] : memref<204800xi32, #tpu.memory_space<hbm>> -> memref<6400xi32, #tpu.memory_space<hbm>>
    %dma_wait3A_18 = tpu.memref_slice %arg5[%mul3A_4] : memref<204800xi32, #tpu.memory_space<hbm>> -> memref<6400xi32, #tpu.memory_space<hbm>>
    tpu.wait_dma2 semaphore(%arg10 : memref<!tpu.dma_semaphore, #tpu.memory_space<semaphore_mem>>) src(%arg9 : memref<6400xi32, #tpu.memory_space<vmem>>) dst(%dma_wait3A_18 : memref<6400xi32, #tpu.memory_space<hbm>>)
    return
  }
}

</mosaic_0001>

<sc_bundles>
// kernel: kernel.4.cloned.1.call-start
scs
__scs_entry_jumppad:
0x0: {  	(pc) =	sbr.rel $0x88, $3  }
0x1: {  	(tag) =	ssettag $0x0;
	lr =	simm.s32 $0x1  }
0x2: {  	[smem:$0x3F9F] =	sst lr;
	_ =	strace $0xD0000000  }
0x3: {  	_ = 	snop  }
0x4: {  	_ = 	snop  }
0x5: {  	_ = 	snop  }
0x6: {  	_ = 	snop  }
0x7: {  	_ = 	snop  }
__scs_overlays_trampoline_lowered:
0x8: {  	[smem:$0x3FAE] =	sst s0  }
0x9: {  	[smem:$0x3FAF] =	sst s1  }
0xa: {  	[smem:$0x3FB0] =	sst s2  }
0xb: {  	[smem:$0x3FB1] =	sst s3  }
0xc: {  	[smem:$0x3FB2] =	sst s4  }
0xd: {  	[smem:$0x3FB3] =	sst s5  }
0xe: {  	[smem:$0x3FB4] =	sst s6  }
0xf: {  	[smem:$0x3FB5] =	sst s7  }
0x10: {  	[smem:$0x3FB6] =	sst s8  }
0x11: {  	[smem:$0x3FB7] =	sst s9;
	s0 =	simm.s32 @!p0 $0x0  }
0x12: {  	s1 =	sld [smem:$0x3F9D];
	s0 =	simm.s32 @p0 $0x1  }
0x13: {  	[smem:$0x3FB8] =	sst s0;
	s0 =	simm.s32 @!p1 $0x0  }
0x14: {  	s2 =	sld [smem:$0x3F9C];
	s0 =	simm.s32 @p1 $0x1  }
0x15: {  	[smem:$0x3FB9] =	sst s0;
	s0 =	simm.s32 @!p2 $0x0  }
0x16: {  	s3 =	sld [smem:$0x3FDB];
	s0 =	simm.s32 @p2 $0x1  }
0x17: {  	s4 =	simm.s32 $0x1BF5;
	[smem:$0x3FBB] =	sst s0  }
0x18: {  	s0 =	sld [smem:$0x3F9E];
	_ =	swait.ge [sflag:s4], $0x0  }
0x19: {  	s7 =	sld [smem:$0x3F9F]  }
0x1a: {  	s8 =	sadd.s32 $0xFFFFE003, lr  }
0x1b: {  	s9 =	sadd.s32 $0xFFFFFEF7, lr;
	s5 =	simm.s32 $0xFFFFFFFF;
	p2 =	slt.u32 s8, $0xFFFFF086  }
0x1c: {  	p1 =	slt.u32 s9, $0xF7A;
	s5 =	simm.s32 @!p2 $0x0  }
0x1d: {  	s5 =	simm.s32 @p1 $0x1;
	p0 =	seq.s32 s7, s2  }
0x1e: {  	s7 =	smul.u32 @!p0 $0xF7A, s2;
	p2 =	seq.s32 @!p0 s5, $0x0  }
0x1f: {  	s9 =	smul.u32 $0xF7A, s1;
	s8 =	simm.s32 @!p0 $0x1BF5;
	p2 =	por !p2, p0  }
0x20: {  	[sflag:s8] =	ssyncset.s32 @!p0 $0xFFFFF086;
	s6 =	sadd.s32 @!p0 s3, s7;
	s7 =	simm.s32 @!p0 $0x108  }
0x21: {  	s3 =	sadd.s32 s3, s9;
	s6 =	sadd.s32 @!p0 $0x88, s6;
	s7 =	simm.s32 @p2 $0x1082  }
0x22: {  	[simem:s7], [sflag:s8] =	dma.local @!p0 [hbm:s6], $0xF7A  }
0x23: {  	s9 =	sor.u32 $0xD0000000, s2;
	s6 =	simm.s32 $0x108;
	_ =	swait.ge @!p0 [sflag:s8], $0x0  }
0x24: {  	s3 =	sadd.s32 $0x88, s3;
	s6 =	simm.s32 @!p1 $0x1082;
	[sflag:s4] =	ssyncset.s32 $0xFFFFF086  }
0x25: {  	[simem:s6], [sflag:s4] =	dma.local [hbm:s3], $0xF7A  }
0x26: {  	[smem:$0x3F9F] =	sst s1;
	(tag) =	ssettag s2;
	_ =	strace s9  }
0x27: {  	s1 =	sld [smem:$0x3FAF]  }
0x28: {  	s2 =	sld [smem:$0x3FB0]  }
0x29: {  	s4 =	sld [smem:$0x3FB2]  }
0x2a: {  	p0 =	seq.s32 s5, $0x0;
	s5 =	sld [smem:$0x3FB3]  }
0x2b: {  	s6 =	sld [smem:$0x3FB4]  }
0x2c: {  	s7 =	sld [smem:$0x3FB5]  }
0x2d: {  	s3 =	simm.s32 $0x108;
	s8 =	sld [smem:$0x3FB6]  }
0x2e: {  	s3 =	simm.s32 @!p0 $0x1082;
	s9 =	sld [smem:$0x3FB7]  }
0x2f: {  	lr =	sadd.s32 s0, s3;
	s0 =	sld [smem:$0x3FAE]  }
0x30: {  	s3 =	sld [smem:$0x3FB1]  }
0x31: {  	[smem:$0x3FBA] =	sst s10  }
0x32: {  	s10 =	sld [smem:$0x3FB8];
	_ =	sdelay $0x3  }
0x33: {  	p0 =	seq.s32 s10, $0x1;
	s10 =	sld [smem:$0x3FBA];
	_ =	sdelay $0x3  }
0x34: {  	[smem:$0x3FBA] =	sst s10  }
0x35: {  	s10 =	sld [smem:$0x3FB9];
	_ =	sdelay $0x3  }
0x36: {  	p1 =	seq.s32 s10, $0x1;
	s10 =	sld [smem:$0x3FBA];
	_ =	sdelay $0x3  }
0x37: {  	[smem:$0x3FBA] =	sst s10  }
0x38: {  	s10 =	sld [smem:$0x3FBB]  }
0x39: {  	_ = 	snop;
	(pc) =	sbr.ind lr, $3  }
0x3a: {  	_ = 	snop  }
0x3b: {  	_ = 	snop  }
0x3c: {  	p2 =	seq.s32 s10, $0x1;
	s10 =	sld [smem:$0x3FBA]  }
0x3d: {  	_ =	shalt  }
0x3e: {  	_ =	shalt  }
0x3f: {  	_ =	shalt  }
0x40: {  	_ =	shalt  }
0x41: {  	_ =	shalt  }
0x42: {  	_ =	shalt  }
0x43: {  	_ =	shalt  }
0x44: {  	_ =	shalt  }
0x45: {  	_ =	shalt  }
0x46: {  	_ =	shalt  }
0x47: {  	_ =	shalt  }
0x48: {  	_ =	shalt  }
0x49: {  	_ =	shalt  }
0x4a: {  	_ =	shalt  }
0x4b: {  	_ =	shalt  }
0x4c: {  	_ =	shalt  }
0x4d: {  	_ =	shalt  }
0x4e: {  	_ =	shalt  }
0x4f: {  	_ =	shalt  }
0x50: {  	_ =	shalt  }
0x51: {  	_ =	shalt  }
0x52: {  	_ =	shalt  }
0x53: {  	_ =	shalt  }
0x54: {  	_ =	shalt  }
0x55: {  	_ =	shalt  }
0x56: {  	_ =	shalt  }
0x57: {  	_ =	shalt  }
0x58: {  	_ =	shalt  }
0x59: {  	_ =	shalt  }
0x5a: {  	_ =	shalt  }
0x5b: {  	_ =	shalt  }
0x5c: {  	_ =	shalt  }
0x5d: {  	_ =	shalt  }
0x5e: {  	_ =	shalt  }
0x5f: {  	_ =	shalt  }
0x60: {  	_ =	shalt  }
0x61: {  	_ =	shalt  }
0x62: {  	_ =	shalt  }
0x63: {  	_ =	shalt  }
0x64: {  	_ =	shalt  }
0x65: {  	_ =	shalt  }
0x66: {  	_ =	shalt  }
0x67: {  	_ =	shalt  }
0x68: {  	_ =	shalt  }
0x69: {  	_ =	shalt  }
0x6a: {  	_ =	shalt  }
0x6b: {  	_ =	shalt  }
0x6c: {  	_ =	shalt  }
0x6d: {  	_ =	shalt  }
0x6e: {  	_ =	shalt  }
0x6f: {  	_ =	shalt  }
0x70: {  	_ =	shalt  }
0x71: {  	_ =	shalt  }
0x72: {  	_ =	shalt  }
0x73: {  	_ =	shalt  }
0x74: {  	_ =	shalt  }
0x75: {  	_ =	shalt  }
0x76: {  	_ =	shalt  }
0x77: {  	_ =	shalt  }
0x78: {  	_ =	shalt  }
0x79: {  	_ =	shalt  }
0x7a: {  	_ =	shalt  }
0x7b: {  	_ =	shalt  }
0x7c: {  	_ =	shalt  }
0x7d: {  	_ =	shalt  }
0x7e: {  	_ =	shalt  }
0x7f: {  	_ =	shalt  }
0x80: {  	_ =	shalt  }
0x81: {  	_ =	shalt  }
0x82: {  	_ =	shalt  }
0x83: {  	_ =	shalt  }
0x84: {  	_ =	shalt  }
0x85: {  	_ =	shalt  }
0x86: {  	_ =	shalt  }
0x87: {  	_ =	shalt  }
.Lfunc_end0:
.L_simem_size_0:
called_computation.1_lowered:
.L_overlay_start_0:
0x88: {  	s2 =	sld [smem:$0x3FD9]  }
0x89: {  	s3 =	sld [smem:$0x3FFE];
	_ =	sdelay $0x1  }
0x8a: {  	s1 =	srdreg.scid  }
0x8b: {  	s0 =	sand.u32 $0x1, s1  }
0x8c: {  	s17 =	sshll.u32 s0, $0xA;
	s2 =	sadd.s32 s3, s2  }
0x8d: {  	s2 =	sadd.s32 s2, s17  }
0x8e: {  	[smem:$0x3FC6] =	sst s2  }
0x8f: {  	_ = 	snop  }
0x90: {  	s2 =	sld [smem:$0x3FD0];
	(tm) =	ssettm $0x1  }
0x91: {  	s18 =	sld [smem:$0x3FFB];
	_ =	sdelay $0x3  }
0x92: {  	_ =	strace s18  }
0x93: {  	s3 =	sld [smem:$0x3FFC];
	_ =	sdelay $0x3  }
0x94: {  	_ =	strace s3  }
0x95: {  	s3 =	sld [smem:$0x3FFD];
	_ =	sdelay $0x3  }
0x96: {  	_ =	strace s3  }
0x97: {  	_ =	strace $0x8FFFFFFF  }
0x98: {  	s19 =	sld [smem:$0x3FDB];
	_ =	sdelay $0x1  }
0x99: {  	s4 =	simm.s32 $_scs_section_size  }
0x9a: {  	s5 =	simm.s32 $_size__tile_overlayer_lowered;
	s6 =	simm.s32 $_tile_overlayer_lowered  }
0x9b: {  	s22 =	simm.s32 $0x1BFF;
	s21 =	sshll.u32 s6, $0x1;
	s3 =	sadd.s32 s4, s19  }
0x9c: {  	s7 =	simm.s32 $0x0;
	s20 =	sshll.u32 s5, $0x1;
	s5 =	sadd.s32 s21, s3  }
0x9d: {  	[timem:s7], [sflag:s22] =	dma.local [hbm:s5], s20  }
0x9e: {  	_ =	swait.ge [sflag:s22], s20  }
0x9f: {  	s4 =	ssub.s32 $0x0, s20;
	[sflag:s22] =	ssyncset.done $0x0  }
0xa0: {  	[sflag:s22] =	ssyncadd.s32 s4;
	_ =	sdelay $0x1  }
0xa1: {  	s23 =	simm.s32 $0x1B8B  }
0xa2: {  	_ =	swait.ge [sflag:s23], $0x1  }
0xa3: {  	[sflag:s23] =	ssyncset.done $0x0  }
0xa4: {  	s25 =	simm.s32 $0x1B8E;
	s24 =	sld [smem:$0x3FFE];
	[sflag:s23] =	ssyncadd.s32 $0xFFFFFFFF  }
0xa5: {  	s26 =	simm.s32 $execute0_lowered;
	[smem:$0x3FD2] =	sst s25  }
0xa6: {  	s5 =	sshll.u32 s26, $0x1;
	_ =	strace $0x80000046;
	[dreg:$0x1] =	wrdreg $0xFFFFFFFF  }
0xa7: {  	s28 =	simm.s32 $_size_execute0_lowered;
	s3 =	sadd.s32 s3, s5;
	[dreg:$0x0] =	wrdreg $0x0  }
0xa8: {  	s5 =	sshll.u32 s28, $0x1;
	[dreg:$0x2] =	wrdreg s3  }
0xa9: {  	[dreg:$0x3] =	wrdreg s5  }
0xaa: {  	[dreg:$0x4] =	wrdreg $0xC0  }
0xab: {  	_ =	task [dreg:s7], $0x5FFFF  }
0xac: {  	[dreg:$0x1] =	wrdreg $0xFFFFFFFF  }
0xad: {  	[dreg:$0x0] =	wrdreg $0x60  }
0xae: {  	[dreg:$0x2] =	wrdreg s2  }
0xaf: {  	[dreg:$0x3] =	wrdreg s24  }
0xb0: {  	[dreg:$0x4] =	wrdreg $0x9  }
0xb1: {  	_ =	task.clear_ibuf [dreg:s7], $0x5FFFF;
	_ =	strace $0x90000046  }
0xb2: {  	s29 =	simm.s32 $0x9;
	_ =	strace $0x80000048  }
0xb3: {  	_ =	swait.ge [sflag:s29], $0x1  }
0xb4: {  	[sflag:s29] =	ssyncadd.s32 $0xFFFFFFFF  }
0xb5: {  	_ =	strace $0x90000048  }
0xb6: {  	_ =	sfence  }
0xb7: {  	s30 =	sld [smem:$0x0];
	_ =	sdelay $0x2  }
0xb8: {  	s31 =	sshll.u32 s1, $0xD;
	s1 =	sshrl.u32 s1, $0x2  }
0xb9: {  	s3 =	sand.u32 $0x4000, s31;
	s1 =	sadd.s32 s1, s30  }
0xba: {  	s0 =	sor.u32 s3, s0;
	s1 =	sshll.u32 s1, $0x11  }
0xbb: {  	s0 =	sor.u32 s1, s0  }
0xbc: {  	s0 =	sadd.s32 $0x8F2B, s0  }
0xbd: {  	[sflag:s0] =	ssyncadd.remote.s32 $0x1  }
0xbe: {  	_ =	sfence.sel $0xFFFF  }
0xbf: {  	[dreg:$0x0] =	wrdreg $0xFFFFFFFF;
	(pc) =	sbr.abs _section_cstart, $3  }
0xc0: {  	[dreg:$0x1] =	wrdreg $0xFFFFFFFF  }
0xc1: {  	_ =	task.clear_ibuf [dreg:s7], $0x2FFFF;
	_ =	strace $0x9FFFFFFF  }
0xc2: {  	(tm) =	ssettm $0x7FFFFFFF  }
0xc3: {  	_ =	shalt  }
tec
execute0_lowered:
.L_overlay_start_1:
0x0: {  	(tag) =	ssettag $0x1  }
0x1: {  	s5 =	rddreg [dreg:$0x0]  }
0x2: {  	s6 =	rddreg [dreg:$0x1]  }
0x3: {  	s0 =	rddreg [dreg:$0x2];
	s2 =	simm.s32 $0x0;
	s3 =	srdreg.scid  }
0x4: {  	s1 =	stileid.u32;
	s11 =	simm.s32 $0x1900;
	s12 =	simm.s32 $0x3200  }
0x5: {  	s13 =	simm.s32 $0x4B00;
	s14 =	simm.s32 $0x0;
	[smem:$0x7FF] =	sst s2  }
0x6: {  	s4 =	sand.u32 $0x1, s3;
	s30 =	sshll.u32 s1, $0x1;
	s3 =	sadd.s32 $0x1000, s6  }
0x7: {  	_ =	strace $0x80000047;
	s7 =	sor.u32 s4, s30;
	s9 =	ssub.s32 $0x2, s4  }
0x8: {  	s8 =	smul.u32 $0x320, s7;
	s10 =	sshrl.u32 s9, $0x1;
	s7 =	sshll.u32 s7, $0x4  }
0x9: {  	s4 =	sadd.s32 $0xC00, s6;
	s31 =	ssub.s32 s9, s10;
	s5 =	sadd.s32 s5, s7  }
0xa: {  	s9 =	simm.s32 $0x1000;
	s10 =	simm.s32 $0x1;
	s6 =	sadd.s32 s8, s6  }
0xb: {  	s7 =	smax.u32 s31, $0x1;
	s8 =	simm.s32 $0x80;
	s6 =	sadd.s32 $0x1400, s6  }
.LBB2_1:
0xc: {  	[tilespmem:s2], [sflag:$0x1] =	stream.strided.gather [hbm4b:s5+s8], $0x1900, s9, s8, $0x38;
	[tilespmem:$0x6400] =	vst v63  }
0xd: {  	_ =	swait.ge [sflag:s10], $0x1900  }
0xe: {  	[sflag:s10] =	ssyncset.done $0x0  }
0xf: {  	[sflag:s10] =	ssyncadd.s32 $0xFFFFE700  }
0x10: {  	[tilespmem:s11], [sflag:$0x1] =	stream.linear.gather [hbm4b:s3+s2], $0x1900, $0x38;
	[tilespmem:$0x6400] =	vst v63  }
0x11: {  	_ =	swait.ge [sflag:s10], $0x1900  }
0x12: {  	[sflag:s10] =	ssyncset.done $0x0  }
0x13: {  	[sflag:s10] =	ssyncadd.s32 $0xFFFFE700  }
0x14: {  	[tilespmem:s12], [sflag:$0x1] =	stream.linear.gather [hbm4b:s4+s2], $0x1900, $0x38;
	[tilespmem:$0x6400] =	vst v63  }
0x15: {  	_ =	swait.ge [sflag:s10], $0x1900  }
0x16: {  	[sflag:s10] =	ssyncset.done $0x0  }
0x17: {  	s16 =	simm.s32 $0x0;
	[sflag:s10] =	ssyncadd.s32 $0xFFFFE700  }
0x18: {  	v0 =	vld [tilespmem:s16+$0x1900]  }
0x19: {  	v1 =	vld [tilespmem:s16+$0x3200];
	_ =	sdelay $0x4  }
0x1a: {  	s15 =	simm.s32 $0x10;
	v2 =	vand.u32 $0xFFFFFFF8, v1;
	v0 =	vshll.u32 v0, $0x7  }
0x1b: {  	v3 =	vld [tilespmem:s15+$0x1900];
	v1 =	vand.u32 $0x7, v1;
	v0 =	vadd.s32 v0, v2  }
0x1c: {  	v2 =	vld [tilespmem:s15+$0x3200];
	v0 =	vor.u32 v1, v0;
	_ =	sdelay $0x4  }
0x1d: {  	s17 =	simm.s32 $0x20;
	v3 =	vshll.u32 v3, $0x7;
	v4 =	vand.u32 $0xFFFFFFF8, v2;
	v1 =	vld.idx.msk [tilespmem:v0+s2+$0x0], $0xffff  }
0x1e: {  	s18 =	simm.s32 $0xC0;
	v2 =	vand.u32 $0x7, v2;
	v0 =	vld [tilespmem:s17+$0x1900];
	v3 =	vadd.s32 v3, v4  }
.LBB2_2:
0x1f: {  	p0 =	sne.s32 s18, $0x63C0;
	v4 =	vld [tilespmem:s17+$0x3200];
	v2 =	vor.u32 v2, v3;
	_ =	sdelay $0x1  }
.Ltmp0:
0x20: {  	(pc) =	sbr.rel @p0 .LBB2_2-.Ltmp0, $4  }
0x21: {  	_ = 	snop  }
0x22: {  	[tilespmem:s16+$0x4B00] =	vst v1;
	s16 =	smov.u32 s15;
	s15 =	smov.u32 s17  }
0x23: {  	s17 =	sshra.s32 s18, $0x2;
	v5 =	vshll.u32 v0, $0x7;
	v3 =	vand.u32 $0xFFFFFFF8, v4;
	v1 =	vld.idx.msk [tilespmem:v2+s2+$0x0], $0xffff  }
0x24: {  	s18 =	sadd.s32 $0x40, s18;
	v2 =	vand.u32 $0x7, v4;
	v0 =	vld [tilespmem:s17+$0x1900];
	v3 =	vadd.s32 v5, v3  }
0x25: {  	v4 =	vld [tilespmem:s17+$0x3200]  }
0x26: {  	v2 =	vor.u32 v2, v3;
	_ =	sdelay $0x3  }
0x27: {  	[tilespmem:s16+$0x4B00] =	vst v1;
	v0 =	vshll.u32 v0, $0x7;
	v62 =	vand.u32 $0xFFFFFFF8, v4  }
0x28: {  	v2 =	vld.idx.msk [tilespmem:v2+s2+$0x0], $0xffff;
	v63 =	vand.u32 $0x7, v4;
	v0 =	vadd.s32 v0, v62  }
0x29: {  	v0 =	vor.u32 v63, v0;
	_ =	sdelay $0x3  }
0x2a: {  	[tilespmem:s15+$0x4B00] =	vst v2  }
0x2b: {  	v0 =	vld.idx.msk [tilespmem:v0+s2+$0x0], $0xffff;
	_ =	sdelay $0x2  }
0x2c: {  	s14 =	sadd.s32 $0x1, s14  }
0x2d: {  	p0 =	sne.s32 s14, s7  }
.Ltmp1:
0x2e: {  	[tilespmem:s17+$0x4B00] =	vst v0;
	(pc) =	sbr.rel @p0 .LBB2_1-.Ltmp1, $4  }
0x2f: {  	[hbm4b:s6+s2] =	stream.linear.scatter [tilespmem:s13], [sflag:$0x1], $0x1900, $0x38;
	[tilespmem:$0x6400] =	vst v63  }
0x30: {  	_ =	swait.ge [sflag:s10], $0x1900  }
0x31: {  	[sflag:s10] =	ssyncset.done $0x0  }
0x32: {  	[sflag:s10] =	ssyncadd.s32 $0xFFFFE700  }
0x33: {  	_ =	sfence.sel $0x180000  }
0x34: {  	[bflag:$0x0] =	sbarrier.arrive $0xFFFF  }
0x35: {  	p0 =	sne.s32 s1, $0x0;
	_ =	strace $0x90000047  }
0x36: {  	s0 =	sadd.s32 @!p0 $0x100000, s0;
	[bflag:$0x2] =	sbarrier.arrive $0xFFFF  }
0x37: {  	[sflag:s0] =	ssyncadd.tile.s32 @!p0 $0x1;
	_ =	shalt  }
.Lfunc_end2:
_tile_overlayer_lowered:
.L_overlay_start_2:
0x38: {  	(tag) =	ssettag $0x2  }
0x39: {  	s0 =	rddreg [dreg:$0x0];
	s2 =	stileid.u32  }
0x3a: {  	s1 =	rddreg [dreg:$0x1];
	p0 =	sne.s32 s2, $0x0  }
0x3b: {  	s3 =	rddreg [dreg:$0x2];
	[bflag:$0x3] =	sbarrier.arrive $0xFFFF;
	s2 =	simm.s32 @!p0 $0x1C02  }
0x3c: {  	[timem:s3], [sflag:s2] =	dma.local @!p0 [hbm:s0], s1  }
0x3d: {  	s0 =	simm.s32 @!p0 $0x2  }
0x3e: {  	_ =	swait.ge @!p0 [sflag:s0], s1  }
0x3f: {  	s1 =	ssub.s32 @!p0 $0x0, s1;
	[sflag:s0] =	ssyncset.done @!p0 $0x0  }
0x40: {  	[sflag:s0] =	ssyncadd.s32 @!p0 s1  }
0x41: {  	[bflag:$0x3] =	sbarrier.arrive $0xFFFF  }
0x42: {  	_ =	shalt  }

// kernel: kernel.7.cloned.1.call-start
scs
__scs_entry_jumppad:
0x0: {  	(pc) =	sbr.rel $0x88, $3  }
0x1: {  	(tag) =	ssettag $0x0;
	lr =	simm.s32 $0x1  }
0x2: {  	[smem:$0x3F9F] =	sst lr;
	_ =	strace $0xD0000000  }
0x3: {  	_ = 	snop  }
0x4: {  	_ = 	snop  }
0x5: {  	_ = 	snop  }
0x6: {  	_ = 	snop  }
0x7: {  	_ = 	snop  }
__scs_overlays_trampoline_lowered:
0x8: {  	[smem:$0x3FAE] =	sst s0  }
0x9: {  	[smem:$0x3FAF] =	sst s1  }
0xa: {  	[smem:$0x3FB0] =	sst s2  }
0xb: {  	[smem:$0x3FB1] =	sst s3  }
0xc: {  	[smem:$0x3FB2] =	sst s4  }
0xd: {  	[smem:$0x3FB3] =	sst s5  }
0xe: {  	[smem:$0x3FB4] =	sst s6  }
0xf: {  	[smem:$0x3FB5] =	sst s7  }
0x10: {  	[smem:$0x3FB6] =	sst s8  }
0x11: {  	[smem:$0x3FB7] =	sst s9;
	s0 =	simm.s32 @!p0 $0x0  }
0x12: {  	s1 =	sld [smem:$0x3F9D];
	s0 =	simm.s32 @p0 $0x1  }
0x13: {  	[smem:$0x3FB8] =	sst s0;
	s0 =	simm.s32 @!p1 $0x0  }
0x14: {  	s2 =	sld [smem:$0x3F9C];
	s0 =	simm.s32 @p1 $0x1  }
0x15: {  	[smem:$0x3FB9] =	sst s0;
	s0 =	simm.s32 @!p2 $0x0  }
0x16: {  	s3 =	sld [smem:$0x3FDB];
	s0 =	simm.s32 @p2 $0x1  }
0x17: {  	s4 =	simm.s32 $0x1BF5;
	[smem:$0x3FBB] =	sst s0  }
0x18: {  	s0 =	sld [smem:$0x3F9E];
	_ =	swait.ge [sflag:s4], $0x0  }
0x19: {  	s7 =	sld [smem:$0x3F9F]  }
0x1a: {  	s8 =	sadd.s32 $0xFFFFE003, lr  }
0x1b: {  	s9 =	sadd.s32 $0xFFFFFEF7, lr;
	s5 =	simm.s32 $0xFFFFFFFF;
	p2 =	slt.u32 s8, $0xFFFFF086  }
0x1c: {  	p1 =	slt.u32 s9, $0xF7A;
	s5 =	simm.s32 @!p2 $0x0  }
0x1d: {  	s5 =	simm.s32 @p1 $0x1;
	p0 =	seq.s32 s7, s2  }
0x1e: {  	s7 =	smul.u32 @!p0 $0xF7A, s2;
	p2 =	seq.s32 @!p0 s5, $0x0  }
0x1f: {  	s9 =	smul.u32 $0xF7A, s1;
	s8 =	simm.s32 @!p0 $0x1BF5;
	p2 =	por !p2, p0  }
0x20: {  	[sflag:s8] =	ssyncset.s32 @!p0 $0xFFFFF086;
	s6 =	sadd.s32 @!p0 s3, s7;
	s7 =	simm.s32 @!p0 $0x108  }
0x21: {  	s3 =	sadd.s32 s3, s9;
	s6 =	sadd.s32 @!p0 $0x88, s6;
	s7 =	simm.s32 @p2 $0x1082  }
0x22: {  	[simem:s7], [sflag:s8] =	dma.local @!p0 [hbm:s6], $0xF7A  }
0x23: {  	s9 =	sor.u32 $0xD0000000, s2;
	s6 =	simm.s32 $0x108;
	_ =	swait.ge @!p0 [sflag:s8], $0x0  }
0x24: {  	s3 =	sadd.s32 $0x88, s3;
	s6 =	simm.s32 @!p1 $0x1082;
	[sflag:s4] =	ssyncset.s32 $0xFFFFF086  }
0x25: {  	[simem:s6], [sflag:s4] =	dma.local [hbm:s3], $0xF7A  }
0x26: {  	[smem:$0x3F9F] =	sst s1;
	(tag) =	ssettag s2;
	_ =	strace s9  }
0x27: {  	s1 =	sld [smem:$0x3FAF]  }
0x28: {  	s2 =	sld [smem:$0x3FB0]  }
0x29: {  	s4 =	sld [smem:$0x3FB2]  }
0x2a: {  	p0 =	seq.s32 s5, $0x0;
	s5 =	sld [smem:$0x3FB3]  }
0x2b: {  	s6 =	sld [smem:$0x3FB4]  }
0x2c: {  	s7 =	sld [smem:$0x3FB5]  }
0x2d: {  	s3 =	simm.s32 $0x108;
	s8 =	sld [smem:$0x3FB6]  }
0x2e: {  	s3 =	simm.s32 @!p0 $0x1082;
	s9 =	sld [smem:$0x3FB7]  }
0x2f: {  	lr =	sadd.s32 s0, s3;
	s0 =	sld [smem:$0x3FAE]  }
0x30: {  	s3 =	sld [smem:$0x3FB1]  }
0x31: {  	[smem:$0x3FBA] =	sst s10  }
0x32: {  	s10 =	sld [smem:$0x3FB8];
	_ =	sdelay $0x3  }
0x33: {  	p0 =	seq.s32 s10, $0x1;
	s10 =	sld [smem:$0x3FBA];
	_ =	sdelay $0x3  }
0x34: {  	[smem:$0x3FBA] =	sst s10  }
0x35: {  	s10 =	sld [smem:$0x3FB9];
	_ =	sdelay $0x3  }
0x36: {  	p1 =	seq.s32 s10, $0x1;
	s10 =	sld [smem:$0x3FBA];
	_ =	sdelay $0x3  }
0x37: {  	[smem:$0x3FBA] =	sst s10  }
0x38: {  	s10 =	sld [smem:$0x3FBB]  }
0x39: {  	_ = 	snop;
	(pc) =	sbr.ind lr, $3  }
0x3a: {  	_ = 	snop  }
0x3b: {  	_ = 	snop  }
0x3c: {  	p2 =	seq.s32 s10, $0x1;
	s10 =	sld [smem:$0x3FBA]  }
0x3d: {  	_ =	shalt  }
0x3e: {  	_ =	shalt  }
0x3f: {  	_ =	shalt  }
0x40: {  	_ =	shalt  }
0x41: {  	_ =	shalt  }
0x42: {  	_ =	shalt  }
0x43: {  	_ =	shalt  }
0x44: {  	_ =	shalt  }
0x45: {  	_ =	shalt  }
0x46: {  	_ =	shalt  }
0x47: {  	_ =	shalt  }
0x48: {  	_ =	shalt  }
0x49: {  	_ =	shalt  }
0x4a: {  	_ =	shalt  }
0x4b: {  	_ =	shalt  }
0x4c: {  	_ =	shalt  }
0x4d: {  	_ =	shalt  }
0x4e: {  	_ =	shalt  }
0x4f: {  	_ =	shalt  }
0x50: {  	_ =	shalt  }
0x51: {  	_ =	shalt  }
0x52: {  	_ =	shalt  }
0x53: {  	_ =	shalt  }
0x54: {  	_ =	shalt  }
0x55: {  	_ =	shalt  }
0x56: {  	_ =	shalt  }
0x57: {  	_ =	shalt  }
0x58: {  	_ =	shalt  }
0x59: {  	_ =	shalt  }
0x5a: {  	_ =	shalt  }
0x5b: {  	_ =	shalt  }
0x5c: {  	_ =	shalt  }
0x5d: {  	_ =	shalt  }
0x5e: {  	_ =	shalt  }
0x5f: {  	_ =	shalt  }
0x60: {  	_ =	shalt  }
0x61: {  	_ =	shalt  }
0x62: {  	_ =	shalt  }
0x63: {  	_ =	shalt  }
0x64: {  	_ =	shalt  }
0x65: {  	_ =	shalt  }
0x66: {  	_ =	shalt  }
0x67: {  	_ =	shalt  }
0x68: {  	_ =	shalt  }
0x69: {  	_ =	shalt  }
0x6a: {  	_ =	shalt  }
0x6b: {  	_ =	shalt  }
0x6c: {  	_ =	shalt  }
0x6d: {  	_ =	shalt  }
0x6e: {  	_ =	shalt  }
0x6f: {  	_ =	shalt  }
0x70: {  	_ =	shalt  }
0x71: {  	_ =	shalt  }
0x72: {  	_ =	shalt  }
0x73: {  	_ =	shalt  }
0x74: {  	_ =	shalt  }
0x75: {  	_ =	shalt  }
0x76: {  	_ =	shalt  }
0x77: {  	_ =	shalt  }
0x78: {  	_ =	shalt  }
0x79: {  	_ =	shalt  }
0x7a: {  	_ =	shalt  }
0x7b: {  	_ =	shalt  }
0x7c: {  	_ =	shalt  }
0x7d: {  	_ =	shalt  }
0x7e: {  	_ =	shalt  }
0x7f: {  	_ =	shalt  }
0x80: {  	_ =	shalt  }
0x81: {  	_ =	shalt  }
0x82: {  	_ =	shalt  }
0x83: {  	_ =	shalt  }
0x84: {  	_ =	shalt  }
0x85: {  	_ =	shalt  }
0x86: {  	_ =	shalt  }
0x87: {  	_ =	shalt  }
.Lfunc_end0:
.L_simem_size_0:
called_computation.2_lowered:
.L_overlay_start_0:
0x88: {  	s2 =	sld [smem:$0x3FD9]  }
0x89: {  	s3 =	sld [smem:$0x3FFE];
	_ =	sdelay $0x1  }
0x8a: {  	s1 =	srdreg.scid  }
0x8b: {  	s0 =	sand.u32 $0x1, s1  }
0x8c: {  	s16 =	sshll.u32 s0, $0xA;
	s2 =	sadd.s32 s3, s2  }
0x8d: {  	s2 =	sadd.s32 s2, s16  }
0x8e: {  	[smem:$0x3FC6] =	sst s2  }
0x8f: {  	_ = 	snop  }
0x90: {  	(tm) =	ssettm $0x1  }
0x91: {  	s17 =	sld [smem:$0x3FFB];
	_ =	sdelay $0x3  }
0x92: {  	_ =	strace s17  }
0x93: {  	s2 =	sld [smem:$0x3FFC];
	_ =	sdelay $0x3  }
0x94: {  	_ =	strace s2  }
0x95: {  	s2 =	sld [smem:$0x3FFD];
	_ =	sdelay $0x3  }
0x96: {  	_ =	strace s2  }
0x97: {  	_ =	strace $0x8FFFFFFF  }
0x98: {  	s18 =	sld [smem:$0x3FDB];
	_ =	sdelay $0x1  }
0x99: {  	s19 =	simm.s32 $_scs_section_size  }
0x9a: {  	s4 =	simm.s32 $_size__tile_overlayer_lowered;
	s5 =	simm.s32 $_tile_overlayer_lowered  }
0x9b: {  	s22 =	simm.s32 $0x1BFF;
	s21 =	sshll.u32 s5, $0x1;
	s2 =	sadd.s32 s19, s18  }
0x9c: {  	s6 =	simm.s32 $0x0;
	s20 =	sshll.u32 s4, $0x1;
	s4 =	sadd.s32 s21, s2  }
0x9d: {  	[timem:s6], [sflag:s22] =	dma.local [hbm:s4], s20  }
0x9e: {  	_ =	swait.ge [sflag:s22], s20  }
0x9f: {  	s3 =	ssub.s32 $0x0, s20;
	[sflag:s22] =	ssyncset.done $0x0  }
0xa0: {  	[sflag:s22] =	ssyncadd.s32 s3;
	_ =	sdelay $0x1  }
0xa1: {  	s23 =	simm.s32 $0x1B8B  }
0xa2: {  	_ =	swait.ge [sflag:s23], $0x1  }
0xa3: {  	[sflag:s23] =	ssyncset.done $0x0  }
0xa4: {  	s25 =	simm.s32 $0x1B8E;
	s24 =	sld [smem:$0x3FFE];
	[sflag:s23] =	ssyncadd.s32 $0xFFFFFFFF  }
0xa5: {  	s26 =	simm.s32 $execute0_lowered;
	[smem:$0x3FD2] =	sst s25  }
0xa6: {  	s4 =	sshll.u32 s26, $0x1;
	_ =	strace $0x80000049;
	[dreg:$0x1] =	wrdreg $0xFFFFFFFF  }
0xa7: {  	s28 =	simm.s32 $_size_execute0_lowered;
	s2 =	sadd.s32 s2, s4;
	[dreg:$0x0] =	wrdreg $0x0  }
0xa8: {  	s4 =	sshll.u32 s28, $0x1;
	[dreg:$0x2] =	wrdreg s2  }
0xa9: {  	[dreg:$0x3] =	wrdreg s4  }
0xaa: {  	[dreg:$0x4] =	wrdreg $0xC0  }
0xab: {  	_ =	task [dreg:s6], $0x5FFFF  }
0xac: {  	[dreg:$0x1] =	wrdreg $0xFFFFFFFF  }
0xad: {  	[dreg:$0x0] =	wrdreg $0x60  }
0xae: {  	[dreg:$0x2] =	wrdreg s24  }
0xaf: {  	[dreg:$0x3] =	wrdreg $0x9  }
0xb0: {  	_ =	task.clear_ibuf [dreg:s6], $0x4FFFF;
	_ =	strace $0x90000049  }
0xb1: {  	s29 =	simm.s32 $0x9;
	_ =	strace $0x8000004B  }
0xb2: {  	_ =	swait.ge [sflag:s29], $0x1  }
0xb3: {  	[sflag:s29] =	ssyncadd.s32 $0xFFFFFFFF  }
0xb4: {  	_ =	strace $0x9000004B  }
0xb5: {  	_ =	sfence  }
0xb6: {  	s30 =	sld [smem:$0x0];
	_ =	sdelay $0x2  }
0xb7: {  	s31 =	sshll.u32 s1, $0xD;
	s1 =	sshrl.u32 s1, $0x2  }
0xb8: {  	s3 =	sand.u32 $0x4000, s31;
	s1 =	sadd.s32 s1, s30  }
0xb9: {  	s0 =	sor.u32 s3, s0;
	s1 =	sshll.u32 s1, $0x11  }
0xba: {  	s0 =	sor.u32 s1, s0  }
0xbb: {  	s0 =	sadd.s32 $0x8F2B, s0  }
0xbc: {  	[sflag:s0] =	ssyncadd.remote.s32 $0x1  }
0xbd: {  	_ =	sfence.sel $0xFFFF  }
0xbe: {  	[dreg:$0x0] =	wrdreg $0xFFFFFFFF;
	(pc) =	sbr.abs _section_cstart, $3  }
0xbf: {  	[dreg:$0x1] =	wrdreg $0xFFFFFFFF  }
0xc0: {  	_ =	task.clear_ibuf [dreg:s6], $0x2FFFF;
	_ =	strace $0x9FFFFFFF  }
0xc1: {  	(tm) =	ssettm $0x7FFFFFFF  }
tec
execute0_lowered:
.L_overlay_start_1:
0x0: {  	(tag) =	ssettag $0x1  }
0x1: {  	s0 =	srdreg.scid;
	s9 =	stileid.u32  }
0x2: {  	s1 =	rddreg [dreg:$0x0];
	s4 =	sand.u32 $0x1, s0;
	s12 =	smul.u32 $0x38000, s9  }
0x3: {  	s2 =	simm.s32 $0x0;
	s13 =	sshll.u32 s9, $0x1;
	s19 =	smul.u32 $0xE0000, s4  }
0x4: {  	s0 =	sor.u32 s4, s13;
	s7 =	ssub.s32 $0x2, s4;
	s4 =	smul.u32 $0x1C000, s4  }
0x5: {  	[smem:$0x7FF] =	sst s2;
	s3 =	sadd.s32 $0xF49C00, s1;
	s5 =	smul.u32 $0x320, s0  }
0x6: {  	_ =	strace $0x8000004A;
	s6 =	smul.u32 $0xE0000, s0  }
0x7: {  	s0 =	sadd.s32 $0x7800, s1;
	s14 =	sshrl.u32 s7, $0x1;
	s5 =	sadd.s32 s5, s1  }
0x8: {  	s1 =	ssub.s32 s7, s14;
	s14 =	sadd.s32 s12, s0;
	s5 =	sadd.s32 $0x1400, s5  }
0x9: {  	s6 =	sshrl.u32 s6, $0x3;
	s4 =	sadd.s32 s4, s14;
	[dreg:$0xc] =	wrdreg s5  }
0xa: {  	s1 =	smax.u32 s1, $0x1;
	s5 =	sadd.s32 s0, s6;
	[dreg:$0x5] =	wrdreg s4  }
0xb: {  	[dreg:$0x1d] =	wrdreg s1;
	s6 =	sadd.s32 $0x18800, s5  }
0xc: {  	s15 =	sadd.s32 $0x18B80, s5;
	[dreg:$0xd] =	wrdreg s6  }
0xd: {  	s17 =	sadd.s32 $0x18F00, s5;
	[dreg:$0xe] =	wrdreg s15  }
0xe: {  	s18 =	sadd.s32 $0x19280, s5;
	[dreg:$0xf] =	wrdreg s17  }
0xf: {  	s8 =	sadd.s32 $0x19600, s5;
	[dreg:$0x10] =	wrdreg s18  }
0x10: {  	s20 =	sadd.s32 $0x19980, s5;
	[dreg:$0x11] =	wrdreg s8  }
0x11: {  	s21 =	sadd.s32 $0x19D00, s5;
	[dreg:$0x12] =	wrdreg s20  }
0x12: {  	s22 =	sadd.s32 $0x1A080, s5;
	[dreg:$0x13] =	wrdreg s21  }
0x13: {  	s23 =	sadd.s32 $0x1A400, s5;
	[dreg:$0x14] =	wrdreg s22  }
0x14: {  	s29 =	simm.s32 $0x7D00;
	s24 =	sadd.s32 $0x1A780, s5;
	[dreg:$0x15] =	wrdreg s23  }
0x15: {  	s28 =	simm.s32 $0x14500;
	s25 =	sadd.s32 $0x1AB00, s5;
	[dreg:$0x16] =	wrdreg s24  }
0x16: {  	s16 =	smul.u32 $0x1C0000, s9;
	s30 =	sadd.s32 $0x1AE80, s5;
	[dreg:$0x17] =	wrdreg s25  }
0x17: {  	s9 =	simm.s32 $0x12100;
	s10 =	sadd.s32 $0x1B200, s5;
	[dreg:$0x18] =	wrdreg s30  }
0x18: {  	s12 =	simm.s32 $0x3;
	s13 =	sadd.s32 $0x1B580, s5;
	[dreg:$0x19] =	wrdreg s10  }
0x19: {  	s14 =	simm.s32 $0x11300;
	s6 =	sadd.s32 s19, s16;
	[dreg:$0x1a] =	wrdreg s13  }
0x1a: {  	s16 =	sadd.s32 $0x1B900, s5;
	s5 =	sadd.s32 $0x1BC80, s5;
	s13 =	simm.s32 $0xFA00  }
0x1b: {  	s26 =	sor.u32 $0x1A400, s6;
	s31 =	sor.u32 $0x18800, s6;
	s10 =	sor.u32 $0x16C00, s6  }
0x1c: {  	s15 =	sor.u32 $0x13400, s6;
	[dreg:$0x1b] =	wrdreg s16;
	s19 =	sor.u32 $0x11800, s6  }
0x1d: {  	s21 =	sor.u32 $0xC400, s6;
	[dreg:$0x1c] =	wrdreg s5;
	s24 =	sor.u32 $0xA800, s6  }
0x1e: {  	s16 =	simm.s32 $0x4;
	s7 =	sshrl.u32 s26, $0x3;
	s8 =	sshrl.u32 s31, $0x3  }
0x1f: {  	s11 =	sshrl.u32 s10, $0x3;
	s17 =	sshrl.u32 s15, $0x3;
	s20 =	sshrl.u32 s19, $0x3  }
0x20: {  	s22 =	sshrl.u32 s21, $0x3;
	s25 =	sshrl.u32 s24, $0x3;
	s26 =	sor.u32 $0x8C00, s6  }
0x21: {  	s6 =	sor.u32 $0x5400, s6;
	s24 =	simm.s32 $0x1900;
	s15 =	simm.s32 $0x12C00  }
0x22: {  	s19 =	simm.s32 $0x19000;
	s21 =	simm.s32 $0x6;
	s7 =	sadd.s32 s7, s0  }
0x23: {  	s8 =	sadd.s32 s8, s0;
	s18 =	sadd.s32 s17, s0;
	s4 =	sadd.s32 s20, s0  }
0x24: {  	s23 =	sadd.s32 s22, s0;
	s5 =	sshrl.u32 s26, $0x3;
	[dreg:$0x2] =	wrdreg s7  }
0x25: {  	s31 =	sshrl.u32 s6, $0x3;
	s6 =	simm.s32 $0x5900;
	[dreg:$0x3] =	wrdreg s8  }
0x26: {  	s17 =	simm.s32 $0x15E00;
	s20 =	simm.s32 $0x5;
	[dreg:$0x6] =	wrdreg s18  }
0x27: {  	s22 =	simm.s32 $0x7;
	s26 =	simm.s32 $0x8;
	[dreg:$0x7] =	wrdreg s4  }
0x28: {  	s7 =	sadd.s32 s11, s0;
	[dreg:$0x8] =	wrdreg s23;
	s4 =	sadd.s32 s25, s0  }
0x29: {  	s30 =	sadd.s32 s5, s0;
	s0 =	sadd.s32 s31, s0;
	[dreg:$0x4] =	wrdreg s7  }
0x2a: {  	s23 =	simm.s32 $0x80;
	s25 =	simm.s32 $0x48;
	[dreg:$0x9] =	wrdreg s4  }
0x2b: {  	s8 =	simm.s32 $0x2;
	s11 =	simm.s32 $0xC800;
	[dreg:$0xa] =	wrdreg s30  }
0x2c: {  	s18 =	simm.s32 $0x17700;
	s5 =	simm.s32 $0x0;
	[dreg:$0xb] =	wrdreg s0  }
0x2d: {  	s7 =	simm.s32 $0xBD00;
	s0 =	simm.s32 $0xE100;
	s4 =	simm.s32 $0x1  }
.LBB2_1:
0x2e: {  	[dreg:$0x1e] =	wrdreg s5  }
0x2f: {  	s1 =	rddreg [dreg:$0xc];
	s5 =	simm.s32 $0x9  }
0x30: {  	[tilespmem:s2], [sflag:$0x9] =	stream.linear.gather [hbm4b:s1+s2], $0x1900, $0x38;
	[tilespmem:$0x1A900] =	vst v63  }
0x31: {  	_ =	swait.ge [sflag:s5], $0x1900  }
0x32: {  	[sflag:s5] =	ssyncset.done $0x0  }
0x33: {  	[sflag:s5] =	ssyncadd.s32 $0xFFFFE700  }
0x34: {  	[tilespmem:s24], [sflag:$0x1] =	stream.indirect.gather [hbm4b:s3+s23], $0x80, s2, s23, $0xb8;
	[tilespmem:$0x1A900] =	vst v63  }
0x35: {  	_ = 	snop  }
0x36: {  	[tilespmem:s6], [sflag:$0x1] =	stream.indirect.gather [hbm4b:s3+s25], $0x80, s23, s25, $0xb8;
	[tilespmem:$0x1A900] =	vst v63  }
0x37: {  	s10 =	simm.s32 $0xC8  }
0x38: {  	[tilespmem:s29], [sflag:$0x2] =	stream.indirect.gather [hbm4b:s3+s23], $0x80, s10, s23, $0xb8;
	[tilespmem:$0x1A900] =	vst v63  }
0x39: {  	s5 =	simm.s32 $0x148  }
0x3a: {  	[tilespmem:s7], [sflag:$0x2] =	stream.indirect.gather [hbm4b:s3+s25], $0x80, s5, s25, $0xb8;
	[tilespmem:$0x1A900] =	vst v63  }
0x3b: {  	s10 =	simm.s32 $0x190  }
0x3c: {  	[tilespmem:s0], [sflag:$0x3] =	stream.indirect.gather [hbm4b:s3+s23], $0x80, s10, s23, $0xb8;
	[tilespmem:$0x1A900] =	vst v63  }
0x3d: {  	s5 =	simm.s32 $0x210  }
0x3e: {  	[tilespmem:s9], [sflag:$0x3] =	stream.indirect.gather [hbm4b:s3+s25], $0x80, s5, s25, $0xb8;
	[tilespmem:$0x1A900] =	vst v63  }
0x3f: {  	s10 =	simm.s32 $0x258  }
0x40: {  	[tilespmem:s28], [sflag:$0x4] =	stream.indirect.gather [hbm4b:s3+s23], $0x80, s10, s23, $0xb8;
	[tilespmem:$0x1A900] =	vst v63  }
0x41: {  	s5 =	simm.s32 $0x2D8;
	s10 =	simm.s32 $0x18500  }
0x42: {  	[tilespmem:s10], [sflag:$0x4] =	stream.indirect.gather [hbm4b:s3+s25], $0x80, s5, s25, $0xb8;
	[tilespmem:$0x1A900] =	vst v63  }
0x43: {  	_ =	swait.ge [sflag:s4], $0x4000  }
0x44: {  	[sflag:s4] =	ssyncset.done $0x0  }
0x45: {  	[sflag:s4] =	ssyncadd.s32 $0xFFFFC000  }
0x46: {  	_ =	swait.ge [sflag:s4], $0x2400  }
0x47: {  	s5 =	rddreg [dreg:$0x5];
	[sflag:s4] =	ssyncset.done $0x0  }
0x48: {  	[sflag:s4] =	ssyncadd.s32 $0xFFFFDC00;
	s1 =	sadd.s32 $0x0, s5  }
0x49: {  	[hbm4b:s1+s2] =	stream.linear.scatter [tilespmem:s24], [sflag:$0x5], $0x1900, $0x38;
	[tilespmem:$0x1A900] =	vst v63  }
0x4a: {  	s31 =	simm.s32 $0x3200;
	s10 =	sadd.s32 $0x380, s1  }
0x4b: {  	[hbm4b:s10+s2] =	stream.linear.scatter [tilespmem:s31], [sflag:$0x5], $0x1900, $0x38;
	[tilespmem:$0x1A900] =	vst v63  }
0x4c: {  	s30 =	rddreg [dreg:$0xb];
	s10 =	sadd.s32 $0x700, s1;
	s31 =	simm.s32 $0x4B00  }
0x4d: {  	[hbm4b:s10+s2] =	stream.linear.scatter [tilespmem:s31], [sflag:$0x5], $0x1900, $0x38;
	[tilespmem:$0x1A900] =	vst v63  }
0x4e: {  	s10 =	sadd.s32 $0x0, s30;
	s30 =	simm.s32 $0x6400  }
0x4f: {  	[hbm4b:s10+s2] =	stream.linear.scatter [tilespmem:s30], [sflag:$0x5], $0x1900, $0x38;
	[tilespmem:$0x1A900] =	vst v63  }
0x50: {  	_ =	swait.ge [sflag:s8], $0x4000  }
0x51: {  	[sflag:s8] =	ssyncset.done $0x0  }
0x52: {  	[sflag:s8] =	ssyncadd.s32 $0xFFFFC000  }
0x53: {  	_ =	swait.ge [sflag:s8], $0x2400  }
0x54: {  	[sflag:s8] =	ssyncset.done $0x0  }
0x55: {  	s30 =	sadd.s32 $0xE00, s1;
	s10 =	rddreg [dreg:$0xa];
	[sflag:s8] =	ssyncadd.s32 $0xFFFFDC00  }
0x56: {  	[hbm4b:s30+s2] =	stream.linear.scatter [tilespmem:s29], [sflag:$0x6], $0x1900, $0x38;
	[tilespmem:$0x1A900] =	vst v63  }
0x57: {  	s5 =	sadd.s32 $0x0, s10;
	s10 =	simm.s32 $0x9600;
	s30 =	rddreg [dreg:$0x9]  }
0x58: {  	[hbm4b:s5+s2] =	stream.linear.scatter [tilespmem:s10], [sflag:$0x6], $0x1900, $0x38;
	[tilespmem:$0x1A900] =	vst v63  }
0x59: {  	s30 =	sadd.s32 $0x0, s30;
	s5 =	rddreg [dreg:$0x8];
	s10 =	simm.s32 $0xAF00  }
0x5a: {  	[hbm4b:s30+s2] =	stream.linear.scatter [tilespmem:s10], [sflag:$0x6], $0x1900, $0x38;
	[tilespmem:$0x1A900] =	vst v63  }
0x5b: {  	s5 =	sadd.s32 $0x0, s5  }
0x5c: {  	[hbm4b:s5+s2] =	stream.linear.scatter [tilespmem:s11], [sflag:$0x6], $0x1900, $0x38;
	[tilespmem:$0x1A900] =	vst v63  }
0x5d: {  	_ =	swait.ge [sflag:s12], $0x4000  }
0x5e: {  	[sflag:s12] =	ssyncset.done $0x0  }
0x5f: {  	[sflag:s12] =	ssyncadd.s32 $0xFFFFC000  }
0x60: {  	_ =	swait.ge [sflag:s12], $0x2400  }
0x61: {  	[sflag:s12] =	ssyncset.done $0x0  }
0x62: {  	s10 =	sadd.s32 $0x1C00, s1;
	[sflag:s12] =	ssyncadd.s32 $0xFFFFDC00  }
0x63: {  	[hbm4b:s10+s2] =	stream.linear.scatter [tilespmem:s0], [sflag:$0x7], $0x1900, $0x38;
	[tilespmem:$0x1A900] =	vst v63  }
0x64: {  	s30 =	sadd.s32 $0x1F80, s1;
	s10 =	rddreg [dreg:$0x7]  }
0x65: {  	[hbm4b:s30+s2] =	stream.linear.scatter [tilespmem:s13], [sflag:$0x7], $0x1900, $0x38;
	[tilespmem:$0x1A900] =	vst v63  }
0x66: {  	s5 =	sadd.s32 $0x0, s10;
	s30 =	rddreg [dreg:$0x6]  }
0x67: {  	[hbm4b:s5+s2] =	stream.linear.scatter [tilespmem:s14], [sflag:$0x7], $0x1900, $0x38;
	[tilespmem:$0x1A900] =	vst v63  }
0x68: {  	s10 =	sadd.s32 $0x0, s30  }
0x69: {  	[hbm4b:s10+s2] =	stream.linear.scatter [tilespmem:s15], [sflag:$0x7], $0x1900, $0x38;
	[tilespmem:$0x1A900] =	vst v63  }
0x6a: {  	_ =	swait.ge [sflag:s16], $0x4000  }
0x6b: {  	[sflag:s16] =	ssyncset.done $0x0  }
0x6c: {  	[sflag:s16] =	ssyncadd.s32 $0xFFFFC000  }
0x6d: {  	_ =	swait.ge [sflag:s16], $0x2400  }
0x6e: {  	[sflag:s16] =	ssyncset.done $0x0  }
0x6f: {  	s1 =	sadd.s32 $0x2A00, s1;
	s10 =	rddreg [dreg:$0x4];
	[sflag:s16] =	ssyncadd.s32 $0xFFFFDC00  }
0x70: {  	[hbm4b:s1+s2] =	stream.linear.scatter [tilespmem:s28], [sflag:$0x8], $0x1900, $0x38;
	[tilespmem:$0x1A900] =	vst v63  }
0x71: {  	s30 =	rddreg [dreg:$0x3];
	s10 =	sadd.s32 $0x0, s10  }
0x72: {  	[hbm4b:s10+s2] =	stream.linear.scatter [tilespmem:s17], [sflag:$0x8], $0x1900, $0x38;
	[tilespmem:$0x1A900] =	vst v63  }
0x73: {  	s5 =	rddreg [dreg:$0x2];
	s10 =	sadd.s32 $0x0, s30  }
0x74: {  	[hbm4b:s10+s2] =	stream.linear.scatter [tilespmem:s18], [sflag:$0x8], $0x1900, $0x38;
	[tilespmem:$0x1A900] =	vst v63  }
0x75: {  	s5 =	sadd.s32 $0x0, s5  }
0x76: {  	[hbm4b:s5+s2] =	stream.linear.scatter [tilespmem:s19], [sflag:$0x8], $0x1900, $0x38;
	[tilespmem:$0x1A900] =	vst v63  }
0x77: {  	_ =	swait.ge [sflag:s20], $0x1900  }
0x78: {  	[sflag:s20] =	ssyncset.done $0x0  }
0x79: {  	[sflag:s20] =	ssyncadd.s32 $0xFFFFE700  }
0x7a: {  	_ =	swait.ge [sflag:s20], $0x1900  }
0x7b: {  	[sflag:s20] =	ssyncset.done $0x0  }
0x7c: {  	[sflag:s20] =	ssyncadd.s32 $0xFFFFE700  }
0x7d: {  	_ =	swait.ge [sflag:s20], $0x1900  }
0x7e: {  	[sflag:s20] =	ssyncset.done $0x0  }
0x7f: {  	[sflag:s20] =	ssyncadd.s32 $0xFFFFE700  }
0x80: {  	_ =	swait.ge [sflag:s20], $0x1900  }
0x81: {  	[sflag:s20] =	ssyncset.done $0x0  }
0x82: {  	s10 =	simm.s32 $0x320;
	[sflag:s20] =	ssyncadd.s32 $0xFFFFE700  }
0x83: {  	[tilespmem:s24], [sflag:$0x1] =	stream.indirect.gather [hbm4b:s3+s23], $0x80, s10, s23, $0xb8;
	[tilespmem:$0x1A900] =	vst v63  }
0x84: {  	s5 =	simm.s32 $0x3A0  }
0x85: {  	[tilespmem:s6], [sflag:$0x1] =	stream.indirect.gather [hbm4b:s3+s25], $0x80, s5, s25, $0xb8;
	[tilespmem:$0x1A900] =	vst v63  }
0x86: {  	_ =	swait.ge [sflag:s21], $0x1900  }
0x87: {  	[sflag:s21] =	ssyncset.done $0x0  }
0x88: {  	[sflag:s21] =	ssyncadd.s32 $0xFFFFE700  }
0x89: {  	_ =	swait.ge [sflag:s21], $0x1900  }
0x8a: {  	[sflag:s21] =	ssyncset.done $0x0  }
0x8b: {  	[sflag:s21] =	ssyncadd.s32 $0xFFFFE700  }
0x8c: {  	_ =	swait.ge [sflag:s21], $0x1900  }
0x8d: {  	[sflag:s21] =	ssyncset.done $0x0  }
0x8e: {  	[sflag:s21] =	ssyncadd.s32 $0xFFFFE700  }
0x8f: {  	_ =	swait.ge [sflag:s21], $0x1900  }
0x90: {  	[sflag:s21] =	ssyncset.done $0x0  }
0x91: {  	s10 =	simm.s32 $0x3E8;
	[sflag:s21] =	ssyncadd.s32 $0xFFFFE700  }
0x92: {  	[tilespmem:s29], [sflag:$0x2] =	stream.indirect.gather [hbm4b:s3+s23], $0x80, s10, s23, $0xb8;
	[tilespmem:$0x1A900] =	vst v63  }
0x93: {  	s5 =	simm.s32 $0x468  }
0x94: {  	[tilespmem:s7], [sflag:$0x2] =	stream.indirect.gather [hbm4b:s3+s25], $0x80, s5, s25, $0xb8;
	[tilespmem:$0x1A900] =	vst v63  }
0x95: {  	_ =	swait.ge [sflag:s22], $0x1900  }
0x96: {  	[sflag:s22] =	ssyncset.done $0x0  }
0x97: {  	[sflag:s22] =	ssyncadd.s32 $0xFFFFE700  }
0x98: {  	_ =	swait.ge [sflag:s22], $0x1900  }
0x99: {  	[sflag:s22] =	ssyncset.done $0x0  }
0x9a: {  	[sflag:s22] =	ssyncadd.s32 $0xFFFFE700  }
0x9b: {  	_ =	swait.ge [sflag:s22], $0x1900  }
0x9c: {  	[sflag:s22] =	ssyncset.done $0x0  }
0x9d: {  	[sflag:s22] =	ssyncadd.s32 $0xFFFFE700  }
0x9e: {  	_ =	swait.ge [sflag:s22], $0x1900  }
0x9f: {  	[sflag:s22] =	ssyncset.done $0x0  }
0xa0: {  	s6 =	simm.s32 $0x4B0;
	[sflag:s22] =	ssyncadd.s32 $0xFFFFE700  }
0xa1: {  	[tilespmem:s0], [sflag:$0x3] =	stream.indirect.gather [hbm4b:s3+s23], $0x80, s6, s23, $0xb8;
	[tilespmem:$0x1A900] =	vst v63  }
0xa2: {  	s7 =	simm.s32 $0x530  }
0xa3: {  	[tilespmem:s9], [sflag:$0x3] =	stream.indirect.gather [hbm4b:s3+s25], $0x80, s7, s25, $0xb8;
	[tilespmem:$0x1A900] =	vst v63  }
0xa4: {  	_ =	swait.ge [sflag:s26], $0x1900  }
0xa5: {  	[sflag:s26] =	ssyncset.done $0x0  }
0xa6: {  	[sflag:s26] =	ssyncadd.s32 $0xFFFFE700  }
0xa7: {  	_ =	swait.ge [sflag:s26], $0x1900  }
0xa8: {  	[sflag:s26] =	ssyncset.done $0x0  }
0xa9: {  	[sflag:s26] =	ssyncadd.s32 $0xFFFFE700  }
0xaa: {  	_ =	swait.ge [sflag:s26], $0x1900  }
0xab: {  	[sflag:s26] =	ssyncset.done $0x0  }
0xac: {  	[sflag:s26] =	ssyncadd.s32 $0xFFFFE700  }
0xad: {  	_ =	swait.ge [sflag:s26], $0x1900  }
0xae: {  	s31 =	simm.s32 $0x3800;
	s1 =	simm.s32 $0x5F8;
	[sflag:s26] =	ssyncset.done $0x0  }
0xaf: {  	s30 =	simm.s32 $0x640;
	s10 =	simm.s32 $0x578;
	[sflag:s26] =	ssyncadd.s32 $0xFFFFE700  }
0xb0: {  	[tilespmem:s28], [sflag:$0x4] =	stream.indirect.gather [hbm4b:s3+s23], $0x80, s10, s23, $0xb8;
	[tilespmem:$0x1A900] =	vst v63  }
.LBB2_2:
0xb1: {  	s5 =	simm.s32 $0x18500  }
0xb2: {  	[tilespmem:s5], [sflag:$0x4] =	stream.indirect.gather [hbm4b:s3+s25], $0x80, s1, s25, $0xb8;
	[tilespmem:$0x1A900] =	vst v63  }
0xb3: {  	_ =	swait.ge [sflag:s4], $0x4000  }
0xb4: {  	[sflag:s4] =	ssyncset.done $0x0  }
0xb5: {  	[sflag:s4] =	ssyncadd.s32 $0xFFFFC000  }
0xb6: {  	_ =	swait.ge [sflag:s4], $0x2400  }
0xb7: {  	s1 =	smov.u32 s31;
	s7 =	rddreg [dreg:$0x5];
	[sflag:s4] =	ssyncset.done $0x0  }
0xb8: {  	[sflag:s4] =	ssyncadd.s32 $0xFFFFDC00;
	s5 =	sadd.s32 s1, s7  }
0xb9: {  	[hbm4b:s5+s2] =	stream.linear.scatter [tilespmem:s24], [sflag:$0x5], $0x1900, $0x38;
	[tilespmem:$0x1A900] =	vst v63  }
0xba: {  	s9 =	simm.s32 $0x3200;
	s6 =	sadd.s32 $0x380, s5  }
0xbb: {  	[hbm4b:s6+s2] =	stream.linear.scatter [tilespmem:s9], [sflag:$0x5], $0x1900, $0x38;
	[tilespmem:$0x1A900] =	vst v63  }
0xbc: {  	s10 =	simm.s32 $0x4B00;
	s7 =	rddreg [dreg:$0xb];
	s9 =	sadd.s32 $0x700, s5  }
0xbd: {  	[hbm4b:s9+s2] =	stream.linear.scatter [tilespmem:s10], [sflag:$0x5], $0x1900, $0x38;
	[tilespmem:$0x1A900] =	vst v63  }
0xbe: {  	s7 =	sadd.s32 s1, s7;
	s9 =	simm.s32 $0x6400  }
0xbf: {  	[hbm4b:s7+s2] =	stream.linear.scatter [tilespmem:s9], [sflag:$0x5], $0x1900, $0x38;
	[tilespmem:$0x1A900] =	vst v63  }
0xc0: {  	_ =	swait.ge [sflag:s8], $0x4000  }
0xc1: {  	[sflag:s8] =	ssyncset.done $0x0  }
0xc2: {  	[sflag:s8] =	ssyncadd.s32 $0xFFFFC000  }
0xc3: {  	_ =	swait.ge [sflag:s8], $0x2400  }
0xc4: {  	[sflag:s8] =	ssyncset.done $0x0  }
0xc5: {  	s10 =	sadd.s32 $0xE00, s5;
	s6 =	rddreg [dreg:$0xa];
	[sflag:s8] =	ssyncadd.s32 $0xFFFFDC00  }
0xc6: {  	[hbm4b:s10+s2] =	stream.linear.scatter [tilespmem:s29], [sflag:$0x6], $0x1900, $0x38;
	[tilespmem:$0x1A900] =	vst v63  }
0xc7: {  	s9 =	rddreg [dreg:$0x9];
	s6 =	sadd.s32 s1, s6;
	s10 =	simm.s32 $0x9600  }
0xc8: {  	[hbm4b:s6+s2] =	stream.linear.scatter [tilespmem:s10], [sflag:$0x6], $0x1900, $0x38;
	[tilespmem:$0x1A900] =	vst v63  }
0xc9: {  	s7 =	rddreg [dreg:$0x8];
	s9 =	sadd.s32 s1, s9;
	s10 =	simm.s32 $0xAF00  }
0xca: {  	[hbm4b:s9+s2] =	stream.linear.scatter [tilespmem:s10], [sflag:$0x6], $0x1900, $0x38;
	[tilespmem:$0x1A900] =	vst v63  }
0xcb: {  	s7 =	sadd.s32 s1, s7  }
0xcc: {  	[hbm4b:s7+s2] =	stream.linear.scatter [tilespmem:s11], [sflag:$0x6], $0x1900, $0x38;
	[tilespmem:$0x1A900] =	vst v63  }
0xcd: {  	_ =	swait.ge [sflag:s12], $0x4000  }
0xce: {  	[sflag:s12] =	ssyncset.done $0x0  }
0xcf: {  	[sflag:s12] =	ssyncadd.s32 $0xFFFFC000  }
0xd0: {  	_ =	swait.ge [sflag:s12], $0x2400  }
0xd1: {  	[sflag:s12] =	ssyncset.done $0x0  }
0xd2: {  	s9 =	sadd.s32 $0x1C00, s5;
	[sflag:s12] =	ssyncadd.s32 $0xFFFFDC00  }
0xd3: {  	[hbm4b:s9+s2] =	stream.linear.scatter [tilespmem:s0], [sflag:$0x7], $0x1900, $0x38;
	[tilespmem:$0x1A900] =	vst v63  }
0xd4: {  	s10 =	sadd.s32 $0x1F80, s5;
	s7 =	rddreg [dreg:$0x7]  }
0xd5: {  	[hbm4b:s10+s2] =	stream.linear.scatter [tilespmem:s13], [sflag:$0x7], $0x1900, $0x38;
	[tilespmem:$0x1A900] =	vst v63  }
0xd6: {  	s9 =	rddreg [dreg:$0x6];
	s10 =	sadd.s32 s1, s7  }
0xd7: {  	[hbm4b:s10+s2] =	stream.linear.scatter [tilespmem:s14], [sflag:$0x7], $0x1900, $0x38;
	[tilespmem:$0x1A900] =	vst v63  }
0xd8: {  	s7 =	sadd.s32 s1, s9  }
0xd9: {  	[hbm4b:s7+s2] =	stream.linear.scatter [tilespmem:s15], [sflag:$0x7], $0x1900, $0x38;
	[tilespmem:$0x1A900] =	vst v63  }
0xda: {  	_ =	swait.ge [sflag:s16], $0x4000  }
0xdb: {  	[sflag:s16] =	ssyncset.done $0x0  }
0xdc: {  	[sflag:s16] =	ssyncadd.s32 $0xFFFFC000  }
0xdd: {  	_ =	swait.ge [sflag:s16], $0x2400  }
0xde: {  	[sflag:s16] =	ssyncset.done $0x0  }
0xdf: {  	s5 =	sadd.s32 $0x2A00, s5;
	s10 =	rddreg [dreg:$0x4];
	[sflag:s16] =	ssyncadd.s32 $0xFFFFDC00  }
0xe0: {  	[hbm4b:s5+s2] =	stream.linear.scatter [tilespmem:s28], [sflag:$0x8], $0x1900, $0x38;
	[tilespmem:$0x1A900] =	vst v63  }
0xe1: {  	s7 =	rddreg [dreg:$0x3];
	s10 =	sadd.s32 s1, s10  }
0xe2: {  	[hbm4b:s10+s2] =	stream.linear.scatter [tilespmem:s17], [sflag:$0x8], $0x1900, $0x38;
	[tilespmem:$0x1A900] =	vst v63  }
0xe3: {  	s6 =	rddreg [dreg:$0x2];
	s10 =	sadd.s32 s1, s7  }
0xe4: {  	[hbm4b:s10+s2] =	stream.linear.scatter [tilespmem:s18], [sflag:$0x8], $0x1900, $0x38;
	[tilespmem:$0x1A900] =	vst v63  }
0xe5: {  	s1 =	sadd.s32 s1, s6  }
0xe6: {  	[hbm4b:s1+s2] =	stream.linear.scatter [tilespmem:s19], [sflag:$0x8], $0x1900, $0x38;
	[tilespmem:$0x1A900] =	vst v63  }
0xe7: {  	_ =	swait.ge [sflag:s20], $0x1900  }
0xe8: {  	[sflag:s20] =	ssyncset.done $0x0  }
0xe9: {  	[sflag:s20] =	ssyncadd.s32 $0xFFFFE700  }
0xea: {  	_ =	swait.ge [sflag:s20], $0x1900  }
0xeb: {  	[sflag:s20] =	ssyncset.done $0x0  }
0xec: {  	[sflag:s20] =	ssyncadd.s32 $0xFFFFE700  }
0xed: {  	_ =	swait.ge [sflag:s20], $0x1900  }
0xee: {  	[sflag:s20] =	ssyncset.done $0x0  }
0xef: {  	[sflag:s20] =	ssyncadd.s32 $0xFFFFE700  }
0xf0: {  	_ =	swait.ge [sflag:s20], $0x1900  }
0xf1: {  	[sflag:s20] =	ssyncset.done $0x0  }
0xf2: {  	[sflag:s20] =	ssyncadd.s32 $0xFFFFE700  }
0xf3: {  	[tilespmem:s24], [sflag:$0x1] =	stream.indirect.gather [hbm4b:s3+s23], $0x80, s30, s23, $0xb8;
	[tilespmem:$0x1A900] =	vst v63  }
0xf4: {  	s5 =	sadd.s32 $0x80, s30;
	s6 =	simm.s32 $0x5900  }
0xf5: {  	[tilespmem:s6], [sflag:$0x1] =	stream.indirect.gather [hbm4b:s3+s25], $0x80, s5, s25, $0xb8;
	[tilespmem:$0x1A900] =	vst v63  }
0xf6: {  	_ =	swait.ge [sflag:s21], $0x1900  }
0xf7: {  	[sflag:s21] =	ssyncset.done $0x0  }
0xf8: {  	[sflag:s21] =	ssyncadd.s32 $0xFFFFE700  }
0xf9: {  	_ =	swait.ge [sflag:s21], $0x1900  }
0xfa: {  	[sflag:s21] =	ssyncset.done $0x0  }
0xfb: {  	[sflag:s21] =	ssyncadd.s32 $0xFFFFE700  }
0xfc: {  	_ =	swait.ge [sflag:s21], $0x1900  }
0xfd: {  	[sflag:s21] =	ssyncset.done $0x0  }
0xfe: {  	[sflag:s21] =	ssyncadd.s32 $0xFFFFE700  }
0xff: {  	_ =	swait.ge [sflag:s21], $0x1900  }
0x100: {  	[sflag:s21] =	ssyncset.done $0x0  }
0x101: {  	s10 =	sadd.s32 $0xC8, s30;
	[sflag:s21] =	ssyncadd.s32 $0xFFFFE700  }
0x102: {  	[tilespmem:s29], [sflag:$0x2] =	stream.indirect.gather [hbm4b:s3+s23], $0x80, s10, s23, $0xb8;
	[tilespmem:$0x1A900] =	vst v63  }
0x103: {  	s7 =	simm.s32 $0xBD00;
	s5 =	sadd.s32 $0x148, s30  }
0x104: {  	[tilespmem:s7], [sflag:$0x2] =	stream.indirect.gather [hbm4b:s3+s25], $0x80, s5, s25, $0xb8;
	[tilespmem:$0x1A900] =	vst v63  }
0x105: {  	_ =	swait.ge [sflag:s22], $0x1900  }
0x106: {  	[sflag:s22] =	ssyncset.done $0x0  }
0x107: {  	[sflag:s22] =	ssyncadd.s32 $0xFFFFE700  }
0x108: {  	_ =	swait.ge [sflag:s22], $0x1900  }
0x109: {  	[sflag:s22] =	ssyncset.done $0x0  }
0x10a: {  	[sflag:s22] =	ssyncadd.s32 $0xFFFFE700  }
0x10b: {  	_ =	swait.ge [sflag:s22], $0x1900  }
0x10c: {  	[sflag:s22] =	ssyncset.done $0x0  }
0x10d: {  	[sflag:s22] =	ssyncadd.s32 $0xFFFFE700  }
0x10e: {  	_ =	swait.ge [sflag:s22], $0x1900  }
0x10f: {  	[sflag:s22] =	ssyncset.done $0x0  }
0x110: {  	s10 =	sadd.s32 $0x190, s30;
	[sflag:s22] =	ssyncadd.s32 $0xFFFFE700  }
0x111: {  	[tilespmem:s0], [sflag:$0x3] =	stream.indirect.gather [hbm4b:s3+s23], $0x80, s10, s23, $0xb8;
	[tilespmem:$0x1A900] =	vst v63  }
0x112: {  	s9 =	simm.s32 $0x12100;
	s5 =	sadd.s32 $0x210, s30  }
0x113: {  	[tilespmem:s9], [sflag:$0x3] =	stream.indirect.gather [hbm4b:s3+s25], $0x80, s5, s25, $0xb8;
	[tilespmem:$0x1A900] =	vst v63  }
0x114: {  	_ =	swait.ge [sflag:s26], $0x1900  }
0x115: {  	[sflag:s26] =	ssyncset.done $0x0  }
0x116: {  	[sflag:s26] =	ssyncadd.s32 $0xFFFFE700  }
0x117: {  	_ =	swait.ge [sflag:s26], $0x1900  }
0x118: {  	[sflag:s26] =	ssyncset.done $0x0  }
0x119: {  	[sflag:s26] =	ssyncadd.s32 $0xFFFFE700  }
0x11a: {  	_ =	swait.ge [sflag:s26], $0x1900  }
0x11b: {  	p0 =	sne.s32 s31, $0x15000;
	[sflag:s26] =	ssyncset.done $0x0  }
.Ltmp0:
0x11c: {  	[sflag:s26] =	ssyncadd.s32 $0xFFFFE700;
	(pc) =	sbr.rel @p0 .LBB2_2-.Ltmp0, $4  }
0x11d: {  	_ =	swait.ge [sflag:s26], $0x1900  }
0x11e: {  	s31 =	sadd.s32 $0x3800, s31;
	s1 =	sadd.s32 $0x2D8, s30;
	[sflag:s26] =	ssyncset.done $0x0  }
0x11f: {  	s10 =	sadd.s32 $0x258, s30;
	s30 =	sadd.s32 $0x320, s30;
	[sflag:s26] =	ssyncadd.s32 $0xFFFFE700  }
0x120: {  	[tilespmem:s28], [sflag:$0x4] =	stream.indirect.gather [hbm4b:s3+s23], $0x80, s10, s23, $0xb8;
	[tilespmem:$0x1A900] =	vst v63  }
0x121: {  	s5 =	simm.s32 $0x18500  }
0x122: {  	[tilespmem:s5], [sflag:$0x4] =	stream.indirect.gather [hbm4b:s3+s25], $0x80, s1, s25, $0xb8;
	[tilespmem:$0x1A900] =	vst v63  }
0x123: {  	_ =	swait.ge [sflag:s4], $0x4000  }
0x124: {  	[sflag:s4] =	ssyncset.done $0x0  }
0x125: {  	[sflag:s4] =	ssyncadd.s32 $0xFFFFC000  }
0x126: {  	_ =	swait.ge [sflag:s4], $0x2400  }
0x127: {  	[sflag:s4] =	ssyncset.done $0x0  }
0x128: {  	s31 =	rddreg [dreg:$0xd];
	[sflag:s4] =	ssyncadd.s32 $0xFFFFDC00  }
0x129: {  	[hbm4b:s31+s2] =	stream.linear.scatter [tilespmem:s24], [sflag:$0x5], $0x1900, $0x38;
	[tilespmem:$0x1A900] =	vst v63  }
0x12a: {  	s10 =	simm.s32 $0x3200;
	s5 =	rddreg [dreg:$0xe]  }
0x12b: {  	[hbm4b:s5+s2] =	stream.linear.scatter [tilespmem:s10], [sflag:$0x5], $0x1900, $0x38;
	[tilespmem:$0x1A900] =	vst v63  }
0x12c: {  	s30 =	rddreg [dreg:$0xf];
	s31 =	simm.s32 $0x4B00  }
0x12d: {  	[hbm4b:s30+s2] =	stream.linear.scatter [tilespmem:s31], [sflag:$0x5], $0x1900, $0x38;
	[tilespmem:$0x1A900] =	vst v63  }
0x12e: {  	s10 =	rddreg [dreg:$0x10];
	s30 =	simm.s32 $0x6400  }
0x12f: {  	[hbm4b:s10+s2] =	stream.linear.scatter [tilespmem:s30], [sflag:$0x5], $0x1900, $0x38;
	[tilespmem:$0x1A900] =	vst v63  }
0x130: {  	_ =	swait.ge [sflag:s8], $0x4000  }
0x131: {  	[sflag:s8] =	ssyncset.done $0x0  }
0x132: {  	[sflag:s8] =	ssyncadd.s32 $0xFFFFC000  }
0x133: {  	_ =	swait.ge [sflag:s8], $0x2400  }
0x134: {  	[sflag:s8] =	ssyncset.done $0x0  }
0x135: {  	s31 =	rddreg [dreg:$0x11];
	[sflag:s8] =	ssyncadd.s32 $0xFFFFDC00  }
0x136: {  	[hbm4b:s31+s2] =	stream.linear.scatter [tilespmem:s29], [sflag:$0x6], $0x1900, $0x38;
	[tilespmem:$0x1A900] =	vst v63  }
0x137: {  	s10 =	simm.s32 $0x9600;
	s5 =	rddreg [dreg:$0x12]  }
0x138: {  	[hbm4b:s5+s2] =	stream.linear.scatter [tilespmem:s10], [sflag:$0x6], $0x1900, $0x38;
	[tilespmem:$0x1A900] =	vst v63  }
0x139: {  	s30 =	rddreg [dreg:$0x13];
	s31 =	simm.s32 $0xAF00  }
0x13a: {  	[hbm4b:s30+s2] =	stream.linear.scatter [tilespmem:s31], [sflag:$0x6], $0x1900, $0x38;
	[tilespmem:$0x1A900] =	vst v63  }
0x13b: {  	s10 =	rddreg [dreg:$0x14]  }
0x13c: {  	[hbm4b:s10+s2] =	stream.linear.scatter [tilespmem:s11], [sflag:$0x6], $0x1900, $0x38;
	[tilespmem:$0x1A900] =	vst v63  }
0x13d: {  	_ =	swait.ge [sflag:s12], $0x4000  }
0x13e: {  	[sflag:s12] =	ssyncset.done $0x0  }
0x13f: {  	[sflag:s12] =	ssyncadd.s32 $0xFFFFC000  }
0x140: {  	_ =	swait.ge [sflag:s12], $0x2400  }
0x141: {  	[sflag:s12] =	ssyncset.done $0x0  }
0x142: {  	s30 =	rddreg [dreg:$0x15];
	[sflag:s12] =	ssyncadd.s32 $0xFFFFDC00  }
0x143: {  	[hbm4b:s30+s2] =	stream.linear.scatter [tilespmem:s0], [sflag:$0x7], $0x1900, $0x38;
	[tilespmem:$0x1A900] =	vst v63  }
0x144: {  	s31 =	rddreg [dreg:$0x16]  }
0x145: {  	[hbm4b:s31+s2] =	stream.linear.scatter [tilespmem:s13], [sflag:$0x7], $0x1900, $0x38;
	[tilespmem:$0x1A900] =	vst v63  }
0x146: {  	s5 =	rddreg [dreg:$0x17]  }
0x147: {  	[hbm4b:s5+s2] =	stream.linear.scatter [tilespmem:s14], [sflag:$0x7], $0x1900, $0x38;
	[tilespmem:$0x1A900] =	vst v63  }
0x148: {  	s10 =	rddreg [dreg:$0x18]  }
0x149: {  	[hbm4b:s10+s2] =	stream.linear.scatter [tilespmem:s15], [sflag:$0x7], $0x1900, $0x38;
	[tilespmem:$0x1A900] =	vst v63  }
0x14a: {  	_ =	swait.ge [sflag:s16], $0x4000  }
0x14b: {  	[sflag:s16] =	ssyncset.done $0x0  }
0x14c: {  	[sflag:s16] =	ssyncadd.s32 $0xFFFFC000  }
0x14d: {  	_ =	swait.ge [sflag:s16], $0x2400  }
0x14e: {  	[sflag:s16] =	ssyncset.done $0x0  }
0x14f: {  	s30 =	rddreg [dreg:$0x19];
	[sflag:s16] =	ssyncadd.s32 $0xFFFFDC00  }
0x150: {  	[hbm4b:s30+s2] =	stream.linear.scatter [tilespmem:s28], [sflag:$0x8], $0x1900, $0x38;
	[tilespmem:$0x1A900] =	vst v63  }
0x151: {  	s31 =	rddreg [dreg:$0x1a]  }
0x152: {  	[hbm4b:s31+s2] =	stream.linear.scatter [tilespmem:s17], [sflag:$0x8], $0x1900, $0x38;
	[tilespmem:$0x1A900] =	vst v63  }
0x153: {  	s5 =	rddreg [dreg:$0x1b]  }
0x154: {  	[hbm4b:s5+s2] =	stream.linear.scatter [tilespmem:s18], [sflag:$0x8], $0x1900, $0x38;
	[tilespmem:$0x1A900] =	vst v63  }
0x155: {  	s10 =	rddreg [dreg:$0x1c]  }
0x156: {  	[hbm4b:s10+s2] =	stream.linear.scatter [tilespmem:s19], [sflag:$0x8], $0x1900, $0x38;
	[tilespmem:$0x1A900] =	vst v63  }
0x157: {  	_ =	swait.ge [sflag:s20], $0x1900  }
0x158: {  	[sflag:s20] =	ssyncset.done $0x0  }
0x159: {  	[sflag:s20] =	ssyncadd.s32 $0xFFFFE700  }
0x15a: {  	_ =	swait.ge [sflag:s20], $0x1900  }
0x15b: {  	[sflag:s20] =	ssyncset.done $0x0  }
0x15c: {  	[sflag:s20] =	ssyncadd.s32 $0xFFFFE700  }
0x15d: {  	_ =	swait.ge [sflag:s20], $0x1900  }
0x15e: {  	[sflag:s20] =	ssyncset.done $0x0  }
0x15f: {  	[sflag:s20] =	ssyncadd.s32 $0xFFFFE700  }
0x160: {  	_ =	swait.ge [sflag:s20], $0x1900  }
0x161: {  	[sflag:s20] =	ssyncset.done $0x0  }
0x162: {  	[sflag:s20] =	ssyncadd.s32 $0xFFFFE700  }
0x163: {  	_ =	swait.ge [sflag:s21], $0x1900  }
0x164: {  	[sflag:s21] =	ssyncset.done $0x0  }
0x165: {  	[sflag:s21] =	ssyncadd.s32 $0xFFFFE700  }
0x166: {  	_ =	swait.ge [sflag:s21], $0x1900  }
0x167: {  	[sflag:s21] =	ssyncset.done $0x0  }
0x168: {  	[sflag:s21] =	ssyncadd.s32 $0xFFFFE700  }
0x169: {  	_ =	swait.ge [sflag:s21], $0x1900  }
0x16a: {  	[sflag:s21] =	ssyncset.done $0x0  }
0x16b: {  	[sflag:s21] =	ssyncadd.s32 $0xFFFFE700  }
0x16c: {  	_ =	swait.ge [sflag:s21], $0x1900  }
0x16d: {  	[sflag:s21] =	ssyncset.done $0x0  }
0x16e: {  	[sflag:s21] =	ssyncadd.s32 $0xFFFFE700  }
0x16f: {  	_ =	swait.ge [sflag:s22], $0x1900  }
0x170: {  	[sflag:s22] =	ssyncset.done $0x0  }
0x171: {  	[sflag:s22] =	ssyncadd.s32 $0xFFFFE700  }
0x172: {  	_ =	swait.ge [sflag:s22], $0x1900  }
0x173: {  	[sflag:s22] =	ssyncset.done $0x0  }
0x174: {  	[sflag:s22] =	ssyncadd.s32 $0xFFFFE700  }
0x175: {  	_ =	swait.ge [sflag:s22], $0x1900  }
0x176: {  	[sflag:s22] =	ssyncset.done $0x0  }
0x177: {  	[sflag:s22] =	ssyncadd.s32 $0xFFFFE700  }
0x178: {  	_ =	swait.ge [sflag:s22], $0x1900  }
0x179: {  	[sflag:s22] =	ssyncset.done $0x0  }
0x17a: {  	[sflag:s22] =	ssyncadd.s32 $0xFFFFE700  }
0x17b: {  	_ =	swait.ge [sflag:s26], $0x1900  }
0x17c: {  	[sflag:s26] =	ssyncset.done $0x0  }
0x17d: {  	[sflag:s26] =	ssyncadd.s32 $0xFFFFE700  }
0x17e: {  	_ =	swait.ge [sflag:s26], $0x1900  }
0x17f: {  	[sflag:s26] =	ssyncset.done $0x0  }
0x180: {  	[sflag:s26] =	ssyncadd.s32 $0xFFFFE700  }
0x181: {  	_ =	swait.ge [sflag:s26], $0x1900  }
0x182: {  	[sflag:s26] =	ssyncset.done $0x0  }
0x183: {  	[sflag:s26] =	ssyncadd.s32 $0xFFFFE700  }
0x184: {  	_ =	swait.ge [sflag:s26], $0x1900  }
0x185: {  	s30 =	rddreg [dreg:$0x1e]  }
0x186: {  	s31 =	rddreg [dreg:$0x1d];
	s5 =	sadd.s32 $0x1, s30  }
0x187: {  	p0 =	sne.s32 s5, s31  }
.Ltmp1:
0x188: {  	_ = 	snop;
	(pc) =	sbr.rel @p0 .LBB2_1-.Ltmp1, $3  }
0x189: {  	_ =	sdelay $0x1  }
0x18a: {  	[sflag:s26] =	ssyncset.done $0x0  }
0x18b: {  	[sflag:s26] =	ssyncadd.s32 $0xFFFFE700  }
0x18c: {  	_ =	sfence.sel $0x180000  }
0x18d: {  	[bflag:$0x0] =	sbarrier.arrive $0xFFFF  }
0x18e: {  	_ =	strace $0x9000004A  }
0x18f: {  	s0 =	stileid.u32;
	[bflag:$0x2] =	sbarrier.arrive $0xFFFF  }
0x190: {  	p0 =	sne.s32 s0, $0x0;
	s0 =	rddreg [dreg:$0x1]  }
0x191: {  	s0 =	sadd.s32 @!p0 $0x100000, s0  }
0x192: {  	[sflag:s0] =	ssyncadd.tile.s32 @!p0 $0x1;
	_ =	shalt  }
.Lfunc_end2:
_tile_overlayer_lowered:
.L_overlay_start_2:
0x193: {  	(tag) =	ssettag $0x2  }
0x194: {  	s0 =	rddreg [dreg:$0x0];
	s2 =	stileid.u32  }
0x195: {  	s1 =	rddreg [dreg:$0x1];
	p0 =	sne.s32 s2, $0x0  }
0x196: {  	s3 =	rddreg [dreg:$0x2];
	[bflag:$0x3] =	sbarrier.arrive $0xFFFF;
	s2 =	simm.s32 @!p0 $0x1C0A  }
0x197: {  	[timem:s3], [sflag:s2] =	dma.local @!p0 [hbm:s0], s1  }
0x198: {  	s0 =	simm.s32 @!p0 $0xA  }
0x199: {  	_ =	swait.ge @!p0 [sflag:s0], s1  }
0x19a: {  	s1 =	ssub.s32 @!p0 $0x0, s1;
	[sflag:s0] =	ssyncset.done @!p0 $0x0  }
0x19b: {  	[sflag:s0] =	ssyncadd.s32 @!p0 s1  }
0x19c: {  	[bflag:$0x3] =	sbarrier.arrive $0xFFFF  }
0x19d: {  	_ =	shalt  }

// kernel: sparse-core-data-format-call.cloned.1.call-start
scs
called_computation_lowered:
.L_overlay_start_0:
0x0: {  	s2 =	sld [smem:$0x3FD9]  }
0x1: {  	s3 =	sld [smem:$0x3FFE];
	_ =	sdelay $0x1  }
0x2: {  	s1 =	srdreg.scid  }
0x3: {  	s0 =	sand.u32 $0x1, s1  }
0x4: {  	s18 =	sshll.u32 s0, $0xA;
	s2 =	sadd.s32 s3, s2  }
0x5: {  	s2 =	sadd.s32 s2, s18  }
0x6: {  	[smem:$0x3FC6] =	sst s2  }
0x7: {  	_ = 	snop  }
0x8: {  	s2 =	sld [smem:$0x3FD0];
	(tm) =	ssettm $0x1  }
0x9: {  	s19 =	sld [smem:$0x3FFB];
	_ =	sdelay $0x3  }
0xa: {  	_ =	strace s19  }
0xb: {  	s3 =	sld [smem:$0x3FFC];
	_ =	sdelay $0x3  }
0xc: {  	_ =	strace s3  }
0xd: {  	s3 =	sld [smem:$0x3FFD];
	_ =	sdelay $0x3  }
0xe: {  	_ =	strace s3  }
0xf: {  	_ =	strace $0x8FFFFFFF  }
0x10: {  	s20 =	sld [smem:$0x3FDB];
	_ =	sdelay $0x1  }
0x11: {  	s4 =	simm.s32 $_scs_section_size  }
0x12: {  	s5 =	simm.s32 $_size__tile_overlayer_lowered;
	s6 =	simm.s32 $_tile_overlayer_lowered  }
0x13: {  	s23 =	simm.s32 $0x1BFF;
	s22 =	sshll.u32 s6, $0x1;
	s3 =	sadd.s32 s4, s20  }
0x14: {  	s7 =	simm.s32 $0x0;
	s21 =	sshll.u32 s5, $0x1;
	s5 =	sadd.s32 s22, s3  }
0x15: {  	[timem:s7], [sflag:s23] =	dma.local [hbm:s5], s21  }
0x16: {  	_ =	swait.ge [sflag:s23], s21  }
0x17: {  	s4 =	ssub.s32 $0x0, s21;
	[sflag:s23] =	ssyncset.done $0x0  }
0x18: {  	[sflag:s23] =	ssyncadd.s32 s4;
	_ =	sdelay $0x1  }
0x19: {  	s24 =	simm.s32 $0x1B8B  }
0x1a: {  	_ =	swait.ge [sflag:s24], $0x1  }
0x1b: {  	[sflag:s24] =	ssyncset.done $0x0  }
0x1c: {  	s26 =	simm.s32 $0x1B8E;
	s25 =	sld [smem:$0x3FFE];
	[sflag:s24] =	ssyncadd.s32 $0xFFFFFFFF  }
0x1d: {  	s27 =	simm.s32 $execute0_lowered;
	[smem:$0x3FD2] =	sst s26  }
0x1e: {  	s5 =	sshll.u32 s27, $0x1;
	_ =	strace $0x8000004C;
	[dreg:$0x1] =	wrdreg $0xFFFFFFFF  }
0x1f: {  	s28 =	simm.s32 $_size_execute0_lowered;
	s3 =	sadd.s32 s3, s5;
	[dreg:$0x0] =	wrdreg $0x0  }
0x20: {  	s5 =	sshll.u32 s28, $0x1;
	[dreg:$0x2] =	wrdreg s3  }
0x21: {  	[dreg:$0x3] =	wrdreg s5  }
0x22: {  	[dreg:$0x4] =	wrdreg $0xC0  }
0x23: {  	_ =	task [dreg:s7], $0x5FFFF  }
0x24: {  	[dreg:$0x1] =	wrdreg $0xFFFFFFFF  }
0x25: {  	[dreg:$0x0] =	wrdreg $0x60  }
0x26: {  	[dreg:$0x2] =	wrdreg s25  }
0x27: {  	[dreg:$0x3] =	wrdreg s2  }
0x28: {  	[dreg:$0x4] =	wrdreg $0x9  }
0x29: {  	_ =	task.clear_ibuf [dreg:s7], $0x5FFFF;
	_ =	strace $0x9000004C  }
0x2a: {  	s29 =	simm.s32 $0x9;
	_ =	strace $0x8000004E  }
0x2b: {  	_ =	swait.ge [sflag:s29], $0x1  }
0x2c: {  	[sflag:s29] =	ssyncadd.s32 $0xFFFFFFFF  }
0x2d: {  	_ =	strace $0x9000004E  }
0x2e: {  	_ =	sfence  }
0x2f: {  	s30 =	sld [smem:$0x0];
	_ =	sdelay $0x2  }
0x30: {  	s31 =	sshll.u32 s1, $0xD;
	s1 =	sshrl.u32 s1, $0x2  }
0x31: {  	s3 =	sand.u32 $0x4000, s31;
	s1 =	sadd.s32 s1, s30  }
0x32: {  	s0 =	sor.u32 s3, s0;
	s1 =	sshll.u32 s1, $0x11  }
0x33: {  	s0 =	sor.u32 s1, s0  }
0x34: {  	s0 =	sadd.s32 $0x8F2B, s0  }
0x35: {  	[sflag:s0] =	ssyncadd.remote.s32 $0x1  }
0x36: {  	_ =	sfence.sel $0xFFFF  }
0x37: {  	[dreg:$0x0] =	wrdreg $0xFFFFFFFF;
	(pc) =	sbr.abs _section_cstart, $3  }
0x38: {  	[dreg:$0x1] =	wrdreg $0xFFFFFFFF  }
0x39: {  	_ =	task.clear_ibuf [dreg:s7], $0x2FFFF;
	_ =	strace $0x9FFFFFFF  }
0x3a: {  	(tm) =	ssettm $0x7FFFFFFF  }
0x3b: {  	_ =	shalt  }
tec
execute0_lowered:
.L_overlay_start_1:
0x0: {  	(tag) =	ssettag $0x1  }
0x1: {  	s0 =	srdreg.scid  }
0x2: {  	s1 =	sshll.u32 s0, $0x4  }
0x3: {  	s0 =	stileid.u32;
	s1 =	sand.u32 $0x10, s1  }
0x4: {  	s1 =	sor.u32 s0, s1  }
0x5: {  	s6 =	rddreg [dreg:$0x0];
	s4 =	simm.s32 $0x1;
	s2 =	sshll.u32 s1, $0x7  }
0x6: {  	s7 =	simm.s32 $0x2;
	s12 =	simm.s32 $0x0;
	s1 =	ssub.s32 $0x1000, s2  }
0x7: {  	s8 =	simm.s32 $0x8000;
	s13 =	simm.s32 $0x0;
	s3 =	sand.u32 $0xF80, s1  }
0x8: {  	s9 =	simm.s32 $0x0;
	s5 =	sshrl.u32 s1, $0xC;
	p0 =	sne.s32 s3, $0x0  }
.Ltmp0:
0x9: {  	s1 =	rddreg [dreg:$0x2];
	s4 =	simm.s32 @!p0 $0x0;
	(pc) =	sbr.rel .LBB1_1-.Ltmp0, $4  }
0xa: {  	s11 =	simm.s32 $0x0;
	s3 =	rddreg [dreg:$0x1];
	s5 =	sadd.s32 s4, s5  }
0xb: {  	_ =	strace $0x8000004D;
	s4 =	simm.s32 $0x1;
	s5 =	smul.u32 $0x32, s5  }
0xc: {  	s6 =	sadd.s32 $0x7800, s6;
	s10 =	smov.u32 s2;
	[sflag:s4] =	ssyncpa.u1 $0x0  }
0xd: {  	p0 =	por $0x0, $0x0;
	[sflag:s7] =	ssyncpa.u1 $0x0;
	s7 =	sor.u32 $0x1, s5  }
.LBB1_4:
0xe: {  	s16 =	sshll.u32 s13, $0x3;
	s17 =	sand.u32 $0x78, s13  }
0xf: {  	s30 =	sand.u32 $0x7E00, s13;
	s12 =	sshll.u32 s12, $0xF;
	s16 =	sand.u32 $0xC00, s16  }
0x10: {  	[tilespmem:s15+$0x810 ss:$0x81] =	vst.msk $0xffff, v2;
	s31 =	sand.u32 $0x7, s13;
	s16 =	sor.u32 s17, s16;
	s17 =	sadd.s32 s3, s30  }
0x11: {  	[tilespmem:s15+$0x1020 ss:$0x81] =	vst.msk $0xffff, v0;
	s13 =	sshll.u32 s31, $0x12;
	s12 =	sadd.s32 s12, s17;
	s16 =	sshrl.u32 s16, $0x3  }
0x12: {  	[tilespmem:s15+$0x0 ss:$0x81] =	vst.msk $0xffff, v1;
	s13 =	sor.u32 $0x400, s13;
	s12 =	sadd.s32 s16, s12  }
0x13: {  	[hbm4b:s12+s13] =	stream.strided.scatter [tilespmem:s14], [sflag:$0x2], $0x2000, s8, s13, $0x20;
	[tilespmem:$0x8080] =	vst v63  }
.LBB1_5:
0x14: {  	s14 =	sadd.s32 $0x1, s9  }
0x15: {  	s12 =	sadd.s32 $0x1000, s10;
	s16 =	smov.u32 s10;
	p2 =	sgt.s32 s14, $0x31  }
0x16: {  	s16 =	smov.u32 @p2 s12  }
0x17: {  	s14 =	simm.s32 @p2 $0x0;
	p2 =	sgt.s32 s16, $0xFFF  }
0x18: {  	s16 =	smov.u32 @p2 s2;
	p2 =	sne.s32 s11, s7  }
.Ltmp1:
0x19: {  	p1 =	slt.u32 s11, $0x2;
	(pc) =	sbr.rel @!p2 .LBB1_6-.Ltmp1, $4  }
0x1a: {  	s15 =	simm.s32 @!p1 $0x2  }
0x1b: {  	s13 =	smov.u32 s10;
	p0 =	por !p0, !p0;
	_ =	swait.ge @!p1 [sflag:s15], $0x2000  }
0x1c: {  	s12 =	smov.u32 s9;
	[sflag:s15] =	ssyncset.done @!p1 $0x0;
	s9 =	smov.u32 s14  }
0x1d: {  	s11 =	sadd.s32 $0x1, s11;
	[sflag:s15] =	ssyncadd.s32 @!p1 $0xFFFFE000;
	s10 =	smov.u32 s16  }
.LBB1_1:
0x1e: {  	p1 =	sge.u32 s11, s5  }
0x1f: {  	s14 =	sand.u32 @!p1 $0x1FFFFFF, s9  }
0x20: {  	s15 =	smulhi.u32 @!p1 $0x4924925, s14;
	_ =	sdelay $0x1  }
0x21: {  	s15 =	smul.u32 @!p1 $0x38, s15  }
0x22: {  	s16 =	sxor.u32 @!p1 $0xFFFFFFFF, s11;
	s17 =	smul.u32 @!p1 $0x380, s10  }
0x23: {  	s31 =	sadd.s32 $0xFFFFFFFF, s11;
	s16 =	sshll.u32 @!p1 s16, $0xD;
	s14 =	ssub.s32 @!p1 s14, s15  }
0x24: {  	s15 =	sand.u32 @!p1 $0x2000, s16;
	s16 =	sadd.s32 @!p1 s6, s17;
	s14 =	sshll.u32 @!p1 s14, $0x4  }
0x25: {  	s17 =	simm.s32 @!p1 $0x1C00;
	s14 =	sadd.s32 @!p1 s14, s16;
	s16 =	simm.s32 @!p1 $0x40  }
0x26: {  	[tilespmem:s15], [sflag:$0x1] =	stream.strided.gather @!p1 [hbm4b:s14+s16], $0x2000, s17, s16, $0x38;
	[tilespmem:$0x8080] =	vst v63  }
0x27: {  	p1 =	sge.u32 s31, s5  }
.Ltmp2:
0x28: {  	_ = 	snop;
	(pc) =	sbr.rel @p1 .LBB1_5-.Ltmp2, $1  }
0x29: {  	_ =	sdelay $0x3  }
0x2a: {  	s14 =	simm.s32 $0x1  }
0x2b: {  	_ =	swait.ge [sflag:s4], $0x2000;
	s14 =	simm.s32 @!p0 $0x0  }
0x2c: {  	[sflag:s4] =	ssyncset.done $0x0;
	s15 =	sshll.u32 s14, $0xD  }
0x2d: {  	[sflag:s4] =	ssyncadd.s32 $0xFFFFE000;
	s18 =	sor.u32 $0x20, s15  }
0x2e: {  	s14 =	smul.u32 $0x8100, s14;
	v3 =	vld [tilespmem:s18+$0x10]  }
0x2f: {  	s30 =	sand.u32 $0x1, s11;
	v2 =	vld [tilespmem:s18+$0xFFFFFFF0]  }
0x30: {  	s15 =	smul.u32 $0x8100, s30;
	s14 =	sshrl.u32 s14, $0x2;
	v0 =	vld [tilespmem:s18+$0x0]  }
0x31: {  	v1 =	vld [tilespmem:s18+$0xFFFFFFE0];
	s16 =	sor.u32 $0x4000, s14  }
0x32: {  	s31 =	sshrl.u32 s15, $0x2;
	s15 =	sadd.s32 $0x0, s16  }
0x33: {  	s17 =	simm.s32 $0x4;
	s18 =	sadd.s32 $0x40, s18;
	s14 =	sor.u32 $0x4000, s31;
	[tilespmem:s15+$0x1830 ss:$0x81] =	vst.msk $0xffff, v3  }
.LBB1_3:
0x34: {  	v3 =	vld [tilespmem:s18+$0x10];
	p1 =	sne.s32 s17, $0x1FC;
	[tilespmem:s15+$0x810 ss:$0x81] =	vst.msk $0xffff, v2;
	s19 =	smov.u32 s17;
	s17 =	sadd.s32 $0x4, s17  }
.Ltmp3:
0x35: {  	v2 =	vld [tilespmem:s18+$0xFFFFFFF0];
	[tilespmem:s15+$0x1020 ss:$0x81] =	vst.msk $0xffff, v0;
	(pc) =	sbr.rel @p1 .LBB1_3-.Ltmp3, $4  }
0x36: {  	v0 =	vld [tilespmem:s18+$0x0];
	[tilespmem:s15+$0x0 ss:$0x81] =	vst.msk $0xffff, v1  }
0x37: {  	s15 =	sshra.s32 s19, $0x2;
	v1 =	vld [tilespmem:s18+$0xFFFFFFE0]  }
0x38: {  	s15 =	sadd.s32 s15, s16  }
0x39: {  	s18 =	sadd.s32 $0x40, s18;
	[tilespmem:s15+$0x1830 ss:$0x81] =	vst.msk $0xffff, v3  }
.Ltmp4:
0x3a: {  	_ = 	snop;
	(pc) =	sbr.rel .LBB1_4-.Ltmp4, $1  }
0x3b: {  	_ =	sdelay $0x3  }
.LBB1_6:
0x3c: {  	_ =	sfence.sel $0x180000  }
0x3d: {  	s2 =	simm.s32 $0x1;
	[bflag:$0x0] =	sbarrier.arrive $0xFFFF  }
0x3e: {  	s31 =	simm.s32 $0x2;
	[sflag:s2] =	ssyncpa.u1 $0x1  }
0x3f: {  	[sflag:s31] =	ssyncpa.u1 $0x1  }
0x40: {  	p0 =	sne.s32 s0, $0x0;
	_ =	strace $0x9000004D  }
0x41: {  	s0 =	sadd.s32 @!p0 $0x100000, s1;
	[bflag:$0x2] =	sbarrier.arrive $0xFFFF  }
0x42: {  	[sflag:s0] =	ssyncadd.tile.s32 @!p0 $0x1;
	_ =	shalt  }
.Lfunc_end1:
_tile_overlayer_lowered:
.L_overlay_start_2:
0x43: {  	(tag) =	ssettag $0x2  }
0x44: {  	s0 =	rddreg [dreg:$0x0];
	s2 =	stileid.u32  }
0x45: {  	s1 =	rddreg [dreg:$0x1];
	p0 =	sne.s32 s2, $0x0  }
0x46: {  	s3 =	rddreg [dreg:$0x2];
	[bflag:$0x3] =	sbarrier.arrive $0xFFFF;
	s2 =	simm.s32 @!p0 $0x1C01  }
0x47: {  	[timem:s3], [sflag:s2] =	dma.local @!p0 [hbm:s0], s1  }
0x48: {  	s0 =	simm.s32 @!p0 $0x1  }
0x49: {  	_ =	swait.ge @!p0 [sflag:s0], s1  }
0x4a: {  	s1 =	ssub.s32 @!p0 $0x0, s1;
	[sflag:s0] =	ssyncset.done @!p0 $0x0  }
0x4b: {  	[sflag:s0] =	ssyncadd.s32 @!p0 s1  }
0x4c: {  	[bflag:$0x3] =	sbarrier.arrive $0xFFFF  }
0x4d: {  	_ =	shalt  }

</sc_bundles>
